<compile_context>
chip_gen: v7x
topology: tpu7x:2x2x1
jax: 0.10.2.dev20260603
libtpu: 0.0.44.dev20260713+nightly
codegen_flags: <defaults>
</compile_context>

<pallas_src>
import functools

import jax
import jax.numpy as jnp
from jax import lax
from jax.experimental import pallas as pl
from jax.experimental.pallas import tpu as pltpu
from jax.experimental.pallas import tpu_sc as plsc

_D, _H, _W, _C = 16, 48, 48, 32
_HW = _H * _W
_NCELL = _D * _HW
_NPAD = 12288
_PER = _NPAD // 16
_HROWS = _NCELL // 8

_CONV_CFG = [
    (32, 32, (3, 3, 3), (1, 1, 1)),
    (32, 32, (3, 3, 3), (1, 1, 1)),
    (32, 64, (3, 3, 3), (2, 1, 1)),
    (64, 64, (3, 3, 3), (1, 1, 1)),
    (64, 64, (3, 3, 3), (1, 1, 1)),
    (64, 64, (3, 3, 3), (1, 1, 1)),
    (64, 64, (3, 3, 3), (2, 1, 1)),
    (64, 64, (3, 3, 3), (1, 1, 1)),
    (64, 64, (3, 3, 3), (1, 1, 1)),
    (64, 64, (3, 3, 3), (1, 1, 1)),
    (64, 64, (3, 1, 1), (2, 1, 1)),
]

def _sc_scatter_body(vfp, z, y, x, zeros, out,
                     z_v, y_v, x_v, rows0, rows1, rows2,
                     idx0, idx1, idx2, idx3, idx4, idx5, zbuf, dense_sh):
    cid = lax.axis_index("c")
    sid = lax.axis_index("s")
    base = sid * _PER
    half = cid * _HROWS
    pltpu.sync_copy(z.at[pl.ds(base, _PER)], z_v)
    pltpu.sync_copy(y.at[pl.ds(base, _PER)], y_v)
    pltpu.sync_copy(x.at[pl.ds(base, _PER)], x_v)
    pltpu.sync_copy(zeros, zbuf)
    for m in range(3):
        pltpu.sync_copy(zbuf, dense_sh.at[pl.ds(sid * 288 + m * 96, 96)])
    idx_refs = (idx0, idx1, idx2, idx3, idx4, idx5)
    for j in range(_PER // 16):
        ds = pl.ds(j * 16, 16)
        v = z_v[ds] * _HW + y_v[ds] * _W + x_v[ds]
        v = lax.shift_right_logical(v, 2) - half
        v = jnp.where((v >= 0) & (v < _HROWS), v, _HROWS)
        idx_refs[j // 8][pl.ds((j % 8) * 16, 16)] = v
    plsc.subcore_barrier()
    rows_refs = (rows0, rows1, rows2)
    for c in range(6):
        pltpu.sync_copy(vfp.at[pl.ds(base + c * 128, 128)], rows_refs[c % 3])
        pltpu.sync_copy(rows_refs[c % 3], dense_sh.at[idx_refs[c]], add=True)
    plsc.subcore_barrier()
    for m in range(3):
        off = sid * 288 + m * 96
        pltpu.sync_copy(dense_sh.at[pl.ds(off, 96)], zbuf)
        pltpu.sync_copy(zbuf, out.at[pl.ds(half + off, 96)])


@functools.cache
def _scatter():
    return functools.partial(
        pl.kernel,
        out_type=jax.ShapeDtypeStruct((2 * _HROWS, 128), jnp.float32),
        mesh=plsc.VectorSubcoreMesh(core_axis_name="c", subcore_axis_name="s"),
        scratch_types=[
            pltpu.VMEM((_PER,), jnp.int32),
            pltpu.VMEM((_PER,), jnp.int32),
            pltpu.VMEM((_PER,), jnp.int32),
            pltpu.VMEM((128, 128), jnp.float32),
            pltpu.VMEM((128, 128), jnp.float32),
            pltpu.VMEM((128, 128), jnp.float32),
            pltpu.VMEM((128,), jnp.int32),
            pltpu.VMEM((128,), jnp.int32),
            pltpu.VMEM((128,), jnp.int32),
            pltpu.VMEM((128,), jnp.int32),
            pltpu.VMEM((128,), jnp.int32),
            pltpu.VMEM((128,), jnp.int32),
            pltpu.VMEM((96, 128), jnp.float32),
            pltpu.VMEM_SHARED((_HROWS + 8, 128), jnp.float32),
        ],
    )(_sc_scatter_body)



def _conv_body(*refs):
    in_hbm = refs[0]
    w_refs = refs[1:12]
    b_refs = refs[12:23]
    out_ref = refs[23]
    (a_ref, b_ref, pp_ref, x3_ref, y0_ref, y1_ref, y2_ref, wbuf_ref,
     sem0, semw) = refs[24:]

    pp_ref[...] = jnp.zeros((50, 50, 64), jnp.float32)
    x3_ref[...] = jnp.zeros((3, _HW, 192), jnp.float32)
    zplane = jnp.zeros((1, _HW, 64), jnp.float32)
    a_ref[0:1] = zplane
    a_ref[17:18] = zplane
    b_ref[0:1] = zplane
    b_ref[17:18] = zplane
    zrows = jnp.zeros((48, 192), jnp.float32)
    for yref in (y0_ref, y1_ref, y2_ref):
        yref[0:48] = zrows
        yref[2352:2400] = zrows

    y_refs = (y0_ref, y1_ref, y2_ref)
    bufs = (a_ref, b_ref)
    depth = _D
    for i, (ci, co, k, s) in enumerate(_CONV_CFG):
        kd, kh, kw = k
        sd = s[0]
        d_out = (depth - 1) // sd + 1
        src = None if i == 0 else bufs[(i + 1) % 2]
        dst = out_ref if i == len(_CONV_CFG) - 1 else bufs[i % 2]
        if src is not None:
            src[depth + 1:depth + 2] = zplane
        cpw = pltpu.make_async_copy(w_refs[i], wbuf_ref, semw)
        cpw.start()
        cpw.wait()
        b = b_refs[i][...]

        def build(p, src=src, ci=ci):
            slot = p % 3 if isinstance(p, int) else lax.rem(p, 3)
            if src is None:
                cp0 = pltpu.make_async_copy(
                    in_hbm.at[p], pp_ref.at[pl.ds(1, 48), pl.ds(1, 48)], sem0)
                cp0.start()
                cp0.wait()
            else:
                plane = src[pl.ds(p, 1)].reshape(_HW, 64)[:, :ci]
                pp_ref[1:49, 1:49, :ci] = plane.reshape(_H, _W, ci)
            for dx in range(3):
                x3s = pp_ref[1:49, dx:dx + 48, :ci]
                x3_ref[pl.ds(slot, 1), :, pl.ds(dx * ci, ci)] = (
                    x3s.reshape(1, _HW, ci))

        if kh == 3:
            def body(do, _, ci=ci, co=co, sd=sd, dst=dst, b=b,
                     build=build, last=(i == len(_CONV_CFG) - 1)):
                if sd == 1:
                    @pl.when(do == 0)
                    def _():
                        build(0)
                        build(1)
                    build(do + 2)
                else:
                    @pl.when(do == 0)
                    def _():
                        build(0)
                    build(2 * do + 1)
                    build(2 * do + 2)
                for dz in range(3):
                    slot = lax.rem(do * sd + dz, 3)
                    x3 = x3_ref[pl.ds(slot, 1)].reshape(_HW, 192)[:, :3 * ci]
                    y_refs[dz][48:2352, :3 * co] = jnp.dot(
                        x3, wbuf_ref[:3 * ci, pl.ds(dz * 3 * co, 3 * co)],
                        preferred_element_type=jnp.float32)
                acc = None
                for dz in range(3):
                    for dy in range(3):
                        t = y_refs[dz][pl.ds(dy * 48, _HW),
                                       pl.ds(dy * co, co)]
                        acc = t if acc is None else acc + t
                yv = jnp.maximum(acc + b, 0.0)
                off = 0 if last else 1
                dst[pl.ds(do + off, 1), :, :co] = yv.reshape(1, _HW, co)
                return 0
        else:
            def body(do, _, ci=ci, co=co, kd=kd, sd=sd, src=src, dst=dst,
                     b=b, last=(i == len(_CONV_CFG) - 1)):
                acc = None
                for dz in range(kd):
                    din = do * sd + dz
                    plane = src[pl.ds(din, 1)].reshape(_HW, 64)[:, :ci]
                    t = jnp.dot(plane, wbuf_ref[:ci, pl.ds(dz * co, co)],
                                preferred_element_type=jnp.float32)
                    acc = t if acc is None else acc + t
                yv = jnp.maximum(acc + b, 0.0)
                off = 0 if last else 1
                dst[pl.ds(do + off, 1), :, :co] = yv.reshape(1, _HW, co)
                return 0

        lax.fori_loop(0, d_out, body, 0)
        depth = d_out


def _conv_stack(dense, ws, bs):
    return pl.pallas_call(
        _conv_body,
        out_shape=jax.ShapeDtypeStruct((2, _HW, 64), jnp.float32),
        in_specs=[pl.BlockSpec(memory_space=pl.ANY)] * 12
        + [pl.BlockSpec(memory_space=pltpu.MemorySpace.VMEM)] * 11,
        out_specs=pl.BlockSpec(memory_space=pltpu.MemorySpace.VMEM),
        scratch_shapes=[
            pltpu.VMEM((18, _HW, 64), jnp.float32),
            pltpu.VMEM((18, _HW, 64), jnp.float32),
            pltpu.VMEM((50, 50, 64), jnp.float32),
            pltpu.VMEM((3, _HW, 192), jnp.float32),
            pltpu.VMEM((2400, 192), jnp.float32),
            pltpu.VMEM((2400, 192), jnp.float32),
            pltpu.VMEM((2400, 192), jnp.float32),
            pltpu.VMEM((192, 640), jnp.float32),
            pltpu.SemaphoreType.DMA,
            pltpu.SemaphoreType.DMA,
        ],
        compiler_params=pltpu.CompilerParams(
            vmem_limit_bytes=66900000),
    )(dense, *ws, *bs)


def _prep_params(params):
    ws, bs = [], []
    for i, (ci, co, k, s) in enumerate(_CONV_CFG):
        w = params["W%d" % i] * params["g%d" % i][:, None, None, None, None]
        w = jnp.transpose(w, (2, 3, 4, 1, 0))
        if k[1] == 3:
            w = jnp.transpose(w, (2, 3, 0, 1, 4)).reshape(3 * ci, 9 * co)
        else:
            ntap = k[0]
            w = jnp.transpose(w.reshape(ntap, ci, co),
                              (1, 0, 2)).reshape(ci, ntap * co)
        wp = jnp.zeros((192, 640), jnp.float32)
        wp = wp.at[:w.shape[0], :w.shape[1]].set(w.astype(jnp.float32))
        ws.append(wp)
        bs.append(params["b%d" % i].reshape(1, co).astype(jnp.float32))
    return ws, bs


def kernel(voxel_features, coors, batch_size, params):
    n = voxel_features.shape[0]
    pad = _NPAD - n
    vf = jnp.pad(voxel_features.astype(jnp.float32), ((0, pad), (0, 0)))
    z = jnp.pad(coors[:, 1].astype(jnp.int32), (0, pad))
    y = jnp.pad(coors[:, 2].astype(jnp.int32), (0, pad))
    x = jnp.pad(coors[:, 3].astype(jnp.int32), (0, pad))
    quarter = jax.nn.one_hot(jnp.bitwise_and(x, 3), 4, dtype=jnp.float32)
    vfp = (quarter[:, :, None] * vf[:, None, :]).reshape(_NPAD, 128)
    zeros = jnp.zeros((96, 128), jnp.float32)
    out_sc = _scatter()(vfp, z, y, x, zeros)
    dense = out_sc.reshape(_D, _H, _W, _C)
    dense = jnp.pad(dense, ((1, 1), (0, 0), (0, 0), (0, _C)))
    ws, bs = _prep_params(params)
    out = _conv_stack(dense, ws, bs)
    out = out.reshape(2, _H, _W, 64)
    return jnp.transpose(out, (3, 0, 1, 2)).reshape(1, 64 * 2, _H, _W)

# --- scband reference (transcript-rebuilt; emitter-appended) ---
"""Pipeline reference for scband-middle-meno-downsample-xy-39685497815877 (READ-ONLY COPY).

The authoritative reference and input builder live on the scoring server;
editing this copy changes nothing except your own understanding.
"""

import jax, jax.numpy as jnp
import numpy as np
from jax import lax

D_IN, H_IN, W_IN = 16, 48, 48
C_IN = 32
N_VOX = 12000
CFG = [
    (C_IN, 32, (3, 3, 3), (1, 1, 1)),
    (32, 32, (3, 3, 3), (1, 1, 1)),
    (32, 64, (3, 3, 3), (2, 1, 1)),
    (64, 64, (3, 3, 3), (1, 1, 1)),
    (64, 64, (3, 3, 3), (1, 1, 1)),
    (64, 64, (3, 3, 3), (1, 1, 1)),
    (64, 64, (3, 3, 3), (2, 1, 1)),
    (64, 64, (3, 3, 3), (1, 1, 1)),
    (64, 64, (3, 3, 3), (1, 1, 1)),
    (64, 64, (3, 3, 3), (1, 1, 1)),
    (64, 64, (3, 1, 1), (2, 1, 1)),
]
OUT_SHAPE = (64, 2, H_IN, W_IN)


def setup_inputs(seed: int = 0):
    key = jax.random.key(seed)
    ks = jax.random.split(key, 8)
    vf = jax.random.normal(ks[0], (N_VOX, C_IN), dtype=jnp.float32)
    b = jnp.zeros((N_VOX,), dtype=jnp.int32)
    z = jax.random.randint(ks[1], (N_VOX,), 0, D_IN, dtype=jnp.int32)
    y = jax.random.randint(ks[2], (N_VOX,), 0, H_IN, dtype=jnp.int32)
    x = jax.random.randint(ks[3], (N_VOX,), 0, W_IN, dtype=jnp.int32)
    coors = jnp.stack([b, z, y, x], axis=1)
    params = {}
    pk = ks[4]
    for i, (ci, co, k, s) in enumerate(CFG):
        pk, wk = jax.random.split(pk)
        fan_in = ci * int(np.prod(k))
        params['W%d' % i] = jax.random.normal(wk, (co, ci) + k, dtype=jnp.float32) / np.sqrt(fan_in)
        params['g%d' % i] = jnp.ones((co,), dtype=jnp.float32)
        params['b%d' % i] = jnp.zeros((co,), dtype=jnp.float32)
    return {'voxel_features': vf, 'coors': coors, 'batch_size': 1, 'params': params}


def _forward(vf, params, coors, batch_size):
    # ME.SparseTensor construction: scatter voxel features into dense grid
    B = 1
    b_idx = coors[:, 0] + (batch_size - 1)
    dense = jnp.zeros((B, D_IN, H_IN, W_IN, C_IN), dtype=vf.dtype)
    dense = dense.at[b_idx, coors[:, 1], coors[:, 2], coors[:, 3]].add(vf)
    xx = jnp.transpose(dense, (0, 4, 1, 2, 3))
    # conv -> BN (inference affine) -> ReLU stack; z downsampled 3x by stride 2
    for i, (ci, co, k, s) in enumerate(CFG):
        pad = [(kk // 2, kk // 2) for kk in k]
        xx = lax.conv_general_dilated(xx, params['W%d' % i], window_strides=s, padding=pad, dimension_numbers=('NCDHW', 'OIDHW', 'NCDHW'))
        g = params['g%d' % i].reshape(1, -1, 1, 1, 1)
        bb = params['b%d' % i].reshape(1, -1, 1, 1, 1)
        xx = jax.nn.relu(xx * g + bb)
    # _prune + .dense(shape=(batch,) + output_shape)
    C, D, H, W = OUT_SHAPE
    xx = xx[:, :C, :D, :H, :W]
    N = xx.shape[0]
    return xx.reshape(N, C * D, H, W)


def reference(voxel_features, coors, batch_size, params):
    return _forward(voxel_features, params, coors, batch_size)

if __name__ == "__main__":
    import jax
    _d = setup_inputs()
    print(jax.jit(kernel)(*tuple(_d.values())))

</pallas_src>

<mosaic_0001>
#map = affine_map<(d0, d1) -> (0, 0)>
#map1 = affine_map<(d0, d1) -> (0)>
module attributes {stable_mosaic.version = 14 : i64} {
  func.func @_sc_scatter_body(%arg0: i32, %arg1: i32, %arg2: memref<12288x128xf32, #tpu.memory_space<hbm>>, %arg3: memref<12288xi32, #tpu.memory_space<hbm>>, %arg4: memref<12288xi32, #tpu.memory_space<hbm>>, %arg5: memref<12288xi32, #tpu.memory_space<hbm>>, %arg6: memref<96x128xf32, #tpu.memory_space<hbm>>, %arg7: memref<9216x128xf32, #tpu.memory_space<hbm>>, %arg8: memref<768xi32, #tpu.memory_space<vmem>>, %arg9: memref<768xi32, #tpu.memory_space<vmem>>, %arg10: memref<768xi32, #tpu.memory_space<vmem>>, %arg11: memref<128x128xf32, #tpu.memory_space<vmem>>, %arg12: memref<128x128xf32, #tpu.memory_space<vmem>>, %arg13: memref<128x128xf32, #tpu.memory_space<vmem>>, %arg14: memref<128xi32, #tpu.memory_space<vmem>>, %arg15: memref<128xi32, #tpu.memory_space<vmem>>, %arg16: memref<128xi32, #tpu.memory_space<vmem>>, %arg17: memref<128xi32, #tpu.memory_space<vmem>>, %arg18: memref<128xi32, #tpu.memory_space<vmem>>, %arg19: memref<128xi32, #tpu.memory_space<vmem>>, %arg20: memref<96x128xf32, #tpu.memory_space<vmem>>, %arg21: memref<4616x128xf32, #tpu.memory_space<vmem_shared>>) attributes {dimension_semantics = [#tpu.dimension_semantics<core_parallel>, #tpu.dimension_semantics<subcore_parallel>], iteration_bounds = array<i64: 2, 16>, scalar_prefetch = 0 : i64, scratch_operands = 14 : i64, tpu.core_type = #tpu.core_type<sc_vector_subcore>, window_params = [{transform_indices = #map}, {transform_indices = #map1}, {transform_indices = #map1}, {transform_indices = #map1}, {transform_indices = #map}, {transform_indices = #map}]} {
    %mul3A = arith.constant 768 : i32
    %mul3A_0 = arith.muli %arg1, %mul3A : i32
    %mul3A_1 = arith.constant 4608 : i32
    %mul3A_2 = arith.muli %arg0, %mul3A_1 : i32
    "tpu.region"() ({
      %run_scoped3A = tpu.sem_alloc : memref<!tpu.dma_semaphore, #tpu.memory_space<semaphore_mem>>
      %dma_start3A = tpu.memref_slice %arg3[%mul3A_0] : memref<12288xi32, #tpu.memory_space<hbm>> -> memref<768xi32, #tpu.memory_space<hbm>>
      %dma_start3A_1760 = tpu.memref_slice %arg3[%mul3A_0] : memref<12288xi32, #tpu.memory_space<hbm>> -> memref<768xi32, #tpu.memory_space<hbm>>
      tpu.enqueue_dma source(%dma_start3A_1760 : memref<768xi32, #tpu.memory_space<hbm>>) target(%arg8 : memref<768xi32, #tpu.memory_space<vmem>>) target_semaphore(%run_scoped3A : memref<!tpu.dma_semaphore, #tpu.memory_space<semaphore_mem>>)
      %dma_wait3A = tpu.memref_slice %arg3[%mul3A_0] : memref<12288xi32, #tpu.memory_space<hbm>> -> memref<768xi32, #tpu.memory_space<hbm>>
      %dma_wait3A_1761 = tpu.memref_slice %arg3[%mul3A_0] : memref<12288xi32, #tpu.memory_space<hbm>> -> memref<768xi32, #tpu.memory_space<hbm>>
      tpu.wait_dma2 semaphore(%run_scoped3A : memref<!tpu.dma_semaphore, #tpu.memory_space<semaphore_mem>>) src(%dma_wait3A_1761 : memref<768xi32, #tpu.memory_space<hbm>>) dst(%arg8 : memref<768xi32, #tpu.memory_space<vmem>>)
      tpu.yield
    }) : () -> ()
    "tpu.region"() ({
      %run_scoped3A = tpu.sem_alloc : memref<!tpu.dma_semaphore, #tpu.memory_space<semaphore_mem>>
      %dma_start3A = tpu.memref_slice %arg4[%mul3A_0] : memref<12288xi32, #tpu.memory_space<hbm>> -> memref<768xi32, #tpu.memory_space<hbm>>
      %dma_start3A_1760 = tpu.memref_slice %arg4[%mul3A_0] : memref<12288xi32, #tpu.memory_space<hbm>> -> memref<768xi32, #tpu.memory_space<hbm>>
      tpu.enqueue_dma source(%dma_start3A_1760 : memref<768xi32, #tpu.memory_space<hbm>>) target(%arg9 : memref<768xi32, #tpu.memory_space<vmem>>) target_semaphore(%run_scoped3A : memref<!tpu.dma_semaphore, #tpu.memory_space<semaphore_mem>>)
      %dma_wait3A = tpu.memref_slice %arg4[%mul3A_0] : memref<12288xi32, #tpu.memory_space<hbm>> -> memref<768xi32, #tpu.memory_space<hbm>>
      %dma_wait3A_1761 = tpu.memref_slice %arg4[%mul3A_0] : memref<12288xi32, #tpu.memory_space<hbm>> -> memref<768xi32, #tpu.memory_space<hbm>>
      tpu.wait_dma2 semaphore(%run_scoped3A : memref<!tpu.dma_semaphore, #tpu.memory_space<semaphore_mem>>) src(%dma_wait3A_1761 : memref<768xi32, #tpu.memory_space<hbm>>) dst(%arg9 : memref<768xi32, #tpu.memory_space<vmem>>)
      tpu.yield
    }) : () -> ()
    "tpu.region"() ({
      %run_scoped3A = tpu.sem_alloc : memref<!tpu.dma_semaphore, #tpu.memory_space<semaphore_mem>>
      %dma_start3A = tpu.memref_slice %arg5[%mul3A_0] : memref<12288xi32, #tpu.memory_space<hbm>> -> memref<768xi32, #tpu.memory_space<hbm>>
      %dma_start3A_1760 = tpu.memref_slice %arg5[%mul3A_0] : memref<12288xi32, #tpu.memory_space<hbm>> -> memref<768xi32, #tpu.memory_space<hbm>>
      tpu.enqueue_dma source(%dma_start3A_1760 : memref<768xi32, #tpu.memory_space<hbm>>) target(%arg10 : memref<768xi32, #tpu.memory_space<vmem>>) target_semaphore(%run_scoped3A : memref<!tpu.dma_semaphore, #tpu.memory_space<semaphore_mem>>)
      %dma_wait3A = tpu.memref_slice %arg5[%mul3A_0] : memref<12288xi32, #tpu.memory_space<hbm>> -> memref<768xi32, #tpu.memory_space<hbm>>
      %dma_wait3A_1761 = tpu.memref_slice %arg5[%mul3A_0] : memref<12288xi32, #tpu.memory_space<hbm>> -> memref<768xi32, #tpu.memory_space<hbm>>
      tpu.wait_dma2 semaphore(%run_scoped3A : memref<!tpu.dma_semaphore, #tpu.memory_space<semaphore_mem>>) src(%dma_wait3A_1761 : memref<768xi32, #tpu.memory_space<hbm>>) dst(%arg10 : memref<768xi32, #tpu.memory_space<vmem>>)
      tpu.yield
    }) : () -> ()
    "tpu.region"() ({
      %run_scoped3A = tpu.sem_alloc : memref<!tpu.dma_semaphore, #tpu.memory_space<semaphore_mem>>
      tpu.enqueue_dma source(%arg6 : memref<96x128xf32, #tpu.memory_space<hbm>>) target(%arg20 : memref<96x128xf32, #tpu.memory_space<vmem>>) target_semaphore(%run_scoped3A : memref<!tpu.dma_semaphore, #tpu.memory_space<semaphore_mem>>)
      tpu.wait_dma2 semaphore(%run_scoped3A : memref<!tpu.dma_semaphore, #tpu.memory_space<semaphore_mem>>) src(%arg6 : memref<96x128xf32, #tpu.memory_space<hbm>>) dst(%arg20 : memref<96x128xf32, #tpu.memory_space<vmem>>)
      tpu.yield
    }) : () -> ()
    %mul3A_3 = arith.constant 288 : i32
    %mul3A_4 = arith.muli %arg1, %mul3A_3 : i32
    %add3A = arith.constant 0 : i32
    %add3A_5 = arith.addi %mul3A_4, %add3A : i32
    "tpu.region"() ({
      %run_scoped3A = tpu.sem_alloc : memref<!tpu.dma_semaphore, #tpu.memory_space<semaphore_mem>>
      %dma_start3A = arith.constant 0 : i32
      %dma_start3A_1760 = tpu.memref_slice %arg21[%add3A_5, %dma_start3A] : memref<4616x128xf32, #tpu.memory_space<vmem_shared>> -> memref<96x128xf32, #tpu.memory_space<vmem_shared>>
      %dma_start3A_1761 = arith.constant 0 : i32
      %dma_start3A_1762 = tpu.memref_slice %arg21[%add3A_5, %dma_start3A_1761] : memref<4616x128xf32, #tpu.memory_space<vmem_shared>> -> memref<96x128xf32, #tpu.memory_space<vmem_shared>>
      tpu.enqueue_dma source(%arg20 : memref<96x128xf32, #tpu.memory_space<vmem>>) target(%dma_start3A_1762 : memref<96x128xf32, #tpu.memory_space<vmem_shared>>) target_semaphore(%run_scoped3A : memref<!tpu.dma_semaphore, #tpu.memory_space<semaphore_mem>>)
      %dma_wait3A = arith.constant 0 : i32
      %dma_wait3A_1763 = tpu.memref_slice %arg21[%add3A_5, %dma_wait3A] : memref<4616x128xf32, #tpu.memory_space<vmem_shared>> -> memref<96x128xf32, #tpu.memory_space<vmem_shared>>
      %dma_wait3A_1764 = arith.constant 0 : i32
      %dma_wait3A_1765 = tpu.memref_slice %arg21[%add3A_5, %dma_wait3A_1764] : memref<4616x128xf32, #tpu.memory_space<vmem_shared>> -> memref<96x128xf32, #tpu.memory_space<vmem_shared>>
      tpu.wait_dma2 semaphore(%run_scoped3A : memref<!tpu.dma_semaphore, #tpu.memory_space<semaphore_mem>>) src(%arg20 : memref<96x128xf32, #tpu.memory_space<vmem>>) dst(%dma_wait3A_1765 : memref<96x128xf32, #tpu.memory_space<vmem_shared>>)
      tpu.yield
    }) : () -> ()
    %mul3A_6 = arith.constant 288 : i32
    %mul3A_7 = arith.muli %arg1, %mul3A_6 : i32
    %add3A_8 = arith.constant 96 : i32
    %add3A_9 = arith.addi %mul3A_7, %add3A_8 : i32
    "tpu.region"() ({
      %run_scoped3A = tpu.sem_alloc : memref<!tpu.dma_semaphore, #tpu.memory_space<semaphore_mem>>
      %dma_start3A = arith.constant 0 : i32
      %dma_start3A_1760 = tpu.memref_slice %arg21[%add3A_9, %dma_start3A] : memref<4616x128xf32, #tpu.memory_space<vmem_shared>> -> memref<96x128xf32, #tpu.memory_space<vmem_shared>>
      %dma_start3A_1761 = arith.constant 0 : i32
      %dma_start3A_1762 = tpu.memref_slice %arg21[%add3A_9, %dma_start3A_1761] : memref<4616x128xf32, #tpu.memory_space<vmem_shared>> -> memref<96x128xf32, #tpu.memory_space<vmem_shared>>
      tpu.enqueue_dma source(%arg20 : memref<96x128xf32, #tpu.memory_space<vmem>>) target(%dma_start3A_1762 : memref<96x128xf32, #tpu.memory_space<vmem_shared>>) target_semaphore(%run_scoped3A : memref<!tpu.dma_semaphore, #tpu.memory_space<semaphore_mem>>)
      %dma_wait3A = arith.constant 0 : i32
      %dma_wait3A_1763 = tpu.memref_slice %arg21[%add3A_9, %dma_wait3A] : memref<4616x128xf32, #tpu.memory_space<vmem_shared>> -> memref<96x128xf32, #tpu.memory_space<vmem_shared>>
      %dma_wait3A_1764 = arith.constant 0 : i32
      %dma_wait3A_1765 = tpu.memref_slice %arg21[%add3A_9, %dma_wait3A_1764] : memref<4616x128xf32, #tpu.memory_space<vmem_shared>> -> memref<96x128xf32, #tpu.memory_space<vmem_shared>>
      tpu.wait_dma2 semaphore(%run_scoped3A : memref<!tpu.dma_semaphore, #tpu.memory_space<semaphore_mem>>) src(%arg20 : memref<96x128xf32, #tpu.memory_space<vmem>>) dst(%dma_wait3A_1765 : memref<96x128xf32, #tpu.memory_space<vmem_shared>>)
      tpu.yield
    }) : () -> ()
    %mul3A_10 = arith.constant 288 : i32
    %mul3A_11 = arith.muli %arg1, %mul3A_10 : i32
    %add3A_12 = arith.constant 192 : i32
    %add3A_13 = arith.addi %mul3A_11, %add3A_12 : i32
    "tpu.region"() ({
      %run_scoped3A = tpu.sem_alloc : memref<!tpu.dma_semaphore, #tpu.memory_space<semaphore_mem>>
      %dma_start3A = arith.constant 0 : i32
      %dma_start3A_1760 = tpu.memref_slice %arg21[%add3A_13, %dma_start3A] : memref<4616x128xf32, #tpu.memory_space<vmem_shared>> -> memref<96x128xf32, #tpu.memory_space<vmem_shared>>
      %dma_start3A_1761 = arith.constant 0 : i32
      %dma_start3A_1762 = tpu.memref_slice %arg21[%add3A_13, %dma_start3A_1761] : memref<4616x128xf32, #tpu.memory_space<vmem_shared>> -> memref<96x128xf32, #tpu.memory_space<vmem_shared>>
      tpu.enqueue_dma source(%arg20 : memref<96x128xf32, #tpu.memory_space<vmem>>) target(%dma_start3A_1762 : memref<96x128xf32, #tpu.memory_space<vmem_shared>>) target_semaphore(%run_scoped3A : memref<!tpu.dma_semaphore, #tpu.memory_space<semaphore_mem>>)
      %dma_wait3A = arith.constant 0 : i32
      %dma_wait3A_1763 = tpu.memref_slice %arg21[%add3A_13, %dma_wait3A] : memref<4616x128xf32, #tpu.memory_space<vmem_shared>> -> memref<96x128xf32, #tpu.memory_space<vmem_shared>>
      %dma_wait3A_1764 = arith.constant 0 : i32
      %dma_wait3A_1765 = tpu.memref_slice %arg21[%add3A_13, %dma_wait3A_1764] : memref<4616x128xf32, #tpu.memory_space<vmem_shared>> -> memref<96x128xf32, #tpu.memory_space<vmem_shared>>
      tpu.wait_dma2 semaphore(%run_scoped3A : memref<!tpu.dma_semaphore, #tpu.memory_space<semaphore_mem>>) src(%arg20 : memref<96x128xf32, #tpu.memory_space<vmem>>) dst(%dma_wait3A_1765 : memref<96x128xf32, #tpu.memory_space<vmem_shared>>)
      tpu.yield
    }) : () -> ()
    %get3A = arith.constant 0 : index
    %get3A_14 = tpu.vector_load %arg8[%get3A] {strides = array<i32>} : memref<768xi32, #tpu.memory_space<vmem>>, vector<16xi32>,
    %get3A_15 = vector.shape_cast %get3A_14 : vector<16xi32> to vector<16xi32>
    %mul3A_16 = arith.constant 2304 : i32
    %mul3A_17 = vector.broadcast %mul3A_16 : i32 to vector<16xi32>
    %mul3A_18 = arith.muli %get3A_15, %mul3A_17 : vector<16xi32>
    %get3A_19 = arith.constant 0 : index
    %get3A_20 = tpu.vector_load %arg9[%get3A_19] {strides = array<i32>} : memref<768xi32, #tpu.memory_space<vmem>>, vector<16xi32>,
    %get3A_21 = vector.shape_cast %get3A_20 : vector<16xi32> to vector<16xi32>
    %mul3A_22 = arith.constant 48 : i32
    %mul3A_23 = vector.broadcast %mul3A_22 : i32 to vector<16xi32>
    %mul3A_24 = arith.muli %get3A_21, %mul3A_23 : vector<16xi32>
    %add3A_25 = arith.addi %mul3A_18, %mul3A_24 : vector<16xi32>
    %get3A_26 = arith.constant 0 : index
    %get3A_27 = tpu.vector_load %arg10[%get3A_26] {strides = array<i32>} : memref<768xi32, #tpu.memory_space<vmem>>, vector<16xi32>,
    %get3A_28 = vector.shape_cast %get3A_27 : vector<16xi32> to vector<16xi32>
    %add3A_29 = arith.addi %add3A_25, %get3A_28 : vector<16xi32>
    %shift_right_logical3A = arith.constant 2 : i32
    %shift_right_logical3A_30 = vector.broadcast %shift_right_logical3A : i32 to vector<16xi32>
    %shift_right_logical3A_31 = arith.shrui %add3A_29, %shift_right_logical3A_30 : vector<16xi32>
    %sub3A = vector.broadcast %mul3A_2 : i32 to vector<16xi32>
    %sub3A_32 = arith.subi %shift_right_logical3A_31, %sub3A : vector<16xi32>
    %ge3A = arith.constant 0 : i32
    %ge3A_33 = vector.broadcast %ge3A : i32 to vector<16xi32>
    %ge3A_34 = arith.cmpi sge, %sub3A_32, %ge3A_33 : vector<16xi32>
    %lt3A = arith.constant 4608 : i32
    %lt3A_35 = vector.broadcast %lt3A : i32 to vector<16xi32>
    %lt3A_36 = arith.cmpi slt, %sub3A_32, %lt3A_35 : vector<16xi32>
    %and3A = arith.andi %ge3A_34, %lt3A_36 : vector<16xi1>
    %jit3A = arith.constant 4608 : i32
    %broadcast_in_dim3A = vector.broadcast %jit3A : i32 to vector<16xi32>
    %select_n3A = arith.select %and3A, %sub3A_32, %broadcast_in_dim3A : vector<16xi1>, vector<16xi32>
    %swap3A = arith.constant 0 : index
    %swap3A_37 = tpu.vector_load %arg14[%swap3A] {strides = array<i32>} : memref<128xi32, #tpu.memory_space<vmem>>, vector<16xi32>,
    %swap3A_38 = vector.shape_cast %swap3A_37 : vector<16xi32> to vector<16xi32>
    %swap3A_39 = vector.shape_cast %select_n3A : vector<16xi32> to vector<16xi32>
    tpu.vector_store %arg14[%swap3A], %swap3A_39 {strides = array<i32>} : memref<128xi32, #tpu.memory_space<vmem>>, vector<16xi32>,
    %get3A_40 = arith.constant 16 : index
    %get3A_41 = tpu.vector_load %arg8[%get3A_40] {strides = array<i32>} : memref<768xi32, #tpu.memory_space<vmem>>, vector<16xi32>,
    %get3A_42 = vector.shape_cast %get3A_41 : vector<16xi32> to vector<16xi32>
    %mul3A_43 = arith.constant 2304 : i32
    %mul3A_44 = vector.broadcast %mul3A_43 : i32 to vector<16xi32>
    %mul3A_45 = arith.muli %get3A_42, %mul3A_44 : vector<16xi32>
    %get3A_46 = arith.constant 16 : index
    %get3A_47 = tpu.vector_load %arg9[%get3A_46] {strides = array<i32>} : memref<768xi32, #tpu.memory_space<vmem>>, vector<16xi32>,
    %get3A_48 = vector.shape_cast %get3A_47 : vector<16xi32> to vector<16xi32>
    %mul3A_49 = arith.constant 48 : i32
    %mul3A_50 = vector.broadcast %mul3A_49 : i32 to vector<16xi32>
    %mul3A_51 = arith.muli %get3A_48, %mul3A_50 : vector<16xi32>
    %add3A_52 = arith.addi %mul3A_45, %mul3A_51 : vector<16xi32>
    %get3A_53 = arith.constant 16 : index
    %get3A_54 = tpu.vector_load %arg10[%get3A_53] {strides = array<i32>} : memref<768xi32, #tpu.memory_space<vmem>>, vector<16xi32>,
    %get3A_55 = vector.shape_cast %get3A_54 : vector<16xi32> to vector<16xi32>
    %add3A_56 = arith.addi %add3A_52, %get3A_55 : vector<16xi32>
    %shift_right_logical3A_57 = arith.constant 2 : i32
    %shift_right_logical3A_58 = vector.broadcast %shift_right_logical3A_57 : i32 to vector<16xi32>
    %shift_right_logical3A_59 = arith.shrui %add3A_56, %shift_right_logical3A_58 : vector<16xi32>
    %sub3A_60 = vector.broadcast %mul3A_2 : i32 to vector<16xi32>
    %sub3A_61 = arith.subi %shift_right_logical3A_59, %sub3A_60 : vector<16xi32>
    %ge3A_62 = arith.constant 0 : i32
    %ge3A_63 = vector.broadcast %ge3A_62 : i32 to vector<16xi32>
    %ge3A_64 = arith.cmpi sge, %sub3A_61, %ge3A_63 : vector<16xi32>
    %lt3A_65 = arith.constant 4608 : i32
    %lt3A_66 = vector.broadcast %lt3A_65 : i32 to vector<16xi32>
    %lt3A_67 = arith.cmpi slt, %sub3A_61, %lt3A_66 : vector<16xi32>
    %and3A_68 = arith.andi %ge3A_64, %lt3A_67 : vector<16xi1>
    %jit3A_69 = arith.constant 4608 : i32
    %broadcast_in_dim3A_70 = vector.broadcast %jit3A_69 : i32 to vector<16xi32>
    %select_n3A_71 = arith.select %and3A_68, %sub3A_61, %broadcast_in_dim3A_70 : vector<16xi1>, vector<16xi32>
    %swap3A_72 = arith.constant 16 : index
    %swap3A_73 = tpu.vector_load %arg14[%swap3A_72] {strides = array<i32>} : memref<128xi32, #tpu.memory_space<vmem>>, vector<16xi32>,
    %swap3A_74 = vector.shape_cast %swap3A_73 : vector<16xi32> to vector<16xi32>
    %swap3A_75 = vector.shape_cast %select_n3A_71 : vector<16xi32> to vector<16xi32>
    tpu.vector_store %arg14[%swap3A_72], %swap3A_75 {strides = array<i32>} : memref<128xi32, #tpu.memory_space<vmem>>, vector<16xi32>,
    %get3A_76 = arith.constant 32 : index
    %get3A_77 = tpu.vector_load %arg8[%get3A_76] {strides = array<i32>} : memref<768xi32, #tpu.memory_space<vmem>>, vector<16xi32>,
    %get3A_78 = vector.shape_cast %get3A_77 : vector<16xi32> to vector<16xi32>
    %mul3A_79 = arith.constant 2304 : i32
    %mul3A_80 = vector.broadcast %mul3A_79 : i32 to vector<16xi32>
    %mul3A_81 = arith.muli %get3A_78, %mul3A_80 : vector<16xi32>
    %get3A_82 = arith.constant 32 : index
    %get3A_83 = tpu.vector_load %arg9[%get3A_82] {strides = array<i32>} : memref<768xi32, #tpu.memory_space<vmem>>, vector<16xi32>,
    %get3A_84 = vector.shape_cast %get3A_83 : vector<16xi32> to vector<16xi32>
    %mul3A_85 = arith.constant 48 : i32
    %mul3A_86 = vector.broadcast %mul3A_85 : i32 to vector<16xi32>
    %mul3A_87 = arith.muli %get3A_84, %mul3A_86 : vector<16xi32>
    %add3A_88 = arith.addi %mul3A_81, %mul3A_87 : vector<16xi32>
    %get3A_89 = arith.constant 32 : index
    %get3A_90 = tpu.vector_load %arg10[%get3A_89] {strides = array<i32>} : memref<768xi32, #tpu.memory_space<vmem>>, vector<16xi32>,
    %get3A_91 = vector.shape_cast %get3A_90 : vector<16xi32> to vector<16xi32>
    %add3A_92 = arith.addi %add3A_88, %get3A_91 : vector<16xi32>
    %shift_right_logical3A_93 = arith.constant 2 : i32
    %shift_right_logical3A_94 = vector.broadcast %shift_right_logical3A_93 : i32 to vector<16xi32>
    %shift_right_logical3A_95 = arith.shrui %add3A_92, %shift_right_logical3A_94 : vector<16xi32>
    %sub3A_96 = vector.broadcast %mul3A_2 : i32 to vector<16xi32>
    %sub3A_97 = arith.subi %shift_right_logical3A_95, %sub3A_96 : vector<16xi32>
    %ge3A_98 = arith.constant 0 : i32
    %ge3A_99 = vector.broadcast %ge3A_98 : i32 to vector<16xi32>
    %ge3A_100 = arith.cmpi sge, %sub3A_97, %ge3A_99 : vector<16xi32>
    %lt3A_101 = arith.constant 4608 : i32
    %lt3A_102 = vector.broadcast %lt3A_101 : i32 to vector<16xi32>
    %lt3A_103 = arith.cmpi slt, %sub3A_97, %lt3A_102 : vector<16xi32>
    %and3A_104 = arith.andi %ge3A_100, %lt3A_103 : vector<16xi1>
    %jit3A_105 = arith.constant 4608 : i32
    %broadcast_in_dim3A_106 = vector.broadcast %jit3A_105 : i32 to vector<16xi32>
    %select_n3A_107 = arith.select %and3A_104, %sub3A_97, %broadcast_in_dim3A_106 : vector<16xi1>, vector<16xi32>
    %swap3A_108 = arith.constant 32 : index
    %swap3A_109 = tpu.vector_load %arg14[%swap3A_108] {strides = array<i32>} : memref<128xi32, #tpu.memory_space<vmem>>, vector<16xi32>,
    %swap3A_110 = vector.shape_cast %swap3A_109 : vector<16xi32> to vector<16xi32>
    %swap3A_111 = vector.shape_cast %select_n3A_107 : vector<16xi32> to vector<16xi32>
    tpu.vector_store %arg14[%swap3A_108], %swap3A_111 {strides = array<i32>} : memref<128xi32, #tpu.memory_space<vmem>>, vector<16xi32>,
    %get3A_112 = arith.constant 48 : index
    %get3A_113 = tpu.vector_load %arg8[%get3A_112] {strides = array<i32>} : memref<768xi32, #tpu.memory_space<vmem>>, vector<16xi32>,
    %get3A_114 = vector.shape_cast %get3A_113 : vector<16xi32> to vector<16xi32>
    %mul3A_115 = arith.constant 2304 : i32
    %mul3A_116 = vector.broadcast %mul3A_115 : i32 to vector<16xi32>
    %mul3A_117 = arith.muli %get3A_114, %mul3A_116 : vector<16xi32>
    %get3A_118 = arith.constant 48 : index
    %get3A_119 = tpu.vector_load %arg9[%get3A_118] {strides = array<i32>} : memref<768xi32, #tpu.memory_space<vmem>>, vector<16xi32>,
    %get3A_120 = vector.shape_cast %get3A_119 : vector<16xi32> to vector<16xi32>
    %mul3A_121 = arith.constant 48 : i32
    %mul3A_122 = vector.broadcast %mul3A_121 : i32 to vector<16xi32>
    %mul3A_123 = arith.muli %get3A_120, %mul3A_122 : vector<16xi32>
    %add3A_124 = arith.addi %mul3A_117, %mul3A_123 : vector<16xi32>
    %get3A_125 = arith.constant 48 : index
    %get3A_126 = tpu.vector_load %arg10[%get3A_125] {strides = array<i32>} : memref<768xi32, #tpu.memory_space<vmem>>, vector<16xi32>,
    %get3A_127 = vector.shape_cast %get3A_126 : vector<16xi32> to vector<16xi32>
    %add3A_128 = arith.addi %add3A_124, %get3A_127 : vector<16xi32>
    %shift_right_logical3A_129 = arith.constant 2 : i32
    %shift_right_logical3A_130 = vector.broadcast %shift_right_logical3A_129 : i32 to vector<16xi32>
    %shift_right_logical3A_131 = arith.shrui %add3A_128, %shift_right_logical3A_130 : vector<16xi32>
    %sub3A_132 = vector.broadcast %mul3A_2 : i32 to vector<16xi32>
    %sub3A_133 = arith.subi %shift_right_logical3A_131, %sub3A_132 : vector<16xi32>
    %ge3A_134 = arith.constant 0 : i32
    %ge3A_135 = vector.broadcast %ge3A_134 : i32 to vector<16xi32>
    %ge3A_136 = arith.cmpi sge, %sub3A_133, %ge3A_135 : vector<16xi32>
    %lt3A_137 = arith.constant 4608 : i32
    %lt3A_138 = vector.broadcast %lt3A_137 : i32 to vector<16xi32>
    %lt3A_139 = arith.cmpi slt, %sub3A_133, %lt3A_138 : vector<16xi32>
    %and3A_140 = arith.andi %ge3A_136, %lt3A_139 : vector<16xi1>
    %jit3A_141 = arith.constant 4608 : i32
    %broadcast_in_dim3A_142 = vector.broadcast %jit3A_141 : i32 to vector<16xi32>
    %select_n3A_143 = arith.select %and3A_140, %sub3A_133, %broadcast_in_dim3A_142 : vector<16xi1>, vector<16xi32>
    %swap3A_144 = arith.constant 48 : index
    %swap3A_145 = tpu.vector_load %arg14[%swap3A_144] {strides = array<i32>} : memref<128xi32, #tpu.memory_space<vmem>>, vector<16xi32>,
    %swap3A_146 = vector.shape_cast %swap3A_145 : vector<16xi32> to vector<16xi32>
    %swap3A_147 = vector.shape_cast %select_n3A_143 : vector<16xi32> to vector<16xi32>
    tpu.vector_store %arg14[%swap3A_144], %swap3A_147 {strides = array<i32>} : memref<128xi32, #tpu.memory_space<vmem>>, vector<16xi32>,
    %get3A_148 = arith.constant 64 : index
    %get3A_149 = tpu.vector_load %arg8[%get3A_148] {strides = array<i32>} : memref<768xi32, #tpu.memory_space<vmem>>, vector<16xi32>,
    %get3A_150 = vector.shape_cast %get3A_149 : vector<16xi32> to vector<16xi32>
    %mul3A_151 = arith.constant 2304 : i32
    %mul3A_152 = vector.broadcast %mul3A_151 : i32 to vector<16xi32>
    %mul3A_153 = arith.muli %get3A_150, %mul3A_152 : vector<16xi32>
    %get3A_154 = arith.constant 64 : index
    %get3A_155 = tpu.vector_load %arg9[%get3A_154] {strides = array<i32>} : memref<768xi32, #tpu.memory_space<vmem>>, vector<16xi32>,
    %get3A_156 = vector.shape_cast %get3A_155 : vector<16xi32> to vector<16xi32>
    %mul3A_157 = arith.constant 48 : i32
    %mul3A_158 = vector.broadcast %mul3A_157 : i32 to vector<16xi32>
    %mul3A_159 = arith.muli %get3A_156, %mul3A_158 : vector<16xi32>
    %add3A_160 = arith.addi %mul3A_153, %mul3A_159 : vector<16xi32>
    %get3A_161 = arith.constant 64 : index
    %get3A_162 = tpu.vector_load %arg10[%get3A_161] {strides = array<i32>} : memref<768xi32, #tpu.memory_space<vmem>>, vector<16xi32>,
    %get3A_163 = vector.shape_cast %get3A_162 : vector<16xi32> to vector<16xi32>
    %add3A_164 = arith.addi %add3A_160, %get3A_163 : vector<16xi32>
    %shift_right_logical3A_165 = arith.constant 2 : i32
    %shift_right_logical3A_166 = vector.broadcast %shift_right_logical3A_165 : i32 to vector<16xi32>
    %shift_right_logical3A_167 = arith.shrui %add3A_164, %shift_right_logical3A_166 : vector<16xi32>
    %sub3A_168 = vector.broadcast %mul3A_2 : i32 to vector<16xi32>
    %sub3A_169 = arith.subi %shift_right_logical3A_167, %sub3A_168 : vector<16xi32>
    %ge3A_170 = arith.constant 0 : i32
    %ge3A_171 = vector.broadcast %ge3A_170 : i32 to vector<16xi32>
    %ge3A_172 = arith.cmpi sge, %sub3A_169, %ge3A_171 : vector<16xi32>
    %lt3A_173 = arith.constant 4608 : i32
    %lt3A_174 = vector.broadcast %lt3A_173 : i32 to vector<16xi32>
    %lt3A_175 = arith.cmpi slt, %sub3A_169, %lt3A_174 : vector<16xi32>
    %and3A_176 = arith.andi %ge3A_172, %lt3A_175 : vector<16xi1>
    %jit3A_177 = arith.constant 4608 : i32
    %broadcast_in_dim3A_178 = vector.broadcast %jit3A_177 : i32 to vector<16xi32>
    %select_n3A_179 = arith.select %and3A_176, %sub3A_169, %broadcast_in_dim3A_178 : vector<16xi1>, vector<16xi32>
    %swap3A_180 = arith.constant 64 : index
    %swap3A_181 = tpu.vector_load %arg14[%swap3A_180] {strides = array<i32>} : memref<128xi32, #tpu.memory_space<vmem>>, vector<16xi32>,
    %swap3A_182 = vector.shape_cast %swap3A_181 : vector<16xi32> to vector<16xi32>
    %swap3A_183 = vector.shape_cast %select_n3A_179 : vector<16xi32> to vector<16xi32>
    tpu.vector_store %arg14[%swap3A_180], %swap3A_183 {strides = array<i32>} : memref<128xi32, #tpu.memory_space<vmem>>, vector<16xi32>,
    %get3A_184 = arith.constant 80 : index
    %get3A_185 = tpu.vector_load %arg8[%get3A_184] {strides = array<i32>} : memref<768xi32, #tpu.memory_space<vmem>>, vector<16xi32>,
    %get3A_186 = vector.shape_cast %get3A_185 : vector<16xi32> to vector<16xi32>
    %mul3A_187 = arith.constant 2304 : i32
    %mul3A_188 = vector.broadcast %mul3A_187 : i32 to vector<16xi32>
    %mul3A_189 = arith.muli %get3A_186, %mul3A_188 : vector<16xi32>
    %get3A_190 = arith.constant 80 : index
    %get3A_191 = tpu.vector_load %arg9[%get3A_190] {strides = array<i32>} : memref<768xi32, #tpu.memory_space<vmem>>, vector<16xi32>,
    %get3A_192 = vector.shape_cast %get3A_191 : vector<16xi32> to vector<16xi32>
    %mul3A_193 = arith.constant 48 : i32
    %mul3A_194 = vector.broadcast %mul3A_193 : i32 to vector<16xi32>
    %mul3A_195 = arith.muli %get3A_192, %mul3A_194 : vector<16xi32>
    %add3A_196 = arith.addi %mul3A_189, %mul3A_195 : vector<16xi32>
    %get3A_197 = arith.constant 80 : index
    %get3A_198 = tpu.vector_load %arg10[%get3A_197] {strides = array<i32>} : memref<768xi32, #tpu.memory_space<vmem>>, vector<16xi32>,
    %get3A_199 = vector.shape_cast %get3A_198 : vector<16xi32> to vector<16xi32>
    %add3A_200 = arith.addi %add3A_196, %get3A_199 : vector<16xi32>
    %shift_right_logical3A_201 = arith.constant 2 : i32
    %shift_right_logical3A_202 = vector.broadcast %shift_right_logical3A_201 : i32 to vector<16xi32>
    %shift_right_logical3A_203 = arith.shrui %add3A_200, %shift_right_logical3A_202 : vector<16xi32>
    %sub3A_204 = vector.broadcast %mul3A_2 : i32 to vector<16xi32>
    %sub3A_205 = arith.subi %shift_right_logical3A_203, %sub3A_204 : vector<16xi32>
    %ge3A_206 = arith.constant 0 : i32
    %ge3A_207 = vector.broadcast %ge3A_206 : i32 to vector<16xi32>
    %ge3A_208 = arith.cmpi sge, %sub3A_205, %ge3A_207 : vector<16xi32>
    %lt3A_209 = arith.constant 4608 : i32
    %lt3A_210 = vector.broadcast %lt3A_209 : i32 to vector<16xi32>
    %lt3A_211 = arith.cmpi slt, %sub3A_205, %lt3A_210 : vector<16xi32>
    %and3A_212 = arith.andi %ge3A_208, %lt3A_211 : vector<16xi1>
    %jit3A_213 = arith.constant 4608 : i32
    %broadcast_in_dim3A_214 = vector.broadcast %jit3A_213 : i32 to vector<16xi32>
    %select_n3A_215 = arith.select %and3A_212, %sub3A_205, %broadcast_in_dim3A_214 : vector<16xi1>, vector<16xi32>
    %swap3A_216 = arith.constant 80 : index
    %swap3A_217 = tpu.vector_load %arg14[%swap3A_216] {strides = array<i32>} : memref<128xi32, #tpu.memory_space<vmem>>, vector<16xi32>,
    %swap3A_218 = vector.shape_cast %swap3A_217 : vector<16xi32> to vector<16xi32>
    %swap3A_219 = vector.shape_cast %select_n3A_215 : vector<16xi32> to vector<16xi32>
    tpu.vector_store %arg14[%swap3A_216], %swap3A_219 {strides = array<i32>} : memref<128xi32, #tpu.memory_space<vmem>>, vector<16xi32>,
    %get3A_220 = arith.constant 96 : index
    %get3A_221 = tpu.vector_load %arg8[%get3A_220] {strides = array<i32>} : memref<768xi32, #tpu.memory_space<vmem>>, vector<16xi32>,
    %get3A_222 = vector.shape_cast %get3A_221 : vector<16xi32> to vector<16xi32>
    %mul3A_223 = arith.constant 2304 : i32
    %mul3A_224 = vector.broadcast %mul3A_223 : i32 to vector<16xi32>
    %mul3A_225 = arith.muli %get3A_222, %mul3A_224 : vector<16xi32>
    %get3A_226 = arith.constant 96 : index
    %get3A_227 = tpu.vector_load %arg9[%get3A_226] {strides = array<i32>} : memref<768xi32, #tpu.memory_space<vmem>>, vector<16xi32>,
    %get3A_228 = vector.shape_cast %get3A_227 : vector<16xi32> to vector<16xi32>
    %mul3A_229 = arith.constant 48 : i32
    %mul3A_230 = vector.broadcast %mul3A_229 : i32 to vector<16xi32>
    %mul3A_231 = arith.muli %get3A_228, %mul3A_230 : vector<16xi32>
    %add3A_232 = arith.addi %mul3A_225, %mul3A_231 : vector<16xi32>
    %get3A_233 = arith.constant 96 : index
    %get3A_234 = tpu.vector_load %arg10[%get3A_233] {strides = array<i32>} : memref<768xi32, #tpu.memory_space<vmem>>, vector<16xi32>,
    %get3A_235 = vector.shape_cast %get3A_234 : vector<16xi32> to vector<16xi32>
    %add3A_236 = arith.addi %add3A_232, %get3A_235 : vector<16xi32>
    %shift_right_logical3A_237 = arith.constant 2 : i32
    %shift_right_logical3A_238 = vector.broadcast %shift_right_logical3A_237 : i32 to vector<16xi32>
    %shift_right_logical3A_239 = arith.shrui %add3A_236, %shift_right_logical3A_238 : vector<16xi32>
    %sub3A_240 = vector.broadcast %mul3A_2 : i32 to vector<16xi32>
    %sub3A_241 = arith.subi %shift_right_logical3A_239, %sub3A_240 : vector<16xi32>
    %ge3A_242 = arith.constant 0 : i32
    %ge3A_243 = vector.broadcast %ge3A_242 : i32 to vector<16xi32>
    %ge3A_244 = arith.cmpi sge, %sub3A_241, %ge3A_243 : vector<16xi32>
    %lt3A_245 = arith.constant 4608 : i32
    %lt3A_246 = vector.broadcast %lt3A_245 : i32 to vector<16xi32>
    %lt3A_247 = arith.cmpi slt, %sub3A_241, %lt3A_246 : vector<16xi32>
    %and3A_248 = arith.andi %ge3A_244, %lt3A_247 : vector<16xi1>
    %jit3A_249 = arith.constant 4608 : i32
    %broadcast_in_dim3A_250 = vector.broadcast %jit3A_249 : i32 to vector<16xi32>
    %select_n3A_251 = arith.select %and3A_248, %sub3A_241, %broadcast_in_dim3A_250 : vector<16xi1>, vector<16xi32>
    %swap3A_252 = arith.constant 96 : index
    %swap3A_253 = tpu.vector_load %arg14[%swap3A_252] {strides = array<i32>} : memref<128xi32, #tpu.memory_space<vmem>>, vector<16xi32>,
    %swap3A_254 = vector.shape_cast %swap3A_253 : vector<16xi32> to vector<16xi32>
    %swap3A_255 = vector.shape_cast %select_n3A_251 : vector<16xi32> to vector<16xi32>
    tpu.vector_store %arg14[%swap3A_252], %swap3A_255 {strides = array<i32>} : memref<128xi32, #tpu.memory_space<vmem>>, vector<16xi32>,
    %get3A_256 = arith.constant 112 : index
    %get3A_257 = tpu.vector_load %arg8[%get3A_256] {strides = array<i32>} : memref<768xi32, #tpu.memory_space<vmem>>, vector<16xi32>,
    %get3A_258 = vector.shape_cast %get3A_257 : vector<16xi32> to vector<16xi32>
    %mul3A_259 = arith.constant 2304 : i32
    %mul3A_260 = vector.broadcast %mul3A_259 : i32 to vector<16xi32>
    %mul3A_261 = arith.muli %get3A_258, %mul3A_260 : vector<16xi32>
    %get3A_262 = arith.constant 112 : index
    %get3A_263 = tpu.vector_load %arg9[%get3A_262] {strides = array<i32>} : memref<768xi32, #tpu.memory_space<vmem>>, vector<16xi32>,
    %get3A_264 = vector.shape_cast %get3A_263 : vector<16xi32> to vector<16xi32>
    %mul3A_265 = arith.constant 48 : i32
    %mul3A_266 = vector.broadcast %mul3A_265 : i32 to vector<16xi32>
    %mul3A_267 = arith.muli %get3A_264, %mul3A_266 : vector<16xi32>
    %add3A_268 = arith.addi %mul3A_261, %mul3A_267 : vector<16xi32>
    %get3A_269 = arith.constant 112 : index
    %get3A_270 = tpu.vector_load %arg10[%get3A_269] {strides = array<i32>} : memref<768xi32, #tpu.memory_space<vmem>>, vector<16xi32>,
    %get3A_271 = vector.shape_cast %get3A_270 : vector<16xi32> to vector<16xi32>
    %add3A_272 = arith.addi %add3A_268, %get3A_271 : vector<16xi32>
    %shift_right_logical3A_273 = arith.constant 2 : i32
    %shift_right_logical3A_274 = vector.broadcast %shift_right_logical3A_273 : i32 to vector<16xi32>
    %shift_right_logical3A_275 = arith.shrui %add3A_272, %shift_right_logical3A_274 : vector<16xi32>
    %sub3A_276 = vector.broadcast %mul3A_2 : i32 to vector<16xi32>
    %sub3A_277 = arith.subi %shift_right_logical3A_275, %sub3A_276 : vector<16xi32>
    %ge3A_278 = arith.constant 0 : i32
    %ge3A_279 = vector.broadcast %ge3A_278 : i32 to vector<16xi32>
    %ge3A_280 = arith.cmpi sge, %sub3A_277, %ge3A_279 : vector<16xi32>
    %lt3A_281 = arith.constant 4608 : i32
    %lt3A_282 = vector.broadcast %lt3A_281 : i32 to vector<16xi32>
    %lt3A_283 = arith.cmpi slt, %sub3A_277, %lt3A_282 : vector<16xi32>
    %and3A_284 = arith.andi %ge3A_280, %lt3A_283 : vector<16xi1>
    %jit3A_285 = arith.constant 4608 : i32
    %broadcast_in_dim3A_286 = vector.broadcast %jit3A_285 : i32 to vector<16xi32>
    %select_n3A_287 = arith.select %and3A_284, %sub3A_277, %broadcast_in_dim3A_286 : vector<16xi1>, vector<16xi32>
    %swap3A_288 = arith.constant 112 : index
    %swap3A_289 = tpu.vector_load %arg14[%swap3A_288] {strides = array<i32>} : memref<128xi32, #tpu.memory_space<vmem>>, vector<16xi32>,
    %swap3A_290 = vector.shape_cast %swap3A_289 : vector<16xi32> to vector<16xi32>
    %swap3A_291 = vector.shape_cast %select_n3A_287 : vector<16xi32> to vector<16xi32>
    tpu.vector_store %arg14[%swap3A_288], %swap3A_291 {strides = array<i32>} : memref<128xi32, #tpu.memory_space<vmem>>, vector<16xi32>,
    %get3A_292 = arith.constant 128 : index
    %get3A_293 = tpu.vector_load %arg8[%get3A_292] {strides = array<i32>} : memref<768xi32, #tpu.memory_space<vmem>>, vector<16xi32>,
    %get3A_294 = vector.shape_cast %get3A_293 : vector<16xi32> to vector<16xi32>
    %mul3A_295 = arith.constant 2304 : i32
    %mul3A_296 = vector.broadcast %mul3A_295 : i32 to vector<16xi32>
    %mul3A_297 = arith.muli %get3A_294, %mul3A_296 : vector<16xi32>
    %get3A_298 = arith.constant 128 : index
    %get3A_299 = tpu.vector_load %arg9[%get3A_298] {strides = array<i32>} : memref<768xi32, #tpu.memory_space<vmem>>, vector<16xi32>,
    %get3A_300 = vector.shape_cast %get3A_299 : vector<16xi32> to vector<16xi32>
    %mul3A_301 = arith.constant 48 : i32
    %mul3A_302 = vector.broadcast %mul3A_301 : i32 to vector<16xi32>
    %mul3A_303 = arith.muli %get3A_300, %mul3A_302 : vector<16xi32>
    %add3A_304 = arith.addi %mul3A_297, %mul3A_303 : vector<16xi32>
    %get3A_305 = arith.constant 128 : index
    %get3A_306 = tpu.vector_load %arg10[%get3A_305] {strides = array<i32>} : memref<768xi32, #tpu.memory_space<vmem>>, vector<16xi32>,
    %get3A_307 = vector.shape_cast %get3A_306 : vector<16xi32> to vector<16xi32>
    %add3A_308 = arith.addi %add3A_304, %get3A_307 : vector<16xi32>
    %shift_right_logical3A_309 = arith.constant 2 : i32
    %shift_right_logical3A_310 = vector.broadcast %shift_right_logical3A_309 : i32 to vector<16xi32>
    %shift_right_logical3A_311 = arith.shrui %add3A_308, %shift_right_logical3A_310 : vector<16xi32>
    %sub3A_312 = vector.broadcast %mul3A_2 : i32 to vector<16xi32>
    %sub3A_313 = arith.subi %shift_right_logical3A_311, %sub3A_312 : vector<16xi32>
    %ge3A_314 = arith.constant 0 : i32
    %ge3A_315 = vector.broadcast %ge3A_314 : i32 to vector<16xi32>
    %ge3A_316 = arith.cmpi sge, %sub3A_313, %ge3A_315 : vector<16xi32>
    %lt3A_317 = arith.constant 4608 : i32
    %lt3A_318 = vector.broadcast %lt3A_317 : i32 to vector<16xi32>
    %lt3A_319 = arith.cmpi slt, %sub3A_313, %lt3A_318 : vector<16xi32>
    %and3A_320 = arith.andi %ge3A_316, %lt3A_319 : vector<16xi1>
    %jit3A_321 = arith.constant 4608 : i32
    %broadcast_in_dim3A_322 = vector.broadcast %jit3A_321 : i32 to vector<16xi32>
    %select_n3A_323 = arith.select %and3A_320, %sub3A_313, %broadcast_in_dim3A_322 : vector<16xi1>, vector<16xi32>
    %swap3A_324 = arith.constant 0 : index
    %swap3A_325 = tpu.vector_load %arg15[%swap3A_324] {strides = array<i32>} : memref<128xi32, #tpu.memory_space<vmem>>, vector<16xi32>,
    %swap3A_326 = vector.shape_cast %swap3A_325 : vector<16xi32> to vector<16xi32>
    %swap3A_327 = vector.shape_cast %select_n3A_323 : vector<16xi32> to vector<16xi32>
    tpu.vector_store %arg15[%swap3A_324], %swap3A_327 {strides = array<i32>} : memref<128xi32, #tpu.memory_space<vmem>>, vector<16xi32>,
    %get3A_328 = arith.constant 144 : index
    %get3A_329 = tpu.vector_load %arg8[%get3A_328] {strides = array<i32>} : memref<768xi32, #tpu.memory_space<vmem>>, vector<16xi32>,
    %get3A_330 = vector.shape_cast %get3A_329 : vector<16xi32> to vector<16xi32>
    %mul3A_331 = arith.constant 2304 : i32
    %mul3A_332 = vector.broadcast %mul3A_331 : i32 to vector<16xi32>
    %mul3A_333 = arith.muli %get3A_330, %mul3A_332 : vector<16xi32>
    %get3A_334 = arith.constant 144 : index
    %get3A_335 = tpu.vector_load %arg9[%get3A_334] {strides = array<i32>} : memref<768xi32, #tpu.memory_space<vmem>>, vector<16xi32>,
    %get3A_336 = vector.shape_cast %get3A_335 : vector<16xi32> to vector<16xi32>
    %mul3A_337 = arith.constant 48 : i32
    %mul3A_338 = vector.broadcast %mul3A_337 : i32 to vector<16xi32>
    %mul3A_339 = arith.muli %get3A_336, %mul3A_338 : vector<16xi32>
    %add3A_340 = arith.addi %mul3A_333, %mul3A_339 : vector<16xi32>
    %get3A_341 = arith.constant 144 : index
    %get3A_342 = tpu.vector_load %arg10[%get3A_341] {strides = array<i32>} : memref<768xi32, #tpu.memory_space<vmem>>, vector<16xi32>,
    %get3A_343 = vector.shape_cast %get3A_342 : vector<16xi32> to vector<16xi32>
    %add3A_344 = arith.addi %add3A_340, %get3A_343 : vector<16xi32>
    %shift_right_logical3A_345 = arith.constant 2 : i32
    %shift_right_logical3A_346 = vector.broadcast %shift_right_logical3A_345 : i32 to vector<16xi32>
    %shift_right_logical3A_347 = arith.shrui %add3A_344, %shift_right_logical3A_346 : vector<16xi32>
    %sub3A_348 = vector.broadcast %mul3A_2 : i32 to vector<16xi32>
    %sub3A_349 = arith.subi %shift_right_logical3A_347, %sub3A_348 : vector<16xi32>
    %ge3A_350 = arith.constant 0 : i32
    %ge3A_351 = vector.broadcast %ge3A_350 : i32 to vector<16xi32>
    %ge3A_352 = arith.cmpi sge, %sub3A_349, %ge3A_351 : vector<16xi32>
    %lt3A_353 = arith.constant 4608 : i32
    %lt3A_354 = vector.broadcast %lt3A_353 : i32 to vector<16xi32>
    %lt3A_355 = arith.cmpi slt, %sub3A_349, %lt3A_354 : vector<16xi32>
    %and3A_356 = arith.andi %ge3A_352, %lt3A_355 : vector<16xi1>
    %jit3A_357 = arith.constant 4608 : i32
    %broadcast_in_dim3A_358 = vector.broadcast %jit3A_357 : i32 to vector<16xi32>
    %select_n3A_359 = arith.select %and3A_356, %sub3A_349, %broadcast_in_dim3A_358 : vector<16xi1>, vector<16xi32>
    %swap3A_360 = arith.constant 16 : index
    %swap3A_361 = tpu.vector_load %arg15[%swap3A_360] {strides = array<i32>} : memref<128xi32, #tpu.memory_space<vmem>>, vector<16xi32>,
    %swap3A_362 = vector.shape_cast %swap3A_361 : vector<16xi32> to vector<16xi32>
    %swap3A_363 = vector.shape_cast %select_n3A_359 : vector<16xi32> to vector<16xi32>
    tpu.vector_store %arg15[%swap3A_360], %swap3A_363 {strides = array<i32>} : memref<128xi32, #tpu.memory_space<vmem>>, vector<16xi32>,
    %get3A_364 = arith.constant 160 : index
    %get3A_365 = tpu.vector_load %arg8[%get3A_364] {strides = array<i32>} : memref<768xi32, #tpu.memory_space<vmem>>, vector<16xi32>,
    %get3A_366 = vector.shape_cast %get3A_365 : vector<16xi32> to vector<16xi32>
    %mul3A_367 = arith.constant 2304 : i32
    %mul3A_368 = vector.broadcast %mul3A_367 : i32 to vector<16xi32>
    %mul3A_369 = arith.muli %get3A_366, %mul3A_368 : vector<16xi32>
    %get3A_370 = arith.constant 160 : index
    %get3A_371 = tpu.vector_load %arg9[%get3A_370] {strides = array<i32>} : memref<768xi32, #tpu.memory_space<vmem>>, vector<16xi32>,
    %get3A_372 = vector.shape_cast %get3A_371 : vector<16xi32> to vector<16xi32>
    %mul3A_373 = arith.constant 48 : i32
    %mul3A_374 = vector.broadcast %mul3A_373 : i32 to vector<16xi32>
    %mul3A_375 = arith.muli %get3A_372, %mul3A_374 : vector<16xi32>
    %add3A_376 = arith.addi %mul3A_369, %mul3A_375 : vector<16xi32>
    %get3A_377 = arith.constant 160 : index
    %get3A_378 = tpu.vector_load %arg10[%get3A_377] {strides = array<i32>} : memref<768xi32, #tpu.memory_space<vmem>>, vector<16xi32>,
    %get3A_379 = vector.shape_cast %get3A_378 : vector<16xi32> to vector<16xi32>
    %add3A_380 = arith.addi %add3A_376, %get3A_379 : vector<16xi32>
    %shift_right_logical3A_381 = arith.constant 2 : i32
    %shift_right_logical3A_382 = vector.broadcast %shift_right_logical3A_381 : i32 to vector<16xi32>
    %shift_right_logical3A_383 = arith.shrui %add3A_380, %shift_right_logical3A_382 : vector<16xi32>
    %sub3A_384 = vector.broadcast %mul3A_2 : i32 to vector<16xi32>
    %sub3A_385 = arith.subi %shift_right_logical3A_383, %sub3A_384 : vector<16xi32>
    %ge3A_386 = arith.constant 0 : i32
    %ge3A_387 = vector.broadcast %ge3A_386 : i32 to vector<16xi32>
    %ge3A_388 = arith.cmpi sge, %sub3A_385, %ge3A_387 : vector<16xi32>
    %lt3A_389 = arith.constant 4608 : i32
    %lt3A_390 = vector.broadcast %lt3A_389 : i32 to vector<16xi32>
    %lt3A_391 = arith.cmpi slt, %sub3A_385, %lt3A_390 : vector<16xi32>
    %and3A_392 = arith.andi %ge3A_388, %lt3A_391 : vector<16xi1>
    %jit3A_393 = arith.constant 4608 : i32
    %broadcast_in_dim3A_394 = vector.broadcast %jit3A_393 : i32 to vector<16xi32>
    %select_n3A_395 = arith.select %and3A_392, %sub3A_385, %broadcast_in_dim3A_394 : vector<16xi1>, vector<16xi32>
    %swap3A_396 = arith.constant 32 : index
    %swap3A_397 = tpu.vector_load %arg15[%swap3A_396] {strides = array<i32>} : memref<128xi32, #tpu.memory_space<vmem>>, vector<16xi32>,
    %swap3A_398 = vector.shape_cast %swap3A_397 : vector<16xi32> to vector<16xi32>
    %swap3A_399 = vector.shape_cast %select_n3A_395 : vector<16xi32> to vector<16xi32>
    tpu.vector_store %arg15[%swap3A_396], %swap3A_399 {strides = array<i32>} : memref<128xi32, #tpu.memory_space<vmem>>, vector<16xi32>,
    %get3A_400 = arith.constant 176 : index
    %get3A_401 = tpu.vector_load %arg8[%get3A_400] {strides = array<i32>} : memref<768xi32, #tpu.memory_space<vmem>>, vector<16xi32>,
    %get3A_402 = vector.shape_cast %get3A_401 : vector<16xi32> to vector<16xi32>
    %mul3A_403 = arith.constant 2304 : i32
    %mul3A_404 = vector.broadcast %mul3A_403 : i32 to vector<16xi32>
    %mul3A_405 = arith.muli %get3A_402, %mul3A_404 : vector<16xi32>
    %get3A_406 = arith.constant 176 : index
    %get3A_407 = tpu.vector_load %arg9[%get3A_406] {strides = array<i32>} : memref<768xi32, #tpu.memory_space<vmem>>, vector<16xi32>,
    %get3A_408 = vector.shape_cast %get3A_407 : vector<16xi32> to vector<16xi32>
    %mul3A_409 = arith.constant 48 : i32
    %mul3A_410 = vector.broadcast %mul3A_409 : i32 to vector<16xi32>
    %mul3A_411 = arith.muli %get3A_408, %mul3A_410 : vector<16xi32>
    %add3A_412 = arith.addi %mul3A_405, %mul3A_411 : vector<16xi32>
    %get3A_413 = arith.constant 176 : index
    %get3A_414 = tpu.vector_load %arg10[%get3A_413] {strides = array<i32>} : memref<768xi32, #tpu.memory_space<vmem>>, vector<16xi32>,
    %get3A_415 = vector.shape_cast %get3A_414 : vector<16xi32> to vector<16xi32>
    %add3A_416 = arith.addi %add3A_412, %get3A_415 : vector<16xi32>
    %shift_right_logical3A_417 = arith.constant 2 : i32
    %shift_right_logical3A_418 = vector.broadcast %shift_right_logical3A_417 : i32 to vector<16xi32>
    %shift_right_logical3A_419 = arith.shrui %add3A_416, %shift_right_logical3A_418 : vector<16xi32>
    %sub3A_420 = vector.broadcast %mul3A_2 : i32 to vector<16xi32>
    %sub3A_421 = arith.subi %shift_right_logical3A_419, %sub3A_420 : vector<16xi32>
    %ge3A_422 = arith.constant 0 : i32
    %ge3A_423 = vector.broadcast %ge3A_422 : i32 to vector<16xi32>
    %ge3A_424 = arith.cmpi sge, %sub3A_421, %ge3A_423 : vector<16xi32>
    %lt3A_425 = arith.constant 4608 : i32
    %lt3A_426 = vector.broadcast %lt3A_425 : i32 to vector<16xi32>
    %lt3A_427 = arith.cmpi slt, %sub3A_421, %lt3A_426 : vector<16xi32>
    %and3A_428 = arith.andi %ge3A_424, %lt3A_427 : vector<16xi1>
    %jit3A_429 = arith.constant 4608 : i32
    %broadcast_in_dim3A_430 = vector.broadcast %jit3A_429 : i32 to vector<16xi32>
    %select_n3A_431 = arith.select %and3A_428, %sub3A_421, %broadcast_in_dim3A_430 : vector<16xi1>, vector<16xi32>
    %swap3A_432 = arith.constant 48 : index
    %swap3A_433 = tpu.vector_load %arg15[%swap3A_432] {strides = array<i32>} : memref<128xi32, #tpu.memory_space<vmem>>, vector<16xi32>,
    %swap3A_434 = vector.shape_cast %swap3A_433 : vector<16xi32> to vector<16xi32>
    %swap3A_435 = vector.shape_cast %select_n3A_431 : vector<16xi32> to vector<16xi32>
    tpu.vector_store %arg15[%swap3A_432], %swap3A_435 {strides = array<i32>} : memref<128xi32, #tpu.memory_space<vmem>>, vector<16xi32>,
    %get3A_436 = arith.constant 192 : index
    %get3A_437 = tpu.vector_load %arg8[%get3A_436] {strides = array<i32>} : memref<768xi32, #tpu.memory_space<vmem>>, vector<16xi32>,
    %get3A_438 = vector.shape_cast %get3A_437 : vector<16xi32> to vector<16xi32>
    %mul3A_439 = arith.constant 2304 : i32
    %mul3A_440 = vector.broadcast %mul3A_439 : i32 to vector<16xi32>
    %mul3A_441 = arith.muli %get3A_438, %mul3A_440 : vector<16xi32>
    %get3A_442 = arith.constant 192 : index
    %get3A_443 = tpu.vector_load %arg9[%get3A_442] {strides = array<i32>} : memref<768xi32, #tpu.memory_space<vmem>>, vector<16xi32>,
    %get3A_444 = vector.shape_cast %get3A_443 : vector<16xi32> to vector<16xi32>
    %mul3A_445 = arith.constant 48 : i32
    %mul3A_446 = vector.broadcast %mul3A_445 : i32 to vector<16xi32>
    %mul3A_447 = arith.muli %get3A_444, %mul3A_446 : vector<16xi32>
    %add3A_448 = arith.addi %mul3A_441, %mul3A_447 : vector<16xi32>
    %get3A_449 = arith.constant 192 : index
    %get3A_450 = tpu.vector_load %arg10[%get3A_449] {strides = array<i32>} : memref<768xi32, #tpu.memory_space<vmem>>, vector<16xi32>,
    %get3A_451 = vector.shape_cast %get3A_450 : vector<16xi32> to vector<16xi32>
    %add3A_452 = arith.addi %add3A_448, %get3A_451 : vector<16xi32>
    %shift_right_logical3A_453 = arith.constant 2 : i32
    %shift_right_logical3A_454 = vector.broadcast %shift_right_logical3A_453 : i32 to vector<16xi32>
    %shift_right_logical3A_455 = arith.shrui %add3A_452, %shift_right_logical3A_454 : vector<16xi32>
    %sub3A_456 = vector.broadcast %mul3A_2 : i32 to vector<16xi32>
    %sub3A_457 = arith.subi %shift_right_logical3A_455, %sub3A_456 : vector<16xi32>
    %ge3A_458 = arith.constant 0 : i32
    %ge3A_459 = vector.broadcast %ge3A_458 : i32 to vector<16xi32>
    %ge3A_460 = arith.cmpi sge, %sub3A_457, %ge3A_459 : vector<16xi32>
    %lt3A_461 = arith.constant 4608 : i32
    %lt3A_462 = vector.broadcast %lt3A_461 : i32 to vector<16xi32>
    %lt3A_463 = arith.cmpi slt, %sub3A_457, %lt3A_462 : vector<16xi32>
    %and3A_464 = arith.andi %ge3A_460, %lt3A_463 : vector<16xi1>
    %jit3A_465 = arith.constant 4608 : i32
    %broadcast_in_dim3A_466 = vector.broadcast %jit3A_465 : i32 to vector<16xi32>
    %select_n3A_467 = arith.select %and3A_464, %sub3A_457, %broadcast_in_dim3A_466 : vector<16xi1>, vector<16xi32>
    %swap3A_468 = arith.constant 64 : index
    %swap3A_469 = tpu.vector_load %arg15[%swap3A_468] {strides = array<i32>} : memref<128xi32, #tpu.memory_space<vmem>>, vector<16xi32>,
    %swap3A_470 = vector.shape_cast %swap3A_469 : vector<16xi32> to vector<16xi32>
    %swap3A_471 = vector.shape_cast %select_n3A_467 : vector<16xi32> to vector<16xi32>
    tpu.vector_store %arg15[%swap3A_468], %swap3A_471 {strides = array<i32>} : memref<128xi32, #tpu.memory_space<vmem>>, vector<16xi32>,
    %get3A_472 = arith.constant 208 : index
    %get3A_473 = tpu.vector_load %arg8[%get3A_472] {strides = array<i32>} : memref<768xi32, #tpu.memory_space<vmem>>, vector<16xi32>,
    %get3A_474 = vector.shape_cast %get3A_473 : vector<16xi32> to vector<16xi32>
    %mul3A_475 = arith.constant 2304 : i32
    %mul3A_476 = vector.broadcast %mul3A_475 : i32 to vector<16xi32>
    %mul3A_477 = arith.muli %get3A_474, %mul3A_476 : vector<16xi32>
    %get3A_478 = arith.constant 208 : index
    %get3A_479 = tpu.vector_load %arg9[%get3A_478] {strides = array<i32>} : memref<768xi32, #tpu.memory_space<vmem>>, vector<16xi32>,
    %get3A_480 = vector.shape_cast %get3A_479 : vector<16xi32> to vector<16xi32>
    %mul3A_481 = arith.constant 48 : i32
    %mul3A_482 = vector.broadcast %mul3A_481 : i32 to vector<16xi32>
    %mul3A_483 = arith.muli %get3A_480, %mul3A_482 : vector<16xi32>
    %add3A_484 = arith.addi %mul3A_477, %mul3A_483 : vector<16xi32>
    %get3A_485 = arith.constant 208 : index
    %get3A_486 = tpu.vector_load %arg10[%get3A_485] {strides = array<i32>} : memref<768xi32, #tpu.memory_space<vmem>>, vector<16xi32>,
    %get3A_487 = vector.shape_cast %get3A_486 : vector<16xi32> to vector<16xi32>
    %add3A_488 = arith.addi %add3A_484, %get3A_487 : vector<16xi32>
    %shift_right_logical3A_489 = arith.constant 2 : i32
    %shift_right_logical3A_490 = vector.broadcast %shift_right_logical3A_489 : i32 to vector<16xi32>
    %shift_right_logical3A_491 = arith.shrui %add3A_488, %shift_right_logical3A_490 : vector<16xi32>
    %sub3A_492 = vector.broadcast %mul3A_2 : i32 to vector<16xi32>
    %sub3A_493 = arith.subi %shift_right_logical3A_491, %sub3A_492 : vector<16xi32>
    %ge3A_494 = arith.constant 0 : i32
    %ge3A_495 = vector.broadcast %ge3A_494 : i32 to vector<16xi32>
    %ge3A_496 = arith.cmpi sge, %sub3A_493, %ge3A_495 : vector<16xi32>
    %lt3A_497 = arith.constant 4608 : i32
    %lt3A_498 = vector.broadcast %lt3A_497 : i32 to vector<16xi32>
    %lt3A_499 = arith.cmpi slt, %sub3A_493, %lt3A_498 : vector<16xi32>
    %and3A_500 = arith.andi %ge3A_496, %lt3A_499 : vector<16xi1>
    %jit3A_501 = arith.constant 4608 : i32
    %broadcast_in_dim3A_502 = vector.broadcast %jit3A_501 : i32 to vector<16xi32>
    %select_n3A_503 = arith.select %and3A_500, %sub3A_493, %broadcast_in_dim3A_502 : vector<16xi1>, vector<16xi32>
    %swap3A_504 = arith.constant 80 : index
    %swap3A_505 = tpu.vector_load %arg15[%swap3A_504] {strides = array<i32>} : memref<128xi32, #tpu.memory_space<vmem>>, vector<16xi32>,
    %swap3A_506 = vector.shape_cast %swap3A_505 : vector<16xi32> to vector<16xi32>
    %swap3A_507 = vector.shape_cast %select_n3A_503 : vector<16xi32> to vector<16xi32>
    tpu.vector_store %arg15[%swap3A_504], %swap3A_507 {strides = array<i32>} : memref<128xi32, #tpu.memory_space<vmem>>, vector<16xi32>,
    %get3A_508 = arith.constant 224 : index
    %get3A_509 = tpu.vector_load %arg8[%get3A_508] {strides = array<i32>} : memref<768xi32, #tpu.memory_space<vmem>>, vector<16xi32>,
    %get3A_510 = vector.shape_cast %get3A_509 : vector<16xi32> to vector<16xi32>
    %mul3A_511 = arith.constant 2304 : i32
    %mul3A_512 = vector.broadcast %mul3A_511 : i32 to vector<16xi32>
    %mul3A_513 = arith.muli %get3A_510, %mul3A_512 : vector<16xi32>
    %get3A_514 = arith.constant 224 : index
    %get3A_515 = tpu.vector_load %arg9[%get3A_514] {strides = array<i32>} : memref<768xi32, #tpu.memory_space<vmem>>, vector<16xi32>,
    %get3A_516 = vector.shape_cast %get3A_515 : vector<16xi32> to vector<16xi32>
    %mul3A_517 = arith.constant 48 : i32
    %mul3A_518 = vector.broadcast %mul3A_517 : i32 to vector<16xi32>
    %mul3A_519 = arith.muli %get3A_516, %mul3A_518 : vector<16xi32>
    %add3A_520 = arith.addi %mul3A_513, %mul3A_519 : vector<16xi32>
    %get3A_521 = arith.constant 224 : index
    %get3A_522 = tpu.vector_load %arg10[%get3A_521] {strides = array<i32>} : memref<768xi32, #tpu.memory_space<vmem>>, vector<16xi32>,
    %get3A_523 = vector.shape_cast %get3A_522 : vector<16xi32> to vector<16xi32>
    %add3A_524 = arith.addi %add3A_520, %get3A_523 : vector<16xi32>
    %shift_right_logical3A_525 = arith.constant 2 : i32
    %shift_right_logical3A_526 = vector.broadcast %shift_right_logical3A_525 : i32 to vector<16xi32>
    %shift_right_logical3A_527 = arith.shrui %add3A_524, %shift_right_logical3A_526 : vector<16xi32>
    %sub3A_528 = vector.broadcast %mul3A_2 : i32 to vector<16xi32>
    %sub3A_529 = arith.subi %shift_right_logical3A_527, %sub3A_528 : vector<16xi32>
    %ge3A_530 = arith.constant 0 : i32
    %ge3A_531 = vector.broadcast %ge3A_530 : i32 to vector<16xi32>
    %ge3A_532 = arith.cmpi sge, %sub3A_529, %ge3A_531 : vector<16xi32>
    %lt3A_533 = arith.constant 4608 : i32
    %lt3A_534 = vector.broadcast %lt3A_533 : i32 to vector<16xi32>
    %lt3A_535 = arith.cmpi slt, %sub3A_529, %lt3A_534 : vector<16xi32>
    %and3A_536 = arith.andi %ge3A_532, %lt3A_535 : vector<16xi1>
    %jit3A_537 = arith.constant 4608 : i32
    %broadcast_in_dim3A_538 = vector.broadcast %jit3A_537 : i32 to vector<16xi32>
    %select_n3A_539 = arith.select %and3A_536, %sub3A_529, %broadcast_in_dim3A_538 : vector<16xi1>, vector<16xi32>
    %swap3A_540 = arith.constant 96 : index
    %swap3A_541 = tpu.vector_load %arg15[%swap3A_540] {strides = array<i32>} : memref<128xi32, #tpu.memory_space<vmem>>, vector<16xi32>,
    %swap3A_542 = vector.shape_cast %swap3A_541 : vector<16xi32> to vector<16xi32>
    %swap3A_543 = vector.shape_cast %select_n3A_539 : vector<16xi32> to vector<16xi32>
    tpu.vector_store %arg15[%swap3A_540], %swap3A_543 {strides = array<i32>} : memref<128xi32, #tpu.memory_space<vmem>>, vector<16xi32>,
    %get3A_544 = arith.constant 240 : index
    %get3A_545 = tpu.vector_load %arg8[%get3A_544] {strides = array<i32>} : memref<768xi32, #tpu.memory_space<vmem>>, vector<16xi32>,
    %get3A_546 = vector.shape_cast %get3A_545 : vector<16xi32> to vector<16xi32>
    %mul3A_547 = arith.constant 2304 : i32
    %mul3A_548 = vector.broadcast %mul3A_547 : i32 to vector<16xi32>
    %mul3A_549 = arith.muli %get3A_546, %mul3A_548 : vector<16xi32>
    %get3A_550 = arith.constant 240 : index
    %get3A_551 = tpu.vector_load %arg9[%get3A_550] {strides = array<i32>} : memref<768xi32, #tpu.memory_space<vmem>>, vector<16xi32>,
    %get3A_552 = vector.shape_cast %get3A_551 : vector<16xi32> to vector<16xi32>
    %mul3A_553 = arith.constant 48 : i32
    %mul3A_554 = vector.broadcast %mul3A_553 : i32 to vector<16xi32>
    %mul3A_555 = arith.muli %get3A_552, %mul3A_554 : vector<16xi32>
    %add3A_556 = arith.addi %mul3A_549, %mul3A_555 : vector<16xi32>
    %get3A_557 = arith.constant 240 : index
    %get3A_558 = tpu.vector_load %arg10[%get3A_557] {strides = array<i32>} : memref<768xi32, #tpu.memory_space<vmem>>, vector<16xi32>,
    %get3A_559 = vector.shape_cast %get3A_558 : vector<16xi32> to vector<16xi32>
    %add3A_560 = arith.addi %add3A_556, %get3A_559 : vector<16xi32>
    %shift_right_logical3A_561 = arith.constant 2 : i32
    %shift_right_logical3A_562 = vector.broadcast %shift_right_logical3A_561 : i32 to vector<16xi32>
    %shift_right_logical3A_563 = arith.shrui %add3A_560, %shift_right_logical3A_562 : vector<16xi32>
    %sub3A_564 = vector.broadcast %mul3A_2 : i32 to vector<16xi32>
    %sub3A_565 = arith.subi %shift_right_logical3A_563, %sub3A_564 : vector<16xi32>
    %ge3A_566 = arith.constant 0 : i32
    %ge3A_567 = vector.broadcast %ge3A_566 : i32 to vector<16xi32>
    %ge3A_568 = arith.cmpi sge, %sub3A_565, %ge3A_567 : vector<16xi32>
    %lt3A_569 = arith.constant 4608 : i32
    %lt3A_570 = vector.broadcast %lt3A_569 : i32 to vector<16xi32>
    %lt3A_571 = arith.cmpi slt, %sub3A_565, %lt3A_570 : vector<16xi32>
    %and3A_572 = arith.andi %ge3A_568, %lt3A_571 : vector<16xi1>
    %jit3A_573 = arith.constant 4608 : i32
    %broadcast_in_dim3A_574 = vector.broadcast %jit3A_573 : i32 to vector<16xi32>
    %select_n3A_575 = arith.select %and3A_572, %sub3A_565, %broadcast_in_dim3A_574 : vector<16xi1>, vector<16xi32>
    %swap3A_576 = arith.constant 112 : index
    %swap3A_577 = tpu.vector_load %arg15[%swap3A_576] {strides = array<i32>} : memref<128xi32, #tpu.memory_space<vmem>>, vector<16xi32>,
    %swap3A_578 = vector.shape_cast %swap3A_577 : vector<16xi32> to vector<16xi32>
    %swap3A_579 = vector.shape_cast %select_n3A_575 : vector<16xi32> to vector<16xi32>
    tpu.vector_store %arg15[%swap3A_576], %swap3A_579 {strides = array<i32>} : memref<128xi32, #tpu.memory_space<vmem>>, vector<16xi32>,
    %get3A_580 = arith.constant 256 : index
    %get3A_581 = tpu.vector_load %arg8[%get3A_580] {strides = array<i32>} : memref<768xi32, #tpu.memory_space<vmem>>, vector<16xi32>,
    %get3A_582 = vector.shape_cast %get3A_581 : vector<16xi32> to vector<16xi32>
    %mul3A_583 = arith.constant 2304 : i32
    %mul3A_584 = vector.broadcast %mul3A_583 : i32 to vector<16xi32>
    %mul3A_585 = arith.muli %get3A_582, %mul3A_584 : vector<16xi32>
    %get3A_586 = arith.constant 256 : index
    %get3A_587 = tpu.vector_load %arg9[%get3A_586] {strides = array<i32>} : memref<768xi32, #tpu.memory_space<vmem>>, vector<16xi32>,
    %get3A_588 = vector.shape_cast %get3A_587 : vector<16xi32> to vector<16xi32>
    %mul3A_589 = arith.constant 48 : i32
    %mul3A_590 = vector.broadcast %mul3A_589 : i32 to vector<16xi32>
    %mul3A_591 = arith.muli %get3A_588, %mul3A_590 : vector<16xi32>
    %add3A_592 = arith.addi %mul3A_585, %mul3A_591 : vector<16xi32>
    %get3A_593 = arith.constant 256 : index
    %get3A_594 = tpu.vector_load %arg10[%get3A_593] {strides = array<i32>} : memref<768xi32, #tpu.memory_space<vmem>>, vector<16xi32>,
    %get3A_595 = vector.shape_cast %get3A_594 : vector<16xi32> to vector<16xi32>
    %add3A_596 = arith.addi %add3A_592, %get3A_595 : vector<16xi32>
    %shift_right_logical3A_597 = arith.constant 2 : i32
    %shift_right_logical3A_598 = vector.broadcast %shift_right_logical3A_597 : i32 to vector<16xi32>
    %shift_right_logical3A_599 = arith.shrui %add3A_596, %shift_right_logical3A_598 : vector<16xi32>
    %sub3A_600 = vector.broadcast %mul3A_2 : i32 to vector<16xi32>
    %sub3A_601 = arith.subi %shift_right_logical3A_599, %sub3A_600 : vector<16xi32>
    %ge3A_602 = arith.constant 0 : i32
    %ge3A_603 = vector.broadcast %ge3A_602 : i32 to vector<16xi32>
    %ge3A_604 = arith.cmpi sge, %sub3A_601, %ge3A_603 : vector<16xi32>
    %lt3A_605 = arith.constant 4608 : i32
    %lt3A_606 = vector.broadcast %lt3A_605 : i32 to vector<16xi32>
    %lt3A_607 = arith.cmpi slt, %sub3A_601, %lt3A_606 : vector<16xi32>
    %and3A_608 = arith.andi %ge3A_604, %lt3A_607 : vector<16xi1>
    %jit3A_609 = arith.constant 4608 : i32
    %broadcast_in_dim3A_610 = vector.broadcast %jit3A_609 : i32 to vector<16xi32>
    %select_n3A_611 = arith.select %and3A_608, %sub3A_601, %broadcast_in_dim3A_610 : vector<16xi1>, vector<16xi32>
    %swap3A_612 = arith.constant 0 : index
    %swap3A_613 = tpu.vector_load %arg16[%swap3A_612] {strides = array<i32>} : memref<128xi32, #tpu.memory_space<vmem>>, vector<16xi32>,
    %swap3A_614 = vector.shape_cast %swap3A_613 : vector<16xi32> to vector<16xi32>
    %swap3A_615 = vector.shape_cast %select_n3A_611 : vector<16xi32> to vector<16xi32>
    tpu.vector_store %arg16[%swap3A_612], %swap3A_615 {strides = array<i32>} : memref<128xi32, #tpu.memory_space<vmem>>, vector<16xi32>,
    %get3A_616 = arith.constant 272 : index
    %get3A_617 = tpu.vector_load %arg8[%get3A_616] {strides = array<i32>} : memref<768xi32, #tpu.memory_space<vmem>>, vector<16xi32>,
    %get3A_618 = vector.shape_cast %get3A_617 : vector<16xi32> to vector<16xi32>
    %mul3A_619 = arith.constant 2304 : i32
    %mul3A_620 = vector.broadcast %mul3A_619 : i32 to vector<16xi32>
    %mul3A_621 = arith.muli %get3A_618, %mul3A_620 : vector<16xi32>
    %get3A_622 = arith.constant 272 : index
    %get3A_623 = tpu.vector_load %arg9[%get3A_622] {strides = array<i32>} : memref<768xi32, #tpu.memory_space<vmem>>, vector<16xi32>,
    %get3A_624 = vector.shape_cast %get3A_623 : vector<16xi32> to vector<16xi32>
    %mul3A_625 = arith.constant 48 : i32
    %mul3A_626 = vector.broadcast %mul3A_625 : i32 to vector<16xi32>
    %mul3A_627 = arith.muli %get3A_624, %mul3A_626 : vector<16xi32>
    %add3A_628 = arith.addi %mul3A_621, %mul3A_627 : vector<16xi32>
    %get3A_629 = arith.constant 272 : index
    %get3A_630 = tpu.vector_load %arg10[%get3A_629] {strides = array<i32>} : memref<768xi32, #tpu.memory_space<vmem>>, vector<16xi32>,
    %get3A_631 = vector.shape_cast %get3A_630 : vector<16xi32> to vector<16xi32>
    %add3A_632 = arith.addi %add3A_628, %get3A_631 : vector<16xi32>
    %shift_right_logical3A_633 = arith.constant 2 : i32
    %shift_right_logical3A_634 = vector.broadcast %shift_right_logical3A_633 : i32 to vector<16xi32>
    %shift_right_logical3A_635 = arith.shrui %add3A_632, %shift_right_logical3A_634 : vector<16xi32>
    %sub3A_636 = vector.broadcast %mul3A_2 : i32 to vector<16xi32>
    %sub3A_637 = arith.subi %shift_right_logical3A_635, %sub3A_636 : vector<16xi32>
    %ge3A_638 = arith.constant 0 : i32
    %ge3A_639 = vector.broadcast %ge3A_638 : i32 to vector<16xi32>
    %ge3A_640 = arith.cmpi sge, %sub3A_637, %ge3A_639 : vector<16xi32>
    %lt3A_641 = arith.constant 4608 : i32
    %lt3A_642 = vector.broadcast %lt3A_641 : i32 to vector<16xi32>
    %lt3A_643 = arith.cmpi slt, %sub3A_637, %lt3A_642 : vector<16xi32>
    %and3A_644 = arith.andi %ge3A_640, %lt3A_643 : vector<16xi1>
    %jit3A_645 = arith.constant 4608 : i32
    %broadcast_in_dim3A_646 = vector.broadcast %jit3A_645 : i32 to vector<16xi32>
    %select_n3A_647 = arith.select %and3A_644, %sub3A_637, %broadcast_in_dim3A_646 : vector<16xi1>, vector<16xi32>
    %swap3A_648 = arith.constant 16 : index
    %swap3A_649 = tpu.vector_load %arg16[%swap3A_648] {strides = array<i32>} : memref<128xi32, #tpu.memory_space<vmem>>, vector<16xi32>,
    %swap3A_650 = vector.shape_cast %swap3A_649 : vector<16xi32> to vector<16xi32>
    %swap3A_651 = vector.shape_cast %select_n3A_647 : vector<16xi32> to vector<16xi32>
    tpu.vector_store %arg16[%swap3A_648], %swap3A_651 {strides = array<i32>} : memref<128xi32, #tpu.memory_space<vmem>>, vector<16xi32>,
    %get3A_652 = arith.constant 288 : index
    %get3A_653 = tpu.vector_load %arg8[%get3A_652] {strides = array<i32>} : memref<768xi32, #tpu.memory_space<vmem>>, vector<16xi32>,
    %get3A_654 = vector.shape_cast %get3A_653 : vector<16xi32> to vector<16xi32>
    %mul3A_655 = arith.constant 2304 : i32
    %mul3A_656 = vector.broadcast %mul3A_655 : i32 to vector<16xi32>
    %mul3A_657 = arith.muli %get3A_654, %mul3A_656 : vector<16xi32>
    %get3A_658 = arith.constant 288 : index
    %get3A_659 = tpu.vector_load %arg9[%get3A_658] {strides = array<i32>} : memref<768xi32, #tpu.memory_space<vmem>>, vector<16xi32>,
    %get3A_660 = vector.shape_cast %get3A_659 : vector<16xi32> to vector<16xi32>
    %mul3A_661 = arith.constant 48 : i32
    %mul3A_662 = vector.broadcast %mul3A_661 : i32 to vector<16xi32>
    %mul3A_663 = arith.muli %get3A_660, %mul3A_662 : vector<16xi32>
    %add3A_664 = arith.addi %mul3A_657, %mul3A_663 : vector<16xi32>
    %get3A_665 = arith.constant 288 : index
    %get3A_666 = tpu.vector_load %arg10[%get3A_665] {strides = array<i32>} : memref<768xi32, #tpu.memory_space<vmem>>, vector<16xi32>,
    %get3A_667 = vector.shape_cast %get3A_666 : vector<16xi32> to vector<16xi32>
    %add3A_668 = arith.addi %add3A_664, %get3A_667 : vector<16xi32>
    %shift_right_logical3A_669 = arith.constant 2 : i32
    %shift_right_logical3A_670 = vector.broadcast %shift_right_logical3A_669 : i32 to vector<16xi32>
    %shift_right_logical3A_671 = arith.shrui %add3A_668, %shift_right_logical3A_670 : vector<16xi32>
    %sub3A_672 = vector.broadcast %mul3A_2 : i32 to vector<16xi32>
    %sub3A_673 = arith.subi %shift_right_logical3A_671, %sub3A_672 : vector<16xi32>
    %ge3A_674 = arith.constant 0 : i32
    %ge3A_675 = vector.broadcast %ge3A_674 : i32 to vector<16xi32>
    %ge3A_676 = arith.cmpi sge, %sub3A_673, %ge3A_675 : vector<16xi32>
    %lt3A_677 = arith.constant 4608 : i32
    %lt3A_678 = vector.broadcast %lt3A_677 : i32 to vector<16xi32>
    %lt3A_679 = arith.cmpi slt, %sub3A_673, %lt3A_678 : vector<16xi32>
    %and3A_680 = arith.andi %ge3A_676, %lt3A_679 : vector<16xi1>
    %jit3A_681 = arith.constant 4608 : i32
    %broadcast_in_dim3A_682 = vector.broadcast %jit3A_681 : i32 to vector<16xi32>
    %select_n3A_683 = arith.select %and3A_680, %sub3A_673, %broadcast_in_dim3A_682 : vector<16xi1>, vector<16xi32>
    %swap3A_684 = arith.constant 32 : index
    %swap3A_685 = tpu.vector_load %arg16[%swap3A_684] {strides = array<i32>} : memref<128xi32, #tpu.memory_space<vmem>>, vector<16xi32>,
    %swap3A_686 = vector.shape_cast %swap3A_685 : vector<16xi32> to vector<16xi32>
    %swap3A_687 = vector.shape_cast %select_n3A_683 : vector<16xi32> to vector<16xi32>
    tpu.vector_store %arg16[%swap3A_684], %swap3A_687 {strides = array<i32>} : memref<128xi32, #tpu.memory_space<vmem>>, vector<16xi32>,
    %get3A_688 = arith.constant 304 : index
    %get3A_689 = tpu.vector_load %arg8[%get3A_688] {strides = array<i32>} : memref<768xi32, #tpu.memory_space<vmem>>, vector<16xi32>,
    %get3A_690 = vector.shape_cast %get3A_689 : vector<16xi32> to vector<16xi32>
    %mul3A_691 = arith.constant 2304 : i32
    %mul3A_692 = vector.broadcast %mul3A_691 : i32 to vector<16xi32>
    %mul3A_693 = arith.muli %get3A_690, %mul3A_692 : vector<16xi32>
    %get3A_694 = arith.constant 304 : index
    %get3A_695 = tpu.vector_load %arg9[%get3A_694] {strides = array<i32>} : memref<768xi32, #tpu.memory_space<vmem>>, vector<16xi32>,
    %get3A_696 = vector.shape_cast %get3A_695 : vector<16xi32> to vector<16xi32>
    %mul3A_697 = arith.constant 48 : i32
    %mul3A_698 = vector.broadcast %mul3A_697 : i32 to vector<16xi32>
    %mul3A_699 = arith.muli %get3A_696, %mul3A_698 : vector<16xi32>
    %add3A_700 = arith.addi %mul3A_693, %mul3A_699 : vector<16xi32>
    %get3A_701 = arith.constant 304 : index
    %get3A_702 = tpu.vector_load %arg10[%get3A_701] {strides = array<i32>} : memref<768xi32, #tpu.memory_space<vmem>>, vector<16xi32>,
    %get3A_703 = vector.shape_cast %get3A_702 : vector<16xi32> to vector<16xi32>
    %add3A_704 = arith.addi %add3A_700, %get3A_703 : vector<16xi32>
    %shift_right_logical3A_705 = arith.constant 2 : i32
    %shift_right_logical3A_706 = vector.broadcast %shift_right_logical3A_705 : i32 to vector<16xi32>
    %shift_right_logical3A_707 = arith.shrui %add3A_704, %shift_right_logical3A_706 : vector<16xi32>
    %sub3A_708 = vector.broadcast %mul3A_2 : i32 to vector<16xi32>
    %sub3A_709 = arith.subi %shift_right_logical3A_707, %sub3A_708 : vector<16xi32>
    %ge3A_710 = arith.constant 0 : i32
    %ge3A_711 = vector.broadcast %ge3A_710 : i32 to vector<16xi32>
    %ge3A_712 = arith.cmpi sge, %sub3A_709, %ge3A_711 : vector<16xi32>
    %lt3A_713 = arith.constant 4608 : i32
    %lt3A_714 = vector.broadcast %lt3A_713 : i32 to vector<16xi32>
    %lt3A_715 = arith.cmpi slt, %sub3A_709, %lt3A_714 : vector<16xi32>
    %and3A_716 = arith.andi %ge3A_712, %lt3A_715 : vector<16xi1>
    %jit3A_717 = arith.constant 4608 : i32
    %broadcast_in_dim3A_718 = vector.broadcast %jit3A_717 : i32 to vector<16xi32>
    %select_n3A_719 = arith.select %and3A_716, %sub3A_709, %broadcast_in_dim3A_718 : vector<16xi1>, vector<16xi32>
    %swap3A_720 = arith.constant 48 : index
    %swap3A_721 = tpu.vector_load %arg16[%swap3A_720] {strides = array<i32>} : memref<128xi32, #tpu.memory_space<vmem>>, vector<16xi32>,
    %swap3A_722 = vector.shape_cast %swap3A_721 : vector<16xi32> to vector<16xi32>
    %swap3A_723 = vector.shape_cast %select_n3A_719 : vector<16xi32> to vector<16xi32>
    tpu.vector_store %arg16[%swap3A_720], %swap3A_723 {strides = array<i32>} : memref<128xi32, #tpu.memory_space<vmem>>, vector<16xi32>,
    %get3A_724 = arith.constant 320 : index
    %get3A_725 = tpu.vector_load %arg8[%get3A_724] {strides = array<i32>} : memref<768xi32, #tpu.memory_space<vmem>>, vector<16xi32>,
    %get3A_726 = vector.shape_cast %get3A_725 : vector<16xi32> to vector<16xi32>
    %mul3A_727 = arith.constant 2304 : i32
    %mul3A_728 = vector.broadcast %mul3A_727 : i32 to vector<16xi32>
    %mul3A_729 = arith.muli %get3A_726, %mul3A_728 : vector<16xi32>
    %get3A_730 = arith.constant 320 : index
    %get3A_731 = tpu.vector_load %arg9[%get3A_730] {strides = array<i32>} : memref<768xi32, #tpu.memory_space<vmem>>, vector<16xi32>,
    %get3A_732 = vector.shape_cast %get3A_731 : vector<16xi32> to vector<16xi32>
    %mul3A_733 = arith.constant 48 : i32
    %mul3A_734 = vector.broadcast %mul3A_733 : i32 to vector<16xi32>
    %mul3A_735 = arith.muli %get3A_732, %mul3A_734 : vector<16xi32>
    %add3A_736 = arith.addi %mul3A_729, %mul3A_735 : vector<16xi32>
    %get3A_737 = arith.constant 320 : index
    %get3A_738 = tpu.vector_load %arg10[%get3A_737] {strides = array<i32>} : memref<768xi32, #tpu.memory_space<vmem>>, vector<16xi32>,
    %get3A_739 = vector.shape_cast %get3A_738 : vector<16xi32> to vector<16xi32>
    %add3A_740 = arith.addi %add3A_736, %get3A_739 : vector<16xi32>
    %shift_right_logical3A_741 = arith.constant 2 : i32
    %shift_right_logical3A_742 = vector.broadcast %shift_right_logical3A_741 : i32 to vector<16xi32>
    %shift_right_logical3A_743 = arith.shrui %add3A_740, %shift_right_logical3A_742 : vector<16xi32>
    %sub3A_744 = vector.broadcast %mul3A_2 : i32 to vector<16xi32>
    %sub3A_745 = arith.subi %shift_right_logical3A_743, %sub3A_744 : vector<16xi32>
    %ge3A_746 = arith.constant 0 : i32
    %ge3A_747 = vector.broadcast %ge3A_746 : i32 to vector<16xi32>
    %ge3A_748 = arith.cmpi sge, %sub3A_745, %ge3A_747 : vector<16xi32>
    %lt3A_749 = arith.constant 4608 : i32
    %lt3A_750 = vector.broadcast %lt3A_749 : i32 to vector<16xi32>
    %lt3A_751 = arith.cmpi slt, %sub3A_745, %lt3A_750 : vector<16xi32>
    %and3A_752 = arith.andi %ge3A_748, %lt3A_751 : vector<16xi1>
    %jit3A_753 = arith.constant 4608 : i32
    %broadcast_in_dim3A_754 = vector.broadcast %jit3A_753 : i32 to vector<16xi32>
    %select_n3A_755 = arith.select %and3A_752, %sub3A_745, %broadcast_in_dim3A_754 : vector<16xi1>, vector<16xi32>
    %swap3A_756 = arith.constant 64 : index
    %swap3A_757 = tpu.vector_load %arg16[%swap3A_756] {strides = array<i32>} : memref<128xi32, #tpu.memory_space<vmem>>, vector<16xi32>,
    %swap3A_758 = vector.shape_cast %swap3A_757 : vector<16xi32> to vector<16xi32>
    %swap3A_759 = vector.shape_cast %select_n3A_755 : vector<16xi32> to vector<16xi32>
    tpu.vector_store %arg16[%swap3A_756], %swap3A_759 {strides = array<i32>} : memref<128xi32, #tpu.memory_space<vmem>>, vector<16xi32>,
    %get3A_760 = arith.constant 336 : index
    %get3A_761 = tpu.vector_load %arg8[%get3A_760] {strides = array<i32>} : memref<768xi32, #tpu.memory_space<vmem>>, vector<16xi32>,
    %get3A_762 = vector.shape_cast %get3A_761 : vector<16xi32> to vector<16xi32>
    %mul3A_763 = arith.constant 2304 : i32
    %mul3A_764 = vector.broadcast %mul3A_763 : i32 to vector<16xi32>
    %mul3A_765 = arith.muli %get3A_762, %mul3A_764 : vector<16xi32>
    %get3A_766 = arith.constant 336 : index
    %get3A_767 = tpu.vector_load %arg9[%get3A_766] {strides = array<i32>} : memref<768xi32, #tpu.memory_space<vmem>>, vector<16xi32>,
    %get3A_768 = vector.shape_cast %get3A_767 : vector<16xi32> to vector<16xi32>
    %mul3A_769 = arith.constant 48 : i32
    %mul3A_770 = vector.broadcast %mul3A_769 : i32 to vector<16xi32>
    %mul3A_771 = arith.muli %get3A_768, %mul3A_770 : vector<16xi32>
    %add3A_772 = arith.addi %mul3A_765, %mul3A_771 : vector<16xi32>
    %get3A_773 = arith.constant 336 : index
    %get3A_774 = tpu.vector_load %arg10[%get3A_773] {strides = array<i32>} : memref<768xi32, #tpu.memory_space<vmem>>, vector<16xi32>,
    %get3A_775 = vector.shape_cast %get3A_774 : vector<16xi32> to vector<16xi32>
    %add3A_776 = arith.addi %add3A_772, %get3A_775 : vector<16xi32>
    %shift_right_logical3A_777 = arith.constant 2 : i32
    %shift_right_logical3A_778 = vector.broadcast %shift_right_logical3A_777 : i32 to vector<16xi32>
    %shift_right_logical3A_779 = arith.shrui %add3A_776, %shift_right_logical3A_778 : vector<16xi32>
    %sub3A_780 = vector.broadcast %mul3A_2 : i32 to vector<16xi32>
    %sub3A_781 = arith.subi %shift_right_logical3A_779, %sub3A_780 : vector<16xi32>
    %ge3A_782 = arith.constant 0 : i32
    %ge3A_783 = vector.broadcast %ge3A_782 : i32 to vector<16xi32>
    %ge3A_784 = arith.cmpi sge, %sub3A_781, %ge3A_783 : vector<16xi32>
    %lt3A_785 = arith.constant 4608 : i32
    %lt3A_786 = vector.broadcast %lt3A_785 : i32 to vector<16xi32>
    %lt3A_787 = arith.cmpi slt, %sub3A_781, %lt3A_786 : vector<16xi32>
    %and3A_788 = arith.andi %ge3A_784, %lt3A_787 : vector<16xi1>
    %jit3A_789 = arith.constant 4608 : i32
    %broadcast_in_dim3A_790 = vector.broadcast %jit3A_789 : i32 to vector<16xi32>
    %select_n3A_791 = arith.select %and3A_788, %sub3A_781, %broadcast_in_dim3A_790 : vector<16xi1>, vector<16xi32>
    %swap3A_792 = arith.constant 80 : index
    %swap3A_793 = tpu.vector_load %arg16[%swap3A_792] {strides = array<i32>} : memref<128xi32, #tpu.memory_space<vmem>>, vector<16xi32>,
    %swap3A_794 = vector.shape_cast %swap3A_793 : vector<16xi32> to vector<16xi32>
    %swap3A_795 = vector.shape_cast %select_n3A_791 : vector<16xi32> to vector<16xi32>
    tpu.vector_store %arg16[%swap3A_792], %swap3A_795 {strides = array<i32>} : memref<128xi32, #tpu.memory_space<vmem>>, vector<16xi32>,
    %get3A_796 = arith.constant 352 : index
    %get3A_797 = tpu.vector_load %arg8[%get3A_796] {strides = array<i32>} : memref<768xi32, #tpu.memory_space<vmem>>, vector<16xi32>,
    %get3A_798 = vector.shape_cast %get3A_797 : vector<16xi32> to vector<16xi32>
    %mul3A_799 = arith.constant 2304 : i32
    %mul3A_800 = vector.broadcast %mul3A_799 : i32 to vector<16xi32>
    %mul3A_801 = arith.muli %get3A_798, %mul3A_800 : vector<16xi32>
    %get3A_802 = arith.constant 352 : index
    %get3A_803 = tpu.vector_load %arg9[%get3A_802] {strides = array<i32>} : memref<768xi32, #tpu.memory_space<vmem>>, vector<16xi32>,
    %get3A_804 = vector.shape_cast %get3A_803 : vector<16xi32> to vector<16xi32>
    %mul3A_805 = arith.constant 48 : i32
    %mul3A_806 = vector.broadcast %mul3A_805 : i32 to vector<16xi32>
    %mul3A_807 = arith.muli %get3A_804, %mul3A_806 : vector<16xi32>
    %add3A_808 = arith.addi %mul3A_801, %mul3A_807 : vector<16xi32>
    %get3A_809 = arith.constant 352 : index
    %get3A_810 = tpu.vector_load %arg10[%get3A_809] {strides = array<i32>} : memref<768xi32, #tpu.memory_space<vmem>>, vector<16xi32>,
    %get3A_811 = vector.shape_cast %get3A_810 : vector<16xi32> to vector<16xi32>
    %add3A_812 = arith.addi %add3A_808, %get3A_811 : vector<16xi32>
    %shift_right_logical3A_813 = arith.constant 2 : i32
    %shift_right_logical3A_814 = vector.broadcast %shift_right_logical3A_813 : i32 to vector<16xi32>
    %shift_right_logical3A_815 = arith.shrui %add3A_812, %shift_right_logical3A_814 : vector<16xi32>
    %sub3A_816 = vector.broadcast %mul3A_2 : i32 to vector<16xi32>
    %sub3A_817 = arith.subi %shift_right_logical3A_815, %sub3A_816 : vector<16xi32>
    %ge3A_818 = arith.constant 0 : i32
    %ge3A_819 = vector.broadcast %ge3A_818 : i32 to vector<16xi32>
    %ge3A_820 = arith.cmpi sge, %sub3A_817, %ge3A_819 : vector<16xi32>
    %lt3A_821 = arith.constant 4608 : i32
    %lt3A_822 = vector.broadcast %lt3A_821 : i32 to vector<16xi32>
    %lt3A_823 = arith.cmpi slt, %sub3A_817, %lt3A_822 : vector<16xi32>
    %and3A_824 = arith.andi %ge3A_820, %lt3A_823 : vector<16xi1>
    %jit3A_825 = arith.constant 4608 : i32
    %broadcast_in_dim3A_826 = vector.broadcast %jit3A_825 : i32 to vector<16xi32>
    %select_n3A_827 = arith.select %and3A_824, %sub3A_817, %broadcast_in_dim3A_826 : vector<16xi1>, vector<16xi32>
    %swap3A_828 = arith.constant 96 : index
    %swap3A_829 = tpu.vector_load %arg16[%swap3A_828] {strides = array<i32>} : memref<128xi32, #tpu.memory_space<vmem>>, vector<16xi32>,
    %swap3A_830 = vector.shape_cast %swap3A_829 : vector<16xi32> to vector<16xi32>
    %swap3A_831 = vector.shape_cast %select_n3A_827 : vector<16xi32> to vector<16xi32>
    tpu.vector_store %arg16[%swap3A_828], %swap3A_831 {strides = array<i32>} : memref<128xi32, #tpu.memory_space<vmem>>, vector<16xi32>,
    %get3A_832 = arith.constant 368 : index
    %get3A_833 = tpu.vector_load %arg8[%get3A_832] {strides = array<i32>} : memref<768xi32, #tpu.memory_space<vmem>>, vector<16xi32>,
    %get3A_834 = vector.shape_cast %get3A_833 : vector<16xi32> to vector<16xi32>
    %mul3A_835 = arith.constant 2304 : i32
    %mul3A_836 = vector.broadcast %mul3A_835 : i32 to vector<16xi32>
    %mul3A_837 = arith.muli %get3A_834, %mul3A_836 : vector<16xi32>
    %get3A_838 = arith.constant 368 : index
    %get3A_839 = tpu.vector_load %arg9[%get3A_838] {strides = array<i32>} : memref<768xi32, #tpu.memory_space<vmem>>, vector<16xi32>,
    %get3A_840 = vector.shape_cast %get3A_839 : vector<16xi32> to vector<16xi32>
    %mul3A_841 = arith.constant 48 : i32
    %mul3A_842 = vector.broadcast %mul3A_841 : i32 to vector<16xi32>
    %mul3A_843 = arith.muli %get3A_840, %mul3A_842 : vector<16xi32>
    %add3A_844 = arith.addi %mul3A_837, %mul3A_843 : vector<16xi32>
    %get3A_845 = arith.constant 368 : index
    %get3A_846 = tpu.vector_load %arg10[%get3A_845] {strides = array<i32>} : memref<768xi32, #tpu.memory_space<vmem>>, vector<16xi32>,
    %get3A_847 = vector.shape_cast %get3A_846 : vector<16xi32> to vector<16xi32>
    %add3A_848 = arith.addi %add3A_844, %get3A_847 : vector<16xi32>
    %shift_right_logical3A_849 = arith.constant 2 : i32
    %shift_right_logical3A_850 = vector.broadcast %shift_right_logical3A_849 : i32 to vector<16xi32>
    %shift_right_logical3A_851 = arith.shrui %add3A_848, %shift_right_logical3A_850 : vector<16xi32>
    %sub3A_852 = vector.broadcast %mul3A_2 : i32 to vector<16xi32>
    %sub3A_853 = arith.subi %shift_right_logical3A_851, %sub3A_852 : vector<16xi32>
    %ge3A_854 = arith.constant 0 : i32
    %ge3A_855 = vector.broadcast %ge3A_854 : i32 to vector<16xi32>
    %ge3A_856 = arith.cmpi sge, %sub3A_853, %ge3A_855 : vector<16xi32>
    %lt3A_857 = arith.constant 4608 : i32
    %lt3A_858 = vector.broadcast %lt3A_857 : i32 to vector<16xi32>
    %lt3A_859 = arith.cmpi slt, %sub3A_853, %lt3A_858 : vector<16xi32>
    %and3A_860 = arith.andi %ge3A_856, %lt3A_859 : vector<16xi1>
    %jit3A_861 = arith.constant 4608 : i32
    %broadcast_in_dim3A_862 = vector.broadcast %jit3A_861 : i32 to vector<16xi32>
    %select_n3A_863 = arith.select %and3A_860, %sub3A_853, %broadcast_in_dim3A_862 : vector<16xi1>, vector<16xi32>
    %swap3A_864 = arith.constant 112 : index
    %swap3A_865 = tpu.vector_load %arg16[%swap3A_864] {strides = array<i32>} : memref<128xi32, #tpu.memory_space<vmem>>, vector<16xi32>,
    %swap3A_866 = vector.shape_cast %swap3A_865 : vector<16xi32> to vector<16xi32>
    %swap3A_867 = vector.shape_cast %select_n3A_863 : vector<16xi32> to vector<16xi32>
    tpu.vector_store %arg16[%swap3A_864], %swap3A_867 {strides = array<i32>} : memref<128xi32, #tpu.memory_space<vmem>>, vector<16xi32>,
    %get3A_868 = arith.constant 384 : index
    %get3A_869 = tpu.vector_load %arg8[%get3A_868] {strides = array<i32>} : memref<768xi32, #tpu.memory_space<vmem>>, vector<16xi32>,
    %get3A_870 = vector.shape_cast %get3A_869 : vector<16xi32> to vector<16xi32>
    %mul3A_871 = arith.constant 2304 : i32
    %mul3A_872 = vector.broadcast %mul3A_871 : i32 to vector<16xi32>
    %mul3A_873 = arith.muli %get3A_870, %mul3A_872 : vector<16xi32>
    %get3A_874 = arith.constant 384 : index
    %get3A_875 = tpu.vector_load %arg9[%get3A_874] {strides = array<i32>} : memref<768xi32, #tpu.memory_space<vmem>>, vector<16xi32>,
    %get3A_876 = vector.shape_cast %get3A_875 : vector<16xi32> to vector<16xi32>
    %mul3A_877 = arith.constant 48 : i32
    %mul3A_878 = vector.broadcast %mul3A_877 : i32 to vector<16xi32>
    %mul3A_879 = arith.muli %get3A_876, %mul3A_878 : vector<16xi32>
    %add3A_880 = arith.addi %mul3A_873, %mul3A_879 : vector<16xi32>
    %get3A_881 = arith.constant 384 : index
    %get3A_882 = tpu.vector_load %arg10[%get3A_881] {strides = array<i32>} : memref<768xi32, #tpu.memory_space<vmem>>, vector<16xi32>,
    %get3A_883 = vector.shape_cast %get3A_882 : vector<16xi32> to vector<16xi32>
    %add3A_884 = arith.addi %add3A_880, %get3A_883 : vector<16xi32>
    %shift_right_logical3A_885 = arith.constant 2 : i32
    %shift_right_logical3A_886 = vector.broadcast %shift_right_logical3A_885 : i32 to vector<16xi32>
    %shift_right_logical3A_887 = arith.shrui %add3A_884, %shift_right_logical3A_886 : vector<16xi32>
    %sub3A_888 = vector.broadcast %mul3A_2 : i32 to vector<16xi32>
    %sub3A_889 = arith.subi %shift_right_logical3A_887, %sub3A_888 : vector<16xi32>
    %ge3A_890 = arith.constant 0 : i32
    %ge3A_891 = vector.broadcast %ge3A_890 : i32 to vector<16xi32>
    %ge3A_892 = arith.cmpi sge, %sub3A_889, %ge3A_891 : vector<16xi32>
    %lt3A_893 = arith.constant 4608 : i32
    %lt3A_894 = vector.broadcast %lt3A_893 : i32 to vector<16xi32>
    %lt3A_895 = arith.cmpi slt, %sub3A_889, %lt3A_894 : vector<16xi32>
    %and3A_896 = arith.andi %ge3A_892, %lt3A_895 : vector<16xi1>
    %jit3A_897 = arith.constant 4608 : i32
    %broadcast_in_dim3A_898 = vector.broadcast %jit3A_897 : i32 to vector<16xi32>
    %select_n3A_899 = arith.select %and3A_896, %sub3A_889, %broadcast_in_dim3A_898 : vector<16xi1>, vector<16xi32>
    %swap3A_900 = arith.constant 0 : index
    %swap3A_901 = tpu.vector_load %arg17[%swap3A_900] {strides = array<i32>} : memref<128xi32, #tpu.memory_space<vmem>>, vector<16xi32>,
    %swap3A_902 = vector.shape_cast %swap3A_901 : vector<16xi32> to vector<16xi32>
    %swap3A_903 = vector.shape_cast %select_n3A_899 : vector<16xi32> to vector<16xi32>
    tpu.vector_store %arg17[%swap3A_900], %swap3A_903 {strides = array<i32>} : memref<128xi32, #tpu.memory_space<vmem>>, vector<16xi32>,
    %get3A_904 = arith.constant 400 : index
    %get3A_905 = tpu.vector_load %arg8[%get3A_904] {strides = array<i32>} : memref<768xi32, #tpu.memory_space<vmem>>, vector<16xi32>,
    %get3A_906 = vector.shape_cast %get3A_905 : vector<16xi32> to vector<16xi32>
    %mul3A_907 = arith.constant 2304 : i32
    %mul3A_908 = vector.broadcast %mul3A_907 : i32 to vector<16xi32>
    %mul3A_909 = arith.muli %get3A_906, %mul3A_908 : vector<16xi32>
    %get3A_910 = arith.constant 400 : index
    %get3A_911 = tpu.vector_load %arg9[%get3A_910] {strides = array<i32>} : memref<768xi32, #tpu.memory_space<vmem>>, vector<16xi32>,
    %get3A_912 = vector.shape_cast %get3A_911 : vector<16xi32> to vector<16xi32>
    %mul3A_913 = arith.constant 48 : i32
    %mul3A_914 = vector.broadcast %mul3A_913 : i32 to vector<16xi32>
    %mul3A_915 = arith.muli %get3A_912, %mul3A_914 : vector<16xi32>
    %add3A_916 = arith.addi %mul3A_909, %mul3A_915 : vector<16xi32>
    %get3A_917 = arith.constant 400 : index
    %get3A_918 = tpu.vector_load %arg10[%get3A_917] {strides = array<i32>} : memref<768xi32, #tpu.memory_space<vmem>>, vector<16xi32>,
    %get3A_919 = vector.shape_cast %get3A_918 : vector<16xi32> to vector<16xi32>
    %add3A_920 = arith.addi %add3A_916, %get3A_919 : vector<16xi32>
    %shift_right_logical3A_921 = arith.constant 2 : i32
    %shift_right_logical3A_922 = vector.broadcast %shift_right_logical3A_921 : i32 to vector<16xi32>
    %shift_right_logical3A_923 = arith.shrui %add3A_920, %shift_right_logical3A_922 : vector<16xi32>
    %sub3A_924 = vector.broadcast %mul3A_2 : i32 to vector<16xi32>
    %sub3A_925 = arith.subi %shift_right_logical3A_923, %sub3A_924 : vector<16xi32>
    %ge3A_926 = arith.constant 0 : i32
    %ge3A_927 = vector.broadcast %ge3A_926 : i32 to vector<16xi32>
    %ge3A_928 = arith.cmpi sge, %sub3A_925, %ge3A_927 : vector<16xi32>
    %lt3A_929 = arith.constant 4608 : i32
    %lt3A_930 = vector.broadcast %lt3A_929 : i32 to vector<16xi32>
    %lt3A_931 = arith.cmpi slt, %sub3A_925, %lt3A_930 : vector<16xi32>
    %and3A_932 = arith.andi %ge3A_928, %lt3A_931 : vector<16xi1>
    %jit3A_933 = arith.constant 4608 : i32
    %broadcast_in_dim3A_934 = vector.broadcast %jit3A_933 : i32 to vector<16xi32>
    %select_n3A_935 = arith.select %and3A_932, %sub3A_925, %broadcast_in_dim3A_934 : vector<16xi1>, vector<16xi32>
    %swap3A_936 = arith.constant 16 : index
    %swap3A_937 = tpu.vector_load %arg17[%swap3A_936] {strides = array<i32>} : memref<128xi32, #tpu.memory_space<vmem>>, vector<16xi32>,
    %swap3A_938 = vector.shape_cast %swap3A_937 : vector<16xi32> to vector<16xi32>
    %swap3A_939 = vector.shape_cast %select_n3A_935 : vector<16xi32> to vector<16xi32>
    tpu.vector_store %arg17[%swap3A_936], %swap3A_939 {strides = array<i32>} : memref<128xi32, #tpu.memory_space<vmem>>, vector<16xi32>,
    %get3A_940 = arith.constant 416 : index
    %get3A_941 = tpu.vector_load %arg8[%get3A_940] {strides = array<i32>} : memref<768xi32, #tpu.memory_space<vmem>>, vector<16xi32>,
    %get3A_942 = vector.shape_cast %get3A_941 : vector<16xi32> to vector<16xi32>
    %mul3A_943 = arith.constant 2304 : i32
    %mul3A_944 = vector.broadcast %mul3A_943 : i32 to vector<16xi32>
    %mul3A_945 = arith.muli %get3A_942, %mul3A_944 : vector<16xi32>
    %get3A_946 = arith.constant 416 : index
    %get3A_947 = tpu.vector_load %arg9[%get3A_946] {strides = array<i32>} : memref<768xi32, #tpu.memory_space<vmem>>, vector<16xi32>,
    %get3A_948 = vector.shape_cast %get3A_947 : vector<16xi32> to vector<16xi32>
    %mul3A_949 = arith.constant 48 : i32
    %mul3A_950 = vector.broadcast %mul3A_949 : i32 to vector<16xi32>
    %mul3A_951 = arith.muli %get3A_948, %mul3A_950 : vector<16xi32>
    %add3A_952 = arith.addi %mul3A_945, %mul3A_951 : vector<16xi32>
    %get3A_953 = arith.constant 416 : index
    %get3A_954 = tpu.vector_load %arg10[%get3A_953] {strides = array<i32>} : memref<768xi32, #tpu.memory_space<vmem>>, vector<16xi32>,
    %get3A_955 = vector.shape_cast %get3A_954 : vector<16xi32> to vector<16xi32>
    %add3A_956 = arith.addi %add3A_952, %get3A_955 : vector<16xi32>
    %shift_right_logical3A_957 = arith.constant 2 : i32
    %shift_right_logical3A_958 = vector.broadcast %shift_right_logical3A_957 : i32 to vector<16xi32>
    %shift_right_logical3A_959 = arith.shrui %add3A_956, %shift_right_logical3A_958 : vector<16xi32>
    %sub3A_960 = vector.broadcast %mul3A_2 : i32 to vector<16xi32>
    %sub3A_961 = arith.subi %shift_right_logical3A_959, %sub3A_960 : vector<16xi32>
    %ge3A_962 = arith.constant 0 : i32
    %ge3A_963 = vector.broadcast %ge3A_962 : i32 to vector<16xi32>
    %ge3A_964 = arith.cmpi sge, %sub3A_961, %ge3A_963 : vector<16xi32>
    %lt3A_965 = arith.constant 4608 : i32
    %lt3A_966 = vector.broadcast %lt3A_965 : i32 to vector<16xi32>
    %lt3A_967 = arith.cmpi slt, %sub3A_961, %lt3A_966 : vector<16xi32>
    %and3A_968 = arith.andi %ge3A_964, %lt3A_967 : vector<16xi1>
    %jit3A_969 = arith.constant 4608 : i32
    %broadcast_in_dim3A_970 = vector.broadcast %jit3A_969 : i32 to vector<16xi32>
    %select_n3A_971 = arith.select %and3A_968, %sub3A_961, %broadcast_in_dim3A_970 : vector<16xi1>, vector<16xi32>
    %swap3A_972 = arith.constant 32 : index
    %swap3A_973 = tpu.vector_load %arg17[%swap3A_972] {strides = array<i32>} : memref<128xi32, #tpu.memory_space<vmem>>, vector<16xi32>,
    %swap3A_974 = vector.shape_cast %swap3A_973 : vector<16xi32> to vector<16xi32>
    %swap3A_975 = vector.shape_cast %select_n3A_971 : vector<16xi32> to vector<16xi32>
    tpu.vector_store %arg17[%swap3A_972], %swap3A_975 {strides = array<i32>} : memref<128xi32, #tpu.memory_space<vmem>>, vector<16xi32>,
    %get3A_976 = arith.constant 432 : index
    %get3A_977 = tpu.vector_load %arg8[%get3A_976] {strides = array<i32>} : memref<768xi32, #tpu.memory_space<vmem>>, vector<16xi32>,
    %get3A_978 = vector.shape_cast %get3A_977 : vector<16xi32> to vector<16xi32>
    %mul3A_979 = arith.constant 2304 : i32
    %mul3A_980 = vector.broadcast %mul3A_979 : i32 to vector<16xi32>
    %mul3A_981 = arith.muli %get3A_978, %mul3A_980 : vector<16xi32>
    %get3A_982 = arith.constant 432 : index
    %get3A_983 = tpu.vector_load %arg9[%get3A_982] {strides = array<i32>} : memref<768xi32, #tpu.memory_space<vmem>>, vector<16xi32>,
    %get3A_984 = vector.shape_cast %get3A_983 : vector<16xi32> to vector<16xi32>
    %mul3A_985 = arith.constant 48 : i32
    %mul3A_986 = vector.broadcast %mul3A_985 : i32 to vector<16xi32>
    %mul3A_987 = arith.muli %get3A_984, %mul3A_986 : vector<16xi32>
    %add3A_988 = arith.addi %mul3A_981, %mul3A_987 : vector<16xi32>
    %get3A_989 = arith.constant 432 : index
    %get3A_990 = tpu.vector_load %arg10[%get3A_989] {strides = array<i32>} : memref<768xi32, #tpu.memory_space<vmem>>, vector<16xi32>,
    %get3A_991 = vector.shape_cast %get3A_990 : vector<16xi32> to vector<16xi32>
    %add3A_992 = arith.addi %add3A_988, %get3A_991 : vector<16xi32>
    %shift_right_logical3A_993 = arith.constant 2 : i32
    %shift_right_logical3A_994 = vector.broadcast %shift_right_logical3A_993 : i32 to vector<16xi32>
    %shift_right_logical3A_995 = arith.shrui %add3A_992, %shift_right_logical3A_994 : vector<16xi32>
    %sub3A_996 = vector.broadcast %mul3A_2 : i32 to vector<16xi32>
    %sub3A_997 = arith.subi %shift_right_logical3A_995, %sub3A_996 : vector<16xi32>
    %ge3A_998 = arith.constant 0 : i32
    %ge3A_999 = vector.broadcast %ge3A_998 : i32 to vector<16xi32>
    %ge3A_1000 = arith.cmpi sge, %sub3A_997, %ge3A_999 : vector<16xi32>
    %lt3A_1001 = arith.constant 4608 : i32
    %lt3A_1002 = vector.broadcast %lt3A_1001 : i32 to vector<16xi32>
    %lt3A_1003 = arith.cmpi slt, %sub3A_997, %lt3A_1002 : vector<16xi32>
    %and3A_1004 = arith.andi %ge3A_1000, %lt3A_1003 : vector<16xi1>
    %jit3A_1005 = arith.constant 4608 : i32
    %broadcast_in_dim3A_1006 = vector.broadcast %jit3A_1005 : i32 to vector<16xi32>
    %select_n3A_1007 = arith.select %and3A_1004, %sub3A_997, %broadcast_in_dim3A_1006 : vector<16xi1>, vector<16xi32>
    %swap3A_1008 = arith.constant 48 : index
    %swap3A_1009 = tpu.vector_load %arg17[%swap3A_1008] {strides = array<i32>} : memref<128xi32, #tpu.memory_space<vmem>>, vector<16xi32>,
    %swap3A_1010 = vector.shape_cast %swap3A_1009 : vector<16xi32> to vector<16xi32>
    %swap3A_1011 = vector.shape_cast %select_n3A_1007 : vector<16xi32> to vector<16xi32>
    tpu.vector_store %arg17[%swap3A_1008], %swap3A_1011 {strides = array<i32>} : memref<128xi32, #tpu.memory_space<vmem>>, vector<16xi32>,
    %get3A_1012 = arith.constant 448 : index
    %get3A_1013 = tpu.vector_load %arg8[%get3A_1012] {strides = array<i32>} : memref<768xi32, #tpu.memory_space<vmem>>, vector<16xi32>,
    %get3A_1014 = vector.shape_cast %get3A_1013 : vector<16xi32> to vector<16xi32>
    %mul3A_1015 = arith.constant 2304 : i32
    %mul3A_1016 = vector.broadcast %mul3A_1015 : i32 to vector<16xi32>
    %mul3A_1017 = arith.muli %get3A_1014, %mul3A_1016 : vector<16xi32>
    %get3A_1018 = arith.constant 448 : index
    %get3A_1019 = tpu.vector_load %arg9[%get3A_1018] {strides = array<i32>} : memref<768xi32, #tpu.memory_space<vmem>>, vector<16xi32>,
    %get3A_1020 = vector.shape_cast %get3A_1019 : vector<16xi32> to vector<16xi32>
    %mul3A_1021 = arith.constant 48 : i32
    %mul3A_1022 = vector.broadcast %mul3A_1021 : i32 to vector<16xi32>
    %mul3A_1023 = arith.muli %get3A_1020, %mul3A_1022 : vector<16xi32>
    %add3A_1024 = arith.addi %mul3A_1017, %mul3A_1023 : vector<16xi32>
    %get3A_1025 = arith.constant 448 : index
    %get3A_1026 = tpu.vector_load %arg10[%get3A_1025] {strides = array<i32>} : memref<768xi32, #tpu.memory_space<vmem>>, vector<16xi32>,
    %get3A_1027 = vector.shape_cast %get3A_1026 : vector<16xi32> to vector<16xi32>
    %add3A_1028 = arith.addi %add3A_1024, %get3A_1027 : vector<16xi32>
    %shift_right_logical3A_1029 = arith.constant 2 : i32
    %shift_right_logical3A_1030 = vector.broadcast %shift_right_logical3A_1029 : i32 to vector<16xi32>
    %shift_right_logical3A_1031 = arith.shrui %add3A_1028, %shift_right_logical3A_1030 : vector<16xi32>
    %sub3A_1032 = vector.broadcast %mul3A_2 : i32 to vector<16xi32>
    %sub3A_1033 = arith.subi %shift_right_logical3A_1031, %sub3A_1032 : vector<16xi32>
    %ge3A_1034 = arith.constant 0 : i32
    %ge3A_1035 = vector.broadcast %ge3A_1034 : i32 to vector<16xi32>
    %ge3A_1036 = arith.cmpi sge, %sub3A_1033, %ge3A_1035 : vector<16xi32>
    %lt3A_1037 = arith.constant 4608 : i32
    %lt3A_1038 = vector.broadcast %lt3A_1037 : i32 to vector<16xi32>
    %lt3A_1039 = arith.cmpi slt, %sub3A_1033, %lt3A_1038 : vector<16xi32>
    %and3A_1040 = arith.andi %ge3A_1036, %lt3A_1039 : vector<16xi1>
    %jit3A_1041 = arith.constant 4608 : i32
    %broadcast_in_dim3A_1042 = vector.broadcast %jit3A_1041 : i32 to vector<16xi32>
    %select_n3A_1043 = arith.select %and3A_1040, %sub3A_1033, %broadcast_in_dim3A_1042 : vector<16xi1>, vector<16xi32>
    %swap3A_1044 = arith.constant 64 : index
    %swap3A_1045 = tpu.vector_load %arg17[%swap3A_1044] {strides = array<i32>} : memref<128xi32, #tpu.memory_space<vmem>>, vector<16xi32>,
    %swap3A_1046 = vector.shape_cast %swap3A_1045 : vector<16xi32> to vector<16xi32>
    %swap3A_1047 = vector.shape_cast %select_n3A_1043 : vector<16xi32> to vector<16xi32>
    tpu.vector_store %arg17[%swap3A_1044], %swap3A_1047 {strides = array<i32>} : memref<128xi32, #tpu.memory_space<vmem>>, vector<16xi32>,
    %get3A_1048 = arith.constant 464 : index
    %get3A_1049 = tpu.vector_load %arg8[%get3A_1048] {strides = array<i32>} : memref<768xi32, #tpu.memory_space<vmem>>, vector<16xi32>,
    %get3A_1050 = vector.shape_cast %get3A_1049 : vector<16xi32> to vector<16xi32>
    %mul3A_1051 = arith.constant 2304 : i32
    %mul3A_1052 = vector.broadcast %mul3A_1051 : i32 to vector<16xi32>
    %mul3A_1053 = arith.muli %get3A_1050, %mul3A_1052 : vector<16xi32>
    %get3A_1054 = arith.constant 464 : index
    %get3A_1055 = tpu.vector_load %arg9[%get3A_1054] {strides = array<i32>} : memref<768xi32, #tpu.memory_space<vmem>>, vector<16xi32>,
    %get3A_1056 = vector.shape_cast %get3A_1055 : vector<16xi32> to vector<16xi32>
    %mul3A_1057 = arith.constant 48 : i32
    %mul3A_1058 = vector.broadcast %mul3A_1057 : i32 to vector<16xi32>
    %mul3A_1059 = arith.muli %get3A_1056, %mul3A_1058 : vector<16xi32>
    %add3A_1060 = arith.addi %mul3A_1053, %mul3A_1059 : vector<16xi32>
    %get3A_1061 = arith.constant 464 : index
    %get3A_1062 = tpu.vector_load %arg10[%get3A_1061] {strides = array<i32>} : memref<768xi32, #tpu.memory_space<vmem>>, vector<16xi32>,
    %get3A_1063 = vector.shape_cast %get3A_1062 : vector<16xi32> to vector<16xi32>
    %add3A_1064 = arith.addi %add3A_1060, %get3A_1063 : vector<16xi32>
    %shift_right_logical3A_1065 = arith.constant 2 : i32
    %shift_right_logical3A_1066 = vector.broadcast %shift_right_logical3A_1065 : i32 to vector<16xi32>
    %shift_right_logical3A_1067 = arith.shrui %add3A_1064, %shift_right_logical3A_1066 : vector<16xi32>
    %sub3A_1068 = vector.broadcast %mul3A_2 : i32 to vector<16xi32>
    %sub3A_1069 = arith.subi %shift_right_logical3A_1067, %sub3A_1068 : vector<16xi32>
    %ge3A_1070 = arith.constant 0 : i32
    %ge3A_1071 = vector.broadcast %ge3A_1070 : i32 to vector<16xi32>
    %ge3A_1072 = arith.cmpi sge, %sub3A_1069, %ge3A_1071 : vector<16xi32>
    %lt3A_1073 = arith.constant 4608 : i32
    %lt3A_1074 = vector.broadcast %lt3A_1073 : i32 to vector<16xi32>
    %lt3A_1075 = arith.cmpi slt, %sub3A_1069, %lt3A_1074 : vector<16xi32>
    %and3A_1076 = arith.andi %ge3A_1072, %lt3A_1075 : vector<16xi1>
    %jit3A_1077 = arith.constant 4608 : i32
    %broadcast_in_dim3A_1078 = vector.broadcast %jit3A_1077 : i32 to vector<16xi32>
    %select_n3A_1079 = arith.select %and3A_1076, %sub3A_1069, %broadcast_in_dim3A_1078 : vector<16xi1>, vector<16xi32>
    %swap3A_1080 = arith.constant 80 : index
    %swap3A_1081 = tpu.vector_load %arg17[%swap3A_1080] {strides = array<i32>} : memref<128xi32, #tpu.memory_space<vmem>>, vector<16xi32>,
    %swap3A_1082 = vector.shape_cast %swap3A_1081 : vector<16xi32> to vector<16xi32>
    %swap3A_1083 = vector.shape_cast %select_n3A_1079 : vector<16xi32> to vector<16xi32>
    tpu.vector_store %arg17[%swap3A_1080], %swap3A_1083 {strides = array<i32>} : memref<128xi32, #tpu.memory_space<vmem>>, vector<16xi32>,
    %get3A_1084 = arith.constant 480 : index
    %get3A_1085 = tpu.vector_load %arg8[%get3A_1084] {strides = array<i32>} : memref<768xi32, #tpu.memory_space<vmem>>, vector<16xi32>,
    %get3A_1086 = vector.shape_cast %get3A_1085 : vector<16xi32> to vector<16xi32>
    %mul3A_1087 = arith.constant 2304 : i32
    %mul3A_1088 = vector.broadcast %mul3A_1087 : i32 to vector<16xi32>
    %mul3A_1089 = arith.muli %get3A_1086, %mul3A_1088 : vector<16xi32>
    %get3A_1090 = arith.constant 480 : index
    %get3A_1091 = tpu.vector_load %arg9[%get3A_1090] {strides = array<i32>} : memref<768xi32, #tpu.memory_space<vmem>>, vector<16xi32>,
    %get3A_1092 = vector.shape_cast %get3A_1091 : vector<16xi32> to vector<16xi32>
    %mul3A_1093 = arith.constant 48 : i32
    %mul3A_1094 = vector.broadcast %mul3A_1093 : i32 to vector<16xi32>
    %mul3A_1095 = arith.muli %get3A_1092, %mul3A_1094 : vector<16xi32>
    %add3A_1096 = arith.addi %mul3A_1089, %mul3A_1095 : vector<16xi32>
    %get3A_1097 = arith.constant 480 : index
    %get3A_1098 = tpu.vector_load %arg10[%get3A_1097] {strides = array<i32>} : memref<768xi32, #tpu.memory_space<vmem>>, vector<16xi32>,
    %get3A_1099 = vector.shape_cast %get3A_1098 : vector<16xi32> to vector<16xi32>
    %add3A_1100 = arith.addi %add3A_1096, %get3A_1099 : vector<16xi32>
    %shift_right_logical3A_1101 = arith.constant 2 : i32
    %shift_right_logical3A_1102 = vector.broadcast %shift_right_logical3A_1101 : i32 to vector<16xi32>
    %shift_right_logical3A_1103 = arith.shrui %add3A_1100, %shift_right_logical3A_1102 : vector<16xi32>
    %sub3A_1104 = vector.broadcast %mul3A_2 : i32 to vector<16xi32>
    %sub3A_1105 = arith.subi %shift_right_logical3A_1103, %sub3A_1104 : vector<16xi32>
    %ge3A_1106 = arith.constant 0 : i32
    %ge3A_1107 = vector.broadcast %ge3A_1106 : i32 to vector<16xi32>
    %ge3A_1108 = arith.cmpi sge, %sub3A_1105, %ge3A_1107 : vector<16xi32>
    %lt3A_1109 = arith.constant 4608 : i32
    %lt3A_1110 = vector.broadcast %lt3A_1109 : i32 to vector<16xi32>
    %lt3A_1111 = arith.cmpi slt, %sub3A_1105, %lt3A_1110 : vector<16xi32>
    %and3A_1112 = arith.andi %ge3A_1108, %lt3A_1111 : vector<16xi1>
    %jit3A_1113 = arith.constant 4608 : i32
    %broadcast_in_dim3A_1114 = vector.broadcast %jit3A_1113 : i32 to vector<16xi32>
    %select_n3A_1115 = arith.select %and3A_1112, %sub3A_1105, %broadcast_in_dim3A_1114 : vector<16xi1>, vector<16xi32>
    %swap3A_1116 = arith.constant 96 : index
    %swap3A_1117 = tpu.vector_load %arg17[%swap3A_1116] {strides = array<i32>} : memref<128xi32, #tpu.memory_space<vmem>>, vector<16xi32>,
    %swap3A_1118 = vector.shape_cast %swap3A_1117 : vector<16xi32> to vector<16xi32>
    %swap3A_1119 = vector.shape_cast %select_n3A_1115 : vector<16xi32> to vector<16xi32>
    tpu.vector_store %arg17[%swap3A_1116], %swap3A_1119 {strides = array<i32>} : memref<128xi32, #tpu.memory_space<vmem>>, vector<16xi32>,
    %get3A_1120 = arith.constant 496 : index
    %get3A_1121 = tpu.vector_load %arg8[%get3A_1120] {strides = array<i32>} : memref<768xi32, #tpu.memory_space<vmem>>, vector<16xi32>,
    %get3A_1122 = vector.shape_cast %get3A_1121 : vector<16xi32> to vector<16xi32>
    %mul3A_1123 = arith.constant 2304 : i32
    %mul3A_1124 = vector.broadcast %mul3A_1123 : i32 to vector<16xi32>
    %mul3A_1125 = arith.muli %get3A_1122, %mul3A_1124 : vector<16xi32>
    %get3A_1126 = arith.constant 496 : index
    %get3A_1127 = tpu.vector_load %arg9[%get3A_1126] {strides = array<i32>} : memref<768xi32, #tpu.memory_space<vmem>>, vector<16xi32>,
    %get3A_1128 = vector.shape_cast %get3A_1127 : vector<16xi32> to vector<16xi32>
    %mul3A_1129 = arith.constant 48 : i32
    %mul3A_1130 = vector.broadcast %mul3A_1129 : i32 to vector<16xi32>
    %mul3A_1131 = arith.muli %get3A_1128, %mul3A_1130 : vector<16xi32>
    %add3A_1132 = arith.addi %mul3A_1125, %mul3A_1131 : vector<16xi32>
    %get3A_1133 = arith.constant 496 : index
    %get3A_1134 = tpu.vector_load %arg10[%get3A_1133] {strides = array<i32>} : memref<768xi32, #tpu.memory_space<vmem>>, vector<16xi32>,
    %get3A_1135 = vector.shape_cast %get3A_1134 : vector<16xi32> to vector<16xi32>
    %add3A_1136 = arith.addi %add3A_1132, %get3A_1135 : vector<16xi32>
    %shift_right_logical3A_1137 = arith.constant 2 : i32
    %shift_right_logical3A_1138 = vector.broadcast %shift_right_logical3A_1137 : i32 to vector<16xi32>
    %shift_right_logical3A_1139 = arith.shrui %add3A_1136, %shift_right_logical3A_1138 : vector<16xi32>
    %sub3A_1140 = vector.broadcast %mul3A_2 : i32 to vector<16xi32>
    %sub3A_1141 = arith.subi %shift_right_logical3A_1139, %sub3A_1140 : vector<16xi32>
    %ge3A_1142 = arith.constant 0 : i32
    %ge3A_1143 = vector.broadcast %ge3A_1142 : i32 to vector<16xi32>
    %ge3A_1144 = arith.cmpi sge, %sub3A_1141, %ge3A_1143 : vector<16xi32>
    %lt3A_1145 = arith.constant 4608 : i32
    %lt3A_1146 = vector.broadcast %lt3A_1145 : i32 to vector<16xi32>
    %lt3A_1147 = arith.cmpi slt, %sub3A_1141, %lt3A_1146 : vector<16xi32>
    %and3A_1148 = arith.andi %ge3A_1144, %lt3A_1147 : vector<16xi1>
    %jit3A_1149 = arith.constant 4608 : i32
    %broadcast_in_dim3A_1150 = vector.broadcast %jit3A_1149 : i32 to vector<16xi32>
    %select_n3A_1151 = arith.select %and3A_1148, %sub3A_1141, %broadcast_in_dim3A_1150 : vector<16xi1>, vector<16xi32>
    %swap3A_1152 = arith.constant 112 : index
    %swap3A_1153 = tpu.vector_load %arg17[%swap3A_1152] {strides = array<i32>} : memref<128xi32, #tpu.memory_space<vmem>>, vector<16xi32>,
    %swap3A_1154 = vector.shape_cast %swap3A_1153 : vector<16xi32> to vector<16xi32>
    %swap3A_1155 = vector.shape_cast %select_n3A_1151 : vector<16xi32> to vector<16xi32>
    tpu.vector_store %arg17[%swap3A_1152], %swap3A_1155 {strides = array<i32>} : memref<128xi32, #tpu.memory_space<vmem>>, vector<16xi32>,
    %get3A_1156 = arith.constant 512 : index
    %get3A_1157 = tpu.vector_load %arg8[%get3A_1156] {strides = array<i32>} : memref<768xi32, #tpu.memory_space<vmem>>, vector<16xi32>,
    %get3A_1158 = vector.shape_cast %get3A_1157 : vector<16xi32> to vector<16xi32>
    %mul3A_1159 = arith.constant 2304 : i32
    %mul3A_1160 = vector.broadcast %mul3A_1159 : i32 to vector<16xi32>
    %mul3A_1161 = arith.muli %get3A_1158, %mul3A_1160 : vector<16xi32>
    %get3A_1162 = arith.constant 512 : index
    %get3A_1163 = tpu.vector_load %arg9[%get3A_1162] {strides = array<i32>} : memref<768xi32, #tpu.memory_space<vmem>>, vector<16xi32>,
    %get3A_1164 = vector.shape_cast %get3A_1163 : vector<16xi32> to vector<16xi32>
    %mul3A_1165 = arith.constant 48 : i32
    %mul3A_1166 = vector.broadcast %mul3A_1165 : i32 to vector<16xi32>
    %mul3A_1167 = arith.muli %get3A_1164, %mul3A_1166 : vector<16xi32>
    %add3A_1168 = arith.addi %mul3A_1161, %mul3A_1167 : vector<16xi32>
    %get3A_1169 = arith.constant 512 : index
    %get3A_1170 = tpu.vector_load %arg10[%get3A_1169] {strides = array<i32>} : memref<768xi32, #tpu.memory_space<vmem>>, vector<16xi32>,
    %get3A_1171 = vector.shape_cast %get3A_1170 : vector<16xi32> to vector<16xi32>
    %add3A_1172 = arith.addi %add3A_1168, %get3A_1171 : vector<16xi32>
    %shift_right_logical3A_1173 = arith.constant 2 : i32
    %shift_right_logical3A_1174 = vector.broadcast %shift_right_logical3A_1173 : i32 to vector<16xi32>
    %shift_right_logical3A_1175 = arith.shrui %add3A_1172, %shift_right_logical3A_1174 : vector<16xi32>
    %sub3A_1176 = vector.broadcast %mul3A_2 : i32 to vector<16xi32>
    %sub3A_1177 = arith.subi %shift_right_logical3A_1175, %sub3A_1176 : vector<16xi32>
    %ge3A_1178 = arith.constant 0 : i32
    %ge3A_1179 = vector.broadcast %ge3A_1178 : i32 to vector<16xi32>
    %ge3A_1180 = arith.cmpi sge, %sub3A_1177, %ge3A_1179 : vector<16xi32>
    %lt3A_1181 = arith.constant 4608 : i32
    %lt3A_1182 = vector.broadcast %lt3A_1181 : i32 to vector<16xi32>
    %lt3A_1183 = arith.cmpi slt, %sub3A_1177, %lt3A_1182 : vector<16xi32>
    %and3A_1184 = arith.andi %ge3A_1180, %lt3A_1183 : vector<16xi1>
    %jit3A_1185 = arith.constant 4608 : i32
    %broadcast_in_dim3A_1186 = vector.broadcast %jit3A_1185 : i32 to vector<16xi32>
    %select_n3A_1187 = arith.select %and3A_1184, %sub3A_1177, %broadcast_in_dim3A_1186 : vector<16xi1>, vector<16xi32>
    %swap3A_1188 = arith.constant 0 : index
    %swap3A_1189 = tpu.vector_load %arg18[%swap3A_1188] {strides = array<i32>} : memref<128xi32, #tpu.memory_space<vmem>>, vector<16xi32>,
    %swap3A_1190 = vector.shape_cast %swap3A_1189 : vector<16xi32> to vector<16xi32>
    %swap3A_1191 = vector.shape_cast %select_n3A_1187 : vector<16xi32> to vector<16xi32>
    tpu.vector_store %arg18[%swap3A_1188], %swap3A_1191 {strides = array<i32>} : memref<128xi32, #tpu.memory_space<vmem>>, vector<16xi32>,
    %get3A_1192 = arith.constant 528 : index
    %get3A_1193 = tpu.vector_load %arg8[%get3A_1192] {strides = array<i32>} : memref<768xi32, #tpu.memory_space<vmem>>, vector<16xi32>,
    %get3A_1194 = vector.shape_cast %get3A_1193 : vector<16xi32> to vector<16xi32>
    %mul3A_1195 = arith.constant 2304 : i32
    %mul3A_1196 = vector.broadcast %mul3A_1195 : i32 to vector<16xi32>
    %mul3A_1197 = arith.muli %get3A_1194, %mul3A_1196 : vector<16xi32>
    %get3A_1198 = arith.constant 528 : index
    %get3A_1199 = tpu.vector_load %arg9[%get3A_1198] {strides = array<i32>} : memref<768xi32, #tpu.memory_space<vmem>>, vector<16xi32>,
    %get3A_1200 = vector.shape_cast %get3A_1199 : vector<16xi32> to vector<16xi32>
    %mul3A_1201 = arith.constant 48 : i32
    %mul3A_1202 = vector.broadcast %mul3A_1201 : i32 to vector<16xi32>
    %mul3A_1203 = arith.muli %get3A_1200, %mul3A_1202 : vector<16xi32>
    %add3A_1204 = arith.addi %mul3A_1197, %mul3A_1203 : vector<16xi32>
    %get3A_1205 = arith.constant 528 : index
    %get3A_1206 = tpu.vector_load %arg10[%get3A_1205] {strides = array<i32>} : memref<768xi32, #tpu.memory_space<vmem>>, vector<16xi32>,
    %get3A_1207 = vector.shape_cast %get3A_1206 : vector<16xi32> to vector<16xi32>
    %add3A_1208 = arith.addi %add3A_1204, %get3A_1207 : vector<16xi32>
    %shift_right_logical3A_1209 = arith.constant 2 : i32
    %shift_right_logical3A_1210 = vector.broadcast %shift_right_logical3A_1209 : i32 to vector<16xi32>
    %shift_right_logical3A_1211 = arith.shrui %add3A_1208, %shift_right_logical3A_1210 : vector<16xi32>
    %sub3A_1212 = vector.broadcast %mul3A_2 : i32 to vector<16xi32>
    %sub3A_1213 = arith.subi %shift_right_logical3A_1211, %sub3A_1212 : vector<16xi32>
    %ge3A_1214 = arith.constant 0 : i32
    %ge3A_1215 = vector.broadcast %ge3A_1214 : i32 to vector<16xi32>
    %ge3A_1216 = arith.cmpi sge, %sub3A_1213, %ge3A_1215 : vector<16xi32>
    %lt3A_1217 = arith.constant 4608 : i32
    %lt3A_1218 = vector.broadcast %lt3A_1217 : i32 to vector<16xi32>
    %lt3A_1219 = arith.cmpi slt, %sub3A_1213, %lt3A_1218 : vector<16xi32>
    %and3A_1220 = arith.andi %ge3A_1216, %lt3A_1219 : vector<16xi1>
    %jit3A_1221 = arith.constant 4608 : i32
    %broadcast_in_dim3A_1222 = vector.broadcast %jit3A_1221 : i32 to vector<16xi32>
    %select_n3A_1223 = arith.select %and3A_1220, %sub3A_1213, %broadcast_in_dim3A_1222 : vector<16xi1>, vector<16xi32>
    %swap3A_1224 = arith.constant 16 : index
    %swap3A_1225 = tpu.vector_load %arg18[%swap3A_1224] {strides = array<i32>} : memref<128xi32, #tpu.memory_space<vmem>>, vector<16xi32>,
    %swap3A_1226 = vector.shape_cast %swap3A_1225 : vector<16xi32> to vector<16xi32>
    %swap3A_1227 = vector.shape_cast %select_n3A_1223 : vector<16xi32> to vector<16xi32>
    tpu.vector_store %arg18[%swap3A_1224], %swap3A_1227 {strides = array<i32>} : memref<128xi32, #tpu.memory_space<vmem>>, vector<16xi32>,
    %get3A_1228 = arith.constant 544 : index
    %get3A_1229 = tpu.vector_load %arg8[%get3A_1228] {strides = array<i32>} : memref<768xi32, #tpu.memory_space<vmem>>, vector<16xi32>,
    %get3A_1230 = vector.shape_cast %get3A_1229 : vector<16xi32> to vector<16xi32>
    %mul3A_1231 = arith.constant 2304 : i32
    %mul3A_1232 = vector.broadcast %mul3A_1231 : i32 to vector<16xi32>
    %mul3A_1233 = arith.muli %get3A_1230, %mul3A_1232 : vector<16xi32>
    %get3A_1234 = arith.constant 544 : index
    %get3A_1235 = tpu.vector_load %arg9[%get3A_1234] {strides = array<i32>} : memref<768xi32, #tpu.memory_space<vmem>>, vector<16xi32>,
    %get3A_1236 = vector.shape_cast %get3A_1235 : vector<16xi32> to vector<16xi32>
    %mul3A_1237 = arith.constant 48 : i32
    %mul3A_1238 = vector.broadcast %mul3A_1237 : i32 to vector<16xi32>
    %mul3A_1239 = arith.muli %get3A_1236, %mul3A_1238 : vector<16xi32>
    %add3A_1240 = arith.addi %mul3A_1233, %mul3A_1239 : vector<16xi32>
    %get3A_1241 = arith.constant 544 : index
    %get3A_1242 = tpu.vector_load %arg10[%get3A_1241] {strides = array<i32>} : memref<768xi32, #tpu.memory_space<vmem>>, vector<16xi32>,
    %get3A_1243 = vector.shape_cast %get3A_1242 : vector<16xi32> to vector<16xi32>
    %add3A_1244 = arith.addi %add3A_1240, %get3A_1243 : vector<16xi32>
    %shift_right_logical3A_1245 = arith.constant 2 : i32
    %shift_right_logical3A_1246 = vector.broadcast %shift_right_logical3A_1245 : i32 to vector<16xi32>
    %shift_right_logical3A_1247 = arith.shrui %add3A_1244, %shift_right_logical3A_1246 : vector<16xi32>
    %sub3A_1248 = vector.broadcast %mul3A_2 : i32 to vector<16xi32>
    %sub3A_1249 = arith.subi %shift_right_logical3A_1247, %sub3A_1248 : vector<16xi32>
    %ge3A_1250 = arith.constant 0 : i32
    %ge3A_1251 = vector.broadcast %ge3A_1250 : i32 to vector<16xi32>
    %ge3A_1252 = arith.cmpi sge, %sub3A_1249, %ge3A_1251 : vector<16xi32>
    %lt3A_1253 = arith.constant 4608 : i32
    %lt3A_1254 = vector.broadcast %lt3A_1253 : i32 to vector<16xi32>
    %lt3A_1255 = arith.cmpi slt, %sub3A_1249, %lt3A_1254 : vector<16xi32>
    %and3A_1256 = arith.andi %ge3A_1252, %lt3A_1255 : vector<16xi1>
    %jit3A_1257 = arith.constant 4608 : i32
    %broadcast_in_dim3A_1258 = vector.broadcast %jit3A_1257 : i32 to vector<16xi32>
    %select_n3A_1259 = arith.select %and3A_1256, %sub3A_1249, %broadcast_in_dim3A_1258 : vector<16xi1>, vector<16xi32>
    %swap3A_1260 = arith.constant 32 : index
    %swap3A_1261 = tpu.vector_load %arg18[%swap3A_1260] {strides = array<i32>} : memref<128xi32, #tpu.memory_space<vmem>>, vector<16xi32>,
    %swap3A_1262 = vector.shape_cast %swap3A_1261 : vector<16xi32> to vector<16xi32>
    %swap3A_1263 = vector.shape_cast %select_n3A_1259 : vector<16xi32> to vector<16xi32>
    tpu.vector_store %arg18[%swap3A_1260], %swap3A_1263 {strides = array<i32>} : memref<128xi32, #tpu.memory_space<vmem>>, vector<16xi32>,
    %get3A_1264 = arith.constant 560 : index
    %get3A_1265 = tpu.vector_load %arg8[%get3A_1264] {strides = array<i32>} : memref<768xi32, #tpu.memory_space<vmem>>, vector<16xi32>,
    %get3A_1266 = vector.shape_cast %get3A_1265 : vector<16xi32> to vector<16xi32>
    %mul3A_1267 = arith.constant 2304 : i32
    %mul3A_1268 = vector.broadcast %mul3A_1267 : i32 to vector<16xi32>
    %mul3A_1269 = arith.muli %get3A_1266, %mul3A_1268 : vector<16xi32>
    %get3A_1270 = arith.constant 560 : index
    %get3A_1271 = tpu.vector_load %arg9[%get3A_1270] {strides = array<i32>} : memref<768xi32, #tpu.memory_space<vmem>>, vector<16xi32>,
    %get3A_1272 = vector.shape_cast %get3A_1271 : vector<16xi32> to vector<16xi32>
    %mul3A_1273 = arith.constant 48 : i32
    %mul3A_1274 = vector.broadcast %mul3A_1273 : i32 to vector<16xi32>
    %mul3A_1275 = arith.muli %get3A_1272, %mul3A_1274 : vector<16xi32>
    %add3A_1276 = arith.addi %mul3A_1269, %mul3A_1275 : vector<16xi32>
    %get3A_1277 = arith.constant 560 : index
    %get3A_1278 = tpu.vector_load %arg10[%get3A_1277] {strides = array<i32>} : memref<768xi32, #tpu.memory_space<vmem>>, vector<16xi32>,
    %get3A_1279 = vector.shape_cast %get3A_1278 : vector<16xi32> to vector<16xi32>
    %add3A_1280 = arith.addi %add3A_1276, %get3A_1279 : vector<16xi32>
    %shift_right_logical3A_1281 = arith.constant 2 : i32
    %shift_right_logical3A_1282 = vector.broadcast %shift_right_logical3A_1281 : i32 to vector<16xi32>
    %shift_right_logical3A_1283 = arith.shrui %add3A_1280, %shift_right_logical3A_1282 : vector<16xi32>
    %sub3A_1284 = vector.broadcast %mul3A_2 : i32 to vector<16xi32>
    %sub3A_1285 = arith.subi %shift_right_logical3A_1283, %sub3A_1284 : vector<16xi32>
    %ge3A_1286 = arith.constant 0 : i32
    %ge3A_1287 = vector.broadcast %ge3A_1286 : i32 to vector<16xi32>
    %ge3A_1288 = arith.cmpi sge, %sub3A_1285, %ge3A_1287 : vector<16xi32>
    %lt3A_1289 = arith.constant 4608 : i32
    %lt3A_1290 = vector.broadcast %lt3A_1289 : i32 to vector<16xi32>
    %lt3A_1291 = arith.cmpi slt, %sub3A_1285, %lt3A_1290 : vector<16xi32>
    %and3A_1292 = arith.andi %ge3A_1288, %lt3A_1291 : vector<16xi1>
    %jit3A_1293 = arith.constant 4608 : i32
    %broadcast_in_dim3A_1294 = vector.broadcast %jit3A_1293 : i32 to vector<16xi32>
    %select_n3A_1295 = arith.select %and3A_1292, %sub3A_1285, %broadcast_in_dim3A_1294 : vector<16xi1>, vector<16xi32>
    %swap3A_1296 = arith.constant 48 : index
    %swap3A_1297 = tpu.vector_load %arg18[%swap3A_1296] {strides = array<i32>} : memref<128xi32, #tpu.memory_space<vmem>>, vector<16xi32>,
    %swap3A_1298 = vector.shape_cast %swap3A_1297 : vector<16xi32> to vector<16xi32>
    %swap3A_1299 = vector.shape_cast %select_n3A_1295 : vector<16xi32> to vector<16xi32>
    tpu.vector_store %arg18[%swap3A_1296], %swap3A_1299 {strides = array<i32>} : memref<128xi32, #tpu.memory_space<vmem>>, vector<16xi32>,
    %get3A_1300 = arith.constant 576 : index
    %get3A_1301 = tpu.vector_load %arg8[%get3A_1300] {strides = array<i32>} : memref<768xi32, #tpu.memory_space<vmem>>, vector<16xi32>,
    %get3A_1302 = vector.shape_cast %get3A_1301 : vector<16xi32> to vector<16xi32>
    %mul3A_1303 = arith.constant 2304 : i32
    %mul3A_1304 = vector.broadcast %mul3A_1303 : i32 to vector<16xi32>
    %mul3A_1305 = arith.muli %get3A_1302, %mul3A_1304 : vector<16xi32>
    %get3A_1306 = arith.constant 576 : index
    %get3A_1307 = tpu.vector_load %arg9[%get3A_1306] {strides = array<i32>} : memref<768xi32, #tpu.memory_space<vmem>>, vector<16xi32>,
    %get3A_1308 = vector.shape_cast %get3A_1307 : vector<16xi32> to vector<16xi32>
    %mul3A_1309 = arith.constant 48 : i32
    %mul3A_1310 = vector.broadcast %mul3A_1309 : i32 to vector<16xi32>
    %mul3A_1311 = arith.muli %get3A_1308, %mul3A_1310 : vector<16xi32>
    %add3A_1312 = arith.addi %mul3A_1305, %mul3A_1311 : vector<16xi32>
    %get3A_1313 = arith.constant 576 : index
    %get3A_1314 = tpu.vector_load %arg10[%get3A_1313] {strides = array<i32>} : memref<768xi32, #tpu.memory_space<vmem>>, vector<16xi32>,
    %get3A_1315 = vector.shape_cast %get3A_1314 : vector<16xi32> to vector<16xi32>
    %add3A_1316 = arith.addi %add3A_1312, %get3A_1315 : vector<16xi32>
    %shift_right_logical3A_1317 = arith.constant 2 : i32
    %shift_right_logical3A_1318 = vector.broadcast %shift_right_logical3A_1317 : i32 to vector<16xi32>
    %shift_right_logical3A_1319 = arith.shrui %add3A_1316, %shift_right_logical3A_1318 : vector<16xi32>
    %sub3A_1320 = vector.broadcast %mul3A_2 : i32 to vector<16xi32>
    %sub3A_1321 = arith.subi %shift_right_logical3A_1319, %sub3A_1320 : vector<16xi32>
    %ge3A_1322 = arith.constant 0 : i32
    %ge3A_1323 = vector.broadcast %ge3A_1322 : i32 to vector<16xi32>
    %ge3A_1324 = arith.cmpi sge, %sub3A_1321, %ge3A_1323 : vector<16xi32>
    %lt3A_1325 = arith.constant 4608 : i32
    %lt3A_1326 = vector.broadcast %lt3A_1325 : i32 to vector<16xi32>
    %lt3A_1327 = arith.cmpi slt, %sub3A_1321, %lt3A_1326 : vector<16xi32>
    %and3A_1328 = arith.andi %ge3A_1324, %lt3A_1327 : vector<16xi1>
    %jit3A_1329 = arith.constant 4608 : i32
    %broadcast_in_dim3A_1330 = vector.broadcast %jit3A_1329 : i32 to vector<16xi32>
    %select_n3A_1331 = arith.select %and3A_1328, %sub3A_1321, %broadcast_in_dim3A_1330 : vector<16xi1>, vector<16xi32>
    %swap3A_1332 = arith.constant 64 : index
    %swap3A_1333 = tpu.vector_load %arg18[%swap3A_1332] {strides = array<i32>} : memref<128xi32, #tpu.memory_space<vmem>>, vector<16xi32>,
    %swap3A_1334 = vector.shape_cast %swap3A_1333 : vector<16xi32> to vector<16xi32>
    %swap3A_1335 = vector.shape_cast %select_n3A_1331 : vector<16xi32> to vector<16xi32>
    tpu.vector_store %arg18[%swap3A_1332], %swap3A_1335 {strides = array<i32>} : memref<128xi32, #tpu.memory_space<vmem>>, vector<16xi32>,
    %get3A_1336 = arith.constant 592 : index
    %get3A_1337 = tpu.vector_load %arg8[%get3A_1336] {strides = array<i32>} : memref<768xi32, #tpu.memory_space<vmem>>, vector<16xi32>,
    %get3A_1338 = vector.shape_cast %get3A_1337 : vector<16xi32> to vector<16xi32>
    %mul3A_1339 = arith.constant 2304 : i32
    %mul3A_1340 = vector.broadcast %mul3A_1339 : i32 to vector<16xi32>
    %mul3A_1341 = arith.muli %get3A_1338, %mul3A_1340 : vector<16xi32>
    %get3A_1342 = arith.constant 592 : index
    %get3A_1343 = tpu.vector_load %arg9[%get3A_1342] {strides = array<i32>} : memref<768xi32, #tpu.memory_space<vmem>>, vector<16xi32>,
    %get3A_1344 = vector.shape_cast %get3A_1343 : vector<16xi32> to vector<16xi32>
    %mul3A_1345 = arith.constant 48 : i32
    %mul3A_1346 = vector.broadcast %mul3A_1345 : i32 to vector<16xi32>
    %mul3A_1347 = arith.muli %get3A_1344, %mul3A_1346 : vector<16xi32>
    %add3A_1348 = arith.addi %mul3A_1341, %mul3A_1347 : vector<16xi32>
    %get3A_1349 = arith.constant 592 : index
    %get3A_1350 = tpu.vector_load %arg10[%get3A_1349] {strides = array<i32>} : memref<768xi32, #tpu.memory_space<vmem>>, vector<16xi32>,
    %get3A_1351 = vector.shape_cast %get3A_1350 : vector<16xi32> to vector<16xi32>
    %add3A_1352 = arith.addi %add3A_1348, %get3A_1351 : vector<16xi32>
    %shift_right_logical3A_1353 = arith.constant 2 : i32
    %shift_right_logical3A_1354 = vector.broadcast %shift_right_logical3A_1353 : i32 to vector<16xi32>
    %shift_right_logical3A_1355 = arith.shrui %add3A_1352, %shift_right_logical3A_1354 : vector<16xi32>
    %sub3A_1356 = vector.broadcast %mul3A_2 : i32 to vector<16xi32>
    %sub3A_1357 = arith.subi %shift_right_logical3A_1355, %sub3A_1356 : vector<16xi32>
    %ge3A_1358 = arith.constant 0 : i32
    %ge3A_1359 = vector.broadcast %ge3A_1358 : i32 to vector<16xi32>
    %ge3A_1360 = arith.cmpi sge, %sub3A_1357, %ge3A_1359 : vector<16xi32>
    %lt3A_1361 = arith.constant 4608 : i32
    %lt3A_1362 = vector.broadcast %lt3A_1361 : i32 to vector<16xi32>
    %lt3A_1363 = arith.cmpi slt, %sub3A_1357, %lt3A_1362 : vector<16xi32>
    %and3A_1364 = arith.andi %ge3A_1360, %lt3A_1363 : vector<16xi1>
    %jit3A_1365 = arith.constant 4608 : i32
    %broadcast_in_dim3A_1366 = vector.broadcast %jit3A_1365 : i32 to vector<16xi32>
    %select_n3A_1367 = arith.select %and3A_1364, %sub3A_1357, %broadcast_in_dim3A_1366 : vector<16xi1>, vector<16xi32>
    %swap3A_1368 = arith.constant 80 : index
    %swap3A_1369 = tpu.vector_load %arg18[%swap3A_1368] {strides = array<i32>} : memref<128xi32, #tpu.memory_space<vmem>>, vector<16xi32>,
    %swap3A_1370 = vector.shape_cast %swap3A_1369 : vector<16xi32> to vector<16xi32>
    %swap3A_1371 = vector.shape_cast %select_n3A_1367 : vector<16xi32> to vector<16xi32>
    tpu.vector_store %arg18[%swap3A_1368], %swap3A_1371 {strides = array<i32>} : memref<128xi32, #tpu.memory_space<vmem>>, vector<16xi32>,
    %get3A_1372 = arith.constant 608 : index
    %get3A_1373 = tpu.vector_load %arg8[%get3A_1372] {strides = array<i32>} : memref<768xi32, #tpu.memory_space<vmem>>, vector<16xi32>,
    %get3A_1374 = vector.shape_cast %get3A_1373 : vector<16xi32> to vector<16xi32>
    %mul3A_1375 = arith.constant 2304 : i32
    %mul3A_1376 = vector.broadcast %mul3A_1375 : i32 to vector<16xi32>
    %mul3A_1377 = arith.muli %get3A_1374, %mul3A_1376 : vector<16xi32>
    %get3A_1378 = arith.constant 608 : index
    %get3A_1379 = tpu.vector_load %arg9[%get3A_1378] {strides = array<i32>} : memref<768xi32, #tpu.memory_space<vmem>>, vector<16xi32>,
    %get3A_1380 = vector.shape_cast %get3A_1379 : vector<16xi32> to vector<16xi32>
    %mul3A_1381 = arith.constant 48 : i32
    %mul3A_1382 = vector.broadcast %mul3A_1381 : i32 to vector<16xi32>
    %mul3A_1383 = arith.muli %get3A_1380, %mul3A_1382 : vector<16xi32>
    %add3A_1384 = arith.addi %mul3A_1377, %mul3A_1383 : vector<16xi32>
    %get3A_1385 = arith.constant 608 : index
    %get3A_1386 = tpu.vector_load %arg10[%get3A_1385] {strides = array<i32>} : memref<768xi32, #tpu.memory_space<vmem>>, vector<16xi32>,
    %get3A_1387 = vector.shape_cast %get3A_1386 : vector<16xi32> to vector<16xi32>
    %add3A_1388 = arith.addi %add3A_1384, %get3A_1387 : vector<16xi32>
    %shift_right_logical3A_1389 = arith.constant 2 : i32
    %shift_right_logical3A_1390 = vector.broadcast %shift_right_logical3A_1389 : i32 to vector<16xi32>
    %shift_right_logical3A_1391 = arith.shrui %add3A_1388, %shift_right_logical3A_1390 : vector<16xi32>
    %sub3A_1392 = vector.broadcast %mul3A_2 : i32 to vector<16xi32>
    %sub3A_1393 = arith.subi %shift_right_logical3A_1391, %sub3A_1392 : vector<16xi32>
    %ge3A_1394 = arith.constant 0 : i32
    %ge3A_1395 = vector.broadcast %ge3A_1394 : i32 to vector<16xi32>
    %ge3A_1396 = arith.cmpi sge, %sub3A_1393, %ge3A_1395 : vector<16xi32>
    %lt3A_1397 = arith.constant 4608 : i32
    %lt3A_1398 = vector.broadcast %lt3A_1397 : i32 to vector<16xi32>
    %lt3A_1399 = arith.cmpi slt, %sub3A_1393, %lt3A_1398 : vector<16xi32>
    %and3A_1400 = arith.andi %ge3A_1396, %lt3A_1399 : vector<16xi1>
    %jit3A_1401 = arith.constant 4608 : i32
    %broadcast_in_dim3A_1402 = vector.broadcast %jit3A_1401 : i32 to vector<16xi32>
    %select_n3A_1403 = arith.select %and3A_1400, %sub3A_1393, %broadcast_in_dim3A_1402 : vector<16xi1>, vector<16xi32>
    %swap3A_1404 = arith.constant 96 : index
    %swap3A_1405 = tpu.vector_load %arg18[%swap3A_1404] {strides = array<i32>} : memref<128xi32, #tpu.memory_space<vmem>>, vector<16xi32>,
    %swap3A_1406 = vector.shape_cast %swap3A_1405 : vector<16xi32> to vector<16xi32>
    %swap3A_1407 = vector.shape_cast %select_n3A_1403 : vector<16xi32> to vector<16xi32>
    tpu.vector_store %arg18[%swap3A_1404], %swap3A_1407 {strides = array<i32>} : memref<128xi32, #tpu.memory_space<vmem>>, vector<16xi32>,
    %get3A_1408 = arith.constant 624 : index
    %get3A_1409 = tpu.vector_load %arg8[%get3A_1408] {strides = array<i32>} : memref<768xi32, #tpu.memory_space<vmem>>, vector<16xi32>,
    %get3A_1410 = vector.shape_cast %get3A_1409 : vector<16xi32> to vector<16xi32>
    %mul3A_1411 = arith.constant 2304 : i32
    %mul3A_1412 = vector.broadcast %mul3A_1411 : i32 to vector<16xi32>
    %mul3A_1413 = arith.muli %get3A_1410, %mul3A_1412 : vector<16xi32>
    %get3A_1414 = arith.constant 624 : index
    %get3A_1415 = tpu.vector_load %arg9[%get3A_1414] {strides = array<i32>} : memref<768xi32, #tpu.memory_space<vmem>>, vector<16xi32>,
    %get3A_1416 = vector.shape_cast %get3A_1415 : vector<16xi32> to vector<16xi32>
    %mul3A_1417 = arith.constant 48 : i32
    %mul3A_1418 = vector.broadcast %mul3A_1417 : i32 to vector<16xi32>
    %mul3A_1419 = arith.muli %get3A_1416, %mul3A_1418 : vector<16xi32>
    %add3A_1420 = arith.addi %mul3A_1413, %mul3A_1419 : vector<16xi32>
    %get3A_1421 = arith.constant 624 : index
    %get3A_1422 = tpu.vector_load %arg10[%get3A_1421] {strides = array<i32>} : memref<768xi32, #tpu.memory_space<vmem>>, vector<16xi32>,
    %get3A_1423 = vector.shape_cast %get3A_1422 : vector<16xi32> to vector<16xi32>
    %add3A_1424 = arith.addi %add3A_1420, %get3A_1423 : vector<16xi32>
    %shift_right_logical3A_1425 = arith.constant 2 : i32
    %shift_right_logical3A_1426 = vector.broadcast %shift_right_logical3A_1425 : i32 to vector<16xi32>
    %shift_right_logical3A_1427 = arith.shrui %add3A_1424, %shift_right_logical3A_1426 : vector<16xi32>
    %sub3A_1428 = vector.broadcast %mul3A_2 : i32 to vector<16xi32>
    %sub3A_1429 = arith.subi %shift_right_logical3A_1427, %sub3A_1428 : vector<16xi32>
    %ge3A_1430 = arith.constant 0 : i32
    %ge3A_1431 = vector.broadcast %ge3A_1430 : i32 to vector<16xi32>
    %ge3A_1432 = arith.cmpi sge, %sub3A_1429, %ge3A_1431 : vector<16xi32>
    %lt3A_1433 = arith.constant 4608 : i32
    %lt3A_1434 = vector.broadcast %lt3A_1433 : i32 to vector<16xi32>
    %lt3A_1435 = arith.cmpi slt, %sub3A_1429, %lt3A_1434 : vector<16xi32>
    %and3A_1436 = arith.andi %ge3A_1432, %lt3A_1435 : vector<16xi1>
    %jit3A_1437 = arith.constant 4608 : i32
    %broadcast_in_dim3A_1438 = vector.broadcast %jit3A_1437 : i32 to vector<16xi32>
    %select_n3A_1439 = arith.select %and3A_1436, %sub3A_1429, %broadcast_in_dim3A_1438 : vector<16xi1>, vector<16xi32>
    %swap3A_1440 = arith.constant 112 : index
    %swap3A_1441 = tpu.vector_load %arg18[%swap3A_1440] {strides = array<i32>} : memref<128xi32, #tpu.memory_space<vmem>>, vector<16xi32>,
    %swap3A_1442 = vector.shape_cast %swap3A_1441 : vector<16xi32> to vector<16xi32>
    %swap3A_1443 = vector.shape_cast %select_n3A_1439 : vector<16xi32> to vector<16xi32>
    tpu.vector_store %arg18[%swap3A_1440], %swap3A_1443 {strides = array<i32>} : memref<128xi32, #tpu.memory_space<vmem>>, vector<16xi32>,
    %get3A_1444 = arith.constant 640 : index
    %get3A_1445 = tpu.vector_load %arg8[%get3A_1444] {strides = array<i32>} : memref<768xi32, #tpu.memory_space<vmem>>, vector<16xi32>,
    %get3A_1446 = vector.shape_cast %get3A_1445 : vector<16xi32> to vector<16xi32>
    %mul3A_1447 = arith.constant 2304 : i32
    %mul3A_1448 = vector.broadcast %mul3A_1447 : i32 to vector<16xi32>
    %mul3A_1449 = arith.muli %get3A_1446, %mul3A_1448 : vector<16xi32>
    %get3A_1450 = arith.constant 640 : index
    %get3A_1451 = tpu.vector_load %arg9[%get3A_1450] {strides = array<i32>} : memref<768xi32, #tpu.memory_space<vmem>>, vector<16xi32>,
    %get3A_1452 = vector.shape_cast %get3A_1451 : vector<16xi32> to vector<16xi32>
    %mul3A_1453 = arith.constant 48 : i32
    %mul3A_1454 = vector.broadcast %mul3A_1453 : i32 to vector<16xi32>
    %mul3A_1455 = arith.muli %get3A_1452, %mul3A_1454 : vector<16xi32>
    %add3A_1456 = arith.addi %mul3A_1449, %mul3A_1455 : vector<16xi32>
    %get3A_1457 = arith.constant 640 : index
    %get3A_1458 = tpu.vector_load %arg10[%get3A_1457] {strides = array<i32>} : memref<768xi32, #tpu.memory_space<vmem>>, vector<16xi32>,
    %get3A_1459 = vector.shape_cast %get3A_1458 : vector<16xi32> to vector<16xi32>
    %add3A_1460 = arith.addi %add3A_1456, %get3A_1459 : vector<16xi32>
    %shift_right_logical3A_1461 = arith.constant 2 : i32
    %shift_right_logical3A_1462 = vector.broadcast %shift_right_logical3A_1461 : i32 to vector<16xi32>
    %shift_right_logical3A_1463 = arith.shrui %add3A_1460, %shift_right_logical3A_1462 : vector<16xi32>
    %sub3A_1464 = vector.broadcast %mul3A_2 : i32 to vector<16xi32>
    %sub3A_1465 = arith.subi %shift_right_logical3A_1463, %sub3A_1464 : vector<16xi32>
    %ge3A_1466 = arith.constant 0 : i32
    %ge3A_1467 = vector.broadcast %ge3A_1466 : i32 to vector<16xi32>
    %ge3A_1468 = arith.cmpi sge, %sub3A_1465, %ge3A_1467 : vector<16xi32>
    %lt3A_1469 = arith.constant 4608 : i32
    %lt3A_1470 = vector.broadcast %lt3A_1469 : i32 to vector<16xi32>
    %lt3A_1471 = arith.cmpi slt, %sub3A_1465, %lt3A_1470 : vector<16xi32>
    %and3A_1472 = arith.andi %ge3A_1468, %lt3A_1471 : vector<16xi1>
    %jit3A_1473 = arith.constant 4608 : i32
    %broadcast_in_dim3A_1474 = vector.broadcast %jit3A_1473 : i32 to vector<16xi32>
    %select_n3A_1475 = arith.select %and3A_1472, %sub3A_1465, %broadcast_in_dim3A_1474 : vector<16xi1>, vector<16xi32>
    %swap3A_1476 = arith.constant 0 : index
    %swap3A_1477 = tpu.vector_load %arg19[%swap3A_1476] {strides = array<i32>} : memref<128xi32, #tpu.memory_space<vmem>>, vector<16xi32>,
    %swap3A_1478 = vector.shape_cast %swap3A_1477 : vector<16xi32> to vector<16xi32>
    %swap3A_1479 = vector.shape_cast %select_n3A_1475 : vector<16xi32> to vector<16xi32>
    tpu.vector_store %arg19[%swap3A_1476], %swap3A_1479 {strides = array<i32>} : memref<128xi32, #tpu.memory_space<vmem>>, vector<16xi32>,
    %get3A_1480 = arith.constant 656 : index
    %get3A_1481 = tpu.vector_load %arg8[%get3A_1480] {strides = array<i32>} : memref<768xi32, #tpu.memory_space<vmem>>, vector<16xi32>,
    %get3A_1482 = vector.shape_cast %get3A_1481 : vector<16xi32> to vector<16xi32>
    %mul3A_1483 = arith.constant 2304 : i32
    %mul3A_1484 = vector.broadcast %mul3A_1483 : i32 to vector<16xi32>
    %mul3A_1485 = arith.muli %get3A_1482, %mul3A_1484 : vector<16xi32>
    %get3A_1486 = arith.constant 656 : index
    %get3A_1487 = tpu.vector_load %arg9[%get3A_1486] {strides = array<i32>} : memref<768xi32, #tpu.memory_space<vmem>>, vector<16xi32>,
    %get3A_1488 = vector.shape_cast %get3A_1487 : vector<16xi32> to vector<16xi32>
    %mul3A_1489 = arith.constant 48 : i32
    %mul3A_1490 = vector.broadcast %mul3A_1489 : i32 to vector<16xi32>
    %mul3A_1491 = arith.muli %get3A_1488, %mul3A_1490 : vector<16xi32>
    %add3A_1492 = arith.addi %mul3A_1485, %mul3A_1491 : vector<16xi32>
    %get3A_1493 = arith.constant 656 : index
    %get3A_1494 = tpu.vector_load %arg10[%get3A_1493] {strides = array<i32>} : memref<768xi32, #tpu.memory_space<vmem>>, vector<16xi32>,
    %get3A_1495 = vector.shape_cast %get3A_1494 : vector<16xi32> to vector<16xi32>
    %add3A_1496 = arith.addi %add3A_1492, %get3A_1495 : vector<16xi32>
    %shift_right_logical3A_1497 = arith.constant 2 : i32
    %shift_right_logical3A_1498 = vector.broadcast %shift_right_logical3A_1497 : i32 to vector<16xi32>
    %shift_right_logical3A_1499 = arith.shrui %add3A_1496, %shift_right_logical3A_1498 : vector<16xi32>
    %sub3A_1500 = vector.broadcast %mul3A_2 : i32 to vector<16xi32>
    %sub3A_1501 = arith.subi %shift_right_logical3A_1499, %sub3A_1500 : vector<16xi32>
    %ge3A_1502 = arith.constant 0 : i32
    %ge3A_1503 = vector.broadcast %ge3A_1502 : i32 to vector<16xi32>
    %ge3A_1504 = arith.cmpi sge, %sub3A_1501, %ge3A_1503 : vector<16xi32>
    %lt3A_1505 = arith.constant 4608 : i32
    %lt3A_1506 = vector.broadcast %lt3A_1505 : i32 to vector<16xi32>
    %lt3A_1507 = arith.cmpi slt, %sub3A_1501, %lt3A_1506 : vector<16xi32>
    %and3A_1508 = arith.andi %ge3A_1504, %lt3A_1507 : vector<16xi1>
    %jit3A_1509 = arith.constant 4608 : i32
    %broadcast_in_dim3A_1510 = vector.broadcast %jit3A_1509 : i32 to vector<16xi32>
    %select_n3A_1511 = arith.select %and3A_1508, %sub3A_1501, %broadcast_in_dim3A_1510 : vector<16xi1>, vector<16xi32>
    %swap3A_1512 = arith.constant 16 : index
    %swap3A_1513 = tpu.vector_load %arg19[%swap3A_1512] {strides = array<i32>} : memref<128xi32, #tpu.memory_space<vmem>>, vector<16xi32>,
    %swap3A_1514 = vector.shape_cast %swap3A_1513 : vector<16xi32> to vector<16xi32>
    %swap3A_1515 = vector.shape_cast %select_n3A_1511 : vector<16xi32> to vector<16xi32>
    tpu.vector_store %arg19[%swap3A_1512], %swap3A_1515 {strides = array<i32>} : memref<128xi32, #tpu.memory_space<vmem>>, vector<16xi32>,
    %get3A_1516 = arith.constant 672 : index
    %get3A_1517 = tpu.vector_load %arg8[%get3A_1516] {strides = array<i32>} : memref<768xi32, #tpu.memory_space<vmem>>, vector<16xi32>,
    %get3A_1518 = vector.shape_cast %get3A_1517 : vector<16xi32> to vector<16xi32>
    %mul3A_1519 = arith.constant 2304 : i32
    %mul3A_1520 = vector.broadcast %mul3A_1519 : i32 to vector<16xi32>
    %mul3A_1521 = arith.muli %get3A_1518, %mul3A_1520 : vector<16xi32>
    %get3A_1522 = arith.constant 672 : index
    %get3A_1523 = tpu.vector_load %arg9[%get3A_1522] {strides = array<i32>} : memref<768xi32, #tpu.memory_space<vmem>>, vector<16xi32>,
    %get3A_1524 = vector.shape_cast %get3A_1523 : vector<16xi32> to vector<16xi32>
    %mul3A_1525 = arith.constant 48 : i32
    %mul3A_1526 = vector.broadcast %mul3A_1525 : i32 to vector<16xi32>
    %mul3A_1527 = arith.muli %get3A_1524, %mul3A_1526 : vector<16xi32>
    %add3A_1528 = arith.addi %mul3A_1521, %mul3A_1527 : vector<16xi32>
    %get3A_1529 = arith.constant 672 : index
    %get3A_1530 = tpu.vector_load %arg10[%get3A_1529] {strides = array<i32>} : memref<768xi32, #tpu.memory_space<vmem>>, vector<16xi32>,
    %get3A_1531 = vector.shape_cast %get3A_1530 : vector<16xi32> to vector<16xi32>
    %add3A_1532 = arith.addi %add3A_1528, %get3A_1531 : vector<16xi32>
    %shift_right_logical3A_1533 = arith.constant 2 : i32
    %shift_right_logical3A_1534 = vector.broadcast %shift_right_logical3A_1533 : i32 to vector<16xi32>
    %shift_right_logical3A_1535 = arith.shrui %add3A_1532, %shift_right_logical3A_1534 : vector<16xi32>
    %sub3A_1536 = vector.broadcast %mul3A_2 : i32 to vector<16xi32>
    %sub3A_1537 = arith.subi %shift_right_logical3A_1535, %sub3A_1536 : vector<16xi32>
    %ge3A_1538 = arith.constant 0 : i32
    %ge3A_1539 = vector.broadcast %ge3A_1538 : i32 to vector<16xi32>
    %ge3A_1540 = arith.cmpi sge, %sub3A_1537, %ge3A_1539 : vector<16xi32>
    %lt3A_1541 = arith.constant 4608 : i32
    %lt3A_1542 = vector.broadcast %lt3A_1541 : i32 to vector<16xi32>
    %lt3A_1543 = arith.cmpi slt, %sub3A_1537, %lt3A_1542 : vector<16xi32>
    %and3A_1544 = arith.andi %ge3A_1540, %lt3A_1543 : vector<16xi1>
    %jit3A_1545 = arith.constant 4608 : i32
    %broadcast_in_dim3A_1546 = vector.broadcast %jit3A_1545 : i32 to vector<16xi32>
    %select_n3A_1547 = arith.select %and3A_1544, %sub3A_1537, %broadcast_in_dim3A_1546 : vector<16xi1>, vector<16xi32>
    %swap3A_1548 = arith.constant 32 : index
    %swap3A_1549 = tpu.vector_load %arg19[%swap3A_1548] {strides = array<i32>} : memref<128xi32, #tpu.memory_space<vmem>>, vector<16xi32>,
    %swap3A_1550 = vector.shape_cast %swap3A_1549 : vector<16xi32> to vector<16xi32>
    %swap3A_1551 = vector.shape_cast %select_n3A_1547 : vector<16xi32> to vector<16xi32>
    tpu.vector_store %arg19[%swap3A_1548], %swap3A_1551 {strides = array<i32>} : memref<128xi32, #tpu.memory_space<vmem>>, vector<16xi32>,
    %get3A_1552 = arith.constant 688 : index
    %get3A_1553 = tpu.vector_load %arg8[%get3A_1552] {strides = array<i32>} : memref<768xi32, #tpu.memory_space<vmem>>, vector<16xi32>,
    %get3A_1554 = vector.shape_cast %get3A_1553 : vector<16xi32> to vector<16xi32>
    %mul3A_1555 = arith.constant 2304 : i32
    %mul3A_1556 = vector.broadcast %mul3A_1555 : i32 to vector<16xi32>
    %mul3A_1557 = arith.muli %get3A_1554, %mul3A_1556 : vector<16xi32>
    %get3A_1558 = arith.constant 688 : index
    %get3A_1559 = tpu.vector_load %arg9[%get3A_1558] {strides = array<i32>} : memref<768xi32, #tpu.memory_space<vmem>>, vector<16xi32>,
    %get3A_1560 = vector.shape_cast %get3A_1559 : vector<16xi32> to vector<16xi32>
    %mul3A_1561 = arith.constant 48 : i32
    %mul3A_1562 = vector.broadcast %mul3A_1561 : i32 to vector<16xi32>
    %mul3A_1563 = arith.muli %get3A_1560, %mul3A_1562 : vector<16xi32>
    %add3A_1564 = arith.addi %mul3A_1557, %mul3A_1563 : vector<16xi32>
    %get3A_1565 = arith.constant 688 : index
    %get3A_1566 = tpu.vector_load %arg10[%get3A_1565] {strides = array<i32>} : memref<768xi32, #tpu.memory_space<vmem>>, vector<16xi32>,
    %get3A_1567 = vector.shape_cast %get3A_1566 : vector<16xi32> to vector<16xi32>
    %add3A_1568 = arith.addi %add3A_1564, %get3A_1567 : vector<16xi32>
    %shift_right_logical3A_1569 = arith.constant 2 : i32
    %shift_right_logical3A_1570 = vector.broadcast %shift_right_logical3A_1569 : i32 to vector<16xi32>
    %shift_right_logical3A_1571 = arith.shrui %add3A_1568, %shift_right_logical3A_1570 : vector<16xi32>
    %sub3A_1572 = vector.broadcast %mul3A_2 : i32 to vector<16xi32>
    %sub3A_1573 = arith.subi %shift_right_logical3A_1571, %sub3A_1572 : vector<16xi32>
    %ge3A_1574 = arith.constant 0 : i32
    %ge3A_1575 = vector.broadcast %ge3A_1574 : i32 to vector<16xi32>
    %ge3A_1576 = arith.cmpi sge, %sub3A_1573, %ge3A_1575 : vector<16xi32>
    %lt3A_1577 = arith.constant 4608 : i32
    %lt3A_1578 = vector.broadcast %lt3A_1577 : i32 to vector<16xi32>
    %lt3A_1579 = arith.cmpi slt, %sub3A_1573, %lt3A_1578 : vector<16xi32>
    %and3A_1580 = arith.andi %ge3A_1576, %lt3A_1579 : vector<16xi1>
    %jit3A_1581 = arith.constant 4608 : i32
    %broadcast_in_dim3A_1582 = vector.broadcast %jit3A_1581 : i32 to vector<16xi32>
    %select_n3A_1583 = arith.select %and3A_1580, %sub3A_1573, %broadcast_in_dim3A_1582 : vector<16xi1>, vector<16xi32>
    %swap3A_1584 = arith.constant 48 : index
    %swap3A_1585 = tpu.vector_load %arg19[%swap3A_1584] {strides = array<i32>} : memref<128xi32, #tpu.memory_space<vmem>>, vector<16xi32>,
    %swap3A_1586 = vector.shape_cast %swap3A_1585 : vector<16xi32> to vector<16xi32>
    %swap3A_1587 = vector.shape_cast %select_n3A_1583 : vector<16xi32> to vector<16xi32>
    tpu.vector_store %arg19[%swap3A_1584], %swap3A_1587 {strides = array<i32>} : memref<128xi32, #tpu.memory_space<vmem>>, vector<16xi32>,
    %get3A_1588 = arith.constant 704 : index
    %get3A_1589 = tpu.vector_load %arg8[%get3A_1588] {strides = array<i32>} : memref<768xi32, #tpu.memory_space<vmem>>, vector<16xi32>,
    %get3A_1590 = vector.shape_cast %get3A_1589 : vector<16xi32> to vector<16xi32>
    %mul3A_1591 = arith.constant 2304 : i32
    %mul3A_1592 = vector.broadcast %mul3A_1591 : i32 to vector<16xi32>
    %mul3A_1593 = arith.muli %get3A_1590, %mul3A_1592 : vector<16xi32>
    %get3A_1594 = arith.constant 704 : index
    %get3A_1595 = tpu.vector_load %arg9[%get3A_1594] {strides = array<i32>} : memref<768xi32, #tpu.memory_space<vmem>>, vector<16xi32>,
    %get3A_1596 = vector.shape_cast %get3A_1595 : vector<16xi32> to vector<16xi32>
    %mul3A_1597 = arith.constant 48 : i32
    %mul3A_1598 = vector.broadcast %mul3A_1597 : i32 to vector<16xi32>
    %mul3A_1599 = arith.muli %get3A_1596, %mul3A_1598 : vector<16xi32>
    %add3A_1600 = arith.addi %mul3A_1593, %mul3A_1599 : vector<16xi32>
    %get3A_1601 = arith.constant 704 : index
    %get3A_1602 = tpu.vector_load %arg10[%get3A_1601] {strides = array<i32>} : memref<768xi32, #tpu.memory_space<vmem>>, vector<16xi32>,
    %get3A_1603 = vector.shape_cast %get3A_1602 : vector<16xi32> to vector<16xi32>
    %add3A_1604 = arith.addi %add3A_1600, %get3A_1603 : vector<16xi32>
    %shift_right_logical3A_1605 = arith.constant 2 : i32
    %shift_right_logical3A_1606 = vector.broadcast %shift_right_logical3A_1605 : i32 to vector<16xi32>
    %shift_right_logical3A_1607 = arith.shrui %add3A_1604, %shift_right_logical3A_1606 : vector<16xi32>
    %sub3A_1608 = vector.broadcast %mul3A_2 : i32 to vector<16xi32>
    %sub3A_1609 = arith.subi %shift_right_logical3A_1607, %sub3A_1608 : vector<16xi32>
    %ge3A_1610 = arith.constant 0 : i32
    %ge3A_1611 = vector.broadcast %ge3A_1610 : i32 to vector<16xi32>
    %ge3A_1612 = arith.cmpi sge, %sub3A_1609, %ge3A_1611 : vector<16xi32>
    %lt3A_1613 = arith.constant 4608 : i32
    %lt3A_1614 = vector.broadcast %lt3A_1613 : i32 to vector<16xi32>
    %lt3A_1615 = arith.cmpi slt, %sub3A_1609, %lt3A_1614 : vector<16xi32>
    %and3A_1616 = arith.andi %ge3A_1612, %lt3A_1615 : vector<16xi1>
    %jit3A_1617 = arith.constant 4608 : i32
    %broadcast_in_dim3A_1618 = vector.broadcast %jit3A_1617 : i32 to vector<16xi32>
    %select_n3A_1619 = arith.select %and3A_1616, %sub3A_1609, %broadcast_in_dim3A_1618 : vector<16xi1>, vector<16xi32>
    %swap3A_1620 = arith.constant 64 : index
    %swap3A_1621 = tpu.vector_load %arg19[%swap3A_1620] {strides = array<i32>} : memref<128xi32, #tpu.memory_space<vmem>>, vector<16xi32>,
    %swap3A_1622 = vector.shape_cast %swap3A_1621 : vector<16xi32> to vector<16xi32>
    %swap3A_1623 = vector.shape_cast %select_n3A_1619 : vector<16xi32> to vector<16xi32>
    tpu.vector_store %arg19[%swap3A_1620], %swap3A_1623 {strides = array<i32>} : memref<128xi32, #tpu.memory_space<vmem>>, vector<16xi32>,
    %get3A_1624 = arith.constant 720 : index
    %get3A_1625 = tpu.vector_load %arg8[%get3A_1624] {strides = array<i32>} : memref<768xi32, #tpu.memory_space<vmem>>, vector<16xi32>,
    %get3A_1626 = vector.shape_cast %get3A_1625 : vector<16xi32> to vector<16xi32>
    %mul3A_1627 = arith.constant 2304 : i32
    %mul3A_1628 = vector.broadcast %mul3A_1627 : i32 to vector<16xi32>
    %mul3A_1629 = arith.muli %get3A_1626, %mul3A_1628 : vector<16xi32>
    %get3A_1630 = arith.constant 720 : index
    %get3A_1631 = tpu.vector_load %arg9[%get3A_1630] {strides = array<i32>} : memref<768xi32, #tpu.memory_space<vmem>>, vector<16xi32>,
    %get3A_1632 = vector.shape_cast %get3A_1631 : vector<16xi32> to vector<16xi32>
    %mul3A_1633 = arith.constant 48 : i32
    %mul3A_1634 = vector.broadcast %mul3A_1633 : i32 to vector<16xi32>
    %mul3A_1635 = arith.muli %get3A_1632, %mul3A_1634 : vector<16xi32>
    %add3A_1636 = arith.addi %mul3A_1629, %mul3A_1635 : vector<16xi32>
    %get3A_1637 = arith.constant 720 : index
    %get3A_1638 = tpu.vector_load %arg10[%get3A_1637] {strides = array<i32>} : memref<768xi32, #tpu.memory_space<vmem>>, vector<16xi32>,
    %get3A_1639 = vector.shape_cast %get3A_1638 : vector<16xi32> to vector<16xi32>
    %add3A_1640 = arith.addi %add3A_1636, %get3A_1639 : vector<16xi32>
    %shift_right_logical3A_1641 = arith.constant 2 : i32
    %shift_right_logical3A_1642 = vector.broadcast %shift_right_logical3A_1641 : i32 to vector<16xi32>
    %shift_right_logical3A_1643 = arith.shrui %add3A_1640, %shift_right_logical3A_1642 : vector<16xi32>
    %sub3A_1644 = vector.broadcast %mul3A_2 : i32 to vector<16xi32>
    %sub3A_1645 = arith.subi %shift_right_logical3A_1643, %sub3A_1644 : vector<16xi32>
    %ge3A_1646 = arith.constant 0 : i32
    %ge3A_1647 = vector.broadcast %ge3A_1646 : i32 to vector<16xi32>
    %ge3A_1648 = arith.cmpi sge, %sub3A_1645, %ge3A_1647 : vector<16xi32>
    %lt3A_1649 = arith.constant 4608 : i32
    %lt3A_1650 = vector.broadcast %lt3A_1649 : i32 to vector<16xi32>
    %lt3A_1651 = arith.cmpi slt, %sub3A_1645, %lt3A_1650 : vector<16xi32>
    %and3A_1652 = arith.andi %ge3A_1648, %lt3A_1651 : vector<16xi1>
    %jit3A_1653 = arith.constant 4608 : i32
    %broadcast_in_dim3A_1654 = vector.broadcast %jit3A_1653 : i32 to vector<16xi32>
    %select_n3A_1655 = arith.select %and3A_1652, %sub3A_1645, %broadcast_in_dim3A_1654 : vector<16xi1>, vector<16xi32>
    %swap3A_1656 = arith.constant 80 : index
    %swap3A_1657 = tpu.vector_load %arg19[%swap3A_1656] {strides = array<i32>} : memref<128xi32, #tpu.memory_space<vmem>>, vector<16xi32>,
    %swap3A_1658 = vector.shape_cast %swap3A_1657 : vector<16xi32> to vector<16xi32>
    %swap3A_1659 = vector.shape_cast %select_n3A_1655 : vector<16xi32> to vector<16xi32>
    tpu.vector_store %arg19[%swap3A_1656], %swap3A_1659 {strides = array<i32>} : memref<128xi32, #tpu.memory_space<vmem>>, vector<16xi32>,
    %get3A_1660 = arith.constant 736 : index
    %get3A_1661 = tpu.vector_load %arg8[%get3A_1660] {strides = array<i32>} : memref<768xi32, #tpu.memory_space<vmem>>, vector<16xi32>,
    %get3A_1662 = vector.shape_cast %get3A_1661 : vector<16xi32> to vector<16xi32>
    %mul3A_1663 = arith.constant 2304 : i32
    %mul3A_1664 = vector.broadcast %mul3A_1663 : i32 to vector<16xi32>
    %mul3A_1665 = arith.muli %get3A_1662, %mul3A_1664 : vector<16xi32>
    %get3A_1666 = arith.constant 736 : index
    %get3A_1667 = tpu.vector_load %arg9[%get3A_1666] {strides = array<i32>} : memref<768xi32, #tpu.memory_space<vmem>>, vector<16xi32>,
    %get3A_1668 = vector.shape_cast %get3A_1667 : vector<16xi32> to vector<16xi32>
    %mul3A_1669 = arith.constant 48 : i32
    %mul3A_1670 = vector.broadcast %mul3A_1669 : i32 to vector<16xi32>
    %mul3A_1671 = arith.muli %get3A_1668, %mul3A_1670 : vector<16xi32>
    %add3A_1672 = arith.addi %mul3A_1665, %mul3A_1671 : vector<16xi32>
    %get3A_1673 = arith.constant 736 : index
    %get3A_1674 = tpu.vector_load %arg10[%get3A_1673] {strides = array<i32>} : memref<768xi32, #tpu.memory_space<vmem>>, vector<16xi32>,
    %get3A_1675 = vector.shape_cast %get3A_1674 : vector<16xi32> to vector<16xi32>
    %add3A_1676 = arith.addi %add3A_1672, %get3A_1675 : vector<16xi32>
    %shift_right_logical3A_1677 = arith.constant 2 : i32
    %shift_right_logical3A_1678 = vector.broadcast %shift_right_logical3A_1677 : i32 to vector<16xi32>
    %shift_right_logical3A_1679 = arith.shrui %add3A_1676, %shift_right_logical3A_1678 : vector<16xi32>
    %sub3A_1680 = vector.broadcast %mul3A_2 : i32 to vector<16xi32>
    %sub3A_1681 = arith.subi %shift_right_logical3A_1679, %sub3A_1680 : vector<16xi32>
    %ge3A_1682 = arith.constant 0 : i32
    %ge3A_1683 = vector.broadcast %ge3A_1682 : i32 to vector<16xi32>
    %ge3A_1684 = arith.cmpi sge, %sub3A_1681, %ge3A_1683 : vector<16xi32>
    %lt3A_1685 = arith.constant 4608 : i32
    %lt3A_1686 = vector.broadcast %lt3A_1685 : i32 to vector<16xi32>
    %lt3A_1687 = arith.cmpi slt, %sub3A_1681, %lt3A_1686 : vector<16xi32>
    %and3A_1688 = arith.andi %ge3A_1684, %lt3A_1687 : vector<16xi1>
    %jit3A_1689 = arith.constant 4608 : i32
    %broadcast_in_dim3A_1690 = vector.broadcast %jit3A_1689 : i32 to vector<16xi32>
    %select_n3A_1691 = arith.select %and3A_1688, %sub3A_1681, %broadcast_in_dim3A_1690 : vector<16xi1>, vector<16xi32>
    %swap3A_1692 = arith.constant 96 : index
    %swap3A_1693 = tpu.vector_load %arg19[%swap3A_1692] {strides = array<i32>} : memref<128xi32, #tpu.memory_space<vmem>>, vector<16xi32>,
    %swap3A_1694 = vector.shape_cast %swap3A_1693 : vector<16xi32> to vector<16xi32>
    %swap3A_1695 = vector.shape_cast %select_n3A_1691 : vector<16xi32> to vector<16xi32>
    tpu.vector_store %arg19[%swap3A_1692], %swap3A_1695 {strides = array<i32>} : memref<128xi32, #tpu.memory_space<vmem>>, vector<16xi32>,
    %get3A_1696 = arith.constant 752 : index
    %get3A_1697 = tpu.vector_load %arg8[%get3A_1696] {strides = array<i32>} : memref<768xi32, #tpu.memory_space<vmem>>, vector<16xi32>,
    %get3A_1698 = vector.shape_cast %get3A_1697 : vector<16xi32> to vector<16xi32>
    %mul3A_1699 = arith.constant 2304 : i32
    %mul3A_1700 = vector.broadcast %mul3A_1699 : i32 to vector<16xi32>
    %mul3A_1701 = arith.muli %get3A_1698, %mul3A_1700 : vector<16xi32>
    %get3A_1702 = arith.constant 752 : index
    %get3A_1703 = tpu.vector_load %arg9[%get3A_1702] {strides = array<i32>} : memref<768xi32, #tpu.memory_space<vmem>>, vector<16xi32>,
    %get3A_1704 = vector.shape_cast %get3A_1703 : vector<16xi32> to vector<16xi32>
    %mul3A_1705 = arith.constant 48 : i32
    %mul3A_1706 = vector.broadcast %mul3A_1705 : i32 to vector<16xi32>
    %mul3A_1707 = arith.muli %get3A_1704, %mul3A_1706 : vector<16xi32>
    %add3A_1708 = arith.addi %mul3A_1701, %mul3A_1707 : vector<16xi32>
    %get3A_1709 = arith.constant 752 : index
    %get3A_1710 = tpu.vector_load %arg10[%get3A_1709] {strides = array<i32>} : memref<768xi32, #tpu.memory_space<vmem>>, vector<16xi32>,
    %get3A_1711 = vector.shape_cast %get3A_1710 : vector<16xi32> to vector<16xi32>
    %add3A_1712 = arith.addi %add3A_1708, %get3A_1711 : vector<16xi32>
    %shift_right_logical3A_1713 = arith.constant 2 : i32
    %shift_right_logical3A_1714 = vector.broadcast %shift_right_logical3A_1713 : i32 to vector<16xi32>
    %shift_right_logical3A_1715 = arith.shrui %add3A_1712, %shift_right_logical3A_1714 : vector<16xi32>
    %sub3A_1716 = vector.broadcast %mul3A_2 : i32 to vector<16xi32>
    %sub3A_1717 = arith.subi %shift_right_logical3A_1715, %sub3A_1716 : vector<16xi32>
    %ge3A_1718 = arith.constant 0 : i32
    %ge3A_1719 = vector.broadcast %ge3A_1718 : i32 to vector<16xi32>
    %ge3A_1720 = arith.cmpi sge, %sub3A_1717, %ge3A_1719 : vector<16xi32>
    %lt3A_1721 = arith.constant 4608 : i32
    %lt3A_1722 = vector.broadcast %lt3A_1721 : i32 to vector<16xi32>
    %lt3A_1723 = arith.cmpi slt, %sub3A_1717, %lt3A_1722 : vector<16xi32>
    %and3A_1724 = arith.andi %ge3A_1720, %lt3A_1723 : vector<16xi1>
    %jit3A_1725 = arith.constant 4608 : i32
    %broadcast_in_dim3A_1726 = vector.broadcast %jit3A_1725 : i32 to vector<16xi32>
    %select_n3A_1727 = arith.select %and3A_1724, %sub3A_1717, %broadcast_in_dim3A_1726 : vector<16xi1>, vector<16xi32>
    %swap3A_1728 = arith.constant 112 : index
    %swap3A_1729 = tpu.vector_load %arg19[%swap3A_1728] {strides = array<i32>} : memref<128xi32, #tpu.memory_space<vmem>>, vector<16xi32>,
    %swap3A_1730 = vector.shape_cast %swap3A_1729 : vector<16xi32> to vector<16xi32>
    %swap3A_1731 = vector.shape_cast %select_n3A_1727 : vector<16xi32> to vector<16xi32>
    tpu.vector_store %arg19[%swap3A_1728], %swap3A_1731 {strides = array<i32>} : memref<128xi32, #tpu.memory_space<vmem>>, vector<16xi32>,
    %barrier3A = arith.constant 0 : index
    tpu.barrier barrier_id(%barrier3A)
    %add3A_1732 = arith.constant 0 : i32
    %add3A_1733 = arith.addi %mul3A_0, %add3A_1732 : i32
    "tpu.region"() ({
      %run_scoped3A = tpu.sem_alloc : memref<!tpu.dma_semaphore, #tpu.memory_space<semaphore_mem>>
      %dma_start3A = arith.constant 0 : i32
      %dma_start3A_1760 = tpu.memref_slice %arg2[%add3A_1733, %dma_start3A] : memref<12288x128xf32, #tpu.memory_space<hbm>> -> memref<128x128xf32, #tpu.memory_space<hbm>>
      %dma_start3A_1761 = arith.constant 0 : i32
      %dma_start3A_1762 = tpu.memref_slice %arg2[%add3A_1733, %dma_start3A_1761] : memref<12288x128xf32, #tpu.memory_space<hbm>> -> memref<128x128xf32, #tpu.memory_space<hbm>>
      tpu.enqueue_dma source(%dma_start3A_1762 : memref<128x128xf32, #tpu.memory_space<hbm>>) target(%arg11 : memref<128x128xf32, #tpu.memory_space<vmem>>) target_semaphore(%run_scoped3A : memref<!tpu.dma_semaphore, #tpu.memory_space<semaphore_mem>>)
      %dma_wait3A = arith.constant 0 : i32
      %dma_wait3A_1763 = tpu.memref_slice %arg2[%add3A_1733, %dma_wait3A] : memref<12288x128xf32, #tpu.memory_space<hbm>> -> memref<128x128xf32, #tpu.memory_space<hbm>>
      %dma_wait3A_1764 = arith.constant 0 : i32
      %dma_wait3A_1765 = tpu.memref_slice %arg2[%add3A_1733, %dma_wait3A_1764] : memref<12288x128xf32, #tpu.memory_space<hbm>> -> memref<128x128xf32, #tpu.memory_space<hbm>>
      tpu.wait_dma2 semaphore(%run_scoped3A : memref<!tpu.dma_semaphore, #tpu.memory_space<semaphore_mem>>) src(%dma_wait3A_1765 : memref<128x128xf32, #tpu.memory_space<hbm>>) dst(%arg11 : memref<128x128xf32, #tpu.memory_space<vmem>>)
      tpu.yield
    }) : () -> ()
    "tpu.region"() ({
      %run_scoped3A = tpu.sem_alloc : memref<!tpu.dma_semaphore, #tpu.memory_space<semaphore_mem>>
      %dma_start3A = arith.constant 0 : i32
      %dma_start3A_1760 = arith.constant 0 : i32
      %dma_start3A_1761 = tpu.memref_slice %arg21[%dma_start3A, %dma_start3A_1760] : memref<4616x128xf32, #tpu.memory_space<vmem_shared>> -> memref<4616x128xf32, #tpu.memory_space<vmem_shared>>
      tpu.enqueue_indirect_dma source(%arg11 : memref<128x128xf32, #tpu.memory_space<vmem>>) target(%dma_start3A_1761 : memref<4616x128xf32, #tpu.memory_space<vmem_shared>>) offsets(%arg14 : memref<128xi32, #tpu.memory_space<vmem>>) semaphore(%run_scoped3A : memref<!tpu.dma_semaphore, #tpu.memory_space<semaphore_mem>>) {add = true}
      %dma_wait3A = arith.constant 0 : i32
      %dma_wait3A_1762 = arith.constant 0 : i32
      %dma_wait3A_1763 = tpu.memref_slice %arg21[%dma_wait3A, %dma_wait3A_1762] : memref<4616x128xf32, #tpu.memory_space<vmem_shared>> -> memref<4616x128xf32, #tpu.memory_space<vmem_shared>>
      tpu.wait_indirect_dma semaphore(%run_scoped3A : memref<!tpu.dma_semaphore, #tpu.memory_space<semaphore_mem>>) src(%arg11 : memref<128x128xf32, #tpu.memory_space<vmem>>) dst(%dma_wait3A_1763 : memref<4616x128xf32, #tpu.memory_space<vmem_shared>>)
      tpu.yield
    }) : () -> ()
    %add3A_1734 = arith.constant 128 : i32
    %add3A_1735 = arith.addi %mul3A_0, %add3A_1734 : i32
    "tpu.region"() ({
      %run_scoped3A = tpu.sem_alloc : memref<!tpu.dma_semaphore, #tpu.memory_space<semaphore_mem>>
      %dma_start3A = arith.constant 0 : i32
      %dma_start3A_1760 = tpu.memref_slice %arg2[%add3A_1735, %dma_start3A] : memref<12288x128xf32, #tpu.memory_space<hbm>> -> memref<128x128xf32, #tpu.memory_space<hbm>>
      %dma_start3A_1761 = arith.constant 0 : i32
      %dma_start3A_1762 = tpu.memref_slice %arg2[%add3A_1735, %dma_start3A_1761] : memref<12288x128xf32, #tpu.memory_space<hbm>> -> memref<128x128xf32, #tpu.memory_space<hbm>>
      tpu.enqueue_dma source(%dma_start3A_1762 : memref<128x128xf32, #tpu.memory_space<hbm>>) target(%arg12 : memref<128x128xf32, #tpu.memory_space<vmem>>) target_semaphore(%run_scoped3A : memref<!tpu.dma_semaphore, #tpu.memory_space<semaphore_mem>>)
      %dma_wait3A = arith.constant 0 : i32
      %dma_wait3A_1763 = tpu.memref_slice %arg2[%add3A_1735, %dma_wait3A] : memref<12288x128xf32, #tpu.memory_space<hbm>> -> memref<128x128xf32, #tpu.memory_space<hbm>>
      %dma_wait3A_1764 = arith.constant 0 : i32
      %dma_wait3A_1765 = tpu.memref_slice %arg2[%add3A_1735, %dma_wait3A_1764] : memref<12288x128xf32, #tpu.memory_space<hbm>> -> memref<128x128xf32, #tpu.memory_space<hbm>>
      tpu.wait_dma2 semaphore(%run_scoped3A : memref<!tpu.dma_semaphore, #tpu.memory_space<semaphore_mem>>) src(%dma_wait3A_1765 : memref<128x128xf32, #tpu.memory_space<hbm>>) dst(%arg12 : memref<128x128xf32, #tpu.memory_space<vmem>>)
      tpu.yield
    }) : () -> ()
    "tpu.region"() ({
      %run_scoped3A = tpu.sem_alloc : memref<!tpu.dma_semaphore, #tpu.memory_space<semaphore_mem>>
      %dma_start3A = arith.constant 0 : i32
      %dma_start3A_1760 = arith.constant 0 : i32
      %dma_start3A_1761 = tpu.memref_slice %arg21[%dma_start3A, %dma_start3A_1760] : memref<4616x128xf32, #tpu.memory_space<vmem_shared>> -> memref<4616x128xf32, #tpu.memory_space<vmem_shared>>
      tpu.enqueue_indirect_dma source(%arg12 : memref<128x128xf32, #tpu.memory_space<vmem>>) target(%dma_start3A_1761 : memref<4616x128xf32, #tpu.memory_space<vmem_shared>>) offsets(%arg15 : memref<128xi32, #tpu.memory_space<vmem>>) semaphore(%run_scoped3A : memref<!tpu.dma_semaphore, #tpu.memory_space<semaphore_mem>>) {add = true}
      %dma_wait3A = arith.constant 0 : i32
      %dma_wait3A_1762 = arith.constant 0 : i32
      %dma_wait3A_1763 = tpu.memref_slice %arg21[%dma_wait3A, %dma_wait3A_1762] : memref<4616x128xf32, #tpu.memory_space<vmem_shared>> -> memref<4616x128xf32, #tpu.memory_space<vmem_shared>>
      tpu.wait_indirect_dma semaphore(%run_scoped3A : memref<!tpu.dma_semaphore, #tpu.memory_space<semaphore_mem>>) src(%arg12 : memref<128x128xf32, #tpu.memory_space<vmem>>) dst(%dma_wait3A_1763 : memref<4616x128xf32, #tpu.memory_space<vmem_shared>>)
      tpu.yield
    }) : () -> ()
    %add3A_1736 = arith.constant 256 : i32
    %add3A_1737 = arith.addi %mul3A_0, %add3A_1736 : i32
    "tpu.region"() ({
      %run_scoped3A = tpu.sem_alloc : memref<!tpu.dma_semaphore, #tpu.memory_space<semaphore_mem>>
      %dma_start3A = arith.constant 0 : i32
      %dma_start3A_1760 = tpu.memref_slice %arg2[%add3A_1737, %dma_start3A] : memref<12288x128xf32, #tpu.memory_space<hbm>> -> memref<128x128xf32, #tpu.memory_space<hbm>>
      %dma_start3A_1761 = arith.constant 0 : i32
      %dma_start3A_1762 = tpu.memref_slice %arg2[%add3A_1737, %dma_start3A_1761] : memref<12288x128xf32, #tpu.memory_space<hbm>> -> memref<128x128xf32, #tpu.memory_space<hbm>>
      tpu.enqueue_dma source(%dma_start3A_1762 : memref<128x128xf32, #tpu.memory_space<hbm>>) target(%arg13 : memref<128x128xf32, #tpu.memory_space<vmem>>) target_semaphore(%run_scoped3A : memref<!tpu.dma_semaphore, #tpu.memory_space<semaphore_mem>>)
      %dma_wait3A = arith.constant 0 : i32
      %dma_wait3A_1763 = tpu.memref_slice %arg2[%add3A_1737, %dma_wait3A] : memref<12288x128xf32, #tpu.memory_space<hbm>> -> memref<128x128xf32, #tpu.memory_space<hbm>>
      %dma_wait3A_1764 = arith.constant 0 : i32
      %dma_wait3A_1765 = tpu.memref_slice %arg2[%add3A_1737, %dma_wait3A_1764] : memref<12288x128xf32, #tpu.memory_space<hbm>> -> memref<128x128xf32, #tpu.memory_space<hbm>>
      tpu.wait_dma2 semaphore(%run_scoped3A : memref<!tpu.dma_semaphore, #tpu.memory_space<semaphore_mem>>) src(%dma_wait3A_1765 : memref<128x128xf32, #tpu.memory_space<hbm>>) dst(%arg13 : memref<128x128xf32, #tpu.memory_space<vmem>>)
      tpu.yield
    }) : () -> ()
    "tpu.region"() ({
      %run_scoped3A = tpu.sem_alloc : memref<!tpu.dma_semaphore, #tpu.memory_space<semaphore_mem>>
      %dma_start3A = arith.constant 0 : i32
      %dma_start3A_1760 = arith.constant 0 : i32
      %dma_start3A_1761 = tpu.memref_slice %arg21[%dma_start3A, %dma_start3A_1760] : memref<4616x128xf32, #tpu.memory_space<vmem_shared>> -> memref<4616x128xf32, #tpu.memory_space<vmem_shared>>
      tpu.enqueue_indirect_dma source(%arg13 : memref<128x128xf32, #tpu.memory_space<vmem>>) target(%dma_start3A_1761 : memref<4616x128xf32, #tpu.memory_space<vmem_shared>>) offsets(%arg16 : memref<128xi32, #tpu.memory_space<vmem>>) semaphore(%run_scoped3A : memref<!tpu.dma_semaphore, #tpu.memory_space<semaphore_mem>>) {add = true}
      %dma_wait3A = arith.constant 0 : i32
      %dma_wait3A_1762 = arith.constant 0 : i32
      %dma_wait3A_1763 = tpu.memref_slice %arg21[%dma_wait3A, %dma_wait3A_1762] : memref<4616x128xf32, #tpu.memory_space<vmem_shared>> -> memref<4616x128xf32, #tpu.memory_space<vmem_shared>>
      tpu.wait_indirect_dma semaphore(%run_scoped3A : memref<!tpu.dma_semaphore, #tpu.memory_space<semaphore_mem>>) src(%arg13 : memref<128x128xf32, #tpu.memory_space<vmem>>) dst(%dma_wait3A_1763 : memref<4616x128xf32, #tpu.memory_space<vmem_shared>>)
      tpu.yield
    }) : () -> ()
    %add3A_1738 = arith.constant 384 : i32
    %add3A_1739 = arith.addi %mul3A_0, %add3A_1738 : i32
    "tpu.region"() ({
      %run_scoped3A = tpu.sem_alloc : memref<!tpu.dma_semaphore, #tpu.memory_space<semaphore_mem>>
      %dma_start3A = arith.constant 0 : i32
      %dma_start3A_1760 = tpu.memref_slice %arg2[%add3A_1739, %dma_start3A] : memref<12288x128xf32, #tpu.memory_space<hbm>> -> memref<128x128xf32, #tpu.memory_space<hbm>>
      %dma_start3A_1761 = arith.constant 0 : i32
      %dma_start3A_1762 = tpu.memref_slice %arg2[%add3A_1739, %dma_start3A_1761] : memref<12288x128xf32, #tpu.memory_space<hbm>> -> memref<128x128xf32, #tpu.memory_space<hbm>>
      tpu.enqueue_dma source(%dma_start3A_1762 : memref<128x128xf32, #tpu.memory_space<hbm>>) target(%arg11 : memref<128x128xf32, #tpu.memory_space<vmem>>) target_semaphore(%run_scoped3A : memref<!tpu.dma_semaphore, #tpu.memory_space<semaphore_mem>>)
      %dma_wait3A = arith.constant 0 : i32
      %dma_wait3A_1763 = tpu.memref_slice %arg2[%add3A_1739, %dma_wait3A] : memref<12288x128xf32, #tpu.memory_space<hbm>> -> memref<128x128xf32, #tpu.memory_space<hbm>>
      %dma_wait3A_1764 = arith.constant 0 : i32
      %dma_wait3A_1765 = tpu.memref_slice %arg2[%add3A_1739, %dma_wait3A_1764] : memref<12288x128xf32, #tpu.memory_space<hbm>> -> memref<128x128xf32, #tpu.memory_space<hbm>>
      tpu.wait_dma2 semaphore(%run_scoped3A : memref<!tpu.dma_semaphore, #tpu.memory_space<semaphore_mem>>) src(%dma_wait3A_1765 : memref<128x128xf32, #tpu.memory_space<hbm>>) dst(%arg11 : memref<128x128xf32, #tpu.memory_space<vmem>>)
      tpu.yield
    }) : () -> ()
    "tpu.region"() ({
      %run_scoped3A = tpu.sem_alloc : memref<!tpu.dma_semaphore, #tpu.memory_space<semaphore_mem>>
      %dma_start3A = arith.constant 0 : i32
      %dma_start3A_1760 = arith.constant 0 : i32
      %dma_start3A_1761 = tpu.memref_slice %arg21[%dma_start3A, %dma_start3A_1760] : memref<4616x128xf32, #tpu.memory_space<vmem_shared>> -> memref<4616x128xf32, #tpu.memory_space<vmem_shared>>
      tpu.enqueue_indirect_dma source(%arg11 : memref<128x128xf32, #tpu.memory_space<vmem>>) target(%dma_start3A_1761 : memref<4616x128xf32, #tpu.memory_space<vmem_shared>>) offsets(%arg17 : memref<128xi32, #tpu.memory_space<vmem>>) semaphore(%run_scoped3A : memref<!tpu.dma_semaphore, #tpu.memory_space<semaphore_mem>>) {add = true}
      %dma_wait3A = arith.constant 0 : i32
      %dma_wait3A_1762 = arith.constant 0 : i32
      %dma_wait3A_1763 = tpu.memref_slice %arg21[%dma_wait3A, %dma_wait3A_1762] : memref<4616x128xf32, #tpu.memory_space<vmem_shared>> -> memref<4616x128xf32, #tpu.memory_space<vmem_shared>>
      tpu.wait_indirect_dma semaphore(%run_scoped3A : memref<!tpu.dma_semaphore, #tpu.memory_space<semaphore_mem>>) src(%arg11 : memref<128x128xf32, #tpu.memory_space<vmem>>) dst(%dma_wait3A_1763 : memref<4616x128xf32, #tpu.memory_space<vmem_shared>>)
      tpu.yield
    }) : () -> ()
    %add3A_1740 = arith.constant 512 : i32
    %add3A_1741 = arith.addi %mul3A_0, %add3A_1740 : i32
    "tpu.region"() ({
      %run_scoped3A = tpu.sem_alloc : memref<!tpu.dma_semaphore, #tpu.memory_space<semaphore_mem>>
      %dma_start3A = arith.constant 0 : i32
      %dma_start3A_1760 = tpu.memref_slice %arg2[%add3A_1741, %dma_start3A] : memref<12288x128xf32, #tpu.memory_space<hbm>> -> memref<128x128xf32, #tpu.memory_space<hbm>>
      %dma_start3A_1761 = arith.constant 0 : i32
      %dma_start3A_1762 = tpu.memref_slice %arg2[%add3A_1741, %dma_start3A_1761] : memref<12288x128xf32, #tpu.memory_space<hbm>> -> memref<128x128xf32, #tpu.memory_space<hbm>>
      tpu.enqueue_dma source(%dma_start3A_1762 : memref<128x128xf32, #tpu.memory_space<hbm>>) target(%arg12 : memref<128x128xf32, #tpu.memory_space<vmem>>) target_semaphore(%run_scoped3A : memref<!tpu.dma_semaphore, #tpu.memory_space<semaphore_mem>>)
      %dma_wait3A = arith.constant 0 : i32
      %dma_wait3A_1763 = tpu.memref_slice %arg2[%add3A_1741, %dma_wait3A] : memref<12288x128xf32, #tpu.memory_space<hbm>> -> memref<128x128xf32, #tpu.memory_space<hbm>>
      %dma_wait3A_1764 = arith.constant 0 : i32
      %dma_wait3A_1765 = tpu.memref_slice %arg2[%add3A_1741, %dma_wait3A_1764] : memref<12288x128xf32, #tpu.memory_space<hbm>> -> memref<128x128xf32, #tpu.memory_space<hbm>>
      tpu.wait_dma2 semaphore(%run_scoped3A : memref<!tpu.dma_semaphore, #tpu.memory_space<semaphore_mem>>) src(%dma_wait3A_1765 : memref<128x128xf32, #tpu.memory_space<hbm>>) dst(%arg12 : memref<128x128xf32, #tpu.memory_space<vmem>>)
      tpu.yield
    }) : () -> ()
    "tpu.region"() ({
      %run_scoped3A = tpu.sem_alloc : memref<!tpu.dma_semaphore, #tpu.memory_space<semaphore_mem>>
      %dma_start3A = arith.constant 0 : i32
      %dma_start3A_1760 = arith.constant 0 : i32
      %dma_start3A_1761 = tpu.memref_slice %arg21[%dma_start3A, %dma_start3A_1760] : memref<4616x128xf32, #tpu.memory_space<vmem_shared>> -> memref<4616x128xf32, #tpu.memory_space<vmem_shared>>
      tpu.enqueue_indirect_dma source(%arg12 : memref<128x128xf32, #tpu.memory_space<vmem>>) target(%dma_start3A_1761 : memref<4616x128xf32, #tpu.memory_space<vmem_shared>>) offsets(%arg18 : memref<128xi32, #tpu.memory_space<vmem>>) semaphore(%run_scoped3A : memref<!tpu.dma_semaphore, #tpu.memory_space<semaphore_mem>>) {add = true}
      %dma_wait3A = arith.constant 0 : i32
      %dma_wait3A_1762 = arith.constant 0 : i32
      %dma_wait3A_1763 = tpu.memref_slice %arg21[%dma_wait3A, %dma_wait3A_1762] : memref<4616x128xf32, #tpu.memory_space<vmem_shared>> -> memref<4616x128xf32, #tpu.memory_space<vmem_shared>>
      tpu.wait_indirect_dma semaphore(%run_scoped3A : memref<!tpu.dma_semaphore, #tpu.memory_space<semaphore_mem>>) src(%arg12 : memref<128x128xf32, #tpu.memory_space<vmem>>) dst(%dma_wait3A_1763 : memref<4616x128xf32, #tpu.memory_space<vmem_shared>>)
      tpu.yield
    }) : () -> ()
    %add3A_1742 = arith.constant 640 : i32
    %add3A_1743 = arith.addi %mul3A_0, %add3A_1742 : i32
    "tpu.region"() ({
      %run_scoped3A = tpu.sem_alloc : memref<!tpu.dma_semaphore, #tpu.memory_space<semaphore_mem>>
      %dma_start3A = arith.constant 0 : i32
      %dma_start3A_1760 = tpu.memref_slice %arg2[%add3A_1743, %dma_start3A] : memref<12288x128xf32, #tpu.memory_space<hbm>> -> memref<128x128xf32, #tpu.memory_space<hbm>>
      %dma_start3A_1761 = arith.constant 0 : i32
      %dma_start3A_1762 = tpu.memref_slice %arg2[%add3A_1743, %dma_start3A_1761] : memref<12288x128xf32, #tpu.memory_space<hbm>> -> memref<128x128xf32, #tpu.memory_space<hbm>>
      tpu.enqueue_dma source(%dma_start3A_1762 : memref<128x128xf32, #tpu.memory_space<hbm>>) target(%arg13 : memref<128x128xf32, #tpu.memory_space<vmem>>) target_semaphore(%run_scoped3A : memref<!tpu.dma_semaphore, #tpu.memory_space<semaphore_mem>>)
      %dma_wait3A = arith.constant 0 : i32
      %dma_wait3A_1763 = tpu.memref_slice %arg2[%add3A_1743, %dma_wait3A] : memref<12288x128xf32, #tpu.memory_space<hbm>> -> memref<128x128xf32, #tpu.memory_space<hbm>>
      %dma_wait3A_1764 = arith.constant 0 : i32
      %dma_wait3A_1765 = tpu.memref_slice %arg2[%add3A_1743, %dma_wait3A_1764] : memref<12288x128xf32, #tpu.memory_space<hbm>> -> memref<128x128xf32, #tpu.memory_space<hbm>>
      tpu.wait_dma2 semaphore(%run_scoped3A : memref<!tpu.dma_semaphore, #tpu.memory_space<semaphore_mem>>) src(%dma_wait3A_1765 : memref<128x128xf32, #tpu.memory_space<hbm>>) dst(%arg13 : memref<128x128xf32, #tpu.memory_space<vmem>>)
      tpu.yield
    }) : () -> ()
    "tpu.region"() ({
      %run_scoped3A = tpu.sem_alloc : memref<!tpu.dma_semaphore, #tpu.memory_space<semaphore_mem>>
      %dma_start3A = arith.constant 0 : i32
      %dma_start3A_1760 = arith.constant 0 : i32
      %dma_start3A_1761 = tpu.memref_slice %arg21[%dma_start3A, %dma_start3A_1760] : memref<4616x128xf32, #tpu.memory_space<vmem_shared>> -> memref<4616x128xf32, #tpu.memory_space<vmem_shared>>
      tpu.enqueue_indirect_dma source(%arg13 : memref<128x128xf32, #tpu.memory_space<vmem>>) target(%dma_start3A_1761 : memref<4616x128xf32, #tpu.memory_space<vmem_shared>>) offsets(%arg19 : memref<128xi32, #tpu.memory_space<vmem>>) semaphore(%run_scoped3A : memref<!tpu.dma_semaphore, #tpu.memory_space<semaphore_mem>>) {add = true}
      %dma_wait3A = arith.constant 0 : i32
      %dma_wait3A_1762 = arith.constant 0 : i32
      %dma_wait3A_1763 = tpu.memref_slice %arg21[%dma_wait3A, %dma_wait3A_1762] : memref<4616x128xf32, #tpu.memory_space<vmem_shared>> -> memref<4616x128xf32, #tpu.memory_space<vmem_shared>>
      tpu.wait_indirect_dma semaphore(%run_scoped3A : memref<!tpu.dma_semaphore, #tpu.memory_space<semaphore_mem>>) src(%arg13 : memref<128x128xf32, #tpu.memory_space<vmem>>) dst(%dma_wait3A_1763 : memref<4616x128xf32, #tpu.memory_space<vmem_shared>>)
      tpu.yield
    }) : () -> ()
    %barrier3A_1744 = arith.constant 0 : index
    tpu.barrier barrier_id(%barrier3A_1744)
    %mul3A_1745 = arith.constant 288 : i32
    %mul3A_1746 = arith.muli %arg1, %mul3A_1745 : i32
    %add3A_1747 = arith.constant 0 : i32
    %add3A_1748 = arith.addi %mul3A_1746, %add3A_1747 : i32
    "tpu.region"() ({
      %run_scoped3A = tpu.sem_alloc : memref<!tpu.dma_semaphore, #tpu.memory_space<semaphore_mem>>
      %dma_start3A = arith.constant 0 : i32
      %dma_start3A_1760 = tpu.memref_slice %arg21[%add3A_1748, %dma_start3A] : memref<4616x128xf32, #tpu.memory_space<vmem_shared>> -> memref<96x128xf32, #tpu.memory_space<vmem_shared>>
      %dma_start3A_1761 = arith.constant 0 : i32
      %dma_start3A_1762 = tpu.memref_slice %arg21[%add3A_1748, %dma_start3A_1761] : memref<4616x128xf32, #tpu.memory_space<vmem_shared>> -> memref<96x128xf32, #tpu.memory_space<vmem_shared>>
      tpu.enqueue_dma source(%dma_start3A_1762 : memref<96x128xf32, #tpu.memory_space<vmem_shared>>) target(%arg20 : memref<96x128xf32, #tpu.memory_space<vmem>>) target_semaphore(%run_scoped3A : memref<!tpu.dma_semaphore, #tpu.memory_space<semaphore_mem>>)
      %dma_wait3A = arith.constant 0 : i32
      %dma_wait3A_1763 = tpu.memref_slice %arg21[%add3A_1748, %dma_wait3A] : memref<4616x128xf32, #tpu.memory_space<vmem_shared>> -> memref<96x128xf32, #tpu.memory_space<vmem_shared>>
      %dma_wait3A_1764 = arith.constant 0 : i32
      %dma_wait3A_1765 = tpu.memref_slice %arg21[%add3A_1748, %dma_wait3A_1764] : memref<4616x128xf32, #tpu.memory_space<vmem_shared>> -> memref<96x128xf32, #tpu.memory_space<vmem_shared>>
      tpu.wait_dma2 semaphore(%run_scoped3A : memref<!tpu.dma_semaphore, #tpu.memory_space<semaphore_mem>>) src(%dma_wait3A_1765 : memref<96x128xf32, #tpu.memory_space<vmem_shared>>) dst(%arg20 : memref<96x128xf32, #tpu.memory_space<vmem>>)
      tpu.yield
    }) : () -> ()
    %add3A_1749 = arith.addi %mul3A_2, %add3A_1748 : i32
    "tpu.region"() ({
      %run_scoped3A = tpu.sem_alloc : memref<!tpu.dma_semaphore, #tpu.memory_space<semaphore_mem>>
      %dma_start3A = arith.constant 0 : i32
      %dma_start3A_1760 = tpu.memref_slice %arg7[%add3A_1749, %dma_start3A] : memref<9216x128xf32, #tpu.memory_space<hbm>> -> memref<96x128xf32, #tpu.memory_space<hbm>>
      %dma_start3A_1761 = arith.constant 0 : i32
      %dma_start3A_1762 = tpu.memref_slice %arg7[%add3A_1749, %dma_start3A_1761] : memref<9216x128xf32, #tpu.memory_space<hbm>> -> memref<96x128xf32, #tpu.memory_space<hbm>>
      tpu.enqueue_dma source(%arg20 : memref<96x128xf32, #tpu.memory_space<vmem>>) target(%dma_start3A_1762 : memref<96x128xf32, #tpu.memory_space<hbm>>) target_semaphore(%run_scoped3A : memref<!tpu.dma_semaphore, #tpu.memory_space<semaphore_mem>>)
      %dma_wait3A = arith.constant 0 : i32
      %dma_wait3A_1763 = tpu.memref_slice %arg7[%add3A_1749, %dma_wait3A] : memref<9216x128xf32, #tpu.memory_space<hbm>> -> memref<96x128xf32, #tpu.memory_space<hbm>>
      %dma_wait3A_1764 = arith.constant 0 : i32
      %dma_wait3A_1765 = tpu.memref_slice %arg7[%add3A_1749, %dma_wait3A_1764] : memref<9216x128xf32, #tpu.memory_space<hbm>> -> memref<96x128xf32, #tpu.memory_space<hbm>>
      tpu.wait_dma2 semaphore(%run_scoped3A : memref<!tpu.dma_semaphore, #tpu.memory_space<semaphore_mem>>) src(%arg20 : memref<96x128xf32, #tpu.memory_space<vmem>>) dst(%dma_wait3A_1765 : memref<96x128xf32, #tpu.memory_space<hbm>>)
      tpu.yield
    }) : () -> ()
    %mul3A_1750 = arith.constant 288 : i32
    %mul3A_1751 = arith.muli %arg1, %mul3A_1750 : i32
    %add3A_1752 = arith.constant 96 : i32
    %add3A_1753 = arith.addi %mul3A_1751, %add3A_1752 : i32
    "tpu.region"() ({
      %run_scoped3A = tpu.sem_alloc : memref<!tpu.dma_semaphore, #tpu.memory_space<semaphore_mem>>
      %dma_start3A = arith.constant 0 : i32
      %dma_start3A_1760 = tpu.memref_slice %arg21[%add3A_1753, %dma_start3A] : memref<4616x128xf32, #tpu.memory_space<vmem_shared>> -> memref<96x128xf32, #tpu.memory_space<vmem_shared>>
      %dma_start3A_1761 = arith.constant 0 : i32
      %dma_start3A_1762 = tpu.memref_slice %arg21[%add3A_1753, %dma_start3A_1761] : memref<4616x128xf32, #tpu.memory_space<vmem_shared>> -> memref<96x128xf32, #tpu.memory_space<vmem_shared>>
      tpu.enqueue_dma source(%dma_start3A_1762 : memref<96x128xf32, #tpu.memory_space<vmem_shared>>) target(%arg20 : memref<96x128xf32, #tpu.memory_space<vmem>>) target_semaphore(%run_scoped3A : memref<!tpu.dma_semaphore, #tpu.memory_space<semaphore_mem>>)
      %dma_wait3A = arith.constant 0 : i32
      %dma_wait3A_1763 = tpu.memref_slice %arg21[%add3A_1753, %dma_wait3A] : memref<4616x128xf32, #tpu.memory_space<vmem_shared>> -> memref<96x128xf32, #tpu.memory_space<vmem_shared>>
      %dma_wait3A_1764 = arith.constant 0 : i32
      %dma_wait3A_1765 = tpu.memref_slice %arg21[%add3A_1753, %dma_wait3A_1764] : memref<4616x128xf32, #tpu.memory_space<vmem_shared>> -> memref<96x128xf32, #tpu.memory_space<vmem_shared>>
      tpu.wait_dma2 semaphore(%run_scoped3A : memref<!tpu.dma_semaphore, #tpu.memory_space<semaphore_mem>>) src(%dma_wait3A_1765 : memref<96x128xf32, #tpu.memory_space<vmem_shared>>) dst(%arg20 : memref<96x128xf32, #tpu.memory_space<vmem>>)
      tpu.yield
    }) : () -> ()
    %add3A_1754 = arith.addi %mul3A_2, %add3A_1753 : i32
    "tpu.region"() ({
      %run_scoped3A = tpu.sem_alloc : memref<!tpu.dma_semaphore, #tpu.memory_space<semaphore_mem>>
      %dma_start3A = arith.constant 0 : i32
      %dma_start3A_1760 = tpu.memref_slice %arg7[%add3A_1754, %dma_start3A] : memref<9216x128xf32, #tpu.memory_space<hbm>> -> memref<96x128xf32, #tpu.memory_space<hbm>>
      %dma_start3A_1761 = arith.constant 0 : i32
      %dma_start3A_1762 = tpu.memref_slice %arg7[%add3A_1754, %dma_start3A_1761] : memref<9216x128xf32, #tpu.memory_space<hbm>> -> memref<96x128xf32, #tpu.memory_space<hbm>>
      tpu.enqueue_dma source(%arg20 : memref<96x128xf32, #tpu.memory_space<vmem>>) target(%dma_start3A_1762 : memref<96x128xf32, #tpu.memory_space<hbm>>) target_semaphore(%run_scoped3A : memref<!tpu.dma_semaphore, #tpu.memory_space<semaphore_mem>>)
      %dma_wait3A = arith.constant 0 : i32
      %dma_wait3A_1763 = tpu.memref_slice %arg7[%add3A_1754, %dma_wait3A] : memref<9216x128xf32, #tpu.memory_space<hbm>> -> memref<96x128xf32, #tpu.memory_space<hbm>>
      %dma_wait3A_1764 = arith.constant 0 : i32
      %dma_wait3A_1765 = tpu.memref_slice %arg7[%add3A_1754, %dma_wait3A_1764] : memref<9216x128xf32, #tpu.memory_space<hbm>> -> memref<96x128xf32, #tpu.memory_space<hbm>>
      tpu.wait_dma2 semaphore(%run_scoped3A : memref<!tpu.dma_semaphore, #tpu.memory_space<semaphore_mem>>) src(%arg20 : memref<96x128xf32, #tpu.memory_space<vmem>>) dst(%dma_wait3A_1765 : memref<96x128xf32, #tpu.memory_space<hbm>>)
      tpu.yield
    }) : () -> ()
    %mul3A_1755 = arith.constant 288 : i32
    %mul3A_1756 = arith.muli %arg1, %mul3A_1755 : i32
    %add3A_1757 = arith.constant 192 : i32
    %add3A_1758 = arith.addi %mul3A_1756, %add3A_1757 : i32
    "tpu.region"() ({
      %run_scoped3A = tpu.sem_alloc : memref<!tpu.dma_semaphore, #tpu.memory_space<semaphore_mem>>
      %dma_start3A = arith.constant 0 : i32
      %dma_start3A_1760 = tpu.memref_slice %arg21[%add3A_1758, %dma_start3A] : memref<4616x128xf32, #tpu.memory_space<vmem_shared>> -> memref<96x128xf32, #tpu.memory_space<vmem_shared>>
      %dma_start3A_1761 = arith.constant 0 : i32
      %dma_start3A_1762 = tpu.memref_slice %arg21[%add3A_1758, %dma_start3A_1761] : memref<4616x128xf32, #tpu.memory_space<vmem_shared>> -> memref<96x128xf32, #tpu.memory_space<vmem_shared>>
      tpu.enqueue_dma source(%dma_start3A_1762 : memref<96x128xf32, #tpu.memory_space<vmem_shared>>) target(%arg20 : memref<96x128xf32, #tpu.memory_space<vmem>>) target_semaphore(%run_scoped3A : memref<!tpu.dma_semaphore, #tpu.memory_space<semaphore_mem>>)
      %dma_wait3A = arith.constant 0 : i32
      %dma_wait3A_1763 = tpu.memref_slice %arg21[%add3A_1758, %dma_wait3A] : memref<4616x128xf32, #tpu.memory_space<vmem_shared>> -> memref<96x128xf32, #tpu.memory_space<vmem_shared>>
      %dma_wait3A_1764 = arith.constant 0 : i32
      %dma_wait3A_1765 = tpu.memref_slice %arg21[%add3A_1758, %dma_wait3A_1764] : memref<4616x128xf32, #tpu.memory_space<vmem_shared>> -> memref<96x128xf32, #tpu.memory_space<vmem_shared>>
      tpu.wait_dma2 semaphore(%run_scoped3A : memref<!tpu.dma_semaphore, #tpu.memory_space<semaphore_mem>>) src(%dma_wait3A_1765 : memref<96x128xf32, #tpu.memory_space<vmem_shared>>) dst(%arg20 : memref<96x128xf32, #tpu.memory_space<vmem>>)
      tpu.yield
    }) : () -> ()
    %add3A_1759 = arith.addi %mul3A_2, %add3A_1758 : i32
    "tpu.region"() ({
      %run_scoped3A = tpu.sem_alloc : memref<!tpu.dma_semaphore, #tpu.memory_space<semaphore_mem>>
      %dma_start3A = arith.constant 0 : i32
      %dma_start3A_1760 = tpu.memref_slice %arg7[%add3A_1759, %dma_start3A] : memref<9216x128xf32, #tpu.memory_space<hbm>> -> memref<96x128xf32, #tpu.memory_space<hbm>>
      %dma_start3A_1761 = arith.constant 0 : i32
      %dma_start3A_1762 = tpu.memref_slice %arg7[%add3A_1759, %dma_start3A_1761] : memref<9216x128xf32, #tpu.memory_space<hbm>> -> memref<96x128xf32, #tpu.memory_space<hbm>>
      tpu.enqueue_dma source(%arg20 : memref<96x128xf32, #tpu.memory_space<vmem>>) target(%dma_start3A_1762 : memref<96x128xf32, #tpu.memory_space<hbm>>) target_semaphore(%run_scoped3A : memref<!tpu.dma_semaphore, #tpu.memory_space<semaphore_mem>>)
      %dma_wait3A = arith.constant 0 : i32
      %dma_wait3A_1763 = tpu.memref_slice %arg7[%add3A_1759, %dma_wait3A] : memref<9216x128xf32, #tpu.memory_space<hbm>> -> memref<96x128xf32, #tpu.memory_space<hbm>>
      %dma_wait3A_1764 = arith.constant 0 : i32
      %dma_wait3A_1765 = tpu.memref_slice %arg7[%add3A_1759, %dma_wait3A_1764] : memref<9216x128xf32, #tpu.memory_space<hbm>> -> memref<96x128xf32, #tpu.memory_space<hbm>>
      tpu.wait_dma2 semaphore(%run_scoped3A : memref<!tpu.dma_semaphore, #tpu.memory_space<semaphore_mem>>) src(%arg20 : memref<96x128xf32, #tpu.memory_space<vmem>>) dst(%dma_wait3A_1765 : memref<96x128xf32, #tpu.memory_space<hbm>>)
      tpu.yield
    }) : () -> ()
    return
  }
}

module attributes {stable_mosaic.version = 14 : i64} {
  func.func @_conv_body(%arg0: memref<18x48x48x64xf32, #tpu.memory_space<any>>, %arg1: memref<192x640xf32, #tpu.memory_space<any>>, %arg2: memref<192x640xf32, #tpu.memory_space<any>>, %arg3: memref<192x640xf32, #tpu.memory_space<any>>, %arg4: memref<192x640xf32, #tpu.memory_space<any>>, %arg5: memref<192x640xf32, #tpu.memory_space<any>>, %arg6: memref<192x640xf32, #tpu.memory_space<any>>, %arg7: memref<192x640xf32, #tpu.memory_space<any>>, %arg8: memref<192x640xf32, #tpu.memory_space<any>>, %arg9: memref<192x640xf32, #tpu.memory_space<any>>, %arg10: memref<192x640xf32, #tpu.memory_space<any>>, %arg11: memref<192x640xf32, #tpu.memory_space<any>>, %arg12: memref<1x32xf32, #tpu.memory_space<vmem>>, %arg13: memref<1x32xf32, #tpu.memory_space<vmem>>, %arg14: memref<1x64xf32, #tpu.memory_space<vmem>>, %arg15: memref<1x64xf32, #tpu.memory_space<vmem>>, %arg16: memref<1x64xf32, #tpu.memory_space<vmem>>, %arg17: memref<1x64xf32, #tpu.memory_space<vmem>>, %arg18: memref<1x64xf32, #tpu.memory_space<vmem>>, %arg19: memref<1x64xf32, #tpu.memory_space<vmem>>, %arg20: memref<1x64xf32, #tpu.memory_space<vmem>>, %arg21: memref<1x64xf32, #tpu.memory_space<vmem>>, %arg22: memref<1x64xf32, #tpu.memory_space<vmem>>, %arg23: memref<2x2304x64xf32, #tpu.memory_space<vmem>>, %arg24: memref<18x2304x64xf32, #tpu.memory_space<vmem>>, %arg25: memref<18x2304x64xf32, #tpu.memory_space<vmem>>, %arg26: memref<50x50x64xf32, #tpu.memory_space<vmem>>, %arg27: memref<3x2304x192xf32, #tpu.memory_space<vmem>>, %arg28: memref<2400x192xf32, #tpu.memory_space<vmem>>, %arg29: memref<2400x192xf32, #tpu.memory_space<vmem>>, %arg30: memref<2400x192xf32, #tpu.memory_space<vmem>>, %arg31: memref<192x640xf32, #tpu.memory_space<vmem>>, %arg32: memref<!tpu.dma_semaphore, #tpu.memory_space<semaphore_mem>>, %arg33: memref<!tpu.dma_semaphore, #tpu.memory_space<semaphore_mem>>) attributes {dimension_semantics = [], scalar_prefetch = 0 : i64, scratch_operands = 10 : i64, tpu.core_type = #tpu.core_type<tc>} {
    %broadcast_in_dim3A = arith.constant 0.000000e+00 : f32
    %broadcast_in_dim3A_0 = vector.broadcast %broadcast_in_dim3A : f32 to vector<50x50x64xf32>
    %swap3A = arith.constant 0 : index
    %swap3A_1 = arith.constant 0 : index
    %swap3A_2 = arith.constant 0 : index
    %swap3A_3 = vector.load %arg26[%swap3A, %swap3A_1, %swap3A_2] : memref<50x50x64xf32, #tpu.memory_space<vmem>>, vector<50x50x64xf32>
    tpu.vector_store %arg26[%swap3A, %swap3A_1, %swap3A_2], %broadcast_in_dim3A_0 {strides = array<i32>} : memref<50x50x64xf32, #tpu.memory_space<vmem>>, vector<50x50x64xf32>,
    %broadcast_in_dim3A_4 = arith.constant 0.000000e+00 : f32
    %broadcast_in_dim3A_5 = vector.broadcast %broadcast_in_dim3A_4 : f32 to vector<3x2304x192xf32>
    %swap3A_6 = arith.constant 0 : index
    %swap3A_7 = arith.constant 0 : index
    %swap3A_8 = arith.constant 0 : index
    %swap3A_9 = vector.load %arg27[%swap3A_6, %swap3A_7, %swap3A_8] : memref<3x2304x192xf32, #tpu.memory_space<vmem>>, vector<3x2304x192xf32>
    tpu.vector_store %arg27[%swap3A_6, %swap3A_7, %swap3A_8], %broadcast_in_dim3A_5 {strides = array<i32>} : memref<3x2304x192xf32, #tpu.memory_space<vmem>>, vector<3x2304x192xf32>,
    %broadcast_in_dim3A_10 = arith.constant 0.000000e+00 : f32
    %broadcast_in_dim3A_11 = vector.broadcast %broadcast_in_dim3A_10 : f32 to vector<1x2304x64xf32>
    %swap3A_12 = arith.constant 0 : index
    %swap3A_13 = arith.constant 0 : index
    %swap3A_14 = arith.constant 0 : index
    %swap3A_15 = vector.load %arg24[%swap3A_12, %swap3A_13, %swap3A_14] : memref<18x2304x64xf32, #tpu.memory_space<vmem>>, vector<1x2304x64xf32>
    tpu.vector_store %arg24[%swap3A_12, %swap3A_13, %swap3A_14], %broadcast_in_dim3A_11 {strides = array<i32>} : memref<18x2304x64xf32, #tpu.memory_space<vmem>>, vector<1x2304x64xf32>,
    %swap3A_16 = arith.constant 17 : index
    %swap3A_17 = arith.constant 0 : index
    %swap3A_18 = arith.constant 0 : index
    %swap3A_19 = vector.load %arg24[%swap3A_16, %swap3A_17, %swap3A_18] : memref<18x2304x64xf32, #tpu.memory_space<vmem>>, vector<1x2304x64xf32>
    tpu.vector_store %arg24[%swap3A_16, %swap3A_17, %swap3A_18], %broadcast_in_dim3A_11 {strides = array<i32>} : memref<18x2304x64xf32, #tpu.memory_space<vmem>>, vector<1x2304x64xf32>,
    %swap3A_20 = arith.constant 0 : index
    %swap3A_21 = arith.constant 0 : index
    %swap3A_22 = arith.constant 0 : index
    %swap3A_23 = vector.load %arg25[%swap3A_20, %swap3A_21, %swap3A_22] : memref<18x2304x64xf32, #tpu.memory_space<vmem>>, vector<1x2304x64xf32>
    tpu.vector_store %arg25[%swap3A_20, %swap3A_21, %swap3A_22], %broadcast_in_dim3A_11 {strides = array<i32>} : memref<18x2304x64xf32, #tpu.memory_space<vmem>>, vector<1x2304x64xf32>,
    %swap3A_24 = arith.constant 17 : index
    %swap3A_25 = arith.constant 0 : index
    %swap3A_26 = arith.constant 0 : index
    %swap3A_27 = vector.load %arg25[%swap3A_24, %swap3A_25, %swap3A_26] : memref<18x2304x64xf32, #tpu.memory_space<vmem>>, vector<1x2304x64xf32>
    tpu.vector_store %arg25[%swap3A_24, %swap3A_25, %swap3A_26], %broadcast_in_dim3A_11 {strides = array<i32>} : memref<18x2304x64xf32, #tpu.memory_space<vmem>>, vector<1x2304x64xf32>,
    %broadcast_in_dim3A_28 = arith.constant 0.000000e+00 : f32
    %broadcast_in_dim3A_29 = vector.broadcast %broadcast_in_dim3A_28 : f32 to vector<48x192xf32>
    %swap3A_30 = arith.constant 0 : index
    %swap3A_31 = arith.constant 0 : index
    %swap3A_32 = vector.load %arg28[%swap3A_30, %swap3A_31] : memref<2400x192xf32, #tpu.memory_space<vmem>>, vector<48x192xf32>
    tpu.vector_store %arg28[%swap3A_30, %swap3A_31], %broadcast_in_dim3A_29 {strides = array<i32>} : memref<2400x192xf32, #tpu.memory_space<vmem>>, vector<48x192xf32>,
    %swap3A_33 = arith.constant 2352 : index
    %swap3A_34 = arith.constant 0 : index
    %swap3A_35 = vector.load %arg28[%swap3A_33, %swap3A_34] : memref<2400x192xf32, #tpu.memory_space<vmem>>, vector<48x192xf32>
    tpu.vector_store %arg28[%swap3A_33, %swap3A_34], %broadcast_in_dim3A_29 {strides = array<i32>} : memref<2400x192xf32, #tpu.memory_space<vmem>>, vector<48x192xf32>,
    %swap3A_36 = arith.constant 0 : index
    %swap3A_37 = arith.constant 0 : index
    %swap3A_38 = vector.load %arg29[%swap3A_36, %swap3A_37] : memref<2400x192xf32, #tpu.memory_space<vmem>>, vector<48x192xf32>
    tpu.vector_store %arg29[%swap3A_36, %swap3A_37], %broadcast_in_dim3A_29 {strides = array<i32>} : memref<2400x192xf32, #tpu.memory_space<vmem>>, vector<48x192xf32>,
    %swap3A_39 = arith.constant 2352 : index
    %swap3A_40 = arith.constant 0 : index
    %swap3A_41 = vector.load %arg29[%swap3A_39, %swap3A_40] : memref<2400x192xf32, #tpu.memory_space<vmem>>, vector<48x192xf32>
    tpu.vector_store %arg29[%swap3A_39, %swap3A_40], %broadcast_in_dim3A_29 {strides = array<i32>} : memref<2400x192xf32, #tpu.memory_space<vmem>>, vector<48x192xf32>,
    %swap3A_42 = arith.constant 0 : index
    %swap3A_43 = arith.constant 0 : index
    %swap3A_44 = vector.load %arg30[%swap3A_42, %swap3A_43] : memref<2400x192xf32, #tpu.memory_space<vmem>>, vector<48x192xf32>
    tpu.vector_store %arg30[%swap3A_42, %swap3A_43], %broadcast_in_dim3A_29 {strides = array<i32>} : memref<2400x192xf32, #tpu.memory_space<vmem>>, vector<48x192xf32>,
    %swap3A_45 = arith.constant 2352 : index
    %swap3A_46 = arith.constant 0 : index
    %swap3A_47 = vector.load %arg30[%swap3A_45, %swap3A_46] : memref<2400x192xf32, #tpu.memory_space<vmem>>, vector<48x192xf32>
    tpu.vector_store %arg30[%swap3A_45, %swap3A_46], %broadcast_in_dim3A_29 {strides = array<i32>} : memref<2400x192xf32, #tpu.memory_space<vmem>>, vector<48x192xf32>,
    tpu.enqueue_dma source(%arg1 : memref<192x640xf32, #tpu.memory_space<any>>) target(%arg31 : memref<192x640xf32, #tpu.memory_space<vmem>>) target_semaphore(%arg33 : memref<!tpu.dma_semaphore, #tpu.memory_space<semaphore_mem>>)
    tpu.wait_dma2 semaphore(%arg33 : memref<!tpu.dma_semaphore, #tpu.memory_space<semaphore_mem>>) src(%arg1 : memref<192x640xf32, #tpu.memory_space<any>>) dst(%arg31 : memref<192x640xf32, #tpu.memory_space<vmem>>)
    %get3A = arith.constant 0 : index
    %get3A_48 = arith.constant 0 : index
    %get3A_49 = vector.load %arg12[%get3A, %get3A_48] : memref<1x32xf32, #tpu.memory_space<vmem>>, vector<1x32xf32>
    %scan3A = arith.constant 0 : i32
    %scan3A_50 = arith.constant 16 : i32
    %scan3A_51 = arith.addi %scan3A, %scan3A_50 : i32
    %scan3A_52 = arith.constant 1 : i32
    scf.for %scan3A_174 = %scan3A to %scan3A_51 step %scan3A_52  : i32 {
      %eq3A = arith.constant 0 : i32
      %eq3A_175 = arith.cmpi eq, %scan3A_174, %eq3A : i32
      %convert_element_type3A = arith.extui %eq3A_175 : i1 to i32
      %cond3A = arith.constant 0 : i32
      %cond3A_176 = arith.cmpi ne, %convert_element_type3A, %cond3A : i32
      scf.if %cond3A_176 {
        %dma_start3A_324 = arith.constant 0 : i32
        %dma_start3A_325 = arith.constant 1 : i32
        %dma_start3A_326 = arith.constant 1 : i32
        %dma_start3A_327 = arith.constant 0 : i32
        %dma_start3A_328 = tpu.memref_slice %arg26[%dma_start3A_325, %dma_start3A_326, %dma_start3A_327] : memref<50x50x64xf32, #tpu.memory_space<vmem>> -> memref<48x48x64xf32, #tpu.memory_space<vmem>>
        %dma_start3A_329 = arith.constant 0 : i32
        %dma_start3A_330 = arith.constant 0 : i32
        %dma_start3A_331 = arith.constant 0 : i32
        %dma_start3A_332 = tpu.memref_slice %arg0[%dma_start3A_324, %dma_start3A_329, %dma_start3A_330, %dma_start3A_331] : memref<18x48x48x64xf32, #tpu.memory_space<any>> -> memref<1x48x48x64xf32, #tpu.memory_space<any>>
        %dma_start3A_333 = tpu.memref_squeeze %dma_start3A_332 : memref<1x48x48x64xf32, #tpu.memory_space<any>> -> memref<48x48x64xf32, #tpu.memory_space<any>>
        tpu.enqueue_dma source(%dma_start3A_333 : memref<48x48x64xf32, #tpu.memory_space<any>>) target(%dma_start3A_328 : memref<48x48x64xf32, #tpu.memory_space<vmem>>) target_semaphore(%arg32 : memref<!tpu.dma_semaphore, #tpu.memory_space<semaphore_mem>>)
        %dma_wait3A_334 = arith.constant 0 : i32
        %dma_wait3A_335 = arith.constant 1 : i32
        %dma_wait3A_336 = arith.constant 1 : i32
        %dma_wait3A_337 = arith.constant 0 : i32
        %dma_wait3A_338 = tpu.memref_slice %arg26[%dma_wait3A_335, %dma_wait3A_336, %dma_wait3A_337] : memref<50x50x64xf32, #tpu.memory_space<vmem>> -> memref<48x48x64xf32, #tpu.memory_space<vmem>>
        %dma_wait3A_339 = arith.constant 0 : i32
        %dma_wait3A_340 = arith.constant 0 : i32
        %dma_wait3A_341 = arith.constant 0 : i32
        %dma_wait3A_342 = tpu.memref_slice %arg0[%dma_wait3A_334, %dma_wait3A_339, %dma_wait3A_340, %dma_wait3A_341] : memref<18x48x48x64xf32, #tpu.memory_space<any>> -> memref<1x48x48x64xf32, #tpu.memory_space<any>>
        %dma_wait3A_343 = tpu.memref_squeeze %dma_wait3A_342 : memref<1x48x48x64xf32, #tpu.memory_space<any>> -> memref<48x48x64xf32, #tpu.memory_space<any>>
        tpu.wait_dma2 semaphore(%arg32 : memref<!tpu.dma_semaphore, #tpu.memory_space<semaphore_mem>>) src(%dma_wait3A_343 : memref<48x48x64xf32, #tpu.memory_space<any>>) dst(%dma_wait3A_338 : memref<48x48x64xf32, #tpu.memory_space<vmem>>)
        %get3A_344 = arith.constant 1 : index
        %get3A_345 = arith.constant 0 : index
        %get3A_346 = arith.constant 0 : index
        %get3A_347 = vector.load %arg26[%get3A_344, %get3A_345, %get3A_346] : memref<50x50x64xf32, #tpu.memory_space<vmem>>, vector<48x48x32xf32>
        %reshape3A_348 = vector.shape_cast %get3A_347 : vector<48x48x32xf32> to vector<1x2304x32xf32>
        %swap3A_349 = arith.constant 0 : index
        %swap3A_350 = arith.constant 0 : index
        %swap3A_351 = arith.constant 0 : index
        %swap3A_352 = vector.load %arg27[%swap3A_349, %swap3A_350, %swap3A_351] : memref<3x2304x192xf32, #tpu.memory_space<vmem>>, vector<1x2304x32xf32>
        tpu.vector_store %arg27[%swap3A_349, %swap3A_350, %swap3A_351], %reshape3A_348 {strides = array<i32>} : memref<3x2304x192xf32, #tpu.memory_space<vmem>>, vector<1x2304x32xf32>,
        %get3A_353 = arith.constant 1 : index
        %get3A_354 = arith.constant 1 : index
        %get3A_355 = arith.constant 0 : index
        %get3A_356 = vector.load %arg26[%get3A_353, %get3A_354, %get3A_355] : memref<50x50x64xf32, #tpu.memory_space<vmem>>, vector<48x48x32xf32>
        %reshape3A_357 = vector.shape_cast %get3A_356 : vector<48x48x32xf32> to vector<1x2304x32xf32>
        %swap3A_358 = arith.constant 0 : index
        %swap3A_359 = arith.constant 0 : index
        %swap3A_360 = arith.constant 32 : index
        %swap3A_361 = vector.load %arg27[%swap3A_358, %swap3A_359, %swap3A_360] : memref<3x2304x192xf32, #tpu.memory_space<vmem>>, vector<1x2304x32xf32>
        tpu.vector_store %arg27[%swap3A_358, %swap3A_359, %swap3A_360], %reshape3A_357 {strides = array<i32>} : memref<3x2304x192xf32, #tpu.memory_space<vmem>>, vector<1x2304x32xf32>,
        %get3A_362 = arith.constant 1 : index
        %get3A_363 = arith.constant 2 : index
        %get3A_364 = arith.constant 0 : index
        %get3A_365 = vector.load %arg26[%get3A_362, %get3A_363, %get3A_364] : memref<50x50x64xf32, #tpu.memory_space<vmem>>, vector<48x48x32xf32>
        %reshape3A_366 = vector.shape_cast %get3A_365 : vector<48x48x32xf32> to vector<1x2304x32xf32>
        %swap3A_367 = arith.constant 0 : index
        %swap3A_368 = arith.constant 0 : index
        %swap3A_369 = arith.constant 64 : index
        %swap3A_370 = vector.load %arg27[%swap3A_367, %swap3A_368, %swap3A_369] : memref<3x2304x192xf32, #tpu.memory_space<vmem>>, vector<1x2304x32xf32>
        tpu.vector_store %arg27[%swap3A_367, %swap3A_368, %swap3A_369], %reshape3A_366 {strides = array<i32>} : memref<3x2304x192xf32, #tpu.memory_space<vmem>>, vector<1x2304x32xf32>,
        %dma_start3A_371 = arith.constant 1 : i32
        %dma_start3A_372 = arith.constant 1 : i32
        %dma_start3A_373 = arith.constant 1 : i32
        %dma_start3A_374 = arith.constant 0 : i32
        %dma_start3A_375 = tpu.memref_slice %arg26[%dma_start3A_372, %dma_start3A_373, %dma_start3A_374] : memref<50x50x64xf32, #tpu.memory_space<vmem>> -> memref<48x48x64xf32, #tpu.memory_space<vmem>>
        %dma_start3A_376 = arith.constant 0 : i32
        %dma_start3A_377 = arith.constant 0 : i32
        %dma_start3A_378 = arith.constant 0 : i32
        %dma_start3A_379 = tpu.memref_slice %arg0[%dma_start3A_371, %dma_start3A_376, %dma_start3A_377, %dma_start3A_378] : memref<18x48x48x64xf32, #tpu.memory_space<any>> -> memref<1x48x48x64xf32, #tpu.memory_space<any>>
        %dma_start3A_380 = tpu.memref_squeeze %dma_start3A_379 : memref<1x48x48x64xf32, #tpu.memory_space<any>> -> memref<48x48x64xf32, #tpu.memory_space<any>>
        tpu.enqueue_dma source(%dma_start3A_380 : memref<48x48x64xf32, #tpu.memory_space<any>>) target(%dma_start3A_375 : memref<48x48x64xf32, #tpu.memory_space<vmem>>) target_semaphore(%arg32 : memref<!tpu.dma_semaphore, #tpu.memory_space<semaphore_mem>>)
        %dma_wait3A_381 = arith.constant 1 : i32
        %dma_wait3A_382 = arith.constant 1 : i32
        %dma_wait3A_383 = arith.constant 1 : i32
        %dma_wait3A_384 = arith.constant 0 : i32
        %dma_wait3A_385 = tpu.memref_slice %arg26[%dma_wait3A_382, %dma_wait3A_383, %dma_wait3A_384] : memref<50x50x64xf32, #tpu.memory_space<vmem>> -> memref<48x48x64xf32, #tpu.memory_space<vmem>>
        %dma_wait3A_386 = arith.constant 0 : i32
        %dma_wait3A_387 = arith.constant 0 : i32
        %dma_wait3A_388 = arith.constant 0 : i32
        %dma_wait3A_389 = tpu.memref_slice %arg0[%dma_wait3A_381, %dma_wait3A_386, %dma_wait3A_387, %dma_wait3A_388] : memref<18x48x48x64xf32, #tpu.memory_space<any>> -> memref<1x48x48x64xf32, #tpu.memory_space<any>>
        %dma_wait3A_390 = tpu.memref_squeeze %dma_wait3A_389 : memref<1x48x48x64xf32, #tpu.memory_space<any>> -> memref<48x48x64xf32, #tpu.memory_space<any>>
        tpu.wait_dma2 semaphore(%arg32 : memref<!tpu.dma_semaphore, #tpu.memory_space<semaphore_mem>>) src(%dma_wait3A_390 : memref<48x48x64xf32, #tpu.memory_space<any>>) dst(%dma_wait3A_385 : memref<48x48x64xf32, #tpu.memory_space<vmem>>)
        %get3A_391 = arith.constant 1 : index
        %get3A_392 = arith.constant 0 : index
        %get3A_393 = arith.constant 0 : index
        %get3A_394 = vector.load %arg26[%get3A_391, %get3A_392, %get3A_393] : memref<50x50x64xf32, #tpu.memory_space<vmem>>, vector<48x48x32xf32>
        %reshape3A_395 = vector.shape_cast %get3A_394 : vector<48x48x32xf32> to vector<1x2304x32xf32>
        %swap3A_396 = arith.constant 1 : index
        %swap3A_397 = arith.constant 0 : index
        %swap3A_398 = arith.constant 0 : index
        %swap3A_399 = vector.load %arg27[%swap3A_396, %swap3A_397, %swap3A_398] : memref<3x2304x192xf32, #tpu.memory_space<vmem>>, vector<1x2304x32xf32>
        tpu.vector_store %arg27[%swap3A_396, %swap3A_397, %swap3A_398], %reshape3A_395 {strides = array<i32>} : memref<3x2304x192xf32, #tpu.memory_space<vmem>>, vector<1x2304x32xf32>,
        %get3A_400 = arith.constant 1 : index
        %get3A_401 = arith.constant 1 : index
        %get3A_402 = arith.constant 0 : index
        %get3A_403 = vector.load %arg26[%get3A_400, %get3A_401, %get3A_402] : memref<50x50x64xf32, #tpu.memory_space<vmem>>, vector<48x48x32xf32>
        %reshape3A_404 = vector.shape_cast %get3A_403 : vector<48x48x32xf32> to vector<1x2304x32xf32>
        %swap3A_405 = arith.constant 1 : index
        %swap3A_406 = arith.constant 0 : index
        %swap3A_407 = arith.constant 32 : index
        %swap3A_408 = vector.load %arg27[%swap3A_405, %swap3A_406, %swap3A_407] : memref<3x2304x192xf32, #tpu.memory_space<vmem>>, vector<1x2304x32xf32>
        tpu.vector_store %arg27[%swap3A_405, %swap3A_406, %swap3A_407], %reshape3A_404 {strides = array<i32>} : memref<3x2304x192xf32, #tpu.memory_space<vmem>>, vector<1x2304x32xf32>,
        %get3A_409 = arith.constant 1 : index
        %get3A_410 = arith.constant 2 : index
        %get3A_411 = arith.constant 0 : index
        %get3A_412 = vector.load %arg26[%get3A_409, %get3A_410, %get3A_411] : memref<50x50x64xf32, #tpu.memory_space<vmem>>, vector<48x48x32xf32>
        %reshape3A_413 = vector.shape_cast %get3A_412 : vector<48x48x32xf32> to vector<1x2304x32xf32>
        %swap3A_414 = arith.constant 1 : index
        %swap3A_415 = arith.constant 0 : index
        %swap3A_416 = arith.constant 64 : index
        %swap3A_417 = vector.load %arg27[%swap3A_414, %swap3A_415, %swap3A_416] : memref<3x2304x192xf32, #tpu.memory_space<vmem>>, vector<1x2304x32xf32>
        tpu.vector_store %arg27[%swap3A_414, %swap3A_415, %swap3A_416], %reshape3A_413 {strides = array<i32>} : memref<3x2304x192xf32, #tpu.memory_space<vmem>>, vector<1x2304x32xf32>,
      } else {
      }
      %add3A = arith.constant 2 : i32
      %add3A_177 = arith.addi %scan3A_174, %add3A : i32
      %rem3A = arith.constant 3 : i32
      %rem3A_178 = arith.remsi %add3A_177, %rem3A : i32
      %dma_start3A = arith.constant 1 : i32
      %dma_start3A_179 = arith.constant 1 : i32
      %dma_start3A_180 = arith.constant 0 : i32
      %dma_start3A_181 = tpu.memref_slice %arg26[%dma_start3A, %dma_start3A_179, %dma_start3A_180] : memref<50x50x64xf32, #tpu.memory_space<vmem>> -> memref<48x48x64xf32, #tpu.memory_space<vmem>>
      %dma_start3A_182 = arith.constant 0 : i32
      %dma_start3A_183 = arith.constant 0 : i32
      %dma_start3A_184 = arith.constant 0 : i32
      %dma_start3A_185 = tpu.memref_slice %arg0[%add3A_177, %dma_start3A_182, %dma_start3A_183, %dma_start3A_184] : memref<18x48x48x64xf32, #tpu.memory_space<any>> -> memref<1x48x48x64xf32, #tpu.memory_space<any>>
      %dma_start3A_186 = tpu.memref_squeeze %dma_start3A_185 : memref<1x48x48x64xf32, #tpu.memory_space<any>> -> memref<48x48x64xf32, #tpu.memory_space<any>>
      tpu.enqueue_dma source(%dma_start3A_186 : memref<48x48x64xf32, #tpu.memory_space<any>>) target(%dma_start3A_181 : memref<48x48x64xf32, #tpu.memory_space<vmem>>) target_semaphore(%arg32 : memref<!tpu.dma_semaphore, #tpu.memory_space<semaphore_mem>>)
      %dma_wait3A = arith.constant 1 : i32
      %dma_wait3A_187 = arith.constant 1 : i32
      %dma_wait3A_188 = arith.constant 0 : i32
      %dma_wait3A_189 = tpu.memref_slice %arg26[%dma_wait3A, %dma_wait3A_187, %dma_wait3A_188] : memref<50x50x64xf32, #tpu.memory_space<vmem>> -> memref<48x48x64xf32, #tpu.memory_space<vmem>>
      %dma_wait3A_190 = arith.constant 0 : i32
      %dma_wait3A_191 = arith.constant 0 : i32
      %dma_wait3A_192 = arith.constant 0 : i32
      %dma_wait3A_193 = tpu.memref_slice %arg0[%add3A_177, %dma_wait3A_190, %dma_wait3A_191, %dma_wait3A_192] : memref<18x48x48x64xf32, #tpu.memory_space<any>> -> memref<1x48x48x64xf32, #tpu.memory_space<any>>
      %dma_wait3A_194 = tpu.memref_squeeze %dma_wait3A_193 : memref<1x48x48x64xf32, #tpu.memory_space<any>> -> memref<48x48x64xf32, #tpu.memory_space<any>>
      tpu.wait_dma2 semaphore(%arg32 : memref<!tpu.dma_semaphore, #tpu.memory_space<semaphore_mem>>) src(%dma_wait3A_194 : memref<48x48x64xf32, #tpu.memory_space<any>>) dst(%dma_wait3A_189 : memref<48x48x64xf32, #tpu.memory_space<vmem>>)
      %get3A_195 = arith.constant 1 : index
      %get3A_196 = arith.constant 0 : index
      %get3A_197 = arith.constant 0 : index
      %get3A_198 = vector.load %arg26[%get3A_195, %get3A_196, %get3A_197] : memref<50x50x64xf32, #tpu.memory_space<vmem>>, vector<48x48x32xf32>
      %reshape3A = vector.shape_cast %get3A_198 : vector<48x48x32xf32> to vector<1x2304x32xf32>
      %swap3A_199 = arith.index_cast %rem3A_178 : i32 to index
      %swap3A_200 = arith.constant 0 : index
      %swap3A_201 = arith.constant 0 : index
      %swap3A_202 = vector.load %arg27[%swap3A_199, %swap3A_200, %swap3A_201] : memref<3x2304x192xf32, #tpu.memory_space<vmem>>, vector<1x2304x32xf32>
      tpu.vector_store %arg27[%swap3A_199, %swap3A_200, %swap3A_201], %reshape3A {strides = array<i32>} : memref<3x2304x192xf32, #tpu.memory_space<vmem>>, vector<1x2304x32xf32>,
      %get3A_203 = arith.constant 1 : index
      %get3A_204 = arith.constant 1 : index
      %get3A_205 = arith.constant 0 : index
      %get3A_206 = vector.load %arg26[%get3A_203, %get3A_204, %get3A_205] : memref<50x50x64xf32, #tpu.memory_space<vmem>>, vector<48x48x32xf32>
      %reshape3A_207 = vector.shape_cast %get3A_206 : vector<48x48x32xf32> to vector<1x2304x32xf32>
      %swap3A_208 = arith.index_cast %rem3A_178 : i32 to index
      %swap3A_209 = arith.constant 0 : index
      %swap3A_210 = arith.constant 32 : index
      %swap3A_211 = vector.load %arg27[%swap3A_208, %swap3A_209, %swap3A_210] : memref<3x2304x192xf32, #tpu.memory_space<vmem>>, vector<1x2304x32xf32>
      tpu.vector_store %arg27[%swap3A_208, %swap3A_209, %swap3A_210], %reshape3A_207 {strides = array<i32>} : memref<3x2304x192xf32, #tpu.memory_space<vmem>>, vector<1x2304x32xf32>,
      %get3A_212 = arith.constant 1 : index
      %get3A_213 = arith.constant 2 : index
      %get3A_214 = arith.constant 0 : index
      %get3A_215 = vector.load %arg26[%get3A_212, %get3A_213, %get3A_214] : memref<50x50x64xf32, #tpu.memory_space<vmem>>, vector<48x48x32xf32>
      %reshape3A_216 = vector.shape_cast %get3A_215 : vector<48x48x32xf32> to vector<1x2304x32xf32>
      %swap3A_217 = arith.index_cast %rem3A_178 : i32 to index
      %swap3A_218 = arith.constant 0 : index
      %swap3A_219 = arith.constant 64 : index
      %swap3A_220 = vector.load %arg27[%swap3A_217, %swap3A_218, %swap3A_219] : memref<3x2304x192xf32, #tpu.memory_space<vmem>>, vector<1x2304x32xf32>
      tpu.vector_store %arg27[%swap3A_217, %swap3A_218, %swap3A_219], %reshape3A_216 {strides = array<i32>} : memref<3x2304x192xf32, #tpu.memory_space<vmem>>, vector<1x2304x32xf32>,
      %mul3A = arith.constant 1 : i32
      %mul3A_221 = arith.muli %scan3A_174, %mul3A : i32
      %add3A_222 = arith.constant 0 : i32
      %add3A_223 = arith.addi %mul3A_221, %add3A_222 : i32
      %rem3A_224 = arith.constant 3 : i32
      %rem3A_225 = arith.remsi %add3A_223, %rem3A_224 : i32
      %get3A_226 = arith.index_cast %rem3A_225 : i32 to index
      %get3A_227 = arith.constant 0 : index
      %get3A_228 = arith.constant 0 : index
      %get3A_229 = vector.load %arg27[%get3A_226, %get3A_227, %get3A_228] : memref<3x2304x192xf32, #tpu.memory_space<vmem>>, vector<1x2304x192xf32>
      %reshape3A_230 = vector.shape_cast %get3A_229 : vector<1x2304x192xf32> to vector<2304x192xf32>
      %slice3A = vector.extract_strided_slice %reshape3A_230 {offsets = [0, 0], sizes = [2304, 96], strides = [1, 1]} : vector<2304x192xf32> to vector<2304x96xf32>
      %get3A_231 = arith.constant 0 : index
      %get3A_232 = arith.constant 0 : index
      %get3A_233 = vector.load %arg31[%get3A_231, %get3A_232] : memref<192x640xf32, #tpu.memory_space<vmem>>, vector<96x96xf32>
      %dot_general3A = arith.constant dense<0.000000e+00> : vector<2304x96xf32>
      %dot_general3A_234 = tpu.matmul %slice3A, %get3A_233, %dot_general3A {dimension_numbers = #tpu.dot_dimension_numbers<[1], [0], [0], [1], [0, 0, 1, 1], [], []>, transpose_lhs_hint = false} : vector<2304x96xf32>, vector<96x96xf32>, vector<2304x96xf32> -> vector<2304x96xf32>
      %swap3A_235 = arith.constant 48 : index
      %swap3A_236 = arith.constant 0 : index
      %swap3A_237 = vector.load %arg28[%swap3A_235, %swap3A_236] : memref<2400x192xf32, #tpu.memory_space<vmem>>, vector<2304x96xf32>
      tpu.vector_store %arg28[%swap3A_235, %swap3A_236], %dot_general3A_234 {strides = array<i32>} : memref<2400x192xf32, #tpu.memory_space<vmem>>, vector<2304x96xf32>,
      %mul3A_238 = arith.constant 1 : i32
      %mul3A_239 = arith.muli %scan3A_174, %mul3A_238 : i32
      %add3A_240 = arith.constant 1 : i32
      %add3A_241 = arith.addi %mul3A_239, %add3A_240 : i32
      %rem3A_242 = arith.constant 3 : i32
      %rem3A_243 = arith.remsi %add3A_241, %rem3A_242 : i32
      %get3A_244 = arith.index_cast %rem3A_243 : i32 to index
      %get3A_245 = arith.constant 0 : index
      %get3A_246 = arith.constant 0 : index
      %get3A_247 = vector.load %arg27[%get3A_244, %get3A_245, %get3A_246] : memref<3x2304x192xf32, #tpu.memory_space<vmem>>, vector<1x2304x192xf32>
      %reshape3A_248 = vector.shape_cast %get3A_247 : vector<1x2304x192xf32> to vector<2304x192xf32>
      %slice3A_249 = vector.extract_strided_slice %reshape3A_248 {offsets = [0, 0], sizes = [2304, 96], strides = [1, 1]} : vector<2304x192xf32> to vector<2304x96xf32>
      %get3A_250 = arith.constant 0 : index
      %get3A_251 = arith.constant 96 : index
      %get3A_252 = vector.load %arg31[%get3A_250, %get3A_251] : memref<192x640xf32, #tpu.memory_space<vmem>>, vector<96x96xf32>
      %dot_general3A_253 = arith.constant dense<0.000000e+00> : vector<2304x96xf32>
      %dot_general3A_254 = tpu.matmul %slice3A_249, %get3A_252, %dot_general3A_253 {dimension_numbers = #tpu.dot_dimension_numbers<[1], [0], [0], [1], [0, 0, 1, 1], [], []>, transpose_lhs_hint = false} : vector<2304x96xf32>, vector<96x96xf32>, vector<2304x96xf32> -> vector<2304x96xf32>
      %swap3A_255 = arith.constant 48 : index
      %swap3A_256 = arith.constant 0 : index
      %swap3A_257 = vector.load %arg29[%swap3A_255, %swap3A_256] : memref<2400x192xf32, #tpu.memory_space<vmem>>, vector<2304x96xf32>
      tpu.vector_store %arg29[%swap3A_255, %swap3A_256], %dot_general3A_254 {strides = array<i32>} : memref<2400x192xf32, #tpu.memory_space<vmem>>, vector<2304x96xf32>,
      %mul3A_258 = arith.constant 1 : i32
      %mul3A_259 = arith.muli %scan3A_174, %mul3A_258 : i32
      %add3A_260 = arith.constant 2 : i32
      %add3A_261 = arith.addi %mul3A_259, %add3A_260 : i32
      %rem3A_262 = arith.constant 3 : i32
      %rem3A_263 = arith.remsi %add3A_261, %rem3A_262 : i32
      %get3A_264 = arith.index_cast %rem3A_263 : i32 to index
      %get3A_265 = arith.constant 0 : index
      %get3A_266 = arith.constant 0 : index
      %get3A_267 = vector.load %arg27[%get3A_264, %get3A_265, %get3A_266] : memref<3x2304x192xf32, #tpu.memory_space<vmem>>, vector<1x2304x192xf32>
      %reshape3A_268 = vector.shape_cast %get3A_267 : vector<1x2304x192xf32> to vector<2304x192xf32>
      %slice3A_269 = vector.extract_strided_slice %reshape3A_268 {offsets = [0, 0], sizes = [2304, 96], strides = [1, 1]} : vector<2304x192xf32> to vector<2304x96xf32>
      %get3A_270 = arith.constant 0 : index
      %get3A_271 = arith.constant 192 : index
      %get3A_272 = vector.load %arg31[%get3A_270, %get3A_271] : memref<192x640xf32, #tpu.memory_space<vmem>>, vector<96x96xf32>
      %dot_general3A_273 = arith.constant dense<0.000000e+00> : vector<2304x96xf32>
      %dot_general3A_274 = tpu.matmul %slice3A_269, %get3A_272, %dot_general3A_273 {dimension_numbers = #tpu.dot_dimension_numbers<[1], [0], [0], [1], [0, 0, 1, 1], [], []>, transpose_lhs_hint = false} : vector<2304x96xf32>, vector<96x96xf32>, vector<2304x96xf32> -> vector<2304x96xf32>
      %swap3A_275 = arith.constant 48 : index
      %swap3A_276 = arith.constant 0 : index
      %swap3A_277 = vector.load %arg30[%swap3A_275, %swap3A_276] : memref<2400x192xf32, #tpu.memory_space<vmem>>, vector<2304x96xf32>
      tpu.vector_store %arg30[%swap3A_275, %swap3A_276], %dot_general3A_274 {strides = array<i32>} : memref<2400x192xf32, #tpu.memory_space<vmem>>, vector<2304x96xf32>,
      %get3A_278 = arith.constant 0 : index
      %get3A_279 = arith.constant 0 : index
      %get3A_280 = vector.load %arg28[%get3A_278, %get3A_279] : memref<2400x192xf32, #tpu.memory_space<vmem>>, vector<2304x32xf32>
      %get3A_281 = arith.constant 48 : index
      %get3A_282 = arith.constant 32 : index
      %get3A_283 = vector.load %arg28[%get3A_281, %get3A_282] : memref<2400x192xf32, #tpu.memory_space<vmem>>, vector<2304x32xf32>
      %add3A_284 = arith.addf %get3A_280, %get3A_283 : vector<2304x32xf32>
      %get3A_285 = arith.constant 96 : index
      %get3A_286 = arith.constant 64 : index
      %get3A_287 = vector.load %arg28[%get3A_285, %get3A_286] : memref<2400x192xf32, #tpu.memory_space<vmem>>, vector<2304x32xf32>
      %add3A_288 = arith.addf %add3A_284, %get3A_287 : vector<2304x32xf32>
      %get3A_289 = arith.constant 0 : index
      %get3A_290 = arith.constant 0 : index
      %get3A_291 = vector.load %arg29[%get3A_289, %get3A_290] : memref<2400x192xf32, #tpu.memory_space<vmem>>, vector<2304x32xf32>
      %add3A_292 = arith.addf %add3A_288, %get3A_291 : vector<2304x32xf32>
      %get3A_293 = arith.constant 48 : index
      %get3A_294 = arith.constant 32 : index
      %get3A_295 = vector.load %arg29[%get3A_293, %get3A_294] : memref<2400x192xf32, #tpu.memory_space<vmem>>, vector<2304x32xf32>
      %add3A_296 = arith.addf %add3A_292, %get3A_295 : vector<2304x32xf32>
      %get3A_297 = arith.constant 96 : index
      %get3A_298 = arith.constant 64 : index
      %get3A_299 = vector.load %arg29[%get3A_297, %get3A_298] : memref<2400x192xf32, #tpu.memory_space<vmem>>, vector<2304x32xf32>
      %add3A_300 = arith.addf %add3A_296, %get3A_299 : vector<2304x32xf32>
      %get3A_301 = arith.constant 0 : index
      %get3A_302 = arith.constant 0 : index
      %get3A_303 = vector.load %arg30[%get3A_301, %get3A_302] : memref<2400x192xf32, #tpu.memory_space<vmem>>, vector<2304x32xf32>
      %add3A_304 = arith.addf %add3A_300, %get3A_303 : vector<2304x32xf32>
      %get3A_305 = arith.constant 48 : index
      %get3A_306 = arith.constant 32 : index
      %get3A_307 = vector.load %arg30[%get3A_305, %get3A_306] : memref<2400x192xf32, #tpu.memory_space<vmem>>, vector<2304x32xf32>
      %add3A_308 = arith.addf %add3A_304, %get3A_307 : vector<2304x32xf32>
      %get3A_309 = arith.constant 96 : index
      %get3A_310 = arith.constant 64 : index
      %get3A_311 = vector.load %arg30[%get3A_309, %get3A_310] : memref<2400x192xf32, #tpu.memory_space<vmem>>, vector<2304x32xf32>
      %add3A_312 = arith.addf %add3A_308, %get3A_311 : vector<2304x32xf32>
      %add3A_313 = vector.broadcast %get3A_49 : vector<1x32xf32> to vector<2304x32xf32>
      %add3A_314 = arith.addf %add3A_312, %add3A_313 : vector<2304x32xf32>
      %max3A = arith.constant 0.000000e+00 : f32
      %max3A_315 = vector.broadcast %max3A : f32 to vector<2304x32xf32>
      %max3A_316 = arith.maximumf %add3A_314, %max3A_315 : vector<2304x32xf32>
      %reshape3A_317 = vector.shape_cast %max3A_316 : vector<2304x32xf32> to vector<1x2304x32xf32>
      %add3A_318 = arith.constant 1 : i32
      %add3A_319 = arith.addi %scan3A_174, %add3A_318 : i32
      %swap3A_320 = arith.index_cast %add3A_319 : i32 to index
      %swap3A_321 = arith.constant 0 : index
      %swap3A_322 = arith.constant 0 : index
      %swap3A_323 = vector.load %arg24[%swap3A_320, %swap3A_321, %swap3A_322] : memref<18x2304x64xf32, #tpu.memory_space<vmem>>, vector<1x2304x32xf32>
      tpu.vector_store %arg24[%swap3A_320, %swap3A_321, %swap3A_322], %reshape3A_317 {strides = array<i32>} : memref<18x2304x64xf32, #tpu.memory_space<vmem>>, vector<1x2304x32xf32>,
    }
    %scan3A_53 = arith.constant 16 : i32
    %swap3A_54 = arith.constant 17 : index
    %swap3A_55 = arith.constant 0 : index
    %swap3A_56 = arith.constant 0 : index
    %swap3A_57 = vector.load %arg24[%swap3A_54, %swap3A_55, %swap3A_56] : memref<18x2304x64xf32, #tpu.memory_space<vmem>>, vector<1x2304x64xf32>
    tpu.vector_store %arg24[%swap3A_54, %swap3A_55, %swap3A_56], %broadcast_in_dim3A_11 {strides = array<i32>} : memref<18x2304x64xf32, #tpu.memory_space<vmem>>, vector<1x2304x64xf32>,
    tpu.enqueue_dma source(%arg2 : memref<192x640xf32, #tpu.memory_space<any>>) target(%arg31 : memref<192x640xf32, #tpu.memory_space<vmem>>) target_semaphore(%arg33 : memref<!tpu.dma_semaphore, #tpu.memory_space<semaphore_mem>>)
    tpu.wait_dma2 semaphore(%arg33 : memref<!tpu.dma_semaphore, #tpu.memory_space<semaphore_mem>>) src(%arg2 : memref<192x640xf32, #tpu.memory_space<any>>) dst(%arg31 : memref<192x640xf32, #tpu.memory_space<vmem>>)
    %get3A_58 = arith.constant 0 : index
    %get3A_59 = arith.constant 0 : index
    %get3A_60 = vector.load %arg13[%get3A_58, %get3A_59] : memref<1x32xf32, #tpu.memory_space<vmem>>, vector<1x32xf32>
    %scan3A_61 = arith.constant 0 : i32
    %scan3A_62 = arith.constant 16 : i32
    %scan3A_63 = arith.addi %scan3A_61, %scan3A_62 : i32
    %scan3A_64 = arith.constant 1 : i32
    scf.for %scan3A_174 = %scan3A_61 to %scan3A_63 step %scan3A_64  : i32 {
      %eq3A = arith.constant 0 : i32
      %eq3A_175 = arith.cmpi eq, %scan3A_174, %eq3A : i32
      %convert_element_type3A = arith.extui %eq3A_175 : i1 to i32
      %cond3A = arith.constant 0 : i32
      %cond3A_176 = arith.cmpi ne, %convert_element_type3A, %cond3A : i32
      scf.if %cond3A_176 {
        %get3A_319 = arith.constant 0 : index
        %get3A_320 = arith.constant 0 : index
        %get3A_321 = arith.constant 0 : index
        %get3A_322 = vector.load %arg24[%get3A_319, %get3A_320, %get3A_321] : memref<18x2304x64xf32, #tpu.memory_space<vmem>>, vector<1x2304x64xf32>
        %reshape3A_323 = vector.shape_cast %get3A_322 : vector<1x2304x64xf32> to vector<2304x64xf32>
        %slice3A_324 = vector.extract_strided_slice %reshape3A_323 {offsets = [0, 0], sizes = [2304, 32], strides = [1, 1]} : vector<2304x64xf32> to vector<2304x32xf32>
        %reshape3A_325 = vector.shape_cast %slice3A_324 : vector<2304x32xf32> to vector<48x48x32xf32>
        %swap3A_326 = arith.constant 1 : index
        %swap3A_327 = arith.constant 1 : index
        %swap3A_328 = arith.constant 0 : index
        %swap3A_329 = vector.load %arg26[%swap3A_326, %swap3A_327, %swap3A_328] : memref<50x50x64xf32, #tpu.memory_space<vmem>>, vector<48x48x32xf32>
        tpu.vector_store %arg26[%swap3A_326, %swap3A_327, %swap3A_328], %reshape3A_325 {strides = array<i32>} : memref<50x50x64xf32, #tpu.memory_space<vmem>>, vector<48x48x32xf32>,
        %get3A_330 = arith.constant 1 : index
        %get3A_331 = arith.constant 0 : index
        %get3A_332 = arith.constant 0 : index
        %get3A_333 = vector.load %arg26[%get3A_330, %get3A_331, %get3A_332] : memref<50x50x64xf32, #tpu.memory_space<vmem>>, vector<48x48x32xf32>
        %reshape3A_334 = vector.shape_cast %get3A_333 : vector<48x48x32xf32> to vector<1x2304x32xf32>
        %swap3A_335 = arith.constant 0 : index
        %swap3A_336 = arith.constant 0 : index
        %swap3A_337 = arith.constant 0 : index
        %swap3A_338 = vector.load %arg27[%swap3A_335, %swap3A_336, %swap3A_337] : memref<3x2304x192xf32, #tpu.memory_space<vmem>>, vector<1x2304x32xf32>
        tpu.vector_store %arg27[%swap3A_335, %swap3A_336, %swap3A_337], %reshape3A_334 {strides = array<i32>} : memref<3x2304x192xf32, #tpu.memory_space<vmem>>, vector<1x2304x32xf32>,
        %get3A_339 = arith.constant 1 : index
        %get3A_340 = arith.constant 1 : index
        %get3A_341 = arith.constant 0 : index
        %get3A_342 = vector.load %arg26[%get3A_339, %get3A_340, %get3A_341] : memref<50x50x64xf32, #tpu.memory_space<vmem>>, vector<48x48x32xf32>
        %reshape3A_343 = vector.shape_cast %get3A_342 : vector<48x48x32xf32> to vector<1x2304x32xf32>
        %swap3A_344 = arith.constant 0 : index
        %swap3A_345 = arith.constant 0 : index
        %swap3A_346 = arith.constant 32 : index
        %swap3A_347 = vector.load %arg27[%swap3A_344, %swap3A_345, %swap3A_346] : memref<3x2304x192xf32, #tpu.memory_space<vmem>>, vector<1x2304x32xf32>
        tpu.vector_store %arg27[%swap3A_344, %swap3A_345, %swap3A_346], %reshape3A_343 {strides = array<i32>} : memref<3x2304x192xf32, #tpu.memory_space<vmem>>, vector<1x2304x32xf32>,
        %get3A_348 = arith.constant 1 : index
        %get3A_349 = arith.constant 2 : index
        %get3A_350 = arith.constant 0 : index
        %get3A_351 = vector.load %arg26[%get3A_348, %get3A_349, %get3A_350] : memref<50x50x64xf32, #tpu.memory_space<vmem>>, vector<48x48x32xf32>
        %reshape3A_352 = vector.shape_cast %get3A_351 : vector<48x48x32xf32> to vector<1x2304x32xf32>
        %swap3A_353 = arith.constant 0 : index
        %swap3A_354 = arith.constant 0 : index
        %swap3A_355 = arith.constant 64 : index
        %swap3A_356 = vector.load %arg27[%swap3A_353, %swap3A_354, %swap3A_355] : memref<3x2304x192xf32, #tpu.memory_space<vmem>>, vector<1x2304x32xf32>
        tpu.vector_store %arg27[%swap3A_353, %swap3A_354, %swap3A_355], %reshape3A_352 {strides = array<i32>} : memref<3x2304x192xf32, #tpu.memory_space<vmem>>, vector<1x2304x32xf32>,
        %get3A_357 = arith.constant 1 : index
        %get3A_358 = arith.constant 0 : index
        %get3A_359 = arith.constant 0 : index
        %get3A_360 = vector.load %arg24[%get3A_357, %get3A_358, %get3A_359] : memref<18x2304x64xf32, #tpu.memory_space<vmem>>, vector<1x2304x64xf32>
        %reshape3A_361 = vector.shape_cast %get3A_360 : vector<1x2304x64xf32> to vector<2304x64xf32>
        %slice3A_362 = vector.extract_strided_slice %reshape3A_361 {offsets = [0, 0], sizes = [2304, 32], strides = [1, 1]} : vector<2304x64xf32> to vector<2304x32xf32>
        %reshape3A_363 = vector.shape_cast %slice3A_362 : vector<2304x32xf32> to vector<48x48x32xf32>
        %swap3A_364 = arith.constant 1 : index
        %swap3A_365 = arith.constant 1 : index
        %swap3A_366 = arith.constant 0 : index
        %swap3A_367 = vector.load %arg26[%swap3A_364, %swap3A_365, %swap3A_366] : memref<50x50x64xf32, #tpu.memory_space<vmem>>, vector<48x48x32xf32>
        tpu.vector_store %arg26[%swap3A_364, %swap3A_365, %swap3A_366], %reshape3A_363 {strides = array<i32>} : memref<50x50x64xf32, #tpu.memory_space<vmem>>, vector<48x48x32xf32>,
        %get3A_368 = arith.constant 1 : index
        %get3A_369 = arith.constant 0 : index
        %get3A_370 = arith.constant 0 : index
        %get3A_371 = vector.load %arg26[%get3A_368, %get3A_369, %get3A_370] : memref<50x50x64xf32, #tpu.memory_space<vmem>>, vector<48x48x32xf32>
        %reshape3A_372 = vector.shape_cast %get3A_371 : vector<48x48x32xf32> to vector<1x2304x32xf32>
        %swap3A_373 = arith.constant 1 : index
        %swap3A_374 = arith.constant 0 : index
        %swap3A_375 = arith.constant 0 : index
        %swap3A_376 = vector.load %arg27[%swap3A_373, %swap3A_374, %swap3A_375] : memref<3x2304x192xf32, #tpu.memory_space<vmem>>, vector<1x2304x32xf32>
        tpu.vector_store %arg27[%swap3A_373, %swap3A_374, %swap3A_375], %reshape3A_372 {strides = array<i32>} : memref<3x2304x192xf32, #tpu.memory_space<vmem>>, vector<1x2304x32xf32>,
        %get3A_377 = arith.constant 1 : index
        %get3A_378 = arith.constant 1 : index
        %get3A_379 = arith.constant 0 : index
        %get3A_380 = vector.load %arg26[%get3A_377, %get3A_378, %get3A_379] : memref<50x50x64xf32, #tpu.memory_space<vmem>>, vector<48x48x32xf32>
        %reshape3A_381 = vector.shape_cast %get3A_380 : vector<48x48x32xf32> to vector<1x2304x32xf32>
        %swap3A_382 = arith.constant 1 : index
        %swap3A_383 = arith.constant 0 : index
        %swap3A_384 = arith.constant 32 : index
        %swap3A_385 = vector.load %arg27[%swap3A_382, %swap3A_383, %swap3A_384] : memref<3x2304x192xf32, #tpu.memory_space<vmem>>, vector<1x2304x32xf32>
        tpu.vector_store %arg27[%swap3A_382, %swap3A_383, %swap3A_384], %reshape3A_381 {strides = array<i32>} : memref<3x2304x192xf32, #tpu.memory_space<vmem>>, vector<1x2304x32xf32>,
        %get3A_386 = arith.constant 1 : index
        %get3A_387 = arith.constant 2 : index
        %get3A_388 = arith.constant 0 : index
        %get3A_389 = vector.load %arg26[%get3A_386, %get3A_387, %get3A_388] : memref<50x50x64xf32, #tpu.memory_space<vmem>>, vector<48x48x32xf32>
        %reshape3A_390 = vector.shape_cast %get3A_389 : vector<48x48x32xf32> to vector<1x2304x32xf32>
        %swap3A_391 = arith.constant 1 : index
        %swap3A_392 = arith.constant 0 : index
        %swap3A_393 = arith.constant 64 : index
        %swap3A_394 = vector.load %arg27[%swap3A_391, %swap3A_392, %swap3A_393] : memref<3x2304x192xf32, #tpu.memory_space<vmem>>, vector<1x2304x32xf32>
        tpu.vector_store %arg27[%swap3A_391, %swap3A_392, %swap3A_393], %reshape3A_390 {strides = array<i32>} : memref<3x2304x192xf32, #tpu.memory_space<vmem>>, vector<1x2304x32xf32>,
      } else {
      }
      %add3A = arith.constant 2 : i32
      %add3A_177 = arith.addi %scan3A_174, %add3A : i32
      %rem3A = arith.constant 3 : i32
      %rem3A_178 = arith.remsi %add3A_177, %rem3A : i32
      %get3A_179 = arith.index_cast %add3A_177 : i32 to index
      %get3A_180 = arith.constant 0 : index
      %get3A_181 = arith.constant 0 : index
      %get3A_182 = vector.load %arg24[%get3A_179, %get3A_180, %get3A_181] : memref<18x2304x64xf32, #tpu.memory_space<vmem>>, vector<1x2304x64xf32>
      %reshape3A = vector.shape_cast %get3A_182 : vector<1x2304x64xf32> to vector<2304x64xf32>
      %slice3A = vector.extract_strided_slice %reshape3A {offsets = [0, 0], sizes = [2304, 32], strides = [1, 1]} : vector<2304x64xf32> to vector<2304x32xf32>
      %reshape3A_183 = vector.shape_cast %slice3A : vector<2304x32xf32> to vector<48x48x32xf32>
      %swap3A_184 = arith.constant 1 : index
      %swap3A_185 = arith.constant 1 : index
      %swap3A_186 = arith.constant 0 : index
      %swap3A_187 = vector.load %arg26[%swap3A_184, %swap3A_185, %swap3A_186] : memref<50x50x64xf32, #tpu.memory_space<vmem>>, vector<48x48x32xf32>
      tpu.vector_store %arg26[%swap3A_184, %swap3A_185, %swap3A_186], %reshape3A_183 {strides = array<i32>} : memref<50x50x64xf32, #tpu.memory_space<vmem>>, vector<48x48x32xf32>,
      %get3A_188 = arith.constant 1 : index
      %get3A_189 = arith.constant 0 : index
      %get3A_190 = arith.constant 0 : index
      %get3A_191 = vector.load %arg26[%get3A_188, %get3A_189, %get3A_190] : memref<50x50x64xf32, #tpu.memory_space<vmem>>, vector<48x48x32xf32>
      %reshape3A_192 = vector.shape_cast %get3A_191 : vector<48x48x32xf32> to vector<1x2304x32xf32>
      %swap3A_193 = arith.index_cast %rem3A_178 : i32 to index
      %swap3A_194 = arith.constant 0 : index
      %swap3A_195 = arith.constant 0 : index
      %swap3A_196 = vector.load %arg27[%swap3A_193, %swap3A_194, %swap3A_195] : memref<3x2304x192xf32, #tpu.memory_space<vmem>>, vector<1x2304x32xf32>
      tpu.vector_store %arg27[%swap3A_193, %swap3A_194, %swap3A_195], %reshape3A_192 {strides = array<i32>} : memref<3x2304x192xf32, #tpu.memory_space<vmem>>, vector<1x2304x32xf32>,
      %get3A_197 = arith.constant 1 : index
      %get3A_198 = arith.constant 1 : index
      %get3A_199 = arith.constant 0 : index
      %get3A_200 = vector.load %arg26[%get3A_197, %get3A_198, %get3A_199] : memref<50x50x64xf32, #tpu.memory_space<vmem>>, vector<48x48x32xf32>
      %reshape3A_201 = vector.shape_cast %get3A_200 : vector<48x48x32xf32> to vector<1x2304x32xf32>
      %swap3A_202 = arith.index_cast %rem3A_178 : i32 to index
      %swap3A_203 = arith.constant 0 : index
      %swap3A_204 = arith.constant 32 : index
      %swap3A_205 = vector.load %arg27[%swap3A_202, %swap3A_203, %swap3A_204] : memref<3x2304x192xf32, #tpu.memory_space<vmem>>, vector<1x2304x32xf32>
      tpu.vector_store %arg27[%swap3A_202, %swap3A_203, %swap3A_204], %reshape3A_201 {strides = array<i32>} : memref<3x2304x192xf32, #tpu.memory_space<vmem>>, vector<1x2304x32xf32>,
      %get3A_206 = arith.constant 1 : index
      %get3A_207 = arith.constant 2 : index
      %get3A_208 = arith.constant 0 : index
      %get3A_209 = vector.load %arg26[%get3A_206, %get3A_207, %get3A_208] : memref<50x50x64xf32, #tpu.memory_space<vmem>>, vector<48x48x32xf32>
      %reshape3A_210 = vector.shape_cast %get3A_209 : vector<48x48x32xf32> to vector<1x2304x32xf32>
      %swap3A_211 = arith.index_cast %rem3A_178 : i32 to index
      %swap3A_212 = arith.constant 0 : index
      %swap3A_213 = arith.constant 64 : index
      %swap3A_214 = vector.load %arg27[%swap3A_211, %swap3A_212, %swap3A_213] : memref<3x2304x192xf32, #tpu.memory_space<vmem>>, vector<1x2304x32xf32>
      tpu.vector_store %arg27[%swap3A_211, %swap3A_212, %swap3A_213], %reshape3A_210 {strides = array<i32>} : memref<3x2304x192xf32, #tpu.memory_space<vmem>>, vector<1x2304x32xf32>,
      %mul3A = arith.constant 1 : i32
      %mul3A_215 = arith.muli %scan3A_174, %mul3A : i32
      %add3A_216 = arith.constant 0 : i32
      %add3A_217 = arith.addi %mul3A_215, %add3A_216 : i32
      %rem3A_218 = arith.constant 3 : i32
      %rem3A_219 = arith.remsi %add3A_217, %rem3A_218 : i32
      %get3A_220 = arith.index_cast %rem3A_219 : i32 to index
      %get3A_221 = arith.constant 0 : index
      %get3A_222 = arith.constant 0 : index
      %get3A_223 = vector.load %arg27[%get3A_220, %get3A_221, %get3A_222] : memref<3x2304x192xf32, #tpu.memory_space<vmem>>, vector<1x2304x192xf32>
      %reshape3A_224 = vector.shape_cast %get3A_223 : vector<1x2304x192xf32> to vector<2304x192xf32>
      %slice3A_225 = vector.extract_strided_slice %reshape3A_224 {offsets = [0, 0], sizes = [2304, 96], strides = [1, 1]} : vector<2304x192xf32> to vector<2304x96xf32>
      %get3A_226 = arith.constant 0 : index
      %get3A_227 = arith.constant 0 : index
      %get3A_228 = vector.load %arg31[%get3A_226, %get3A_227] : memref<192x640xf32, #tpu.memory_space<vmem>>, vector<96x96xf32>
      %dot_general3A = arith.constant dense<0.000000e+00> : vector<2304x96xf32>
      %dot_general3A_229 = tpu.matmul %slice3A_225, %get3A_228, %dot_general3A {dimension_numbers = #tpu.dot_dimension_numbers<[1], [0], [0], [1], [0, 0, 1, 1], [], []>, transpose_lhs_hint = false} : vector<2304x96xf32>, vector<96x96xf32>, vector<2304x96xf32> -> vector<2304x96xf32>
      %swap3A_230 = arith.constant 48 : index
      %swap3A_231 = arith.constant 0 : index
      %swap3A_232 = vector.load %arg28[%swap3A_230, %swap3A_231] : memref<2400x192xf32, #tpu.memory_space<vmem>>, vector<2304x96xf32>
      tpu.vector_store %arg28[%swap3A_230, %swap3A_231], %dot_general3A_229 {strides = array<i32>} : memref<2400x192xf32, #tpu.memory_space<vmem>>, vector<2304x96xf32>,
      %mul3A_233 = arith.constant 1 : i32
      %mul3A_234 = arith.muli %scan3A_174, %mul3A_233 : i32
      %add3A_235 = arith.constant 1 : i32
      %add3A_236 = arith.addi %mul3A_234, %add3A_235 : i32
      %rem3A_237 = arith.constant 3 : i32
      %rem3A_238 = arith.remsi %add3A_236, %rem3A_237 : i32
      %get3A_239 = arith.index_cast %rem3A_238 : i32 to index
      %get3A_240 = arith.constant 0 : index
      %get3A_241 = arith.constant 0 : index
      %get3A_242 = vector.load %arg27[%get3A_239, %get3A_240, %get3A_241] : memref<3x2304x192xf32, #tpu.memory_space<vmem>>, vector<1x2304x192xf32>
      %reshape3A_243 = vector.shape_cast %get3A_242 : vector<1x2304x192xf32> to vector<2304x192xf32>
      %slice3A_244 = vector.extract_strided_slice %reshape3A_243 {offsets = [0, 0], sizes = [2304, 96], strides = [1, 1]} : vector<2304x192xf32> to vector<2304x96xf32>
      %get3A_245 = arith.constant 0 : index
      %get3A_246 = arith.constant 96 : index
      %get3A_247 = vector.load %arg31[%get3A_245, %get3A_246] : memref<192x640xf32, #tpu.memory_space<vmem>>, vector<96x96xf32>
      %dot_general3A_248 = arith.constant dense<0.000000e+00> : vector<2304x96xf32>
      %dot_general3A_249 = tpu.matmul %slice3A_244, %get3A_247, %dot_general3A_248 {dimension_numbers = #tpu.dot_dimension_numbers<[1], [0], [0], [1], [0, 0, 1, 1], [], []>, transpose_lhs_hint = false} : vector<2304x96xf32>, vector<96x96xf32>, vector<2304x96xf32> -> vector<2304x96xf32>
      %swap3A_250 = arith.constant 48 : index
      %swap3A_251 = arith.constant 0 : index
      %swap3A_252 = vector.load %arg29[%swap3A_250, %swap3A_251] : memref<2400x192xf32, #tpu.memory_space<vmem>>, vector<2304x96xf32>
      tpu.vector_store %arg29[%swap3A_250, %swap3A_251], %dot_general3A_249 {strides = array<i32>} : memref<2400x192xf32, #tpu.memory_space<vmem>>, vector<2304x96xf32>,
      %mul3A_253 = arith.constant 1 : i32
      %mul3A_254 = arith.muli %scan3A_174, %mul3A_253 : i32
      %add3A_255 = arith.constant 2 : i32
      %add3A_256 = arith.addi %mul3A_254, %add3A_255 : i32
      %rem3A_257 = arith.constant 3 : i32
      %rem3A_258 = arith.remsi %add3A_256, %rem3A_257 : i32
      %get3A_259 = arith.index_cast %rem3A_258 : i32 to index
      %get3A_260 = arith.constant 0 : index
      %get3A_261 = arith.constant 0 : index
      %get3A_262 = vector.load %arg27[%get3A_259, %get3A_260, %get3A_261] : memref<3x2304x192xf32, #tpu.memory_space<vmem>>, vector<1x2304x192xf32>
      %reshape3A_263 = vector.shape_cast %get3A_262 : vector<1x2304x192xf32> to vector<2304x192xf32>
      %slice3A_264 = vector.extract_strided_slice %reshape3A_263 {offsets = [0, 0], sizes = [2304, 96], strides = [1, 1]} : vector<2304x192xf32> to vector<2304x96xf32>
      %get3A_265 = arith.constant 0 : index
      %get3A_266 = arith.constant 192 : index
      %get3A_267 = vector.load %arg31[%get3A_265, %get3A_266] : memref<192x640xf32, #tpu.memory_space<vmem>>, vector<96x96xf32>
      %dot_general3A_268 = arith.constant dense<0.000000e+00> : vector<2304x96xf32>
      %dot_general3A_269 = tpu.matmul %slice3A_264, %get3A_267, %dot_general3A_268 {dimension_numbers = #tpu.dot_dimension_numbers<[1], [0], [0], [1], [0, 0, 1, 1], [], []>, transpose_lhs_hint = false} : vector<2304x96xf32>, vector<96x96xf32>, vector<2304x96xf32> -> vector<2304x96xf32>
      %swap3A_270 = arith.constant 48 : index
      %swap3A_271 = arith.constant 0 : index
      %swap3A_272 = vector.load %arg30[%swap3A_270, %swap3A_271] : memref<2400x192xf32, #tpu.memory_space<vmem>>, vector<2304x96xf32>
      tpu.vector_store %arg30[%swap3A_270, %swap3A_271], %dot_general3A_269 {strides = array<i32>} : memref<2400x192xf32, #tpu.memory_space<vmem>>, vector<2304x96xf32>,
      %get3A_273 = arith.constant 0 : index
      %get3A_274 = arith.constant 0 : index
      %get3A_275 = vector.load %arg28[%get3A_273, %get3A_274] : memref<2400x192xf32, #tpu.memory_space<vmem>>, vector<2304x32xf32>
      %get3A_276 = arith.constant 48 : index
      %get3A_277 = arith.constant 32 : index
      %get3A_278 = vector.load %arg28[%get3A_276, %get3A_277] : memref<2400x192xf32, #tpu.memory_space<vmem>>, vector<2304x32xf32>
      %add3A_279 = arith.addf %get3A_275, %get3A_278 : vector<2304x32xf32>
      %get3A_280 = arith.constant 96 : index
      %get3A_281 = arith.constant 64 : index
      %get3A_282 = vector.load %arg28[%get3A_280, %get3A_281] : memref<2400x192xf32, #tpu.memory_space<vmem>>, vector<2304x32xf32>
      %add3A_283 = arith.addf %add3A_279, %get3A_282 : vector<2304x32xf32>
      %get3A_284 = arith.constant 0 : index
      %get3A_285 = arith.constant 0 : index
      %get3A_286 = vector.load %arg29[%get3A_284, %get3A_285] : memref<2400x192xf32, #tpu.memory_space<vmem>>, vector<2304x32xf32>
      %add3A_287 = arith.addf %add3A_283, %get3A_286 : vector<2304x32xf32>
      %get3A_288 = arith.constant 48 : index
      %get3A_289 = arith.constant 32 : index
      %get3A_290 = vector.load %arg29[%get3A_288, %get3A_289] : memref<2400x192xf32, #tpu.memory_space<vmem>>, vector<2304x32xf32>
      %add3A_291 = arith.addf %add3A_287, %get3A_290 : vector<2304x32xf32>
      %get3A_292 = arith.constant 96 : index
      %get3A_293 = arith.constant 64 : index
      %get3A_294 = vector.load %arg29[%get3A_292, %get3A_293] : memref<2400x192xf32, #tpu.memory_space<vmem>>, vector<2304x32xf32>
      %add3A_295 = arith.addf %add3A_291, %get3A_294 : vector<2304x32xf32>
      %get3A_296 = arith.constant 0 : index
      %get3A_297 = arith.constant 0 : index
      %get3A_298 = vector.load %arg30[%get3A_296, %get3A_297] : memref<2400x192xf32, #tpu.memory_space<vmem>>, vector<2304x32xf32>
      %add3A_299 = arith.addf %add3A_295, %get3A_298 : vector<2304x32xf32>
      %get3A_300 = arith.constant 48 : index
      %get3A_301 = arith.constant 32 : index
      %get3A_302 = vector.load %arg30[%get3A_300, %get3A_301] : memref<2400x192xf32, #tpu.memory_space<vmem>>, vector<2304x32xf32>
      %add3A_303 = arith.addf %add3A_299, %get3A_302 : vector<2304x32xf32>
      %get3A_304 = arith.constant 96 : index
      %get3A_305 = arith.constant 64 : index
      %get3A_306 = vector.load %arg30[%get3A_304, %get3A_305] : memref<2400x192xf32, #tpu.memory_space<vmem>>, vector<2304x32xf32>
      %add3A_307 = arith.addf %add3A_303, %get3A_306 : vector<2304x32xf32>
      %add3A_308 = vector.broadcast %get3A_60 : vector<1x32xf32> to vector<2304x32xf32>
      %add3A_309 = arith.addf %add3A_307, %add3A_308 : vector<2304x32xf32>
      %max3A = arith.constant 0.000000e+00 : f32
      %max3A_310 = vector.broadcast %max3A : f32 to vector<2304x32xf32>
      %max3A_311 = arith.maximumf %add3A_309, %max3A_310 : vector<2304x32xf32>
      %reshape3A_312 = vector.shape_cast %max3A_311 : vector<2304x32xf32> to vector<1x2304x32xf32>
      %add3A_313 = arith.constant 1 : i32
      %add3A_314 = arith.addi %scan3A_174, %add3A_313 : i32
      %swap3A_315 = arith.index_cast %add3A_314 : i32 to index
      %swap3A_316 = arith.constant 0 : index
      %swap3A_317 = arith.constant 0 : index
      %swap3A_318 = vector.load %arg25[%swap3A_315, %swap3A_316, %swap3A_317] : memref<18x2304x64xf32, #tpu.memory_space<vmem>>, vector<1x2304x32xf32>
      tpu.vector_store %arg25[%swap3A_315, %swap3A_316, %swap3A_317], %reshape3A_312 {strides = array<i32>} : memref<18x2304x64xf32, #tpu.memory_space<vmem>>, vector<1x2304x32xf32>,
    }
    %scan3A_65 = arith.constant 16 : i32
    %swap3A_66 = arith.constant 17 : index
    %swap3A_67 = arith.constant 0 : index
    %swap3A_68 = arith.constant 0 : index
    %swap3A_69 = vector.load %arg25[%swap3A_66, %swap3A_67, %swap3A_68] : memref<18x2304x64xf32, #tpu.memory_space<vmem>>, vector<1x2304x64xf32>
    tpu.vector_store %arg25[%swap3A_66, %swap3A_67, %swap3A_68], %broadcast_in_dim3A_11 {strides = array<i32>} : memref<18x2304x64xf32, #tpu.memory_space<vmem>>, vector<1x2304x64xf32>,
    tpu.enqueue_dma source(%arg3 : memref<192x640xf32, #tpu.memory_space<any>>) target(%arg31 : memref<192x640xf32, #tpu.memory_space<vmem>>) target_semaphore(%arg33 : memref<!tpu.dma_semaphore, #tpu.memory_space<semaphore_mem>>)
    tpu.wait_dma2 semaphore(%arg33 : memref<!tpu.dma_semaphore, #tpu.memory_space<semaphore_mem>>) src(%arg3 : memref<192x640xf32, #tpu.memory_space<any>>) dst(%arg31 : memref<192x640xf32, #tpu.memory_space<vmem>>)
    %get3A_70 = arith.constant 0 : index
    %get3A_71 = arith.constant 0 : index
    %get3A_72 = vector.load %arg14[%get3A_70, %get3A_71] : memref<1x64xf32, #tpu.memory_space<vmem>>, vector<1x64xf32>
    %scan3A_73 = arith.constant 0 : i32
    %scan3A_74 = arith.constant 8 : i32
    %scan3A_75 = arith.addi %scan3A_73, %scan3A_74 : i32
    %scan3A_76 = arith.constant 1 : i32
    scf.for %scan3A_174 = %scan3A_73 to %scan3A_75 step %scan3A_76  : i32 {
      %eq3A = arith.constant 0 : i32
      %eq3A_175 = arith.cmpi eq, %scan3A_174, %eq3A : i32
      %convert_element_type3A = arith.extui %eq3A_175 : i1 to i32
      %cond3A = arith.constant 0 : i32
      %cond3A_176 = arith.cmpi ne, %convert_element_type3A, %cond3A : i32
      scf.if %cond3A_176 {
        %get3A_365 = arith.constant 0 : index
        %get3A_366 = arith.constant 0 : index
        %get3A_367 = arith.constant 0 : index
        %get3A_368 = vector.load %arg25[%get3A_365, %get3A_366, %get3A_367] : memref<18x2304x64xf32, #tpu.memory_space<vmem>>, vector<1x2304x64xf32>
        %reshape3A_369 = vector.shape_cast %get3A_368 : vector<1x2304x64xf32> to vector<2304x64xf32>
        %slice3A_370 = vector.extract_strided_slice %reshape3A_369 {offsets = [0, 0], sizes = [2304, 32], strides = [1, 1]} : vector<2304x64xf32> to vector<2304x32xf32>
        %reshape3A_371 = vector.shape_cast %slice3A_370 : vector<2304x32xf32> to vector<48x48x32xf32>
        %swap3A_372 = arith.constant 1 : index
        %swap3A_373 = arith.constant 1 : index
        %swap3A_374 = arith.constant 0 : index
        %swap3A_375 = vector.load %arg26[%swap3A_372, %swap3A_373, %swap3A_374] : memref<50x50x64xf32, #tpu.memory_space<vmem>>, vector<48x48x32xf32>
        tpu.vector_store %arg26[%swap3A_372, %swap3A_373, %swap3A_374], %reshape3A_371 {strides = array<i32>} : memref<50x50x64xf32, #tpu.memory_space<vmem>>, vector<48x48x32xf32>,
        %get3A_376 = arith.constant 1 : index
        %get3A_377 = arith.constant 0 : index
        %get3A_378 = arith.constant 0 : index
        %get3A_379 = vector.load %arg26[%get3A_376, %get3A_377, %get3A_378] : memref<50x50x64xf32, #tpu.memory_space<vmem>>, vector<48x48x32xf32>
        %reshape3A_380 = vector.shape_cast %get3A_379 : vector<48x48x32xf32> to vector<1x2304x32xf32>
        %swap3A_381 = arith.constant 0 : index
        %swap3A_382 = arith.constant 0 : index
        %swap3A_383 = arith.constant 0 : index
        %swap3A_384 = vector.load %arg27[%swap3A_381, %swap3A_382, %swap3A_383] : memref<3x2304x192xf32, #tpu.memory_space<vmem>>, vector<1x2304x32xf32>
        tpu.vector_store %arg27[%swap3A_381, %swap3A_382, %swap3A_383], %reshape3A_380 {strides = array<i32>} : memref<3x2304x192xf32, #tpu.memory_space<vmem>>, vector<1x2304x32xf32>,
        %get3A_385 = arith.constant 1 : index
        %get3A_386 = arith.constant 1 : index
        %get3A_387 = arith.constant 0 : index
        %get3A_388 = vector.load %arg26[%get3A_385, %get3A_386, %get3A_387] : memref<50x50x64xf32, #tpu.memory_space<vmem>>, vector<48x48x32xf32>
        %reshape3A_389 = vector.shape_cast %get3A_388 : vector<48x48x32xf32> to vector<1x2304x32xf32>
        %swap3A_390 = arith.constant 0 : index
        %swap3A_391 = arith.constant 0 : index
        %swap3A_392 = arith.constant 32 : index
        %swap3A_393 = vector.load %arg27[%swap3A_390, %swap3A_391, %swap3A_392] : memref<3x2304x192xf32, #tpu.memory_space<vmem>>, vector<1x2304x32xf32>
        tpu.vector_store %arg27[%swap3A_390, %swap3A_391, %swap3A_392], %reshape3A_389 {strides = array<i32>} : memref<3x2304x192xf32, #tpu.memory_space<vmem>>, vector<1x2304x32xf32>,
        %get3A_394 = arith.constant 1 : index
        %get3A_395 = arith.constant 2 : index
        %get3A_396 = arith.constant 0 : index
        %get3A_397 = vector.load %arg26[%get3A_394, %get3A_395, %get3A_396] : memref<50x50x64xf32, #tpu.memory_space<vmem>>, vector<48x48x32xf32>
        %reshape3A_398 = vector.shape_cast %get3A_397 : vector<48x48x32xf32> to vector<1x2304x32xf32>
        %swap3A_399 = arith.constant 0 : index
        %swap3A_400 = arith.constant 0 : index
        %swap3A_401 = arith.constant 64 : index
        %swap3A_402 = vector.load %arg27[%swap3A_399, %swap3A_400, %swap3A_401] : memref<3x2304x192xf32, #tpu.memory_space<vmem>>, vector<1x2304x32xf32>
        tpu.vector_store %arg27[%swap3A_399, %swap3A_400, %swap3A_401], %reshape3A_398 {strides = array<i32>} : memref<3x2304x192xf32, #tpu.memory_space<vmem>>, vector<1x2304x32xf32>,
      } else {
      }
      %mul3A = arith.constant 2 : i32
      %mul3A_177 = arith.muli %mul3A, %scan3A_174 : i32
      %add3A = arith.constant 1 : i32
      %add3A_178 = arith.addi %mul3A_177, %add3A : i32
      %rem3A = arith.constant 3 : i32
      %rem3A_179 = arith.remsi %add3A_178, %rem3A : i32
      %get3A_180 = arith.index_cast %add3A_178 : i32 to index
      %get3A_181 = arith.constant 0 : index
      %get3A_182 = arith.constant 0 : index
      %get3A_183 = vector.load %arg25[%get3A_180, %get3A_181, %get3A_182] : memref<18x2304x64xf32, #tpu.memory_space<vmem>>, vector<1x2304x64xf32>
      %reshape3A = vector.shape_cast %get3A_183 : vector<1x2304x64xf32> to vector<2304x64xf32>
      %slice3A = vector.extract_strided_slice %reshape3A {offsets = [0, 0], sizes = [2304, 32], strides = [1, 1]} : vector<2304x64xf32> to vector<2304x32xf32>
      %reshape3A_184 = vector.shape_cast %slice3A : vector<2304x32xf32> to vector<48x48x32xf32>
      %swap3A_185 = arith.constant 1 : index
      %swap3A_186 = arith.constant 1 : index
      %swap3A_187 = arith.constant 0 : index
      %swap3A_188 = vector.load %arg26[%swap3A_185, %swap3A_186, %swap3A_187] : memref<50x50x64xf32, #tpu.memory_space<vmem>>, vector<48x48x32xf32>
      tpu.vector_store %arg26[%swap3A_185, %swap3A_186, %swap3A_187], %reshape3A_184 {strides = array<i32>} : memref<50x50x64xf32, #tpu.memory_space<vmem>>, vector<48x48x32xf32>,
      %get3A_189 = arith.constant 1 : index
      %get3A_190 = arith.constant 0 : index
      %get3A_191 = arith.constant 0 : index
      %get3A_192 = vector.load %arg26[%get3A_189, %get3A_190, %get3A_191] : memref<50x50x64xf32, #tpu.memory_space<vmem>>, vector<48x48x32xf32>
      %reshape3A_193 = vector.shape_cast %get3A_192 : vector<48x48x32xf32> to vector<1x2304x32xf32>
      %swap3A_194 = arith.index_cast %rem3A_179 : i32 to index
      %swap3A_195 = arith.constant 0 : index
      %swap3A_196 = arith.constant 0 : index
      %swap3A_197 = vector.load %arg27[%swap3A_194, %swap3A_195, %swap3A_196] : memref<3x2304x192xf32, #tpu.memory_space<vmem>>, vector<1x2304x32xf32>
      tpu.vector_store %arg27[%swap3A_194, %swap3A_195, %swap3A_196], %reshape3A_193 {strides = array<i32>} : memref<3x2304x192xf32, #tpu.memory_space<vmem>>, vector<1x2304x32xf32>,
      %get3A_198 = arith.constant 1 : index
      %get3A_199 = arith.constant 1 : index
      %get3A_200 = arith.constant 0 : index
      %get3A_201 = vector.load %arg26[%get3A_198, %get3A_199, %get3A_200] : memref<50x50x64xf32, #tpu.memory_space<vmem>>, vector<48x48x32xf32>
      %reshape3A_202 = vector.shape_cast %get3A_201 : vector<48x48x32xf32> to vector<1x2304x32xf32>
      %swap3A_203 = arith.index_cast %rem3A_179 : i32 to index
      %swap3A_204 = arith.constant 0 : index
      %swap3A_205 = arith.constant 32 : index
      %swap3A_206 = vector.load %arg27[%swap3A_203, %swap3A_204, %swap3A_205] : memref<3x2304x192xf32, #tpu.memory_space<vmem>>, vector<1x2304x32xf32>
      tpu.vector_store %arg27[%swap3A_203, %swap3A_204, %swap3A_205], %reshape3A_202 {strides = array<i32>} : memref<3x2304x192xf32, #tpu.memory_space<vmem>>, vector<1x2304x32xf32>,
      %get3A_207 = arith.constant 1 : index
      %get3A_208 = arith.constant 2 : index
      %get3A_209 = arith.constant 0 : index
      %get3A_210 = vector.load %arg26[%get3A_207, %get3A_208, %get3A_209] : memref<50x50x64xf32, #tpu.memory_space<vmem>>, vector<48x48x32xf32>
      %reshape3A_211 = vector.shape_cast %get3A_210 : vector<48x48x32xf32> to vector<1x2304x32xf32>
      %swap3A_212 = arith.index_cast %rem3A_179 : i32 to index
      %swap3A_213 = arith.constant 0 : index
      %swap3A_214 = arith.constant 64 : index
      %swap3A_215 = vector.load %arg27[%swap3A_212, %swap3A_213, %swap3A_214] : memref<3x2304x192xf32, #tpu.memory_space<vmem>>, vector<1x2304x32xf32>
      tpu.vector_store %arg27[%swap3A_212, %swap3A_213, %swap3A_214], %reshape3A_211 {strides = array<i32>} : memref<3x2304x192xf32, #tpu.memory_space<vmem>>, vector<1x2304x32xf32>,
      %mul3A_216 = arith.constant 2 : i32
      %mul3A_217 = arith.muli %mul3A_216, %scan3A_174 : i32
      %add3A_218 = arith.constant 2 : i32
      %add3A_219 = arith.addi %mul3A_217, %add3A_218 : i32
      %rem3A_220 = arith.constant 3 : i32
      %rem3A_221 = arith.remsi %add3A_219, %rem3A_220 : i32
      %get3A_222 = arith.index_cast %add3A_219 : i32 to index
      %get3A_223 = arith.constant 0 : index
      %get3A_224 = arith.constant 0 : index
      %get3A_225 = vector.load %arg25[%get3A_222, %get3A_223, %get3A_224] : memref<18x2304x64xf32, #tpu.memory_space<vmem>>, vector<1x2304x64xf32>
      %reshape3A_226 = vector.shape_cast %get3A_225 : vector<1x2304x64xf32> to vector<2304x64xf32>
      %slice3A_227 = vector.extract_strided_slice %reshape3A_226 {offsets = [0, 0], sizes = [2304, 32], strides = [1, 1]} : vector<2304x64xf32> to vector<2304x32xf32>
      %reshape3A_228 = vector.shape_cast %slice3A_227 : vector<2304x32xf32> to vector<48x48x32xf32>
      %swap3A_229 = arith.constant 1 : index
      %swap3A_230 = arith.constant 1 : index
      %swap3A_231 = arith.constant 0 : index
      %swap3A_232 = vector.load %arg26[%swap3A_229, %swap3A_230, %swap3A_231] : memref<50x50x64xf32, #tpu.memory_space<vmem>>, vector<48x48x32xf32>
      tpu.vector_store %arg26[%swap3A_229, %swap3A_230, %swap3A_231], %reshape3A_228 {strides = array<i32>} : memref<50x50x64xf32, #tpu.memory_space<vmem>>, vector<48x48x32xf32>,
      %get3A_233 = arith.constant 1 : index
      %get3A_234 = arith.constant 0 : index
      %get3A_235 = arith.constant 0 : index
      %get3A_236 = vector.load %arg26[%get3A_233, %get3A_234, %get3A_235] : memref<50x50x64xf32, #tpu.memory_space<vmem>>, vector<48x48x32xf32>
      %reshape3A_237 = vector.shape_cast %get3A_236 : vector<48x48x32xf32> to vector<1x2304x32xf32>
      %swap3A_238 = arith.index_cast %rem3A_221 : i32 to index
      %swap3A_239 = arith.constant 0 : index
      %swap3A_240 = arith.constant 0 : index
      %swap3A_241 = vector.load %arg27[%swap3A_238, %swap3A_239, %swap3A_240] : memref<3x2304x192xf32, #tpu.memory_space<vmem>>, vector<1x2304x32xf32>
      tpu.vector_store %arg27[%swap3A_238, %swap3A_239, %swap3A_240], %reshape3A_237 {strides = array<i32>} : memref<3x2304x192xf32, #tpu.memory_space<vmem>>, vector<1x2304x32xf32>,
      %get3A_242 = arith.constant 1 : index
      %get3A_243 = arith.constant 1 : index
      %get3A_244 = arith.constant 0 : index
      %get3A_245 = vector.load %arg26[%get3A_242, %get3A_243, %get3A_244] : memref<50x50x64xf32, #tpu.memory_space<vmem>>, vector<48x48x32xf32>
      %reshape3A_246 = vector.shape_cast %get3A_245 : vector<48x48x32xf32> to vector<1x2304x32xf32>
      %swap3A_247 = arith.index_cast %rem3A_221 : i32 to index
      %swap3A_248 = arith.constant 0 : index
      %swap3A_249 = arith.constant 32 : index
      %swap3A_250 = vector.load %arg27[%swap3A_247, %swap3A_248, %swap3A_249] : memref<3x2304x192xf32, #tpu.memory_space<vmem>>, vector<1x2304x32xf32>
      tpu.vector_store %arg27[%swap3A_247, %swap3A_248, %swap3A_249], %reshape3A_246 {strides = array<i32>} : memref<3x2304x192xf32, #tpu.memory_space<vmem>>, vector<1x2304x32xf32>,
      %get3A_251 = arith.constant 1 : index
      %get3A_252 = arith.constant 2 : index
      %get3A_253 = arith.constant 0 : index
      %get3A_254 = vector.load %arg26[%get3A_251, %get3A_252, %get3A_253] : memref<50x50x64xf32, #tpu.memory_space<vmem>>, vector<48x48x32xf32>
      %reshape3A_255 = vector.shape_cast %get3A_254 : vector<48x48x32xf32> to vector<1x2304x32xf32>
      %swap3A_256 = arith.index_cast %rem3A_221 : i32 to index
      %swap3A_257 = arith.constant 0 : index
      %swap3A_258 = arith.constant 64 : index
      %swap3A_259 = vector.load %arg27[%swap3A_256, %swap3A_257, %swap3A_258] : memref<3x2304x192xf32, #tpu.memory_space<vmem>>, vector<1x2304x32xf32>
      tpu.vector_store %arg27[%swap3A_256, %swap3A_257, %swap3A_258], %reshape3A_255 {strides = array<i32>} : memref<3x2304x192xf32, #tpu.memory_space<vmem>>, vector<1x2304x32xf32>,
      %mul3A_260 = arith.constant 2 : i32
      %mul3A_261 = arith.muli %scan3A_174, %mul3A_260 : i32
      %add3A_262 = arith.constant 0 : i32
      %add3A_263 = arith.addi %mul3A_261, %add3A_262 : i32
      %rem3A_264 = arith.constant 3 : i32
      %rem3A_265 = arith.remsi %add3A_263, %rem3A_264 : i32
      %get3A_266 = arith.index_cast %rem3A_265 : i32 to index
      %get3A_267 = arith.constant 0 : index
      %get3A_268 = arith.constant 0 : index
      %get3A_269 = vector.load %arg27[%get3A_266, %get3A_267, %get3A_268] : memref<3x2304x192xf32, #tpu.memory_space<vmem>>, vector<1x2304x192xf32>
      %reshape3A_270 = vector.shape_cast %get3A_269 : vector<1x2304x192xf32> to vector<2304x192xf32>
      %slice3A_271 = vector.extract_strided_slice %reshape3A_270 {offsets = [0, 0], sizes = [2304, 96], strides = [1, 1]} : vector<2304x192xf32> to vector<2304x96xf32>
      %get3A_272 = arith.constant 0 : index
      %get3A_273 = arith.constant 0 : index
      %get3A_274 = vector.load %arg31[%get3A_272, %get3A_273] : memref<192x640xf32, #tpu.memory_space<vmem>>, vector<96x192xf32>
      %dot_general3A = arith.constant dense<0.000000e+00> : vector<2304x192xf32>
      %dot_general3A_275 = tpu.matmul %slice3A_271, %get3A_274, %dot_general3A {dimension_numbers = #tpu.dot_dimension_numbers<[1], [0], [0], [1], [0, 0, 1, 1], [], []>, transpose_lhs_hint = false} : vector<2304x96xf32>, vector<96x192xf32>, vector<2304x192xf32> -> vector<2304x192xf32>
      %swap3A_276 = arith.constant 48 : index
      %swap3A_277 = arith.constant 0 : index
      %swap3A_278 = vector.load %arg28[%swap3A_276, %swap3A_277] : memref<2400x192xf32, #tpu.memory_space<vmem>>, vector<2304x192xf32>
      tpu.vector_store %arg28[%swap3A_276, %swap3A_277], %dot_general3A_275 {strides = array<i32>} : memref<2400x192xf32, #tpu.memory_space<vmem>>, vector<2304x192xf32>,
      %mul3A_279 = arith.constant 2 : i32
      %mul3A_280 = arith.muli %scan3A_174, %mul3A_279 : i32
      %add3A_281 = arith.constant 1 : i32
      %add3A_282 = arith.addi %mul3A_280, %add3A_281 : i32
      %rem3A_283 = arith.constant 3 : i32
      %rem3A_284 = arith.remsi %add3A_282, %rem3A_283 : i32
      %get3A_285 = arith.index_cast %rem3A_284 : i32 to index
      %get3A_286 = arith.constant 0 : index
      %get3A_287 = arith.constant 0 : index
      %get3A_288 = vector.load %arg27[%get3A_285, %get3A_286, %get3A_287] : memref<3x2304x192xf32, #tpu.memory_space<vmem>>, vector<1x2304x192xf32>
      %reshape3A_289 = vector.shape_cast %get3A_288 : vector<1x2304x192xf32> to vector<2304x192xf32>
      %slice3A_290 = vector.extract_strided_slice %reshape3A_289 {offsets = [0, 0], sizes = [2304, 96], strides = [1, 1]} : vector<2304x192xf32> to vector<2304x96xf32>
      %get3A_291 = arith.constant 0 : index
      %get3A_292 = arith.constant 192 : index
      %get3A_293 = vector.load %arg31[%get3A_291, %get3A_292] : memref<192x640xf32, #tpu.memory_space<vmem>>, vector<96x192xf32>
      %dot_general3A_294 = arith.constant dense<0.000000e+00> : vector<2304x192xf32>
      %dot_general3A_295 = tpu.matmul %slice3A_290, %get3A_293, %dot_general3A_294 {dimension_numbers = #tpu.dot_dimension_numbers<[1], [0], [0], [1], [0, 0, 1, 1], [], []>, transpose_lhs_hint = false} : vector<2304x96xf32>, vector<96x192xf32>, vector<2304x192xf32> -> vector<2304x192xf32>
      %swap3A_296 = arith.constant 48 : index
      %swap3A_297 = arith.constant 0 : index
      %swap3A_298 = vector.load %arg29[%swap3A_296, %swap3A_297] : memref<2400x192xf32, #tpu.memory_space<vmem>>, vector<2304x192xf32>
      tpu.vector_store %arg29[%swap3A_296, %swap3A_297], %dot_general3A_295 {strides = array<i32>} : memref<2400x192xf32, #tpu.memory_space<vmem>>, vector<2304x192xf32>,
      %mul3A_299 = arith.constant 2 : i32
      %mul3A_300 = arith.muli %scan3A_174, %mul3A_299 : i32
      %add3A_301 = arith.constant 2 : i32
      %add3A_302 = arith.addi %mul3A_300, %add3A_301 : i32
      %rem3A_303 = arith.constant 3 : i32
      %rem3A_304 = arith.remsi %add3A_302, %rem3A_303 : i32
      %get3A_305 = arith.index_cast %rem3A_304 : i32 to index
      %get3A_306 = arith.constant 0 : index
      %get3A_307 = arith.constant 0 : index
      %get3A_308 = vector.load %arg27[%get3A_305, %get3A_306, %get3A_307] : memref<3x2304x192xf32, #tpu.memory_space<vmem>>, vector<1x2304x192xf32>
      %reshape3A_309 = vector.shape_cast %get3A_308 : vector<1x2304x192xf32> to vector<2304x192xf32>
      %slice3A_310 = vector.extract_strided_slice %reshape3A_309 {offsets = [0, 0], sizes = [2304, 96], strides = [1, 1]} : vector<2304x192xf32> to vector<2304x96xf32>
      %get3A_311 = arith.constant 0 : index
      %get3A_312 = arith.constant 384 : index
      %get3A_313 = vector.load %arg31[%get3A_311, %get3A_312] : memref<192x640xf32, #tpu.memory_space<vmem>>, vector<96x192xf32>
      %dot_general3A_314 = arith.constant dense<0.000000e+00> : vector<2304x192xf32>
      %dot_general3A_315 = tpu.matmul %slice3A_310, %get3A_313, %dot_general3A_314 {dimension_numbers = #tpu.dot_dimension_numbers<[1], [0], [0], [1], [0, 0, 1, 1], [], []>, transpose_lhs_hint = false} : vector<2304x96xf32>, vector<96x192xf32>, vector<2304x192xf32> -> vector<2304x192xf32>
      %swap3A_316 = arith.constant 48 : index
      %swap3A_317 = arith.constant 0 : index
      %swap3A_318 = vector.load %arg30[%swap3A_316, %swap3A_317] : memref<2400x192xf32, #tpu.memory_space<vmem>>, vector<2304x192xf32>
      tpu.vector_store %arg30[%swap3A_316, %swap3A_317], %dot_general3A_315 {strides = array<i32>} : memref<2400x192xf32, #tpu.memory_space<vmem>>, vector<2304x192xf32>,
      %get3A_319 = arith.constant 0 : index
      %get3A_320 = arith.constant 0 : index
      %get3A_321 = vector.load %arg28[%get3A_319, %get3A_320] : memref<2400x192xf32, #tpu.memory_space<vmem>>, vector<2304x64xf32>
      %get3A_322 = arith.constant 48 : index
      %get3A_323 = arith.constant 64 : index
      %get3A_324 = vector.load %arg28[%get3A_322, %get3A_323] : memref<2400x192xf32, #tpu.memory_space<vmem>>, vector<2304x64xf32>
      %add3A_325 = arith.addf %get3A_321, %get3A_324 : vector<2304x64xf32>
      %get3A_326 = arith.constant 96 : index
      %get3A_327 = arith.constant 128 : index
      %get3A_328 = vector.load %arg28[%get3A_326, %get3A_327] : memref<2400x192xf32, #tpu.memory_space<vmem>>, vector<2304x64xf32>
      %add3A_329 = arith.addf %add3A_325, %get3A_328 : vector<2304x64xf32>
      %get3A_330 = arith.constant 0 : index
      %get3A_331 = arith.constant 0 : index
      %get3A_332 = vector.load %arg29[%get3A_330, %get3A_331] : memref<2400x192xf32, #tpu.memory_space<vmem>>, vector<2304x64xf32>
      %add3A_333 = arith.addf %add3A_329, %get3A_332 : vector<2304x64xf32>
      %get3A_334 = arith.constant 48 : index
      %get3A_335 = arith.constant 64 : index
      %get3A_336 = vector.load %arg29[%get3A_334, %get3A_335] : memref<2400x192xf32, #tpu.memory_space<vmem>>, vector<2304x64xf32>
      %add3A_337 = arith.addf %add3A_333, %get3A_336 : vector<2304x64xf32>
      %get3A_338 = arith.constant 96 : index
      %get3A_339 = arith.constant 128 : index
      %get3A_340 = vector.load %arg29[%get3A_338, %get3A_339] : memref<2400x192xf32, #tpu.memory_space<vmem>>, vector<2304x64xf32>
      %add3A_341 = arith.addf %add3A_337, %get3A_340 : vector<2304x64xf32>
      %get3A_342 = arith.constant 0 : index
      %get3A_343 = arith.constant 0 : index
      %get3A_344 = vector.load %arg30[%get3A_342, %get3A_343] : memref<2400x192xf32, #tpu.memory_space<vmem>>, vector<2304x64xf32>
      %add3A_345 = arith.addf %add3A_341, %get3A_344 : vector<2304x64xf32>
      %get3A_346 = arith.constant 48 : index
      %get3A_347 = arith.constant 64 : index
      %get3A_348 = vector.load %arg30[%get3A_346, %get3A_347] : memref<2400x192xf32, #tpu.memory_space<vmem>>, vector<2304x64xf32>
      %add3A_349 = arith.addf %add3A_345, %get3A_348 : vector<2304x64xf32>
      %get3A_350 = arith.constant 96 : index
      %get3A_351 = arith.constant 128 : index
      %get3A_352 = vector.load %arg30[%get3A_350, %get3A_351] : memref<2400x192xf32, #tpu.memory_space<vmem>>, vector<2304x64xf32>
      %add3A_353 = arith.addf %add3A_349, %get3A_352 : vector<2304x64xf32>
      %add3A_354 = vector.broadcast %get3A_72 : vector<1x64xf32> to vector<2304x64xf32>
      %add3A_355 = arith.addf %add3A_353, %add3A_354 : vector<2304x64xf32>
      %max3A = arith.constant 0.000000e+00 : f32
      %max3A_356 = vector.broadcast %max3A : f32 to vector<2304x64xf32>
      %max3A_357 = arith.maximumf %add3A_355, %max3A_356 : vector<2304x64xf32>
      %reshape3A_358 = vector.shape_cast %max3A_357 : vector<2304x64xf32> to vector<1x2304x64xf32>
      %add3A_359 = arith.constant 1 : i32
      %add3A_360 = arith.addi %scan3A_174, %add3A_359 : i32
      %swap3A_361 = arith.index_cast %add3A_360 : i32 to index
      %swap3A_362 = arith.constant 0 : index
      %swap3A_363 = arith.constant 0 : index
      %swap3A_364 = vector.load %arg24[%swap3A_361, %swap3A_362, %swap3A_363] : memref<18x2304x64xf32, #tpu.memory_space<vmem>>, vector<1x2304x64xf32>
      tpu.vector_store %arg24[%swap3A_361, %swap3A_362, %swap3A_363], %reshape3A_358 {strides = array<i32>} : memref<18x2304x64xf32, #tpu.memory_space<vmem>>, vector<1x2304x64xf32>,
    }
    %scan3A_77 = arith.constant 8 : i32
    %swap3A_78 = arith.constant 9 : index
    %swap3A_79 = arith.constant 0 : index
    %swap3A_80 = arith.constant 0 : index
    %swap3A_81 = vector.load %arg24[%swap3A_78, %swap3A_79, %swap3A_80] : memref<18x2304x64xf32, #tpu.memory_space<vmem>>, vector<1x2304x64xf32>
    tpu.vector_store %arg24[%swap3A_78, %swap3A_79, %swap3A_80], %broadcast_in_dim3A_11 {strides = array<i32>} : memref<18x2304x64xf32, #tpu.memory_space<vmem>>, vector<1x2304x64xf32>,
    tpu.enqueue_dma source(%arg4 : memref<192x640xf32, #tpu.memory_space<any>>) target(%arg31 : memref<192x640xf32, #tpu.memory_space<vmem>>) target_semaphore(%arg33 : memref<!tpu.dma_semaphore, #tpu.memory_space<semaphore_mem>>)
    tpu.wait_dma2 semaphore(%arg33 : memref<!tpu.dma_semaphore, #tpu.memory_space<semaphore_mem>>) src(%arg4 : memref<192x640xf32, #tpu.memory_space<any>>) dst(%arg31 : memref<192x640xf32, #tpu.memory_space<vmem>>)
    %get3A_82 = arith.constant 0 : index
    %get3A_83 = arith.constant 0 : index
    %get3A_84 = vector.load %arg15[%get3A_82, %get3A_83] : memref<1x64xf32, #tpu.memory_space<vmem>>, vector<1x64xf32>
    %scan3A_85 = arith.constant 0 : i32
    %scan3A_86 = arith.constant 8 : i32
    %scan3A_87 = arith.addi %scan3A_85, %scan3A_86 : i32
    %scan3A_88 = arith.constant 1 : i32
    scf.for %scan3A_174 = %scan3A_85 to %scan3A_87 step %scan3A_88  : i32 {
      %eq3A = arith.constant 0 : i32
      %eq3A_175 = arith.cmpi eq, %scan3A_174, %eq3A : i32
      %convert_element_type3A = arith.extui %eq3A_175 : i1 to i32
      %cond3A = arith.constant 0 : i32
      %cond3A_176 = arith.cmpi ne, %convert_element_type3A, %cond3A : i32
      scf.if %cond3A_176 {
        %get3A_316 = arith.constant 0 : index
        %get3A_317 = arith.constant 0 : index
        %get3A_318 = arith.constant 0 : index
        %get3A_319 = vector.load %arg24[%get3A_316, %get3A_317, %get3A_318] : memref<18x2304x64xf32, #tpu.memory_space<vmem>>, vector<1x2304x64xf32>
        %reshape3A_320 = vector.shape_cast %get3A_319 : vector<1x2304x64xf32> to vector<2304x64xf32>
        %reshape3A_321 = vector.shape_cast %reshape3A_320 : vector<2304x64xf32> to vector<48x48x64xf32>
        %swap3A_322 = arith.constant 1 : index
        %swap3A_323 = arith.constant 1 : index
        %swap3A_324 = arith.constant 0 : index
        %swap3A_325 = vector.load %arg26[%swap3A_322, %swap3A_323, %swap3A_324] : memref<50x50x64xf32, #tpu.memory_space<vmem>>, vector<48x48x64xf32>
        tpu.vector_store %arg26[%swap3A_322, %swap3A_323, %swap3A_324], %reshape3A_321 {strides = array<i32>} : memref<50x50x64xf32, #tpu.memory_space<vmem>>, vector<48x48x64xf32>,
        %get3A_326 = arith.constant 1 : index
        %get3A_327 = arith.constant 0 : index
        %get3A_328 = arith.constant 0 : index
        %get3A_329 = vector.load %arg26[%get3A_326, %get3A_327, %get3A_328] : memref<50x50x64xf32, #tpu.memory_space<vmem>>, vector<48x48x64xf32>
        %reshape3A_330 = vector.shape_cast %get3A_329 : vector<48x48x64xf32> to vector<1x2304x64xf32>
        %swap3A_331 = arith.constant 0 : index
        %swap3A_332 = arith.constant 0 : index
        %swap3A_333 = arith.constant 0 : index
        %swap3A_334 = vector.load %arg27[%swap3A_331, %swap3A_332, %swap3A_333] : memref<3x2304x192xf32, #tpu.memory_space<vmem>>, vector<1x2304x64xf32>
        tpu.vector_store %arg27[%swap3A_331, %swap3A_332, %swap3A_333], %reshape3A_330 {strides = array<i32>} : memref<3x2304x192xf32, #tpu.memory_space<vmem>>, vector<1x2304x64xf32>,
        %get3A_335 = arith.constant 1 : index
        %get3A_336 = arith.constant 1 : index
        %get3A_337 = arith.constant 0 : index
        %get3A_338 = vector.load %arg26[%get3A_335, %get3A_336, %get3A_337] : memref<50x50x64xf32, #tpu.memory_space<vmem>>, vector<48x48x64xf32>
        %reshape3A_339 = vector.shape_cast %get3A_338 : vector<48x48x64xf32> to vector<1x2304x64xf32>
        %swap3A_340 = arith.constant 0 : index
        %swap3A_341 = arith.constant 0 : index
        %swap3A_342 = arith.constant 64 : index
        %swap3A_343 = vector.load %arg27[%swap3A_340, %swap3A_341, %swap3A_342] : memref<3x2304x192xf32, #tpu.memory_space<vmem>>, vector<1x2304x64xf32>
        tpu.vector_store %arg27[%swap3A_340, %swap3A_341, %swap3A_342], %reshape3A_339 {strides = array<i32>} : memref<3x2304x192xf32, #tpu.memory_space<vmem>>, vector<1x2304x64xf32>,
        %get3A_344 = arith.constant 1 : index
        %get3A_345 = arith.constant 2 : index
        %get3A_346 = arith.constant 0 : index
        %get3A_347 = vector.load %arg26[%get3A_344, %get3A_345, %get3A_346] : memref<50x50x64xf32, #tpu.memory_space<vmem>>, vector<48x48x64xf32>
        %reshape3A_348 = vector.shape_cast %get3A_347 : vector<48x48x64xf32> to vector<1x2304x64xf32>
        %swap3A_349 = arith.constant 0 : index
        %swap3A_350 = arith.constant 0 : index
        %swap3A_351 = arith.constant 128 : index
        %swap3A_352 = vector.load %arg27[%swap3A_349, %swap3A_350, %swap3A_351] : memref<3x2304x192xf32, #tpu.memory_space<vmem>>, vector<1x2304x64xf32>
        tpu.vector_store %arg27[%swap3A_349, %swap3A_350, %swap3A_351], %reshape3A_348 {strides = array<i32>} : memref<3x2304x192xf32, #tpu.memory_space<vmem>>, vector<1x2304x64xf32>,
        %get3A_353 = arith.constant 1 : index
        %get3A_354 = arith.constant 0 : index
        %get3A_355 = arith.constant 0 : index
        %get3A_356 = vector.load %arg24[%get3A_353, %get3A_354, %get3A_355] : memref<18x2304x64xf32, #tpu.memory_space<vmem>>, vector<1x2304x64xf32>
        %reshape3A_357 = vector.shape_cast %get3A_356 : vector<1x2304x64xf32> to vector<2304x64xf32>
        %reshape3A_358 = vector.shape_cast %reshape3A_357 : vector<2304x64xf32> to vector<48x48x64xf32>
        %swap3A_359 = arith.constant 1 : index
        %swap3A_360 = arith.constant 1 : index
        %swap3A_361 = arith.constant 0 : index
        %swap3A_362 = vector.load %arg26[%swap3A_359, %swap3A_360, %swap3A_361] : memref<50x50x64xf32, #tpu.memory_space<vmem>>, vector<48x48x64xf32>
        tpu.vector_store %arg26[%swap3A_359, %swap3A_360, %swap3A_361], %reshape3A_358 {strides = array<i32>} : memref<50x50x64xf32, #tpu.memory_space<vmem>>, vector<48x48x64xf32>,
        %get3A_363 = arith.constant 1 : index
        %get3A_364 = arith.constant 0 : index
        %get3A_365 = arith.constant 0 : index
        %get3A_366 = vector.load %arg26[%get3A_363, %get3A_364, %get3A_365] : memref<50x50x64xf32, #tpu.memory_space<vmem>>, vector<48x48x64xf32>
        %reshape3A_367 = vector.shape_cast %get3A_366 : vector<48x48x64xf32> to vector<1x2304x64xf32>
        %swap3A_368 = arith.constant 1 : index
        %swap3A_369 = arith.constant 0 : index
        %swap3A_370 = arith.constant 0 : index
        %swap3A_371 = vector.load %arg27[%swap3A_368, %swap3A_369, %swap3A_370] : memref<3x2304x192xf32, #tpu.memory_space<vmem>>, vector<1x2304x64xf32>
        tpu.vector_store %arg27[%swap3A_368, %swap3A_369, %swap3A_370], %reshape3A_367 {strides = array<i32>} : memref<3x2304x192xf32, #tpu.memory_space<vmem>>, vector<1x2304x64xf32>,
        %get3A_372 = arith.constant 1 : index
        %get3A_373 = arith.constant 1 : index
        %get3A_374 = arith.constant 0 : index
        %get3A_375 = vector.load %arg26[%get3A_372, %get3A_373, %get3A_374] : memref<50x50x64xf32, #tpu.memory_space<vmem>>, vector<48x48x64xf32>
        %reshape3A_376 = vector.shape_cast %get3A_375 : vector<48x48x64xf32> to vector<1x2304x64xf32>
        %swap3A_377 = arith.constant 1 : index
        %swap3A_378 = arith.constant 0 : index
        %swap3A_379 = arith.constant 64 : index
        %swap3A_380 = vector.load %arg27[%swap3A_377, %swap3A_378, %swap3A_379] : memref<3x2304x192xf32, #tpu.memory_space<vmem>>, vector<1x2304x64xf32>
        tpu.vector_store %arg27[%swap3A_377, %swap3A_378, %swap3A_379], %reshape3A_376 {strides = array<i32>} : memref<3x2304x192xf32, #tpu.memory_space<vmem>>, vector<1x2304x64xf32>,
        %get3A_381 = arith.constant 1 : index
        %get3A_382 = arith.constant 2 : index
        %get3A_383 = arith.constant 0 : index
        %get3A_384 = vector.load %arg26[%get3A_381, %get3A_382, %get3A_383] : memref<50x50x64xf32, #tpu.memory_space<vmem>>, vector<48x48x64xf32>
        %reshape3A_385 = vector.shape_cast %get3A_384 : vector<48x48x64xf32> to vector<1x2304x64xf32>
        %swap3A_386 = arith.constant 1 : index
        %swap3A_387 = arith.constant 0 : index
        %swap3A_388 = arith.constant 128 : index
        %swap3A_389 = vector.load %arg27[%swap3A_386, %swap3A_387, %swap3A_388] : memref<3x2304x192xf32, #tpu.memory_space<vmem>>, vector<1x2304x64xf32>
        tpu.vector_store %arg27[%swap3A_386, %swap3A_387, %swap3A_388], %reshape3A_385 {strides = array<i32>} : memref<3x2304x192xf32, #tpu.memory_space<vmem>>, vector<1x2304x64xf32>,
      } else {
      }
      %add3A = arith.constant 2 : i32
      %add3A_177 = arith.addi %scan3A_174, %add3A : i32
      %rem3A = arith.constant 3 : i32
      %rem3A_178 = arith.remsi %add3A_177, %rem3A : i32
      %get3A_179 = arith.index_cast %add3A_177 : i32 to index
      %get3A_180 = arith.constant 0 : index
      %get3A_181 = arith.constant 0 : index
      %get3A_182 = vector.load %arg24[%get3A_179, %get3A_180, %get3A_181] : memref<18x2304x64xf32, #tpu.memory_space<vmem>>, vector<1x2304x64xf32>
      %reshape3A = vector.shape_cast %get3A_182 : vector<1x2304x64xf32> to vector<2304x64xf32>
      %reshape3A_183 = vector.shape_cast %reshape3A : vector<2304x64xf32> to vector<48x48x64xf32>
      %swap3A_184 = arith.constant 1 : index
      %swap3A_185 = arith.constant 1 : index
      %swap3A_186 = arith.constant 0 : index
      %swap3A_187 = vector.load %arg26[%swap3A_184, %swap3A_185, %swap3A_186] : memref<50x50x64xf32, #tpu.memory_space<vmem>>, vector<48x48x64xf32>
      tpu.vector_store %arg26[%swap3A_184, %swap3A_185, %swap3A_186], %reshape3A_183 {strides = array<i32>} : memref<50x50x64xf32, #tpu.memory_space<vmem>>, vector<48x48x64xf32>,
      %get3A_188 = arith.constant 1 : index
      %get3A_189 = arith.constant 0 : index
      %get3A_190 = arith.constant 0 : index
      %get3A_191 = vector.load %arg26[%get3A_188, %get3A_189, %get3A_190] : memref<50x50x64xf32, #tpu.memory_space<vmem>>, vector<48x48x64xf32>
      %reshape3A_192 = vector.shape_cast %get3A_191 : vector<48x48x64xf32> to vector<1x2304x64xf32>
      %swap3A_193 = arith.index_cast %rem3A_178 : i32 to index
      %swap3A_194 = arith.constant 0 : index
      %swap3A_195 = arith.constant 0 : index
      %swap3A_196 = vector.load %arg27[%swap3A_193, %swap3A_194, %swap3A_195] : memref<3x2304x192xf32, #tpu.memory_space<vmem>>, vector<1x2304x64xf32>
      tpu.vector_store %arg27[%swap3A_193, %swap3A_194, %swap3A_195], %reshape3A_192 {strides = array<i32>} : memref<3x2304x192xf32, #tpu.memory_space<vmem>>, vector<1x2304x64xf32>,
      %get3A_197 = arith.constant 1 : index
      %get3A_198 = arith.constant 1 : index
      %get3A_199 = arith.constant 0 : index
      %get3A_200 = vector.load %arg26[%get3A_197, %get3A_198, %get3A_199] : memref<50x50x64xf32, #tpu.memory_space<vmem>>, vector<48x48x64xf32>
      %reshape3A_201 = vector.shape_cast %get3A_200 : vector<48x48x64xf32> to vector<1x2304x64xf32>
      %swap3A_202 = arith.index_cast %rem3A_178 : i32 to index
      %swap3A_203 = arith.constant 0 : index
      %swap3A_204 = arith.constant 64 : index
      %swap3A_205 = vector.load %arg27[%swap3A_202, %swap3A_203, %swap3A_204] : memref<3x2304x192xf32, #tpu.memory_space<vmem>>, vector<1x2304x64xf32>
      tpu.vector_store %arg27[%swap3A_202, %swap3A_203, %swap3A_204], %reshape3A_201 {strides = array<i32>} : memref<3x2304x192xf32, #tpu.memory_space<vmem>>, vector<1x2304x64xf32>,
      %get3A_206 = arith.constant 1 : index
      %get3A_207 = arith.constant 2 : index
      %get3A_208 = arith.constant 0 : index
      %get3A_209 = vector.load %arg26[%get3A_206, %get3A_207, %get3A_208] : memref<50x50x64xf32, #tpu.memory_space<vmem>>, vector<48x48x64xf32>
      %reshape3A_210 = vector.shape_cast %get3A_209 : vector<48x48x64xf32> to vector<1x2304x64xf32>
      %swap3A_211 = arith.index_cast %rem3A_178 : i32 to index
      %swap3A_212 = arith.constant 0 : index
      %swap3A_213 = arith.constant 128 : index
      %swap3A_214 = vector.load %arg27[%swap3A_211, %swap3A_212, %swap3A_213] : memref<3x2304x192xf32, #tpu.memory_space<vmem>>, vector<1x2304x64xf32>
      tpu.vector_store %arg27[%swap3A_211, %swap3A_212, %swap3A_213], %reshape3A_210 {strides = array<i32>} : memref<3x2304x192xf32, #tpu.memory_space<vmem>>, vector<1x2304x64xf32>,
      %mul3A = arith.constant 1 : i32
      %mul3A_215 = arith.muli %scan3A_174, %mul3A : i32
      %add3A_216 = arith.constant 0 : i32
      %add3A_217 = arith.addi %mul3A_215, %add3A_216 : i32
      %rem3A_218 = arith.constant 3 : i32
      %rem3A_219 = arith.remsi %add3A_217, %rem3A_218 : i32
      %get3A_220 = arith.index_cast %rem3A_219 : i32 to index
      %get3A_221 = arith.constant 0 : index
      %get3A_222 = arith.constant 0 : index
      %get3A_223 = vector.load %arg27[%get3A_220, %get3A_221, %get3A_222] : memref<3x2304x192xf32, #tpu.memory_space<vmem>>, vector<1x2304x192xf32>
      %reshape3A_224 = vector.shape_cast %get3A_223 : vector<1x2304x192xf32> to vector<2304x192xf32>
      %get3A_225 = arith.constant 0 : index
      %get3A_226 = arith.constant 0 : index
      %get3A_227 = vector.load %arg31[%get3A_225, %get3A_226] : memref<192x640xf32, #tpu.memory_space<vmem>>, vector<192x192xf32>
      %dot_general3A = arith.constant dense<0.000000e+00> : vector<2304x192xf32>
      %dot_general3A_228 = tpu.matmul %reshape3A_224, %get3A_227, %dot_general3A {dimension_numbers = #tpu.dot_dimension_numbers<[1], [0], [0], [1], [0, 0, 1, 1], [], []>, transpose_lhs_hint = false} : vector<2304x192xf32>, vector<192x192xf32>, vector<2304x192xf32> -> vector<2304x192xf32>
      %swap3A_229 = arith.constant 48 : index
      %swap3A_230 = arith.constant 0 : index
      %swap3A_231 = vector.load %arg28[%swap3A_229, %swap3A_230] : memref<2400x192xf32, #tpu.memory_space<vmem>>, vector<2304x192xf32>
      tpu.vector_store %arg28[%swap3A_229, %swap3A_230], %dot_general3A_228 {strides = array<i32>} : memref<2400x192xf32, #tpu.memory_space<vmem>>, vector<2304x192xf32>,
      %mul3A_232 = arith.constant 1 : i32
      %mul3A_233 = arith.muli %scan3A_174, %mul3A_232 : i32
      %add3A_234 = arith.constant 1 : i32
      %add3A_235 = arith.addi %mul3A_233, %add3A_234 : i32
      %rem3A_236 = arith.constant 3 : i32
      %rem3A_237 = arith.remsi %add3A_235, %rem3A_236 : i32
      %get3A_238 = arith.index_cast %rem3A_237 : i32 to index
      %get3A_239 = arith.constant 0 : index
      %get3A_240 = arith.constant 0 : index
      %get3A_241 = vector.load %arg27[%get3A_238, %get3A_239, %get3A_240] : memref<3x2304x192xf32, #tpu.memory_space<vmem>>, vector<1x2304x192xf32>
      %reshape3A_242 = vector.shape_cast %get3A_241 : vector<1x2304x192xf32> to vector<2304x192xf32>
      %get3A_243 = arith.constant 0 : index
      %get3A_244 = arith.constant 192 : index
      %get3A_245 = vector.load %arg31[%get3A_243, %get3A_244] : memref<192x640xf32, #tpu.memory_space<vmem>>, vector<192x192xf32>
      %dot_general3A_246 = arith.constant dense<0.000000e+00> : vector<2304x192xf32>
      %dot_general3A_247 = tpu.matmul %reshape3A_242, %get3A_245, %dot_general3A_246 {dimension_numbers = #tpu.dot_dimension_numbers<[1], [0], [0], [1], [0, 0, 1, 1], [], []>, transpose_lhs_hint = false} : vector<2304x192xf32>, vector<192x192xf32>, vector<2304x192xf32> -> vector<2304x192xf32>
      %swap3A_248 = arith.constant 48 : index
      %swap3A_249 = arith.constant 0 : index
      %swap3A_250 = vector.load %arg29[%swap3A_248, %swap3A_249] : memref<2400x192xf32, #tpu.memory_space<vmem>>, vector<2304x192xf32>
      tpu.vector_store %arg29[%swap3A_248, %swap3A_249], %dot_general3A_247 {strides = array<i32>} : memref<2400x192xf32, #tpu.memory_space<vmem>>, vector<2304x192xf32>,
      %mul3A_251 = arith.constant 1 : i32
      %mul3A_252 = arith.muli %scan3A_174, %mul3A_251 : i32
      %add3A_253 = arith.constant 2 : i32
      %add3A_254 = arith.addi %mul3A_252, %add3A_253 : i32
      %rem3A_255 = arith.constant 3 : i32
      %rem3A_256 = arith.remsi %add3A_254, %rem3A_255 : i32
      %get3A_257 = arith.index_cast %rem3A_256 : i32 to index
      %get3A_258 = arith.constant 0 : index
      %get3A_259 = arith.constant 0 : index
      %get3A_260 = vector.load %arg27[%get3A_257, %get3A_258, %get3A_259] : memref<3x2304x192xf32, #tpu.memory_space<vmem>>, vector<1x2304x192xf32>
      %reshape3A_261 = vector.shape_cast %get3A_260 : vector<1x2304x192xf32> to vector<2304x192xf32>
      %get3A_262 = arith.constant 0 : index
      %get3A_263 = arith.constant 384 : index
      %get3A_264 = vector.load %arg31[%get3A_262, %get3A_263] : memref<192x640xf32, #tpu.memory_space<vmem>>, vector<192x192xf32>
      %dot_general3A_265 = arith.constant dense<0.000000e+00> : vector<2304x192xf32>
      %dot_general3A_266 = tpu.matmul %reshape3A_261, %get3A_264, %dot_general3A_265 {dimension_numbers = #tpu.dot_dimension_numbers<[1], [0], [0], [1], [0, 0, 1, 1], [], []>, transpose_lhs_hint = false} : vector<2304x192xf32>, vector<192x192xf32>, vector<2304x192xf32> -> vector<2304x192xf32>
      %swap3A_267 = arith.constant 48 : index
      %swap3A_268 = arith.constant 0 : index
      %swap3A_269 = vector.load %arg30[%swap3A_267, %swap3A_268] : memref<2400x192xf32, #tpu.memory_space<vmem>>, vector<2304x192xf32>
      tpu.vector_store %arg30[%swap3A_267, %swap3A_268], %dot_general3A_266 {strides = array<i32>} : memref<2400x192xf32, #tpu.memory_space<vmem>>, vector<2304x192xf32>,
      %get3A_270 = arith.constant 0 : index
      %get3A_271 = arith.constant 0 : index
      %get3A_272 = vector.load %arg28[%get3A_270, %get3A_271] : memref<2400x192xf32, #tpu.memory_space<vmem>>, vector<2304x64xf32>
      %get3A_273 = arith.constant 48 : index
      %get3A_274 = arith.constant 64 : index
      %get3A_275 = vector.load %arg28[%get3A_273, %get3A_274] : memref<2400x192xf32, #tpu.memory_space<vmem>>, vector<2304x64xf32>
      %add3A_276 = arith.addf %get3A_272, %get3A_275 : vector<2304x64xf32>
      %get3A_277 = arith.constant 96 : index
      %get3A_278 = arith.constant 128 : index
      %get3A_279 = vector.load %arg28[%get3A_277, %get3A_278] : memref<2400x192xf32, #tpu.memory_space<vmem>>, vector<2304x64xf32>
      %add3A_280 = arith.addf %add3A_276, %get3A_279 : vector<2304x64xf32>
      %get3A_281 = arith.constant 0 : index
      %get3A_282 = arith.constant 0 : index
      %get3A_283 = vector.load %arg29[%get3A_281, %get3A_282] : memref<2400x192xf32, #tpu.memory_space<vmem>>, vector<2304x64xf32>
      %add3A_284 = arith.addf %add3A_280, %get3A_283 : vector<2304x64xf32>
      %get3A_285 = arith.constant 48 : index
      %get3A_286 = arith.constant 64 : index
      %get3A_287 = vector.load %arg29[%get3A_285, %get3A_286] : memref<2400x192xf32, #tpu.memory_space<vmem>>, vector<2304x64xf32>
      %add3A_288 = arith.addf %add3A_284, %get3A_287 : vector<2304x64xf32>
      %get3A_289 = arith.constant 96 : index
      %get3A_290 = arith.constant 128 : index
      %get3A_291 = vector.load %arg29[%get3A_289, %get3A_290] : memref<2400x192xf32, #tpu.memory_space<vmem>>, vector<2304x64xf32>
      %add3A_292 = arith.addf %add3A_288, %get3A_291 : vector<2304x64xf32>
      %get3A_293 = arith.constant 0 : index
      %get3A_294 = arith.constant 0 : index
      %get3A_295 = vector.load %arg30[%get3A_293, %get3A_294] : memref<2400x192xf32, #tpu.memory_space<vmem>>, vector<2304x64xf32>
      %add3A_296 = arith.addf %add3A_292, %get3A_295 : vector<2304x64xf32>
      %get3A_297 = arith.constant 48 : index
      %get3A_298 = arith.constant 64 : index
      %get3A_299 = vector.load %arg30[%get3A_297, %get3A_298] : memref<2400x192xf32, #tpu.memory_space<vmem>>, vector<2304x64xf32>
      %add3A_300 = arith.addf %add3A_296, %get3A_299 : vector<2304x64xf32>
      %get3A_301 = arith.constant 96 : index
      %get3A_302 = arith.constant 128 : index
      %get3A_303 = vector.load %arg30[%get3A_301, %get3A_302] : memref<2400x192xf32, #tpu.memory_space<vmem>>, vector<2304x64xf32>
      %add3A_304 = arith.addf %add3A_300, %get3A_303 : vector<2304x64xf32>
      %add3A_305 = vector.broadcast %get3A_84 : vector<1x64xf32> to vector<2304x64xf32>
      %add3A_306 = arith.addf %add3A_304, %add3A_305 : vector<2304x64xf32>
      %max3A = arith.constant 0.000000e+00 : f32
      %max3A_307 = vector.broadcast %max3A : f32 to vector<2304x64xf32>
      %max3A_308 = arith.maximumf %add3A_306, %max3A_307 : vector<2304x64xf32>
      %reshape3A_309 = vector.shape_cast %max3A_308 : vector<2304x64xf32> to vector<1x2304x64xf32>
      %add3A_310 = arith.constant 1 : i32
      %add3A_311 = arith.addi %scan3A_174, %add3A_310 : i32
      %swap3A_312 = arith.index_cast %add3A_311 : i32 to index
      %swap3A_313 = arith.constant 0 : index
      %swap3A_314 = arith.constant 0 : index
      %swap3A_315 = vector.load %arg25[%swap3A_312, %swap3A_313, %swap3A_314] : memref<18x2304x64xf32, #tpu.memory_space<vmem>>, vector<1x2304x64xf32>
      tpu.vector_store %arg25[%swap3A_312, %swap3A_313, %swap3A_314], %reshape3A_309 {strides = array<i32>} : memref<18x2304x64xf32, #tpu.memory_space<vmem>>, vector<1x2304x64xf32>,
    }
    %scan3A_89 = arith.constant 8 : i32
    %swap3A_90 = arith.constant 9 : index
    %swap3A_91 = arith.constant 0 : index
    %swap3A_92 = arith.constant 0 : index
    %swap3A_93 = vector.load %arg25[%swap3A_90, %swap3A_91, %swap3A_92] : memref<18x2304x64xf32, #tpu.memory_space<vmem>>, vector<1x2304x64xf32>
    tpu.vector_store %arg25[%swap3A_90, %swap3A_91, %swap3A_92], %broadcast_in_dim3A_11 {strides = array<i32>} : memref<18x2304x64xf32, #tpu.memory_space<vmem>>, vector<1x2304x64xf32>,
    tpu.enqueue_dma source(%arg5 : memref<192x640xf32, #tpu.memory_space<any>>) target(%arg31 : memref<192x640xf32, #tpu.memory_space<vmem>>) target_semaphore(%arg33 : memref<!tpu.dma_semaphore, #tpu.memory_space<semaphore_mem>>)
    tpu.wait_dma2 semaphore(%arg33 : memref<!tpu.dma_semaphore, #tpu.memory_space<semaphore_mem>>) src(%arg5 : memref<192x640xf32, #tpu.memory_space<any>>) dst(%arg31 : memref<192x640xf32, #tpu.memory_space<vmem>>)
    %get3A_94 = arith.constant 0 : index
    %get3A_95 = arith.constant 0 : index
    %get3A_96 = vector.load %arg16[%get3A_94, %get3A_95] : memref<1x64xf32, #tpu.memory_space<vmem>>, vector<1x64xf32>
    %scan3A_97 = arith.constant 0 : i32
    %scan3A_98 = arith.constant 8 : i32
    %scan3A_99 = arith.addi %scan3A_97, %scan3A_98 : i32
    %scan3A_100 = arith.constant 1 : i32
    scf.for %scan3A_174 = %scan3A_97 to %scan3A_99 step %scan3A_100  : i32 {
      %eq3A = arith.constant 0 : i32
      %eq3A_175 = arith.cmpi eq, %scan3A_174, %eq3A : i32
      %convert_element_type3A = arith.extui %eq3A_175 : i1 to i32
      %cond3A = arith.constant 0 : i32
      %cond3A_176 = arith.cmpi ne, %convert_element_type3A, %cond3A : i32
      scf.if %cond3A_176 {
        %get3A_316 = arith.constant 0 : index
        %get3A_317 = arith.constant 0 : index
        %get3A_318 = arith.constant 0 : index
        %get3A_319 = vector.load %arg25[%get3A_316, %get3A_317, %get3A_318] : memref<18x2304x64xf32, #tpu.memory_space<vmem>>, vector<1x2304x64xf32>
        %reshape3A_320 = vector.shape_cast %get3A_319 : vector<1x2304x64xf32> to vector<2304x64xf32>
        %reshape3A_321 = vector.shape_cast %reshape3A_320 : vector<2304x64xf32> to vector<48x48x64xf32>
        %swap3A_322 = arith.constant 1 : index
        %swap3A_323 = arith.constant 1 : index
        %swap3A_324 = arith.constant 0 : index
        %swap3A_325 = vector.load %arg26[%swap3A_322, %swap3A_323, %swap3A_324] : memref<50x50x64xf32, #tpu.memory_space<vmem>>, vector<48x48x64xf32>
        tpu.vector_store %arg26[%swap3A_322, %swap3A_323, %swap3A_324], %reshape3A_321 {strides = array<i32>} : memref<50x50x64xf32, #tpu.memory_space<vmem>>, vector<48x48x64xf32>,
        %get3A_326 = arith.constant 1 : index
        %get3A_327 = arith.constant 0 : index
        %get3A_328 = arith.constant 0 : index
        %get3A_329 = vector.load %arg26[%get3A_326, %get3A_327, %get3A_328] : memref<50x50x64xf32, #tpu.memory_space<vmem>>, vector<48x48x64xf32>
        %reshape3A_330 = vector.shape_cast %get3A_329 : vector<48x48x64xf32> to vector<1x2304x64xf32>
        %swap3A_331 = arith.constant 0 : index
        %swap3A_332 = arith.constant 0 : index
        %swap3A_333 = arith.constant 0 : index
        %swap3A_334 = vector.load %arg27[%swap3A_331, %swap3A_332, %swap3A_333] : memref<3x2304x192xf32, #tpu.memory_space<vmem>>, vector<1x2304x64xf32>
        tpu.vector_store %arg27[%swap3A_331, %swap3A_332, %swap3A_333], %reshape3A_330 {strides = array<i32>} : memref<3x2304x192xf32, #tpu.memory_space<vmem>>, vector<1x2304x64xf32>,
        %get3A_335 = arith.constant 1 : index
        %get3A_336 = arith.constant 1 : index
        %get3A_337 = arith.constant 0 : index
        %get3A_338 = vector.load %arg26[%get3A_335, %get3A_336, %get3A_337] : memref<50x50x64xf32, #tpu.memory_space<vmem>>, vector<48x48x64xf32>
        %reshape3A_339 = vector.shape_cast %get3A_338 : vector<48x48x64xf32> to vector<1x2304x64xf32>
        %swap3A_340 = arith.constant 0 : index
        %swap3A_341 = arith.constant 0 : index
        %swap3A_342 = arith.constant 64 : index
        %swap3A_343 = vector.load %arg27[%swap3A_340, %swap3A_341, %swap3A_342] : memref<3x2304x192xf32, #tpu.memory_space<vmem>>, vector<1x2304x64xf32>
        tpu.vector_store %arg27[%swap3A_340, %swap3A_341, %swap3A_342], %reshape3A_339 {strides = array<i32>} : memref<3x2304x192xf32, #tpu.memory_space<vmem>>, vector<1x2304x64xf32>,
        %get3A_344 = arith.constant 1 : index
        %get3A_345 = arith.constant 2 : index
        %get3A_346 = arith.constant 0 : index
        %get3A_347 = vector.load %arg26[%get3A_344, %get3A_345, %get3A_346] : memref<50x50x64xf32, #tpu.memory_space<vmem>>, vector<48x48x64xf32>
        %reshape3A_348 = vector.shape_cast %get3A_347 : vector<48x48x64xf32> to vector<1x2304x64xf32>
        %swap3A_349 = arith.constant 0 : index
        %swap3A_350 = arith.constant 0 : index
        %swap3A_351 = arith.constant 128 : index
        %swap3A_352 = vector.load %arg27[%swap3A_349, %swap3A_350, %swap3A_351] : memref<3x2304x192xf32, #tpu.memory_space<vmem>>, vector<1x2304x64xf32>
        tpu.vector_store %arg27[%swap3A_349, %swap3A_350, %swap3A_351], %reshape3A_348 {strides = array<i32>} : memref<3x2304x192xf32, #tpu.memory_space<vmem>>, vector<1x2304x64xf32>,
        %get3A_353 = arith.constant 1 : index
        %get3A_354 = arith.constant 0 : index
        %get3A_355 = arith.constant 0 : index
        %get3A_356 = vector.load %arg25[%get3A_353, %get3A_354, %get3A_355] : memref<18x2304x64xf32, #tpu.memory_space<vmem>>, vector<1x2304x64xf32>
        %reshape3A_357 = vector.shape_cast %get3A_356 : vector<1x2304x64xf32> to vector<2304x64xf32>
        %reshape3A_358 = vector.shape_cast %reshape3A_357 : vector<2304x64xf32> to vector<48x48x64xf32>
        %swap3A_359 = arith.constant 1 : index
        %swap3A_360 = arith.constant 1 : index
        %swap3A_361 = arith.constant 0 : index
        %swap3A_362 = vector.load %arg26[%swap3A_359, %swap3A_360, %swap3A_361] : memref<50x50x64xf32, #tpu.memory_space<vmem>>, vector<48x48x64xf32>
        tpu.vector_store %arg26[%swap3A_359, %swap3A_360, %swap3A_361], %reshape3A_358 {strides = array<i32>} : memref<50x50x64xf32, #tpu.memory_space<vmem>>, vector<48x48x64xf32>,
        %get3A_363 = arith.constant 1 : index
        %get3A_364 = arith.constant 0 : index
        %get3A_365 = arith.constant 0 : index
        %get3A_366 = vector.load %arg26[%get3A_363, %get3A_364, %get3A_365] : memref<50x50x64xf32, #tpu.memory_space<vmem>>, vector<48x48x64xf32>
        %reshape3A_367 = vector.shape_cast %get3A_366 : vector<48x48x64xf32> to vector<1x2304x64xf32>
        %swap3A_368 = arith.constant 1 : index
        %swap3A_369 = arith.constant 0 : index
        %swap3A_370 = arith.constant 0 : index
        %swap3A_371 = vector.load %arg27[%swap3A_368, %swap3A_369, %swap3A_370] : memref<3x2304x192xf32, #tpu.memory_space<vmem>>, vector<1x2304x64xf32>
        tpu.vector_store %arg27[%swap3A_368, %swap3A_369, %swap3A_370], %reshape3A_367 {strides = array<i32>} : memref<3x2304x192xf32, #tpu.memory_space<vmem>>, vector<1x2304x64xf32>,
        %get3A_372 = arith.constant 1 : index
        %get3A_373 = arith.constant 1 : index
        %get3A_374 = arith.constant 0 : index
        %get3A_375 = vector.load %arg26[%get3A_372, %get3A_373, %get3A_374] : memref<50x50x64xf32, #tpu.memory_space<vmem>>, vector<48x48x64xf32>
        %reshape3A_376 = vector.shape_cast %get3A_375 : vector<48x48x64xf32> to vector<1x2304x64xf32>
        %swap3A_377 = arith.constant 1 : index
        %swap3A_378 = arith.constant 0 : index
        %swap3A_379 = arith.constant 64 : index
        %swap3A_380 = vector.load %arg27[%swap3A_377, %swap3A_378, %swap3A_379] : memref<3x2304x192xf32, #tpu.memory_space<vmem>>, vector<1x2304x64xf32>
        tpu.vector_store %arg27[%swap3A_377, %swap3A_378, %swap3A_379], %reshape3A_376 {strides = array<i32>} : memref<3x2304x192xf32, #tpu.memory_space<vmem>>, vector<1x2304x64xf32>,
        %get3A_381 = arith.constant 1 : index
        %get3A_382 = arith.constant 2 : index
        %get3A_383 = arith.constant 0 : index
        %get3A_384 = vector.load %arg26[%get3A_381, %get3A_382, %get3A_383] : memref<50x50x64xf32, #tpu.memory_space<vmem>>, vector<48x48x64xf32>
        %reshape3A_385 = vector.shape_cast %get3A_384 : vector<48x48x64xf32> to vector<1x2304x64xf32>
        %swap3A_386 = arith.constant 1 : index
        %swap3A_387 = arith.constant 0 : index
        %swap3A_388 = arith.constant 128 : index
        %swap3A_389 = vector.load %arg27[%swap3A_386, %swap3A_387, %swap3A_388] : memref<3x2304x192xf32, #tpu.memory_space<vmem>>, vector<1x2304x64xf32>
        tpu.vector_store %arg27[%swap3A_386, %swap3A_387, %swap3A_388], %reshape3A_385 {strides = array<i32>} : memref<3x2304x192xf32, #tpu.memory_space<vmem>>, vector<1x2304x64xf32>,
      } else {
      }
      %add3A = arith.constant 2 : i32
      %add3A_177 = arith.addi %scan3A_174, %add3A : i32
      %rem3A = arith.constant 3 : i32
      %rem3A_178 = arith.remsi %add3A_177, %rem3A : i32
      %get3A_179 = arith.index_cast %add3A_177 : i32 to index
      %get3A_180 = arith.constant 0 : index
      %get3A_181 = arith.constant 0 : index
      %get3A_182 = vector.load %arg25[%get3A_179, %get3A_180, %get3A_181] : memref<18x2304x64xf32, #tpu.memory_space<vmem>>, vector<1x2304x64xf32>
      %reshape3A = vector.shape_cast %get3A_182 : vector<1x2304x64xf32> to vector<2304x64xf32>
      %reshape3A_183 = vector.shape_cast %reshape3A : vector<2304x64xf32> to vector<48x48x64xf32>
      %swap3A_184 = arith.constant 1 : index
      %swap3A_185 = arith.constant 1 : index
      %swap3A_186 = arith.constant 0 : index
      %swap3A_187 = vector.load %arg26[%swap3A_184, %swap3A_185, %swap3A_186] : memref<50x50x64xf32, #tpu.memory_space<vmem>>, vector<48x48x64xf32>
      tpu.vector_store %arg26[%swap3A_184, %swap3A_185, %swap3A_186], %reshape3A_183 {strides = array<i32>} : memref<50x50x64xf32, #tpu.memory_space<vmem>>, vector<48x48x64xf32>,
      %get3A_188 = arith.constant 1 : index
      %get3A_189 = arith.constant 0 : index
      %get3A_190 = arith.constant 0 : index
      %get3A_191 = vector.load %arg26[%get3A_188, %get3A_189, %get3A_190] : memref<50x50x64xf32, #tpu.memory_space<vmem>>, vector<48x48x64xf32>
      %reshape3A_192 = vector.shape_cast %get3A_191 : vector<48x48x64xf32> to vector<1x2304x64xf32>
      %swap3A_193 = arith.index_cast %rem3A_178 : i32 to index
      %swap3A_194 = arith.constant 0 : index
      %swap3A_195 = arith.constant 0 : index
      %swap3A_196 = vector.load %arg27[%swap3A_193, %swap3A_194, %swap3A_195] : memref<3x2304x192xf32, #tpu.memory_space<vmem>>, vector<1x2304x64xf32>
      tpu.vector_store %arg27[%swap3A_193, %swap3A_194, %swap3A_195], %reshape3A_192 {strides = array<i32>} : memref<3x2304x192xf32, #tpu.memory_space<vmem>>, vector<1x2304x64xf32>,
      %get3A_197 = arith.constant 1 : index
      %get3A_198 = arith.constant 1 : index
      %get3A_199 = arith.constant 0 : index
      %get3A_200 = vector.load %arg26[%get3A_197, %get3A_198, %get3A_199] : memref<50x50x64xf32, #tpu.memory_space<vmem>>, vector<48x48x64xf32>
      %reshape3A_201 = vector.shape_cast %get3A_200 : vector<48x48x64xf32> to vector<1x2304x64xf32>
      %swap3A_202 = arith.index_cast %rem3A_178 : i32 to index
      %swap3A_203 = arith.constant 0 : index
      %swap3A_204 = arith.constant 64 : index
      %swap3A_205 = vector.load %arg27[%swap3A_202, %swap3A_203, %swap3A_204] : memref<3x2304x192xf32, #tpu.memory_space<vmem>>, vector<1x2304x64xf32>
      tpu.vector_store %arg27[%swap3A_202, %swap3A_203, %swap3A_204], %reshape3A_201 {strides = array<i32>} : memref<3x2304x192xf32, #tpu.memory_space<vmem>>, vector<1x2304x64xf32>,
      %get3A_206 = arith.constant 1 : index
      %get3A_207 = arith.constant 2 : index
      %get3A_208 = arith.constant 0 : index
      %get3A_209 = vector.load %arg26[%get3A_206, %get3A_207, %get3A_208] : memref<50x50x64xf32, #tpu.memory_space<vmem>>, vector<48x48x64xf32>
      %reshape3A_210 = vector.shape_cast %get3A_209 : vector<48x48x64xf32> to vector<1x2304x64xf32>
      %swap3A_211 = arith.index_cast %rem3A_178 : i32 to index
      %swap3A_212 = arith.constant 0 : index
      %swap3A_213 = arith.constant 128 : index
      %swap3A_214 = vector.load %arg27[%swap3A_211, %swap3A_212, %swap3A_213] : memref<3x2304x192xf32, #tpu.memory_space<vmem>>, vector<1x2304x64xf32>
      tpu.vector_store %arg27[%swap3A_211, %swap3A_212, %swap3A_213], %reshape3A_210 {strides = array<i32>} : memref<3x2304x192xf32, #tpu.memory_space<vmem>>, vector<1x2304x64xf32>,
      %mul3A = arith.constant 1 : i32
      %mul3A_215 = arith.muli %scan3A_174, %mul3A : i32
      %add3A_216 = arith.constant 0 : i32
      %add3A_217 = arith.addi %mul3A_215, %add3A_216 : i32
      %rem3A_218 = arith.constant 3 : i32
      %rem3A_219 = arith.remsi %add3A_217, %rem3A_218 : i32
      %get3A_220 = arith.index_cast %rem3A_219 : i32 to index
      %get3A_221 = arith.constant 0 : index
      %get3A_222 = arith.constant 0 : index
      %get3A_223 = vector.load %arg27[%get3A_220, %get3A_221, %get3A_222] : memref<3x2304x192xf32, #tpu.memory_space<vmem>>, vector<1x2304x192xf32>
      %reshape3A_224 = vector.shape_cast %get3A_223 : vector<1x2304x192xf32> to vector<2304x192xf32>
      %get3A_225 = arith.constant 0 : index
      %get3A_226 = arith.constant 0 : index
      %get3A_227 = vector.load %arg31[%get3A_225, %get3A_226] : memref<192x640xf32, #tpu.memory_space<vmem>>, vector<192x192xf32>
      %dot_general3A = arith.constant dense<0.000000e+00> : vector<2304x192xf32>
      %dot_general3A_228 = tpu.matmul %reshape3A_224, %get3A_227, %dot_general3A {dimension_numbers = #tpu.dot_dimension_numbers<[1], [0], [0], [1], [0, 0, 1, 1], [], []>, transpose_lhs_hint = false} : vector<2304x192xf32>, vector<192x192xf32>, vector<2304x192xf32> -> vector<2304x192xf32>
      %swap3A_229 = arith.constant 48 : index
      %swap3A_230 = arith.constant 0 : index
      %swap3A_231 = vector.load %arg28[%swap3A_229, %swap3A_230] : memref<2400x192xf32, #tpu.memory_space<vmem>>, vector<2304x192xf32>
      tpu.vector_store %arg28[%swap3A_229, %swap3A_230], %dot_general3A_228 {strides = array<i32>} : memref<2400x192xf32, #tpu.memory_space<vmem>>, vector<2304x192xf32>,
      %mul3A_232 = arith.constant 1 : i32
      %mul3A_233 = arith.muli %scan3A_174, %mul3A_232 : i32
      %add3A_234 = arith.constant 1 : i32
      %add3A_235 = arith.addi %mul3A_233, %add3A_234 : i32
      %rem3A_236 = arith.constant 3 : i32
      %rem3A_237 = arith.remsi %add3A_235, %rem3A_236 : i32
      %get3A_238 = arith.index_cast %rem3A_237 : i32 to index
      %get3A_239 = arith.constant 0 : index
      %get3A_240 = arith.constant 0 : index
      %get3A_241 = vector.load %arg27[%get3A_238, %get3A_239, %get3A_240] : memref<3x2304x192xf32, #tpu.memory_space<vmem>>, vector<1x2304x192xf32>
      %reshape3A_242 = vector.shape_cast %get3A_241 : vector<1x2304x192xf32> to vector<2304x192xf32>
      %get3A_243 = arith.constant 0 : index
      %get3A_244 = arith.constant 192 : index
      %get3A_245 = vector.load %arg31[%get3A_243, %get3A_244] : memref<192x640xf32, #tpu.memory_space<vmem>>, vector<192x192xf32>
      %dot_general3A_246 = arith.constant dense<0.000000e+00> : vector<2304x192xf32>
      %dot_general3A_247 = tpu.matmul %reshape3A_242, %get3A_245, %dot_general3A_246 {dimension_numbers = #tpu.dot_dimension_numbers<[1], [0], [0], [1], [0, 0, 1, 1], [], []>, transpose_lhs_hint = false} : vector<2304x192xf32>, vector<192x192xf32>, vector<2304x192xf32> -> vector<2304x192xf32>
      %swap3A_248 = arith.constant 48 : index
      %swap3A_249 = arith.constant 0 : index
      %swap3A_250 = vector.load %arg29[%swap3A_248, %swap3A_249] : memref<2400x192xf32, #tpu.memory_space<vmem>>, vector<2304x192xf32>
      tpu.vector_store %arg29[%swap3A_248, %swap3A_249], %dot_general3A_247 {strides = array<i32>} : memref<2400x192xf32, #tpu.memory_space<vmem>>, vector<2304x192xf32>,
      %mul3A_251 = arith.constant 1 : i32
      %mul3A_252 = arith.muli %scan3A_174, %mul3A_251 : i32
      %add3A_253 = arith.constant 2 : i32
      %add3A_254 = arith.addi %mul3A_252, %add3A_253 : i32
      %rem3A_255 = arith.constant 3 : i32
      %rem3A_256 = arith.remsi %add3A_254, %rem3A_255 : i32
      %get3A_257 = arith.index_cast %rem3A_256 : i32 to index
      %get3A_258 = arith.constant 0 : index
      %get3A_259 = arith.constant 0 : index
      %get3A_260 = vector.load %arg27[%get3A_257, %get3A_258, %get3A_259] : memref<3x2304x192xf32, #tpu.memory_space<vmem>>, vector<1x2304x192xf32>
      %reshape3A_261 = vector.shape_cast %get3A_260 : vector<1x2304x192xf32> to vector<2304x192xf32>
      %get3A_262 = arith.constant 0 : index
      %get3A_263 = arith.constant 384 : index
      %get3A_264 = vector.load %arg31[%get3A_262, %get3A_263] : memref<192x640xf32, #tpu.memory_space<vmem>>, vector<192x192xf32>
      %dot_general3A_265 = arith.constant dense<0.000000e+00> : vector<2304x192xf32>
      %dot_general3A_266 = tpu.matmul %reshape3A_261, %get3A_264, %dot_general3A_265 {dimension_numbers = #tpu.dot_dimension_numbers<[1], [0], [0], [1], [0, 0, 1, 1], [], []>, transpose_lhs_hint = false} : vector<2304x192xf32>, vector<192x192xf32>, vector<2304x192xf32> -> vector<2304x192xf32>
      %swap3A_267 = arith.constant 48 : index
      %swap3A_268 = arith.constant 0 : index
      %swap3A_269 = vector.load %arg30[%swap3A_267, %swap3A_268] : memref<2400x192xf32, #tpu.memory_space<vmem>>, vector<2304x192xf32>
      tpu.vector_store %arg30[%swap3A_267, %swap3A_268], %dot_general3A_266 {strides = array<i32>} : memref<2400x192xf32, #tpu.memory_space<vmem>>, vector<2304x192xf32>,
      %get3A_270 = arith.constant 0 : index
      %get3A_271 = arith.constant 0 : index
      %get3A_272 = vector.load %arg28[%get3A_270, %get3A_271] : memref<2400x192xf32, #tpu.memory_space<vmem>>, vector<2304x64xf32>
      %get3A_273 = arith.constant 48 : index
      %get3A_274 = arith.constant 64 : index
      %get3A_275 = vector.load %arg28[%get3A_273, %get3A_274] : memref<2400x192xf32, #tpu.memory_space<vmem>>, vector<2304x64xf32>
      %add3A_276 = arith.addf %get3A_272, %get3A_275 : vector<2304x64xf32>
      %get3A_277 = arith.constant 96 : index
      %get3A_278 = arith.constant 128 : index
      %get3A_279 = vector.load %arg28[%get3A_277, %get3A_278] : memref<2400x192xf32, #tpu.memory_space<vmem>>, vector<2304x64xf32>
      %add3A_280 = arith.addf %add3A_276, %get3A_279 : vector<2304x64xf32>
      %get3A_281 = arith.constant 0 : index
      %get3A_282 = arith.constant 0 : index
      %get3A_283 = vector.load %arg29[%get3A_281, %get3A_282] : memref<2400x192xf32, #tpu.memory_space<vmem>>, vector<2304x64xf32>
      %add3A_284 = arith.addf %add3A_280, %get3A_283 : vector<2304x64xf32>
      %get3A_285 = arith.constant 48 : index
      %get3A_286 = arith.constant 64 : index
      %get3A_287 = vector.load %arg29[%get3A_285, %get3A_286] : memref<2400x192xf32, #tpu.memory_space<vmem>>, vector<2304x64xf32>
      %add3A_288 = arith.addf %add3A_284, %get3A_287 : vector<2304x64xf32>
      %get3A_289 = arith.constant 96 : index
      %get3A_290 = arith.constant 128 : index
      %get3A_291 = vector.load %arg29[%get3A_289, %get3A_290] : memref<2400x192xf32, #tpu.memory_space<vmem>>, vector<2304x64xf32>
      %add3A_292 = arith.addf %add3A_288, %get3A_291 : vector<2304x64xf32>
      %get3A_293 = arith.constant 0 : index
      %get3A_294 = arith.constant 0 : index
      %get3A_295 = vector.load %arg30[%get3A_293, %get3A_294] : memref<2400x192xf32, #tpu.memory_space<vmem>>, vector<2304x64xf32>
      %add3A_296 = arith.addf %add3A_292, %get3A_295 : vector<2304x64xf32>
      %get3A_297 = arith.constant 48 : index
      %get3A_298 = arith.constant 64 : index
      %get3A_299 = vector.load %arg30[%get3A_297, %get3A_298] : memref<2400x192xf32, #tpu.memory_space<vmem>>, vector<2304x64xf32>
      %add3A_300 = arith.addf %add3A_296, %get3A_299 : vector<2304x64xf32>
      %get3A_301 = arith.constant 96 : index
      %get3A_302 = arith.constant 128 : index
      %get3A_303 = vector.load %arg30[%get3A_301, %get3A_302] : memref<2400x192xf32, #tpu.memory_space<vmem>>, vector<2304x64xf32>
      %add3A_304 = arith.addf %add3A_300, %get3A_303 : vector<2304x64xf32>
      %add3A_305 = vector.broadcast %get3A_96 : vector<1x64xf32> to vector<2304x64xf32>
      %add3A_306 = arith.addf %add3A_304, %add3A_305 : vector<2304x64xf32>
      %max3A = arith.constant 0.000000e+00 : f32
      %max3A_307 = vector.broadcast %max3A : f32 to vector<2304x64xf32>
      %max3A_308 = arith.maximumf %add3A_306, %max3A_307 : vector<2304x64xf32>
      %reshape3A_309 = vector.shape_cast %max3A_308 : vector<2304x64xf32> to vector<1x2304x64xf32>
      %add3A_310 = arith.constant 1 : i32
      %add3A_311 = arith.addi %scan3A_174, %add3A_310 : i32
      %swap3A_312 = arith.index_cast %add3A_311 : i32 to index
      %swap3A_313 = arith.constant 0 : index
      %swap3A_314 = arith.constant 0 : index
      %swap3A_315 = vector.load %arg24[%swap3A_312, %swap3A_313, %swap3A_314] : memref<18x2304x64xf32, #tpu.memory_space<vmem>>, vector<1x2304x64xf32>
      tpu.vector_store %arg24[%swap3A_312, %swap3A_313, %swap3A_314], %reshape3A_309 {strides = array<i32>} : memref<18x2304x64xf32, #tpu.memory_space<vmem>>, vector<1x2304x64xf32>,
    }
    %scan3A_101 = arith.constant 8 : i32
    %swap3A_102 = arith.constant 9 : index
    %swap3A_103 = arith.constant 0 : index
    %swap3A_104 = arith.constant 0 : index
    %swap3A_105 = vector.load %arg24[%swap3A_102, %swap3A_103, %swap3A_104] : memref<18x2304x64xf32, #tpu.memory_space<vmem>>, vector<1x2304x64xf32>
    tpu.vector_store %arg24[%swap3A_102, %swap3A_103, %swap3A_104], %broadcast_in_dim3A_11 {strides = array<i32>} : memref<18x2304x64xf32, #tpu.memory_space<vmem>>, vector<1x2304x64xf32>,
    tpu.enqueue_dma source(%arg6 : memref<192x640xf32, #tpu.memory_space<any>>) target(%arg31 : memref<192x640xf32, #tpu.memory_space<vmem>>) target_semaphore(%arg33 : memref<!tpu.dma_semaphore, #tpu.memory_space<semaphore_mem>>)
    tpu.wait_dma2 semaphore(%arg33 : memref<!tpu.dma_semaphore, #tpu.memory_space<semaphore_mem>>) src(%arg6 : memref<192x640xf32, #tpu.memory_space<any>>) dst(%arg31 : memref<192x640xf32, #tpu.memory_space<vmem>>)
    %get3A_106 = arith.constant 0 : index
    %get3A_107 = arith.constant 0 : index
    %get3A_108 = vector.load %arg17[%get3A_106, %get3A_107] : memref<1x64xf32, #tpu.memory_space<vmem>>, vector<1x64xf32>
    %scan3A_109 = arith.constant 0 : i32
    %scan3A_110 = arith.constant 8 : i32
    %scan3A_111 = arith.addi %scan3A_109, %scan3A_110 : i32
    %scan3A_112 = arith.constant 1 : i32
    scf.for %scan3A_174 = %scan3A_109 to %scan3A_111 step %scan3A_112  : i32 {
      %eq3A = arith.constant 0 : i32
      %eq3A_175 = arith.cmpi eq, %scan3A_174, %eq3A : i32
      %convert_element_type3A = arith.extui %eq3A_175 : i1 to i32
      %cond3A = arith.constant 0 : i32
      %cond3A_176 = arith.cmpi ne, %convert_element_type3A, %cond3A : i32
      scf.if %cond3A_176 {
        %get3A_316 = arith.constant 0 : index
        %get3A_317 = arith.constant 0 : index
        %get3A_318 = arith.constant 0 : index
        %get3A_319 = vector.load %arg24[%get3A_316, %get3A_317, %get3A_318] : memref<18x2304x64xf32, #tpu.memory_space<vmem>>, vector<1x2304x64xf32>
        %reshape3A_320 = vector.shape_cast %get3A_319 : vector<1x2304x64xf32> to vector<2304x64xf32>
        %reshape3A_321 = vector.shape_cast %reshape3A_320 : vector<2304x64xf32> to vector<48x48x64xf32>
        %swap3A_322 = arith.constant 1 : index
        %swap3A_323 = arith.constant 1 : index
        %swap3A_324 = arith.constant 0 : index
        %swap3A_325 = vector.load %arg26[%swap3A_322, %swap3A_323, %swap3A_324] : memref<50x50x64xf32, #tpu.memory_space<vmem>>, vector<48x48x64xf32>
        tpu.vector_store %arg26[%swap3A_322, %swap3A_323, %swap3A_324], %reshape3A_321 {strides = array<i32>} : memref<50x50x64xf32, #tpu.memory_space<vmem>>, vector<48x48x64xf32>,
        %get3A_326 = arith.constant 1 : index
        %get3A_327 = arith.constant 0 : index
        %get3A_328 = arith.constant 0 : index
        %get3A_329 = vector.load %arg26[%get3A_326, %get3A_327, %get3A_328] : memref<50x50x64xf32, #tpu.memory_space<vmem>>, vector<48x48x64xf32>
        %reshape3A_330 = vector.shape_cast %get3A_329 : vector<48x48x64xf32> to vector<1x2304x64xf32>
        %swap3A_331 = arith.constant 0 : index
        %swap3A_332 = arith.constant 0 : index
        %swap3A_333 = arith.constant 0 : index
        %swap3A_334 = vector.load %arg27[%swap3A_331, %swap3A_332, %swap3A_333] : memref<3x2304x192xf32, #tpu.memory_space<vmem>>, vector<1x2304x64xf32>
        tpu.vector_store %arg27[%swap3A_331, %swap3A_332, %swap3A_333], %reshape3A_330 {strides = array<i32>} : memref<3x2304x192xf32, #tpu.memory_space<vmem>>, vector<1x2304x64xf32>,
        %get3A_335 = arith.constant 1 : index
        %get3A_336 = arith.constant 1 : index
        %get3A_337 = arith.constant 0 : index
        %get3A_338 = vector.load %arg26[%get3A_335, %get3A_336, %get3A_337] : memref<50x50x64xf32, #tpu.memory_space<vmem>>, vector<48x48x64xf32>
        %reshape3A_339 = vector.shape_cast %get3A_338 : vector<48x48x64xf32> to vector<1x2304x64xf32>
        %swap3A_340 = arith.constant 0 : index
        %swap3A_341 = arith.constant 0 : index
        %swap3A_342 = arith.constant 64 : index
        %swap3A_343 = vector.load %arg27[%swap3A_340, %swap3A_341, %swap3A_342] : memref<3x2304x192xf32, #tpu.memory_space<vmem>>, vector<1x2304x64xf32>
        tpu.vector_store %arg27[%swap3A_340, %swap3A_341, %swap3A_342], %reshape3A_339 {strides = array<i32>} : memref<3x2304x192xf32, #tpu.memory_space<vmem>>, vector<1x2304x64xf32>,
        %get3A_344 = arith.constant 1 : index
        %get3A_345 = arith.constant 2 : index
        %get3A_346 = arith.constant 0 : index
        %get3A_347 = vector.load %arg26[%get3A_344, %get3A_345, %get3A_346] : memref<50x50x64xf32, #tpu.memory_space<vmem>>, vector<48x48x64xf32>
        %reshape3A_348 = vector.shape_cast %get3A_347 : vector<48x48x64xf32> to vector<1x2304x64xf32>
        %swap3A_349 = arith.constant 0 : index
        %swap3A_350 = arith.constant 0 : index
        %swap3A_351 = arith.constant 128 : index
        %swap3A_352 = vector.load %arg27[%swap3A_349, %swap3A_350, %swap3A_351] : memref<3x2304x192xf32, #tpu.memory_space<vmem>>, vector<1x2304x64xf32>
        tpu.vector_store %arg27[%swap3A_349, %swap3A_350, %swap3A_351], %reshape3A_348 {strides = array<i32>} : memref<3x2304x192xf32, #tpu.memory_space<vmem>>, vector<1x2304x64xf32>,
        %get3A_353 = arith.constant 1 : index
        %get3A_354 = arith.constant 0 : index
        %get3A_355 = arith.constant 0 : index
        %get3A_356 = vector.load %arg24[%get3A_353, %get3A_354, %get3A_355] : memref<18x2304x64xf32, #tpu.memory_space<vmem>>, vector<1x2304x64xf32>
        %reshape3A_357 = vector.shape_cast %get3A_356 : vector<1x2304x64xf32> to vector<2304x64xf32>
        %reshape3A_358 = vector.shape_cast %reshape3A_357 : vector<2304x64xf32> to vector<48x48x64xf32>
        %swap3A_359 = arith.constant 1 : index
        %swap3A_360 = arith.constant 1 : index
        %swap3A_361 = arith.constant 0 : index
        %swap3A_362 = vector.load %arg26[%swap3A_359, %swap3A_360, %swap3A_361] : memref<50x50x64xf32, #tpu.memory_space<vmem>>, vector<48x48x64xf32>
        tpu.vector_store %arg26[%swap3A_359, %swap3A_360, %swap3A_361], %reshape3A_358 {strides = array<i32>} : memref<50x50x64xf32, #tpu.memory_space<vmem>>, vector<48x48x64xf32>,
        %get3A_363 = arith.constant 1 : index
        %get3A_364 = arith.constant 0 : index
        %get3A_365 = arith.constant 0 : index
        %get3A_366 = vector.load %arg26[%get3A_363, %get3A_364, %get3A_365] : memref<50x50x64xf32, #tpu.memory_space<vmem>>, vector<48x48x64xf32>
        %reshape3A_367 = vector.shape_cast %get3A_366 : vector<48x48x64xf32> to vector<1x2304x64xf32>
        %swap3A_368 = arith.constant 1 : index
        %swap3A_369 = arith.constant 0 : index
        %swap3A_370 = arith.constant 0 : index
        %swap3A_371 = vector.load %arg27[%swap3A_368, %swap3A_369, %swap3A_370] : memref<3x2304x192xf32, #tpu.memory_space<vmem>>, vector<1x2304x64xf32>
        tpu.vector_store %arg27[%swap3A_368, %swap3A_369, %swap3A_370], %reshape3A_367 {strides = array<i32>} : memref<3x2304x192xf32, #tpu.memory_space<vmem>>, vector<1x2304x64xf32>,
        %get3A_372 = arith.constant 1 : index
        %get3A_373 = arith.constant 1 : index
        %get3A_374 = arith.constant 0 : index
        %get3A_375 = vector.load %arg26[%get3A_372, %get3A_373, %get3A_374] : memref<50x50x64xf32, #tpu.memory_space<vmem>>, vector<48x48x64xf32>
        %reshape3A_376 = vector.shape_cast %get3A_375 : vector<48x48x64xf32> to vector<1x2304x64xf32>
        %swap3A_377 = arith.constant 1 : index
        %swap3A_378 = arith.constant 0 : index
        %swap3A_379 = arith.constant 64 : index
        %swap3A_380 = vector.load %arg27[%swap3A_377, %swap3A_378, %swap3A_379] : memref<3x2304x192xf32, #tpu.memory_space<vmem>>, vector<1x2304x64xf32>
        tpu.vector_store %arg27[%swap3A_377, %swap3A_378, %swap3A_379], %reshape3A_376 {strides = array<i32>} : memref<3x2304x192xf32, #tpu.memory_space<vmem>>, vector<1x2304x64xf32>,
        %get3A_381 = arith.constant 1 : index
        %get3A_382 = arith.constant 2 : index
        %get3A_383 = arith.constant 0 : index
        %get3A_384 = vector.load %arg26[%get3A_381, %get3A_382, %get3A_383] : memref<50x50x64xf32, #tpu.memory_space<vmem>>, vector<48x48x64xf32>
        %reshape3A_385 = vector.shape_cast %get3A_384 : vector<48x48x64xf32> to vector<1x2304x64xf32>
        %swap3A_386 = arith.constant 1 : index
        %swap3A_387 = arith.constant 0 : index
        %swap3A_388 = arith.constant 128 : index
        %swap3A_389 = vector.load %arg27[%swap3A_386, %swap3A_387, %swap3A_388] : memref<3x2304x192xf32, #tpu.memory_space<vmem>>, vector<1x2304x64xf32>
        tpu.vector_store %arg27[%swap3A_386, %swap3A_387, %swap3A_388], %reshape3A_385 {strides = array<i32>} : memref<3x2304x192xf32, #tpu.memory_space<vmem>>, vector<1x2304x64xf32>,
      } else {
      }
      %add3A = arith.constant 2 : i32
      %add3A_177 = arith.addi %scan3A_174, %add3A : i32
      %rem3A = arith.constant 3 : i32
      %rem3A_178 = arith.remsi %add3A_177, %rem3A : i32
      %get3A_179 = arith.index_cast %add3A_177 : i32 to index
      %get3A_180 = arith.constant 0 : index
      %get3A_181 = arith.constant 0 : index
      %get3A_182 = vector.load %arg24[%get3A_179, %get3A_180, %get3A_181] : memref<18x2304x64xf32, #tpu.memory_space<vmem>>, vector<1x2304x64xf32>
      %reshape3A = vector.shape_cast %get3A_182 : vector<1x2304x64xf32> to vector<2304x64xf32>
      %reshape3A_183 = vector.shape_cast %reshape3A : vector<2304x64xf32> to vector<48x48x64xf32>
      %swap3A_184 = arith.constant 1 : index
      %swap3A_185 = arith.constant 1 : index
      %swap3A_186 = arith.constant 0 : index
      %swap3A_187 = vector.load %arg26[%swap3A_184, %swap3A_185, %swap3A_186] : memref<50x50x64xf32, #tpu.memory_space<vmem>>, vector<48x48x64xf32>
      tpu.vector_store %arg26[%swap3A_184, %swap3A_185, %swap3A_186], %reshape3A_183 {strides = array<i32>} : memref<50x50x64xf32, #tpu.memory_space<vmem>>, vector<48x48x64xf32>,
      %get3A_188 = arith.constant 1 : index
      %get3A_189 = arith.constant 0 : index
      %get3A_190 = arith.constant 0 : index
      %get3A_191 = vector.load %arg26[%get3A_188, %get3A_189, %get3A_190] : memref<50x50x64xf32, #tpu.memory_space<vmem>>, vector<48x48x64xf32>
      %reshape3A_192 = vector.shape_cast %get3A_191 : vector<48x48x64xf32> to vector<1x2304x64xf32>
      %swap3A_193 = arith.index_cast %rem3A_178 : i32 to index
      %swap3A_194 = arith.constant 0 : index
      %swap3A_195 = arith.constant 0 : index
      %swap3A_196 = vector.load %arg27[%swap3A_193, %swap3A_194, %swap3A_195] : memref<3x2304x192xf32, #tpu.memory_space<vmem>>, vector<1x2304x64xf32>
      tpu.vector_store %arg27[%swap3A_193, %swap3A_194, %swap3A_195], %reshape3A_192 {strides = array<i32>} : memref<3x2304x192xf32, #tpu.memory_space<vmem>>, vector<1x2304x64xf32>,
      %get3A_197 = arith.constant 1 : index
      %get3A_198 = arith.constant 1 : index
      %get3A_199 = arith.constant 0 : index
      %get3A_200 = vector.load %arg26[%get3A_197, %get3A_198, %get3A_199] : memref<50x50x64xf32, #tpu.memory_space<vmem>>, vector<48x48x64xf32>
      %reshape3A_201 = vector.shape_cast %get3A_200 : vector<48x48x64xf32> to vector<1x2304x64xf32>
      %swap3A_202 = arith.index_cast %rem3A_178 : i32 to index
      %swap3A_203 = arith.constant 0 : index
      %swap3A_204 = arith.constant 64 : index
      %swap3A_205 = vector.load %arg27[%swap3A_202, %swap3A_203, %swap3A_204] : memref<3x2304x192xf32, #tpu.memory_space<vmem>>, vector<1x2304x64xf32>
      tpu.vector_store %arg27[%swap3A_202, %swap3A_203, %swap3A_204], %reshape3A_201 {strides = array<i32>} : memref<3x2304x192xf32, #tpu.memory_space<vmem>>, vector<1x2304x64xf32>,
      %get3A_206 = arith.constant 1 : index
      %get3A_207 = arith.constant 2 : index
      %get3A_208 = arith.constant 0 : index
      %get3A_209 = vector.load %arg26[%get3A_206, %get3A_207, %get3A_208] : memref<50x50x64xf32, #tpu.memory_space<vmem>>, vector<48x48x64xf32>
      %reshape3A_210 = vector.shape_cast %get3A_209 : vector<48x48x64xf32> to vector<1x2304x64xf32>
      %swap3A_211 = arith.index_cast %rem3A_178 : i32 to index
      %swap3A_212 = arith.constant 0 : index
      %swap3A_213 = arith.constant 128 : index
      %swap3A_214 = vector.load %arg27[%swap3A_211, %swap3A_212, %swap3A_213] : memref<3x2304x192xf32, #tpu.memory_space<vmem>>, vector<1x2304x64xf32>
      tpu.vector_store %arg27[%swap3A_211, %swap3A_212, %swap3A_213], %reshape3A_210 {strides = array<i32>} : memref<3x2304x192xf32, #tpu.memory_space<vmem>>, vector<1x2304x64xf32>,
      %mul3A = arith.constant 1 : i32
      %mul3A_215 = arith.muli %scan3A_174, %mul3A : i32
      %add3A_216 = arith.constant 0 : i32
      %add3A_217 = arith.addi %mul3A_215, %add3A_216 : i32
      %rem3A_218 = arith.constant 3 : i32
      %rem3A_219 = arith.remsi %add3A_217, %rem3A_218 : i32
      %get3A_220 = arith.index_cast %rem3A_219 : i32 to index
      %get3A_221 = arith.constant 0 : index
      %get3A_222 = arith.constant 0 : index
      %get3A_223 = vector.load %arg27[%get3A_220, %get3A_221, %get3A_222] : memref<3x2304x192xf32, #tpu.memory_space<vmem>>, vector<1x2304x192xf32>
      %reshape3A_224 = vector.shape_cast %get3A_223 : vector<1x2304x192xf32> to vector<2304x192xf32>
      %get3A_225 = arith.constant 0 : index
      %get3A_226 = arith.constant 0 : index
      %get3A_227 = vector.load %arg31[%get3A_225, %get3A_226] : memref<192x640xf32, #tpu.memory_space<vmem>>, vector<192x192xf32>
      %dot_general3A = arith.constant dense<0.000000e+00> : vector<2304x192xf32>
      %dot_general3A_228 = tpu.matmul %reshape3A_224, %get3A_227, %dot_general3A {dimension_numbers = #tpu.dot_dimension_numbers<[1], [0], [0], [1], [0, 0, 1, 1], [], []>, transpose_lhs_hint = false} : vector<2304x192xf32>, vector<192x192xf32>, vector<2304x192xf32> -> vector<2304x192xf32>
      %swap3A_229 = arith.constant 48 : index
      %swap3A_230 = arith.constant 0 : index
      %swap3A_231 = vector.load %arg28[%swap3A_229, %swap3A_230] : memref<2400x192xf32, #tpu.memory_space<vmem>>, vector<2304x192xf32>
      tpu.vector_store %arg28[%swap3A_229, %swap3A_230], %dot_general3A_228 {strides = array<i32>} : memref<2400x192xf32, #tpu.memory_space<vmem>>, vector<2304x192xf32>,
      %mul3A_232 = arith.constant 1 : i32
      %mul3A_233 = arith.muli %scan3A_174, %mul3A_232 : i32
      %add3A_234 = arith.constant 1 : i32
      %add3A_235 = arith.addi %mul3A_233, %add3A_234 : i32
      %rem3A_236 = arith.constant 3 : i32
      %rem3A_237 = arith.remsi %add3A_235, %rem3A_236 : i32
      %get3A_238 = arith.index_cast %rem3A_237 : i32 to index
      %get3A_239 = arith.constant 0 : index
      %get3A_240 = arith.constant 0 : index
      %get3A_241 = vector.load %arg27[%get3A_238, %get3A_239, %get3A_240] : memref<3x2304x192xf32, #tpu.memory_space<vmem>>, vector<1x2304x192xf32>
      %reshape3A_242 = vector.shape_cast %get3A_241 : vector<1x2304x192xf32> to vector<2304x192xf32>
      %get3A_243 = arith.constant 0 : index
      %get3A_244 = arith.constant 192 : index
      %get3A_245 = vector.load %arg31[%get3A_243, %get3A_244] : memref<192x640xf32, #tpu.memory_space<vmem>>, vector<192x192xf32>
      %dot_general3A_246 = arith.constant dense<0.000000e+00> : vector<2304x192xf32>
      %dot_general3A_247 = tpu.matmul %reshape3A_242, %get3A_245, %dot_general3A_246 {dimension_numbers = #tpu.dot_dimension_numbers<[1], [0], [0], [1], [0, 0, 1, 1], [], []>, transpose_lhs_hint = false} : vector<2304x192xf32>, vector<192x192xf32>, vector<2304x192xf32> -> vector<2304x192xf32>
      %swap3A_248 = arith.constant 48 : index
      %swap3A_249 = arith.constant 0 : index
      %swap3A_250 = vector.load %arg29[%swap3A_248, %swap3A_249] : memref<2400x192xf32, #tpu.memory_space<vmem>>, vector<2304x192xf32>
      tpu.vector_store %arg29[%swap3A_248, %swap3A_249], %dot_general3A_247 {strides = array<i32>} : memref<2400x192xf32, #tpu.memory_space<vmem>>, vector<2304x192xf32>,
      %mul3A_251 = arith.constant 1 : i32
      %mul3A_252 = arith.muli %scan3A_174, %mul3A_251 : i32
      %add3A_253 = arith.constant 2 : i32
      %add3A_254 = arith.addi %mul3A_252, %add3A_253 : i32
      %rem3A_255 = arith.constant 3 : i32
      %rem3A_256 = arith.remsi %add3A_254, %rem3A_255 : i32
      %get3A_257 = arith.index_cast %rem3A_256 : i32 to index
      %get3A_258 = arith.constant 0 : index
      %get3A_259 = arith.constant 0 : index
      %get3A_260 = vector.load %arg27[%get3A_257, %get3A_258, %get3A_259] : memref<3x2304x192xf32, #tpu.memory_space<vmem>>, vector<1x2304x192xf32>
      %reshape3A_261 = vector.shape_cast %get3A_260 : vector<1x2304x192xf32> to vector<2304x192xf32>
      %get3A_262 = arith.constant 0 : index
      %get3A_263 = arith.constant 384 : index
      %get3A_264 = vector.load %arg31[%get3A_262, %get3A_263] : memref<192x640xf32, #tpu.memory_space<vmem>>, vector<192x192xf32>
      %dot_general3A_265 = arith.constant dense<0.000000e+00> : vector<2304x192xf32>
      %dot_general3A_266 = tpu.matmul %reshape3A_261, %get3A_264, %dot_general3A_265 {dimension_numbers = #tpu.dot_dimension_numbers<[1], [0], [0], [1], [0, 0, 1, 1], [], []>, transpose_lhs_hint = false} : vector<2304x192xf32>, vector<192x192xf32>, vector<2304x192xf32> -> vector<2304x192xf32>
      %swap3A_267 = arith.constant 48 : index
      %swap3A_268 = arith.constant 0 : index
      %swap3A_269 = vector.load %arg30[%swap3A_267, %swap3A_268] : memref<2400x192xf32, #tpu.memory_space<vmem>>, vector<2304x192xf32>
      tpu.vector_store %arg30[%swap3A_267, %swap3A_268], %dot_general3A_266 {strides = array<i32>} : memref<2400x192xf32, #tpu.memory_space<vmem>>, vector<2304x192xf32>,
      %get3A_270 = arith.constant 0 : index
      %get3A_271 = arith.constant 0 : index
      %get3A_272 = vector.load %arg28[%get3A_270, %get3A_271] : memref<2400x192xf32, #tpu.memory_space<vmem>>, vector<2304x64xf32>
      %get3A_273 = arith.constant 48 : index
      %get3A_274 = arith.constant 64 : index
      %get3A_275 = vector.load %arg28[%get3A_273, %get3A_274] : memref<2400x192xf32, #tpu.memory_space<vmem>>, vector<2304x64xf32>
      %add3A_276 = arith.addf %get3A_272, %get3A_275 : vector<2304x64xf32>
      %get3A_277 = arith.constant 96 : index
      %get3A_278 = arith.constant 128 : index
      %get3A_279 = vector.load %arg28[%get3A_277, %get3A_278] : memref<2400x192xf32, #tpu.memory_space<vmem>>, vector<2304x64xf32>
      %add3A_280 = arith.addf %add3A_276, %get3A_279 : vector<2304x64xf32>
      %get3A_281 = arith.constant 0 : index
      %get3A_282 = arith.constant 0 : index
      %get3A_283 = vector.load %arg29[%get3A_281, %get3A_282] : memref<2400x192xf32, #tpu.memory_space<vmem>>, vector<2304x64xf32>
      %add3A_284 = arith.addf %add3A_280, %get3A_283 : vector<2304x64xf32>
      %get3A_285 = arith.constant 48 : index
      %get3A_286 = arith.constant 64 : index
      %get3A_287 = vector.load %arg29[%get3A_285, %get3A_286] : memref<2400x192xf32, #tpu.memory_space<vmem>>, vector<2304x64xf32>
      %add3A_288 = arith.addf %add3A_284, %get3A_287 : vector<2304x64xf32>
      %get3A_289 = arith.constant 96 : index
      %get3A_290 = arith.constant 128 : index
      %get3A_291 = vector.load %arg29[%get3A_289, %get3A_290] : memref<2400x192xf32, #tpu.memory_space<vmem>>, vector<2304x64xf32>
      %add3A_292 = arith.addf %add3A_288, %get3A_291 : vector<2304x64xf32>
      %get3A_293 = arith.constant 0 : index
      %get3A_294 = arith.constant 0 : index
      %get3A_295 = vector.load %arg30[%get3A_293, %get3A_294] : memref<2400x192xf32, #tpu.memory_space<vmem>>, vector<2304x64xf32>
      %add3A_296 = arith.addf %add3A_292, %get3A_295 : vector<2304x64xf32>
      %get3A_297 = arith.constant 48 : index
      %get3A_298 = arith.constant 64 : index
      %get3A_299 = vector.load %arg30[%get3A_297, %get3A_298] : memref<2400x192xf32, #tpu.memory_space<vmem>>, vector<2304x64xf32>
      %add3A_300 = arith.addf %add3A_296, %get3A_299 : vector<2304x64xf32>
      %get3A_301 = arith.constant 96 : index
      %get3A_302 = arith.constant 128 : index
      %get3A_303 = vector.load %arg30[%get3A_301, %get3A_302] : memref<2400x192xf32, #tpu.memory_space<vmem>>, vector<2304x64xf32>
      %add3A_304 = arith.addf %add3A_300, %get3A_303 : vector<2304x64xf32>
      %add3A_305 = vector.broadcast %get3A_108 : vector<1x64xf32> to vector<2304x64xf32>
      %add3A_306 = arith.addf %add3A_304, %add3A_305 : vector<2304x64xf32>
      %max3A = arith.constant 0.000000e+00 : f32
      %max3A_307 = vector.broadcast %max3A : f32 to vector<2304x64xf32>
      %max3A_308 = arith.maximumf %add3A_306, %max3A_307 : vector<2304x64xf32>
      %reshape3A_309 = vector.shape_cast %max3A_308 : vector<2304x64xf32> to vector<1x2304x64xf32>
      %add3A_310 = arith.constant 1 : i32
      %add3A_311 = arith.addi %scan3A_174, %add3A_310 : i32
      %swap3A_312 = arith.index_cast %add3A_311 : i32 to index
      %swap3A_313 = arith.constant 0 : index
      %swap3A_314 = arith.constant 0 : index
      %swap3A_315 = vector.load %arg25[%swap3A_312, %swap3A_313, %swap3A_314] : memref<18x2304x64xf32, #tpu.memory_space<vmem>>, vector<1x2304x64xf32>
      tpu.vector_store %arg25[%swap3A_312, %swap3A_313, %swap3A_314], %reshape3A_309 {strides = array<i32>} : memref<18x2304x64xf32, #tpu.memory_space<vmem>>, vector<1x2304x64xf32>,
    }
    %scan3A_113 = arith.constant 8 : i32
    %swap3A_114 = arith.constant 9 : index
    %swap3A_115 = arith.constant 0 : index
    %swap3A_116 = arith.constant 0 : index
    %swap3A_117 = vector.load %arg25[%swap3A_114, %swap3A_115, %swap3A_116] : memref<18x2304x64xf32, #tpu.memory_space<vmem>>, vector<1x2304x64xf32>
    tpu.vector_store %arg25[%swap3A_114, %swap3A_115, %swap3A_116], %broadcast_in_dim3A_11 {strides = array<i32>} : memref<18x2304x64xf32, #tpu.memory_space<vmem>>, vector<1x2304x64xf32>,
    tpu.enqueue_dma source(%arg7 : memref<192x640xf32, #tpu.memory_space<any>>) target(%arg31 : memref<192x640xf32, #tpu.memory_space<vmem>>) target_semaphore(%arg33 : memref<!tpu.dma_semaphore, #tpu.memory_space<semaphore_mem>>)
    tpu.wait_dma2 semaphore(%arg33 : memref<!tpu.dma_semaphore, #tpu.memory_space<semaphore_mem>>) src(%arg7 : memref<192x640xf32, #tpu.memory_space<any>>) dst(%arg31 : memref<192x640xf32, #tpu.memory_space<vmem>>)
    %get3A_118 = arith.constant 0 : index
    %get3A_119 = arith.constant 0 : index
    %get3A_120 = vector.load %arg18[%get3A_118, %get3A_119] : memref<1x64xf32, #tpu.memory_space<vmem>>, vector<1x64xf32>
    %scan3A_121 = arith.constant 0 : i32
    %scan3A_122 = arith.constant 4 : i32
    %scan3A_123 = arith.addi %scan3A_121, %scan3A_122 : i32
    %scan3A_124 = arith.constant 1 : i32
    scf.for %scan3A_174 = %scan3A_121 to %scan3A_123 step %scan3A_124  : i32 {
      %eq3A = arith.constant 0 : i32
      %eq3A_175 = arith.cmpi eq, %scan3A_174, %eq3A : i32
      %convert_element_type3A = arith.extui %eq3A_175 : i1 to i32
      %cond3A = arith.constant 0 : i32
      %cond3A_176 = arith.cmpi ne, %convert_element_type3A, %cond3A : i32
      scf.if %cond3A_176 {
        %get3A_361 = arith.constant 0 : index
        %get3A_362 = arith.constant 0 : index
        %get3A_363 = arith.constant 0 : index
        %get3A_364 = vector.load %arg25[%get3A_361, %get3A_362, %get3A_363] : memref<18x2304x64xf32, #tpu.memory_space<vmem>>, vector<1x2304x64xf32>
        %reshape3A_365 = vector.shape_cast %get3A_364 : vector<1x2304x64xf32> to vector<2304x64xf32>
        %reshape3A_366 = vector.shape_cast %reshape3A_365 : vector<2304x64xf32> to vector<48x48x64xf32>
        %swap3A_367 = arith.constant 1 : index
        %swap3A_368 = arith.constant 1 : index
        %swap3A_369 = arith.constant 0 : index
        %swap3A_370 = vector.load %arg26[%swap3A_367, %swap3A_368, %swap3A_369] : memref<50x50x64xf32, #tpu.memory_space<vmem>>, vector<48x48x64xf32>
        tpu.vector_store %arg26[%swap3A_367, %swap3A_368, %swap3A_369], %reshape3A_366 {strides = array<i32>} : memref<50x50x64xf32, #tpu.memory_space<vmem>>, vector<48x48x64xf32>,
        %get3A_371 = arith.constant 1 : index
        %get3A_372 = arith.constant 0 : index
        %get3A_373 = arith.constant 0 : index
        %get3A_374 = vector.load %arg26[%get3A_371, %get3A_372, %get3A_373] : memref<50x50x64xf32, #tpu.memory_space<vmem>>, vector<48x48x64xf32>
        %reshape3A_375 = vector.shape_cast %get3A_374 : vector<48x48x64xf32> to vector<1x2304x64xf32>
        %swap3A_376 = arith.constant 0 : index
        %swap3A_377 = arith.constant 0 : index
        %swap3A_378 = arith.constant 0 : index
        %swap3A_379 = vector.load %arg27[%swap3A_376, %swap3A_377, %swap3A_378] : memref<3x2304x192xf32, #tpu.memory_space<vmem>>, vector<1x2304x64xf32>
        tpu.vector_store %arg27[%swap3A_376, %swap3A_377, %swap3A_378], %reshape3A_375 {strides = array<i32>} : memref<3x2304x192xf32, #tpu.memory_space<vmem>>, vector<1x2304x64xf32>,
        %get3A_380 = arith.constant 1 : index
        %get3A_381 = arith.constant 1 : index
        %get3A_382 = arith.constant 0 : index
        %get3A_383 = vector.load %arg26[%get3A_380, %get3A_381, %get3A_382] : memref<50x50x64xf32, #tpu.memory_space<vmem>>, vector<48x48x64xf32>
        %reshape3A_384 = vector.shape_cast %get3A_383 : vector<48x48x64xf32> to vector<1x2304x64xf32>
        %swap3A_385 = arith.constant 0 : index
        %swap3A_386 = arith.constant 0 : index
        %swap3A_387 = arith.constant 64 : index
        %swap3A_388 = vector.load %arg27[%swap3A_385, %swap3A_386, %swap3A_387] : memref<3x2304x192xf32, #tpu.memory_space<vmem>>, vector<1x2304x64xf32>
        tpu.vector_store %arg27[%swap3A_385, %swap3A_386, %swap3A_387], %reshape3A_384 {strides = array<i32>} : memref<3x2304x192xf32, #tpu.memory_space<vmem>>, vector<1x2304x64xf32>,
        %get3A_389 = arith.constant 1 : index
        %get3A_390 = arith.constant 2 : index
        %get3A_391 = arith.constant 0 : index
        %get3A_392 = vector.load %arg26[%get3A_389, %get3A_390, %get3A_391] : memref<50x50x64xf32, #tpu.memory_space<vmem>>, vector<48x48x64xf32>
        %reshape3A_393 = vector.shape_cast %get3A_392 : vector<48x48x64xf32> to vector<1x2304x64xf32>
        %swap3A_394 = arith.constant 0 : index
        %swap3A_395 = arith.constant 0 : index
        %swap3A_396 = arith.constant 128 : index
        %swap3A_397 = vector.load %arg27[%swap3A_394, %swap3A_395, %swap3A_396] : memref<3x2304x192xf32, #tpu.memory_space<vmem>>, vector<1x2304x64xf32>
        tpu.vector_store %arg27[%swap3A_394, %swap3A_395, %swap3A_396], %reshape3A_393 {strides = array<i32>} : memref<3x2304x192xf32, #tpu.memory_space<vmem>>, vector<1x2304x64xf32>,
      } else {
      }
      %mul3A = arith.constant 2 : i32
      %mul3A_177 = arith.muli %mul3A, %scan3A_174 : i32
      %add3A = arith.constant 1 : i32
      %add3A_178 = arith.addi %mul3A_177, %add3A : i32
      %rem3A = arith.constant 3 : i32
      %rem3A_179 = arith.remsi %add3A_178, %rem3A : i32
      %get3A_180 = arith.index_cast %add3A_178 : i32 to index
      %get3A_181 = arith.constant 0 : index
      %get3A_182 = arith.constant 0 : index
      %get3A_183 = vector.load %arg25[%get3A_180, %get3A_181, %get3A_182] : memref<18x2304x64xf32, #tpu.memory_space<vmem>>, vector<1x2304x64xf32>
      %reshape3A = vector.shape_cast %get3A_183 : vector<1x2304x64xf32> to vector<2304x64xf32>
      %reshape3A_184 = vector.shape_cast %reshape3A : vector<2304x64xf32> to vector<48x48x64xf32>
      %swap3A_185 = arith.constant 1 : index
      %swap3A_186 = arith.constant 1 : index
      %swap3A_187 = arith.constant 0 : index
      %swap3A_188 = vector.load %arg26[%swap3A_185, %swap3A_186, %swap3A_187] : memref<50x50x64xf32, #tpu.memory_space<vmem>>, vector<48x48x64xf32>
      tpu.vector_store %arg26[%swap3A_185, %swap3A_186, %swap3A_187], %reshape3A_184 {strides = array<i32>} : memref<50x50x64xf32, #tpu.memory_space<vmem>>, vector<48x48x64xf32>,
      %get3A_189 = arith.constant 1 : index
      %get3A_190 = arith.constant 0 : index
      %get3A_191 = arith.constant 0 : index
      %get3A_192 = vector.load %arg26[%get3A_189, %get3A_190, %get3A_191] : memref<50x50x64xf32, #tpu.memory_space<vmem>>, vector<48x48x64xf32>
      %reshape3A_193 = vector.shape_cast %get3A_192 : vector<48x48x64xf32> to vector<1x2304x64xf32>
      %swap3A_194 = arith.index_cast %rem3A_179 : i32 to index
      %swap3A_195 = arith.constant 0 : index
      %swap3A_196 = arith.constant 0 : index
      %swap3A_197 = vector.load %arg27[%swap3A_194, %swap3A_195, %swap3A_196] : memref<3x2304x192xf32, #tpu.memory_space<vmem>>, vector<1x2304x64xf32>
      tpu.vector_store %arg27[%swap3A_194, %swap3A_195, %swap3A_196], %reshape3A_193 {strides = array<i32>} : memref<3x2304x192xf32, #tpu.memory_space<vmem>>, vector<1x2304x64xf32>,
      %get3A_198 = arith.constant 1 : index
      %get3A_199 = arith.constant 1 : index
      %get3A_200 = arith.constant 0 : index
      %get3A_201 = vector.load %arg26[%get3A_198, %get3A_199, %get3A_200] : memref<50x50x64xf32, #tpu.memory_space<vmem>>, vector<48x48x64xf32>
      %reshape3A_202 = vector.shape_cast %get3A_201 : vector<48x48x64xf32> to vector<1x2304x64xf32>
      %swap3A_203 = arith.index_cast %rem3A_179 : i32 to index
      %swap3A_204 = arith.constant 0 : index
      %swap3A_205 = arith.constant 64 : index
      %swap3A_206 = vector.load %arg27[%swap3A_203, %swap3A_204, %swap3A_205] : memref<3x2304x192xf32, #tpu.memory_space<vmem>>, vector<1x2304x64xf32>
      tpu.vector_store %arg27[%swap3A_203, %swap3A_204, %swap3A_205], %reshape3A_202 {strides = array<i32>} : memref<3x2304x192xf32, #tpu.memory_space<vmem>>, vector<1x2304x64xf32>,
      %get3A_207 = arith.constant 1 : index
      %get3A_208 = arith.constant 2 : index
      %get3A_209 = arith.constant 0 : index
      %get3A_210 = vector.load %arg26[%get3A_207, %get3A_208, %get3A_209] : memref<50x50x64xf32, #tpu.memory_space<vmem>>, vector<48x48x64xf32>
      %reshape3A_211 = vector.shape_cast %get3A_210 : vector<48x48x64xf32> to vector<1x2304x64xf32>
      %swap3A_212 = arith.index_cast %rem3A_179 : i32 to index
      %swap3A_213 = arith.constant 0 : index
      %swap3A_214 = arith.constant 128 : index
      %swap3A_215 = vector.load %arg27[%swap3A_212, %swap3A_213, %swap3A_214] : memref<3x2304x192xf32, #tpu.memory_space<vmem>>, vector<1x2304x64xf32>
      tpu.vector_store %arg27[%swap3A_212, %swap3A_213, %swap3A_214], %reshape3A_211 {strides = array<i32>} : memref<3x2304x192xf32, #tpu.memory_space<vmem>>, vector<1x2304x64xf32>,
      %mul3A_216 = arith.constant 2 : i32
      %mul3A_217 = arith.muli %mul3A_216, %scan3A_174 : i32
      %add3A_218 = arith.constant 2 : i32
      %add3A_219 = arith.addi %mul3A_217, %add3A_218 : i32
      %rem3A_220 = arith.constant 3 : i32
      %rem3A_221 = arith.remsi %add3A_219, %rem3A_220 : i32
      %get3A_222 = arith.index_cast %add3A_219 : i32 to index
      %get3A_223 = arith.constant 0 : index
      %get3A_224 = arith.constant 0 : index
      %get3A_225 = vector.load %arg25[%get3A_222, %get3A_223, %get3A_224] : memref<18x2304x64xf32, #tpu.memory_space<vmem>>, vector<1x2304x64xf32>
      %reshape3A_226 = vector.shape_cast %get3A_225 : vector<1x2304x64xf32> to vector<2304x64xf32>
      %reshape3A_227 = vector.shape_cast %reshape3A_226 : vector<2304x64xf32> to vector<48x48x64xf32>
      %swap3A_228 = arith.constant 1 : index
      %swap3A_229 = arith.constant 1 : index
      %swap3A_230 = arith.constant 0 : index
      %swap3A_231 = vector.load %arg26[%swap3A_228, %swap3A_229, %swap3A_230] : memref<50x50x64xf32, #tpu.memory_space<vmem>>, vector<48x48x64xf32>
      tpu.vector_store %arg26[%swap3A_228, %swap3A_229, %swap3A_230], %reshape3A_227 {strides = array<i32>} : memref<50x50x64xf32, #tpu.memory_space<vmem>>, vector<48x48x64xf32>,
      %get3A_232 = arith.constant 1 : index
      %get3A_233 = arith.constant 0 : index
      %get3A_234 = arith.constant 0 : index
      %get3A_235 = vector.load %arg26[%get3A_232, %get3A_233, %get3A_234] : memref<50x50x64xf32, #tpu.memory_space<vmem>>, vector<48x48x64xf32>
      %reshape3A_236 = vector.shape_cast %get3A_235 : vector<48x48x64xf32> to vector<1x2304x64xf32>
      %swap3A_237 = arith.index_cast %rem3A_221 : i32 to index
      %swap3A_238 = arith.constant 0 : index
      %swap3A_239 = arith.constant 0 : index
      %swap3A_240 = vector.load %arg27[%swap3A_237, %swap3A_238, %swap3A_239] : memref<3x2304x192xf32, #tpu.memory_space<vmem>>, vector<1x2304x64xf32>
      tpu.vector_store %arg27[%swap3A_237, %swap3A_238, %swap3A_239], %reshape3A_236 {strides = array<i32>} : memref<3x2304x192xf32, #tpu.memory_space<vmem>>, vector<1x2304x64xf32>,
      %get3A_241 = arith.constant 1 : index
      %get3A_242 = arith.constant 1 : index
      %get3A_243 = arith.constant 0 : index
      %get3A_244 = vector.load %arg26[%get3A_241, %get3A_242, %get3A_243] : memref<50x50x64xf32, #tpu.memory_space<vmem>>, vector<48x48x64xf32>
      %reshape3A_245 = vector.shape_cast %get3A_244 : vector<48x48x64xf32> to vector<1x2304x64xf32>
      %swap3A_246 = arith.index_cast %rem3A_221 : i32 to index
      %swap3A_247 = arith.constant 0 : index
      %swap3A_248 = arith.constant 64 : index
      %swap3A_249 = vector.load %arg27[%swap3A_246, %swap3A_247, %swap3A_248] : memref<3x2304x192xf32, #tpu.memory_space<vmem>>, vector<1x2304x64xf32>
      tpu.vector_store %arg27[%swap3A_246, %swap3A_247, %swap3A_248], %reshape3A_245 {strides = array<i32>} : memref<3x2304x192xf32, #tpu.memory_space<vmem>>, vector<1x2304x64xf32>,
      %get3A_250 = arith.constant 1 : index
      %get3A_251 = arith.constant 2 : index
      %get3A_252 = arith.constant 0 : index
      %get3A_253 = vector.load %arg26[%get3A_250, %get3A_251, %get3A_252] : memref<50x50x64xf32, #tpu.memory_space<vmem>>, vector<48x48x64xf32>
      %reshape3A_254 = vector.shape_cast %get3A_253 : vector<48x48x64xf32> to vector<1x2304x64xf32>
      %swap3A_255 = arith.index_cast %rem3A_221 : i32 to index
      %swap3A_256 = arith.constant 0 : index
      %swap3A_257 = arith.constant 128 : index
      %swap3A_258 = vector.load %arg27[%swap3A_255, %swap3A_256, %swap3A_257] : memref<3x2304x192xf32, #tpu.memory_space<vmem>>, vector<1x2304x64xf32>
      tpu.vector_store %arg27[%swap3A_255, %swap3A_256, %swap3A_257], %reshape3A_254 {strides = array<i32>} : memref<3x2304x192xf32, #tpu.memory_space<vmem>>, vector<1x2304x64xf32>,
      %mul3A_259 = arith.constant 2 : i32
      %mul3A_260 = arith.muli %scan3A_174, %mul3A_259 : i32
      %add3A_261 = arith.constant 0 : i32
      %add3A_262 = arith.addi %mul3A_260, %add3A_261 : i32
      %rem3A_263 = arith.constant 3 : i32
      %rem3A_264 = arith.remsi %add3A_262, %rem3A_263 : i32
      %get3A_265 = arith.index_cast %rem3A_264 : i32 to index
      %get3A_266 = arith.constant 0 : index
      %get3A_267 = arith.constant 0 : index
      %get3A_268 = vector.load %arg27[%get3A_265, %get3A_266, %get3A_267] : memref<3x2304x192xf32, #tpu.memory_space<vmem>>, vector<1x2304x192xf32>
      %reshape3A_269 = vector.shape_cast %get3A_268 : vector<1x2304x192xf32> to vector<2304x192xf32>
      %get3A_270 = arith.constant 0 : index
      %get3A_271 = arith.constant 0 : index
      %get3A_272 = vector.load %arg31[%get3A_270, %get3A_271] : memref<192x640xf32, #tpu.memory_space<vmem>>, vector<192x192xf32>
      %dot_general3A = arith.constant dense<0.000000e+00> : vector<2304x192xf32>
      %dot_general3A_273 = tpu.matmul %reshape3A_269, %get3A_272, %dot_general3A {dimension_numbers = #tpu.dot_dimension_numbers<[1], [0], [0], [1], [0, 0, 1, 1], [], []>, transpose_lhs_hint = false} : vector<2304x192xf32>, vector<192x192xf32>, vector<2304x192xf32> -> vector<2304x192xf32>
      %swap3A_274 = arith.constant 48 : index
      %swap3A_275 = arith.constant 0 : index
      %swap3A_276 = vector.load %arg28[%swap3A_274, %swap3A_275] : memref<2400x192xf32, #tpu.memory_space<vmem>>, vector<2304x192xf32>
      tpu.vector_store %arg28[%swap3A_274, %swap3A_275], %dot_general3A_273 {strides = array<i32>} : memref<2400x192xf32, #tpu.memory_space<vmem>>, vector<2304x192xf32>,
      %mul3A_277 = arith.constant 2 : i32
      %mul3A_278 = arith.muli %scan3A_174, %mul3A_277 : i32
      %add3A_279 = arith.constant 1 : i32
      %add3A_280 = arith.addi %mul3A_278, %add3A_279 : i32
      %rem3A_281 = arith.constant 3 : i32
      %rem3A_282 = arith.remsi %add3A_280, %rem3A_281 : i32
      %get3A_283 = arith.index_cast %rem3A_282 : i32 to index
      %get3A_284 = arith.constant 0 : index
      %get3A_285 = arith.constant 0 : index
      %get3A_286 = vector.load %arg27[%get3A_283, %get3A_284, %get3A_285] : memref<3x2304x192xf32, #tpu.memory_space<vmem>>, vector<1x2304x192xf32>
      %reshape3A_287 = vector.shape_cast %get3A_286 : vector<1x2304x192xf32> to vector<2304x192xf32>
      %get3A_288 = arith.constant 0 : index
      %get3A_289 = arith.constant 192 : index
      %get3A_290 = vector.load %arg31[%get3A_288, %get3A_289] : memref<192x640xf32, #tpu.memory_space<vmem>>, vector<192x192xf32>
      %dot_general3A_291 = arith.constant dense<0.000000e+00> : vector<2304x192xf32>
      %dot_general3A_292 = tpu.matmul %reshape3A_287, %get3A_290, %dot_general3A_291 {dimension_numbers = #tpu.dot_dimension_numbers<[1], [0], [0], [1], [0, 0, 1, 1], [], []>, transpose_lhs_hint = false} : vector<2304x192xf32>, vector<192x192xf32>, vector<2304x192xf32> -> vector<2304x192xf32>
      %swap3A_293 = arith.constant 48 : index
      %swap3A_294 = arith.constant 0 : index
      %swap3A_295 = vector.load %arg29[%swap3A_293, %swap3A_294] : memref<2400x192xf32, #tpu.memory_space<vmem>>, vector<2304x192xf32>
      tpu.vector_store %arg29[%swap3A_293, %swap3A_294], %dot_general3A_292 {strides = array<i32>} : memref<2400x192xf32, #tpu.memory_space<vmem>>, vector<2304x192xf32>,
      %mul3A_296 = arith.constant 2 : i32
      %mul3A_297 = arith.muli %scan3A_174, %mul3A_296 : i32
      %add3A_298 = arith.constant 2 : i32
      %add3A_299 = arith.addi %mul3A_297, %add3A_298 : i32
      %rem3A_300 = arith.constant 3 : i32
      %rem3A_301 = arith.remsi %add3A_299, %rem3A_300 : i32
      %get3A_302 = arith.index_cast %rem3A_301 : i32 to index
      %get3A_303 = arith.constant 0 : index
      %get3A_304 = arith.constant 0 : index
      %get3A_305 = vector.load %arg27[%get3A_302, %get3A_303, %get3A_304] : memref<3x2304x192xf32, #tpu.memory_space<vmem>>, vector<1x2304x192xf32>
      %reshape3A_306 = vector.shape_cast %get3A_305 : vector<1x2304x192xf32> to vector<2304x192xf32>
      %get3A_307 = arith.constant 0 : index
      %get3A_308 = arith.constant 384 : index
      %get3A_309 = vector.load %arg31[%get3A_307, %get3A_308] : memref<192x640xf32, #tpu.memory_space<vmem>>, vector<192x192xf32>
      %dot_general3A_310 = arith.constant dense<0.000000e+00> : vector<2304x192xf32>
      %dot_general3A_311 = tpu.matmul %reshape3A_306, %get3A_309, %dot_general3A_310 {dimension_numbers = #tpu.dot_dimension_numbers<[1], [0], [0], [1], [0, 0, 1, 1], [], []>, transpose_lhs_hint = false} : vector<2304x192xf32>, vector<192x192xf32>, vector<2304x192xf32> -> vector<2304x192xf32>
      %swap3A_312 = arith.constant 48 : index
      %swap3A_313 = arith.constant 0 : index
      %swap3A_314 = vector.load %arg30[%swap3A_312, %swap3A_313] : memref<2400x192xf32, #tpu.memory_space<vmem>>, vector<2304x192xf32>
      tpu.vector_store %arg30[%swap3A_312, %swap3A_313], %dot_general3A_311 {strides = array<i32>} : memref<2400x192xf32, #tpu.memory_space<vmem>>, vector<2304x192xf32>,
      %get3A_315 = arith.constant 0 : index
      %get3A_316 = arith.constant 0 : index
      %get3A_317 = vector.load %arg28[%get3A_315, %get3A_316] : memref<2400x192xf32, #tpu.memory_space<vmem>>, vector<2304x64xf32>
      %get3A_318 = arith.constant 48 : index
      %get3A_319 = arith.constant 64 : index
      %get3A_320 = vector.load %arg28[%get3A_318, %get3A_319] : memref<2400x192xf32, #tpu.memory_space<vmem>>, vector<2304x64xf32>
      %add3A_321 = arith.addf %get3A_317, %get3A_320 : vector<2304x64xf32>
      %get3A_322 = arith.constant 96 : index
      %get3A_323 = arith.constant 128 : index
      %get3A_324 = vector.load %arg28[%get3A_322, %get3A_323] : memref<2400x192xf32, #tpu.memory_space<vmem>>, vector<2304x64xf32>
      %add3A_325 = arith.addf %add3A_321, %get3A_324 : vector<2304x64xf32>
      %get3A_326 = arith.constant 0 : index
      %get3A_327 = arith.constant 0 : index
      %get3A_328 = vector.load %arg29[%get3A_326, %get3A_327] : memref<2400x192xf32, #tpu.memory_space<vmem>>, vector<2304x64xf32>
      %add3A_329 = arith.addf %add3A_325, %get3A_328 : vector<2304x64xf32>
      %get3A_330 = arith.constant 48 : index
      %get3A_331 = arith.constant 64 : index
      %get3A_332 = vector.load %arg29[%get3A_330, %get3A_331] : memref<2400x192xf32, #tpu.memory_space<vmem>>, vector<2304x64xf32>
      %add3A_333 = arith.addf %add3A_329, %get3A_332 : vector<2304x64xf32>
      %get3A_334 = arith.constant 96 : index
      %get3A_335 = arith.constant 128 : index
      %get3A_336 = vector.load %arg29[%get3A_334, %get3A_335] : memref<2400x192xf32, #tpu.memory_space<vmem>>, vector<2304x64xf32>
      %add3A_337 = arith.addf %add3A_333, %get3A_336 : vector<2304x64xf32>
      %get3A_338 = arith.constant 0 : index
      %get3A_339 = arith.constant 0 : index
      %get3A_340 = vector.load %arg30[%get3A_338, %get3A_339] : memref<2400x192xf32, #tpu.memory_space<vmem>>, vector<2304x64xf32>
      %add3A_341 = arith.addf %add3A_337, %get3A_340 : vector<2304x64xf32>
      %get3A_342 = arith.constant 48 : index
      %get3A_343 = arith.constant 64 : index
      %get3A_344 = vector.load %arg30[%get3A_342, %get3A_343] : memref<2400x192xf32, #tpu.memory_space<vmem>>, vector<2304x64xf32>
      %add3A_345 = arith.addf %add3A_341, %get3A_344 : vector<2304x64xf32>
      %get3A_346 = arith.constant 96 : index
      %get3A_347 = arith.constant 128 : index
      %get3A_348 = vector.load %arg30[%get3A_346, %get3A_347] : memref<2400x192xf32, #tpu.memory_space<vmem>>, vector<2304x64xf32>
      %add3A_349 = arith.addf %add3A_345, %get3A_348 : vector<2304x64xf32>
      %add3A_350 = vector.broadcast %get3A_120 : vector<1x64xf32> to vector<2304x64xf32>
      %add3A_351 = arith.addf %add3A_349, %add3A_350 : vector<2304x64xf32>
      %max3A = arith.constant 0.000000e+00 : f32
      %max3A_352 = vector.broadcast %max3A : f32 to vector<2304x64xf32>
      %max3A_353 = arith.maximumf %add3A_351, %max3A_352 : vector<2304x64xf32>
      %reshape3A_354 = vector.shape_cast %max3A_353 : vector<2304x64xf32> to vector<1x2304x64xf32>
      %add3A_355 = arith.constant 1 : i32
      %add3A_356 = arith.addi %scan3A_174, %add3A_355 : i32
      %swap3A_357 = arith.index_cast %add3A_356 : i32 to index
      %swap3A_358 = arith.constant 0 : index
      %swap3A_359 = arith.constant 0 : index
      %swap3A_360 = vector.load %arg24[%swap3A_357, %swap3A_358, %swap3A_359] : memref<18x2304x64xf32, #tpu.memory_space<vmem>>, vector<1x2304x64xf32>
      tpu.vector_store %arg24[%swap3A_357, %swap3A_358, %swap3A_359], %reshape3A_354 {strides = array<i32>} : memref<18x2304x64xf32, #tpu.memory_space<vmem>>, vector<1x2304x64xf32>,
    }
    %scan3A_125 = arith.constant 4 : i32
    %swap3A_126 = arith.constant 5 : index
    %swap3A_127 = arith.constant 0 : index
    %swap3A_128 = arith.constant 0 : index
    %swap3A_129 = vector.load %arg24[%swap3A_126, %swap3A_127, %swap3A_128] : memref<18x2304x64xf32, #tpu.memory_space<vmem>>, vector<1x2304x64xf32>
    tpu.vector_store %arg24[%swap3A_126, %swap3A_127, %swap3A_128], %broadcast_in_dim3A_11 {strides = array<i32>} : memref<18x2304x64xf32, #tpu.memory_space<vmem>>, vector<1x2304x64xf32>,
    tpu.enqueue_dma source(%arg8 : memref<192x640xf32, #tpu.memory_space<any>>) target(%arg31 : memref<192x640xf32, #tpu.memory_space<vmem>>) target_semaphore(%arg33 : memref<!tpu.dma_semaphore, #tpu.memory_space<semaphore_mem>>)
    tpu.wait_dma2 semaphore(%arg33 : memref<!tpu.dma_semaphore, #tpu.memory_space<semaphore_mem>>) src(%arg8 : memref<192x640xf32, #tpu.memory_space<any>>) dst(%arg31 : memref<192x640xf32, #tpu.memory_space<vmem>>)
    %get3A_130 = arith.constant 0 : index
    %get3A_131 = arith.constant 0 : index
    %get3A_132 = vector.load %arg19[%get3A_130, %get3A_131] : memref<1x64xf32, #tpu.memory_space<vmem>>, vector<1x64xf32>
    %scan3A_133 = arith.constant 0 : i32
    %scan3A_134 = arith.constant 4 : i32
    %scan3A_135 = arith.addi %scan3A_133, %scan3A_134 : i32
    %scan3A_136 = arith.constant 1 : i32
    scf.for %scan3A_174 = %scan3A_133 to %scan3A_135 step %scan3A_136  : i32 {
      %eq3A = arith.constant 0 : i32
      %eq3A_175 = arith.cmpi eq, %scan3A_174, %eq3A : i32
      %convert_element_type3A = arith.extui %eq3A_175 : i1 to i32
      %cond3A = arith.constant 0 : i32
      %cond3A_176 = arith.cmpi ne, %convert_element_type3A, %cond3A : i32
      scf.if %cond3A_176 {
        %get3A_316 = arith.constant 0 : index
        %get3A_317 = arith.constant 0 : index
        %get3A_318 = arith.constant 0 : index
        %get3A_319 = vector.load %arg24[%get3A_316, %get3A_317, %get3A_318] : memref<18x2304x64xf32, #tpu.memory_space<vmem>>, vector<1x2304x64xf32>
        %reshape3A_320 = vector.shape_cast %get3A_319 : vector<1x2304x64xf32> to vector<2304x64xf32>
        %reshape3A_321 = vector.shape_cast %reshape3A_320 : vector<2304x64xf32> to vector<48x48x64xf32>
        %swap3A_322 = arith.constant 1 : index
        %swap3A_323 = arith.constant 1 : index
        %swap3A_324 = arith.constant 0 : index
        %swap3A_325 = vector.load %arg26[%swap3A_322, %swap3A_323, %swap3A_324] : memref<50x50x64xf32, #tpu.memory_space<vmem>>, vector<48x48x64xf32>
        tpu.vector_store %arg26[%swap3A_322, %swap3A_323, %swap3A_324], %reshape3A_321 {strides = array<i32>} : memref<50x50x64xf32, #tpu.memory_space<vmem>>, vector<48x48x64xf32>,
        %get3A_326 = arith.constant 1 : index
        %get3A_327 = arith.constant 0 : index
        %get3A_328 = arith.constant 0 : index
        %get3A_329 = vector.load %arg26[%get3A_326, %get3A_327, %get3A_328] : memref<50x50x64xf32, #tpu.memory_space<vmem>>, vector<48x48x64xf32>
        %reshape3A_330 = vector.shape_cast %get3A_329 : vector<48x48x64xf32> to vector<1x2304x64xf32>
        %swap3A_331 = arith.constant 0 : index
        %swap3A_332 = arith.constant 0 : index
        %swap3A_333 = arith.constant 0 : index
        %swap3A_334 = vector.load %arg27[%swap3A_331, %swap3A_332, %swap3A_333] : memref<3x2304x192xf32, #tpu.memory_space<vmem>>, vector<1x2304x64xf32>
        tpu.vector_store %arg27[%swap3A_331, %swap3A_332, %swap3A_333], %reshape3A_330 {strides = array<i32>} : memref<3x2304x192xf32, #tpu.memory_space<vmem>>, vector<1x2304x64xf32>,
        %get3A_335 = arith.constant 1 : index
        %get3A_336 = arith.constant 1 : index
        %get3A_337 = arith.constant 0 : index
        %get3A_338 = vector.load %arg26[%get3A_335, %get3A_336, %get3A_337] : memref<50x50x64xf32, #tpu.memory_space<vmem>>, vector<48x48x64xf32>
        %reshape3A_339 = vector.shape_cast %get3A_338 : vector<48x48x64xf32> to vector<1x2304x64xf32>
        %swap3A_340 = arith.constant 0 : index
        %swap3A_341 = arith.constant 0 : index
        %swap3A_342 = arith.constant 64 : index
        %swap3A_343 = vector.load %arg27[%swap3A_340, %swap3A_341, %swap3A_342] : memref<3x2304x192xf32, #tpu.memory_space<vmem>>, vector<1x2304x64xf32>
        tpu.vector_store %arg27[%swap3A_340, %swap3A_341, %swap3A_342], %reshape3A_339 {strides = array<i32>} : memref<3x2304x192xf32, #tpu.memory_space<vmem>>, vector<1x2304x64xf32>,
        %get3A_344 = arith.constant 1 : index
        %get3A_345 = arith.constant 2 : index
        %get3A_346 = arith.constant 0 : index
        %get3A_347 = vector.load %arg26[%get3A_344, %get3A_345, %get3A_346] : memref<50x50x64xf32, #tpu.memory_space<vmem>>, vector<48x48x64xf32>
        %reshape3A_348 = vector.shape_cast %get3A_347 : vector<48x48x64xf32> to vector<1x2304x64xf32>
        %swap3A_349 = arith.constant 0 : index
        %swap3A_350 = arith.constant 0 : index
        %swap3A_351 = arith.constant 128 : index
        %swap3A_352 = vector.load %arg27[%swap3A_349, %swap3A_350, %swap3A_351] : memref<3x2304x192xf32, #tpu.memory_space<vmem>>, vector<1x2304x64xf32>
        tpu.vector_store %arg27[%swap3A_349, %swap3A_350, %swap3A_351], %reshape3A_348 {strides = array<i32>} : memref<3x2304x192xf32, #tpu.memory_space<vmem>>, vector<1x2304x64xf32>,
        %get3A_353 = arith.constant 1 : index
        %get3A_354 = arith.constant 0 : index
        %get3A_355 = arith.constant 0 : index
        %get3A_356 = vector.load %arg24[%get3A_353, %get3A_354, %get3A_355] : memref<18x2304x64xf32, #tpu.memory_space<vmem>>, vector<1x2304x64xf32>
        %reshape3A_357 = vector.shape_cast %get3A_356 : vector<1x2304x64xf32> to vector<2304x64xf32>
        %reshape3A_358 = vector.shape_cast %reshape3A_357 : vector<2304x64xf32> to vector<48x48x64xf32>
        %swap3A_359 = arith.constant 1 : index
        %swap3A_360 = arith.constant 1 : index
        %swap3A_361 = arith.constant 0 : index
        %swap3A_362 = vector.load %arg26[%swap3A_359, %swap3A_360, %swap3A_361] : memref<50x50x64xf32, #tpu.memory_space<vmem>>, vector<48x48x64xf32>
        tpu.vector_store %arg26[%swap3A_359, %swap3A_360, %swap3A_361], %reshape3A_358 {strides = array<i32>} : memref<50x50x64xf32, #tpu.memory_space<vmem>>, vector<48x48x64xf32>,
        %get3A_363 = arith.constant 1 : index
        %get3A_364 = arith.constant 0 : index
        %get3A_365 = arith.constant 0 : index
        %get3A_366 = vector.load %arg26[%get3A_363, %get3A_364, %get3A_365] : memref<50x50x64xf32, #tpu.memory_space<vmem>>, vector<48x48x64xf32>
        %reshape3A_367 = vector.shape_cast %get3A_366 : vector<48x48x64xf32> to vector<1x2304x64xf32>
        %swap3A_368 = arith.constant 1 : index
        %swap3A_369 = arith.constant 0 : index
        %swap3A_370 = arith.constant 0 : index
        %swap3A_371 = vector.load %arg27[%swap3A_368, %swap3A_369, %swap3A_370] : memref<3x2304x192xf32, #tpu.memory_space<vmem>>, vector<1x2304x64xf32>
        tpu.vector_store %arg27[%swap3A_368, %swap3A_369, %swap3A_370], %reshape3A_367 {strides = array<i32>} : memref<3x2304x192xf32, #tpu.memory_space<vmem>>, vector<1x2304x64xf32>,
        %get3A_372 = arith.constant 1 : index
        %get3A_373 = arith.constant 1 : index
        %get3A_374 = arith.constant 0 : index
        %get3A_375 = vector.load %arg26[%get3A_372, %get3A_373, %get3A_374] : memref<50x50x64xf32, #tpu.memory_space<vmem>>, vector<48x48x64xf32>
        %reshape3A_376 = vector.shape_cast %get3A_375 : vector<48x48x64xf32> to vector<1x2304x64xf32>
        %swap3A_377 = arith.constant 1 : index
        %swap3A_378 = arith.constant 0 : index
        %swap3A_379 = arith.constant 64 : index
        %swap3A_380 = vector.load %arg27[%swap3A_377, %swap3A_378, %swap3A_379] : memref<3x2304x192xf32, #tpu.memory_space<vmem>>, vector<1x2304x64xf32>
        tpu.vector_store %arg27[%swap3A_377, %swap3A_378, %swap3A_379], %reshape3A_376 {strides = array<i32>} : memref<3x2304x192xf32, #tpu.memory_space<vmem>>, vector<1x2304x64xf32>,
        %get3A_381 = arith.constant 1 : index
        %get3A_382 = arith.constant 2 : index
        %get3A_383 = arith.constant 0 : index
        %get3A_384 = vector.load %arg26[%get3A_381, %get3A_382, %get3A_383] : memref<50x50x64xf32, #tpu.memory_space<vmem>>, vector<48x48x64xf32>
        %reshape3A_385 = vector.shape_cast %get3A_384 : vector<48x48x64xf32> to vector<1x2304x64xf32>
        %swap3A_386 = arith.constant 1 : index
        %swap3A_387 = arith.constant 0 : index
        %swap3A_388 = arith.constant 128 : index
        %swap3A_389 = vector.load %arg27[%swap3A_386, %swap3A_387, %swap3A_388] : memref<3x2304x192xf32, #tpu.memory_space<vmem>>, vector<1x2304x64xf32>
        tpu.vector_store %arg27[%swap3A_386, %swap3A_387, %swap3A_388], %reshape3A_385 {strides = array<i32>} : memref<3x2304x192xf32, #tpu.memory_space<vmem>>, vector<1x2304x64xf32>,
      } else {
      }
      %add3A = arith.constant 2 : i32
      %add3A_177 = arith.addi %scan3A_174, %add3A : i32
      %rem3A = arith.constant 3 : i32
      %rem3A_178 = arith.remsi %add3A_177, %rem3A : i32
      %get3A_179 = arith.index_cast %add3A_177 : i32 to index
      %get3A_180 = arith.constant 0 : index
      %get3A_181 = arith.constant 0 : index
      %get3A_182 = vector.load %arg24[%get3A_179, %get3A_180, %get3A_181] : memref<18x2304x64xf32, #tpu.memory_space<vmem>>, vector<1x2304x64xf32>
      %reshape3A = vector.shape_cast %get3A_182 : vector<1x2304x64xf32> to vector<2304x64xf32>
      %reshape3A_183 = vector.shape_cast %reshape3A : vector<2304x64xf32> to vector<48x48x64xf32>
      %swap3A_184 = arith.constant 1 : index
      %swap3A_185 = arith.constant 1 : index
      %swap3A_186 = arith.constant 0 : index
      %swap3A_187 = vector.load %arg26[%swap3A_184, %swap3A_185, %swap3A_186] : memref<50x50x64xf32, #tpu.memory_space<vmem>>, vector<48x48x64xf32>
      tpu.vector_store %arg26[%swap3A_184, %swap3A_185, %swap3A_186], %reshape3A_183 {strides = array<i32>} : memref<50x50x64xf32, #tpu.memory_space<vmem>>, vector<48x48x64xf32>,
      %get3A_188 = arith.constant 1 : index
      %get3A_189 = arith.constant 0 : index
      %get3A_190 = arith.constant 0 : index
      %get3A_191 = vector.load %arg26[%get3A_188, %get3A_189, %get3A_190] : memref<50x50x64xf32, #tpu.memory_space<vmem>>, vector<48x48x64xf32>
      %reshape3A_192 = vector.shape_cast %get3A_191 : vector<48x48x64xf32> to vector<1x2304x64xf32>
      %swap3A_193 = arith.index_cast %rem3A_178 : i32 to index
      %swap3A_194 = arith.constant 0 : index
      %swap3A_195 = arith.constant 0 : index
      %swap3A_196 = vector.load %arg27[%swap3A_193, %swap3A_194, %swap3A_195] : memref<3x2304x192xf32, #tpu.memory_space<vmem>>, vector<1x2304x64xf32>
      tpu.vector_store %arg27[%swap3A_193, %swap3A_194, %swap3A_195], %reshape3A_192 {strides = array<i32>} : memref<3x2304x192xf32, #tpu.memory_space<vmem>>, vector<1x2304x64xf32>,
      %get3A_197 = arith.constant 1 : index
      %get3A_198 = arith.constant 1 : index
      %get3A_199 = arith.constant 0 : index
      %get3A_200 = vector.load %arg26[%get3A_197, %get3A_198, %get3A_199] : memref<50x50x64xf32, #tpu.memory_space<vmem>>, vector<48x48x64xf32>
      %reshape3A_201 = vector.shape_cast %get3A_200 : vector<48x48x64xf32> to vector<1x2304x64xf32>
      %swap3A_202 = arith.index_cast %rem3A_178 : i32 to index
      %swap3A_203 = arith.constant 0 : index
      %swap3A_204 = arith.constant 64 : index
      %swap3A_205 = vector.load %arg27[%swap3A_202, %swap3A_203, %swap3A_204] : memref<3x2304x192xf32, #tpu.memory_space<vmem>>, vector<1x2304x64xf32>
      tpu.vector_store %arg27[%swap3A_202, %swap3A_203, %swap3A_204], %reshape3A_201 {strides = array<i32>} : memref<3x2304x192xf32, #tpu.memory_space<vmem>>, vector<1x2304x64xf32>,
      %get3A_206 = arith.constant 1 : index
      %get3A_207 = arith.constant 2 : index
      %get3A_208 = arith.constant 0 : index
      %get3A_209 = vector.load %arg26[%get3A_206, %get3A_207, %get3A_208] : memref<50x50x64xf32, #tpu.memory_space<vmem>>, vector<48x48x64xf32>
      %reshape3A_210 = vector.shape_cast %get3A_209 : vector<48x48x64xf32> to vector<1x2304x64xf32>
      %swap3A_211 = arith.index_cast %rem3A_178 : i32 to index
      %swap3A_212 = arith.constant 0 : index
      %swap3A_213 = arith.constant 128 : index
      %swap3A_214 = vector.load %arg27[%swap3A_211, %swap3A_212, %swap3A_213] : memref<3x2304x192xf32, #tpu.memory_space<vmem>>, vector<1x2304x64xf32>
      tpu.vector_store %arg27[%swap3A_211, %swap3A_212, %swap3A_213], %reshape3A_210 {strides = array<i32>} : memref<3x2304x192xf32, #tpu.memory_space<vmem>>, vector<1x2304x64xf32>,
      %mul3A = arith.constant 1 : i32
      %mul3A_215 = arith.muli %scan3A_174, %mul3A : i32
      %add3A_216 = arith.constant 0 : i32
      %add3A_217 = arith.addi %mul3A_215, %add3A_216 : i32
      %rem3A_218 = arith.constant 3 : i32
      %rem3A_219 = arith.remsi %add3A_217, %rem3A_218 : i32
      %get3A_220 = arith.index_cast %rem3A_219 : i32 to index
      %get3A_221 = arith.constant 0 : index
      %get3A_222 = arith.constant 0 : index
      %get3A_223 = vector.load %arg27[%get3A_220, %get3A_221, %get3A_222] : memref<3x2304x192xf32, #tpu.memory_space<vmem>>, vector<1x2304x192xf32>
      %reshape3A_224 = vector.shape_cast %get3A_223 : vector<1x2304x192xf32> to vector<2304x192xf32>
      %get3A_225 = arith.constant 0 : index
      %get3A_226 = arith.constant 0 : index
      %get3A_227 = vector.load %arg31[%get3A_225, %get3A_226] : memref<192x640xf32, #tpu.memory_space<vmem>>, vector<192x192xf32>
      %dot_general3A = arith.constant dense<0.000000e+00> : vector<2304x192xf32>
      %dot_general3A_228 = tpu.matmul %reshape3A_224, %get3A_227, %dot_general3A {dimension_numbers = #tpu.dot_dimension_numbers<[1], [0], [0], [1], [0, 0, 1, 1], [], []>, transpose_lhs_hint = false} : vector<2304x192xf32>, vector<192x192xf32>, vector<2304x192xf32> -> vector<2304x192xf32>
      %swap3A_229 = arith.constant 48 : index
      %swap3A_230 = arith.constant 0 : index
      %swap3A_231 = vector.load %arg28[%swap3A_229, %swap3A_230] : memref<2400x192xf32, #tpu.memory_space<vmem>>, vector<2304x192xf32>
      tpu.vector_store %arg28[%swap3A_229, %swap3A_230], %dot_general3A_228 {strides = array<i32>} : memref<2400x192xf32, #tpu.memory_space<vmem>>, vector<2304x192xf32>,
      %mul3A_232 = arith.constant 1 : i32
      %mul3A_233 = arith.muli %scan3A_174, %mul3A_232 : i32
      %add3A_234 = arith.constant 1 : i32
      %add3A_235 = arith.addi %mul3A_233, %add3A_234 : i32
      %rem3A_236 = arith.constant 3 : i32
      %rem3A_237 = arith.remsi %add3A_235, %rem3A_236 : i32
      %get3A_238 = arith.index_cast %rem3A_237 : i32 to index
      %get3A_239 = arith.constant 0 : index
      %get3A_240 = arith.constant 0 : index
      %get3A_241 = vector.load %arg27[%get3A_238, %get3A_239, %get3A_240] : memref<3x2304x192xf32, #tpu.memory_space<vmem>>, vector<1x2304x192xf32>
      %reshape3A_242 = vector.shape_cast %get3A_241 : vector<1x2304x192xf32> to vector<2304x192xf32>
      %get3A_243 = arith.constant 0 : index
      %get3A_244 = arith.constant 192 : index
      %get3A_245 = vector.load %arg31[%get3A_243, %get3A_244] : memref<192x640xf32, #tpu.memory_space<vmem>>, vector<192x192xf32>
      %dot_general3A_246 = arith.constant dense<0.000000e+00> : vector<2304x192xf32>
      %dot_general3A_247 = tpu.matmul %reshape3A_242, %get3A_245, %dot_general3A_246 {dimension_numbers = #tpu.dot_dimension_numbers<[1], [0], [0], [1], [0, 0, 1, 1], [], []>, transpose_lhs_hint = false} : vector<2304x192xf32>, vector<192x192xf32>, vector<2304x192xf32> -> vector<2304x192xf32>
      %swap3A_248 = arith.constant 48 : index
      %swap3A_249 = arith.constant 0 : index
      %swap3A_250 = vector.load %arg29[%swap3A_248, %swap3A_249] : memref<2400x192xf32, #tpu.memory_space<vmem>>, vector<2304x192xf32>
      tpu.vector_store %arg29[%swap3A_248, %swap3A_249], %dot_general3A_247 {strides = array<i32>} : memref<2400x192xf32, #tpu.memory_space<vmem>>, vector<2304x192xf32>,
      %mul3A_251 = arith.constant 1 : i32
      %mul3A_252 = arith.muli %scan3A_174, %mul3A_251 : i32
      %add3A_253 = arith.constant 2 : i32
      %add3A_254 = arith.addi %mul3A_252, %add3A_253 : i32
      %rem3A_255 = arith.constant 3 : i32
      %rem3A_256 = arith.remsi %add3A_254, %rem3A_255 : i32
      %get3A_257 = arith.index_cast %rem3A_256 : i32 to index
      %get3A_258 = arith.constant 0 : index
      %get3A_259 = arith.constant 0 : index
      %get3A_260 = vector.load %arg27[%get3A_257, %get3A_258, %get3A_259] : memref<3x2304x192xf32, #tpu.memory_space<vmem>>, vector<1x2304x192xf32>
      %reshape3A_261 = vector.shape_cast %get3A_260 : vector<1x2304x192xf32> to vector<2304x192xf32>
      %get3A_262 = arith.constant 0 : index
      %get3A_263 = arith.constant 384 : index
      %get3A_264 = vector.load %arg31[%get3A_262, %get3A_263] : memref<192x640xf32, #tpu.memory_space<vmem>>, vector<192x192xf32>
      %dot_general3A_265 = arith.constant dense<0.000000e+00> : vector<2304x192xf32>
      %dot_general3A_266 = tpu.matmul %reshape3A_261, %get3A_264, %dot_general3A_265 {dimension_numbers = #tpu.dot_dimension_numbers<[1], [0], [0], [1], [0, 0, 1, 1], [], []>, transpose_lhs_hint = false} : vector<2304x192xf32>, vector<192x192xf32>, vector<2304x192xf32> -> vector<2304x192xf32>
      %swap3A_267 = arith.constant 48 : index
      %swap3A_268 = arith.constant 0 : index
      %swap3A_269 = vector.load %arg30[%swap3A_267, %swap3A_268] : memref<2400x192xf32, #tpu.memory_space<vmem>>, vector<2304x192xf32>
      tpu.vector_store %arg30[%swap3A_267, %swap3A_268], %dot_general3A_266 {strides = array<i32>} : memref<2400x192xf32, #tpu.memory_space<vmem>>, vector<2304x192xf32>,
      %get3A_270 = arith.constant 0 : index
      %get3A_271 = arith.constant 0 : index
      %get3A_272 = vector.load %arg28[%get3A_270, %get3A_271] : memref<2400x192xf32, #tpu.memory_space<vmem>>, vector<2304x64xf32>
      %get3A_273 = arith.constant 48 : index
      %get3A_274 = arith.constant 64 : index
      %get3A_275 = vector.load %arg28[%get3A_273, %get3A_274] : memref<2400x192xf32, #tpu.memory_space<vmem>>, vector<2304x64xf32>
      %add3A_276 = arith.addf %get3A_272, %get3A_275 : vector<2304x64xf32>
      %get3A_277 = arith.constant 96 : index
      %get3A_278 = arith.constant 128 : index
      %get3A_279 = vector.load %arg28[%get3A_277, %get3A_278] : memref<2400x192xf32, #tpu.memory_space<vmem>>, vector<2304x64xf32>
      %add3A_280 = arith.addf %add3A_276, %get3A_279 : vector<2304x64xf32>
      %get3A_281 = arith.constant 0 : index
      %get3A_282 = arith.constant 0 : index
      %get3A_283 = vector.load %arg29[%get3A_281, %get3A_282] : memref<2400x192xf32, #tpu.memory_space<vmem>>, vector<2304x64xf32>
      %add3A_284 = arith.addf %add3A_280, %get3A_283 : vector<2304x64xf32>
      %get3A_285 = arith.constant 48 : index
      %get3A_286 = arith.constant 64 : index
      %get3A_287 = vector.load %arg29[%get3A_285, %get3A_286] : memref<2400x192xf32, #tpu.memory_space<vmem>>, vector<2304x64xf32>
      %add3A_288 = arith.addf %add3A_284, %get3A_287 : vector<2304x64xf32>
      %get3A_289 = arith.constant 96 : index
      %get3A_290 = arith.constant 128 : index
      %get3A_291 = vector.load %arg29[%get3A_289, %get3A_290] : memref<2400x192xf32, #tpu.memory_space<vmem>>, vector<2304x64xf32>
      %add3A_292 = arith.addf %add3A_288, %get3A_291 : vector<2304x64xf32>
      %get3A_293 = arith.constant 0 : index
      %get3A_294 = arith.constant 0 : index
      %get3A_295 = vector.load %arg30[%get3A_293, %get3A_294] : memref<2400x192xf32, #tpu.memory_space<vmem>>, vector<2304x64xf32>
      %add3A_296 = arith.addf %add3A_292, %get3A_295 : vector<2304x64xf32>
      %get3A_297 = arith.constant 48 : index
      %get3A_298 = arith.constant 64 : index
      %get3A_299 = vector.load %arg30[%get3A_297, %get3A_298] : memref<2400x192xf32, #tpu.memory_space<vmem>>, vector<2304x64xf32>
      %add3A_300 = arith.addf %add3A_296, %get3A_299 : vector<2304x64xf32>
      %get3A_301 = arith.constant 96 : index
      %get3A_302 = arith.constant 128 : index
      %get3A_303 = vector.load %arg30[%get3A_301, %get3A_302] : memref<2400x192xf32, #tpu.memory_space<vmem>>, vector<2304x64xf32>
      %add3A_304 = arith.addf %add3A_300, %get3A_303 : vector<2304x64xf32>
      %add3A_305 = vector.broadcast %get3A_132 : vector<1x64xf32> to vector<2304x64xf32>
      %add3A_306 = arith.addf %add3A_304, %add3A_305 : vector<2304x64xf32>
      %max3A = arith.constant 0.000000e+00 : f32
      %max3A_307 = vector.broadcast %max3A : f32 to vector<2304x64xf32>
      %max3A_308 = arith.maximumf %add3A_306, %max3A_307 : vector<2304x64xf32>
      %reshape3A_309 = vector.shape_cast %max3A_308 : vector<2304x64xf32> to vector<1x2304x64xf32>
      %add3A_310 = arith.constant 1 : i32
      %add3A_311 = arith.addi %scan3A_174, %add3A_310 : i32
      %swap3A_312 = arith.index_cast %add3A_311 : i32 to index
      %swap3A_313 = arith.constant 0 : index
      %swap3A_314 = arith.constant 0 : index
      %swap3A_315 = vector.load %arg25[%swap3A_312, %swap3A_313, %swap3A_314] : memref<18x2304x64xf32, #tpu.memory_space<vmem>>, vector<1x2304x64xf32>
      tpu.vector_store %arg25[%swap3A_312, %swap3A_313, %swap3A_314], %reshape3A_309 {strides = array<i32>} : memref<18x2304x64xf32, #tpu.memory_space<vmem>>, vector<1x2304x64xf32>,
    }
    %scan3A_137 = arith.constant 4 : i32
    %swap3A_138 = arith.constant 5 : index
    %swap3A_139 = arith.constant 0 : index
    %swap3A_140 = arith.constant 0 : index
    %swap3A_141 = vector.load %arg25[%swap3A_138, %swap3A_139, %swap3A_140] : memref<18x2304x64xf32, #tpu.memory_space<vmem>>, vector<1x2304x64xf32>
    tpu.vector_store %arg25[%swap3A_138, %swap3A_139, %swap3A_140], %broadcast_in_dim3A_11 {strides = array<i32>} : memref<18x2304x64xf32, #tpu.memory_space<vmem>>, vector<1x2304x64xf32>,
    tpu.enqueue_dma source(%arg9 : memref<192x640xf32, #tpu.memory_space<any>>) target(%arg31 : memref<192x640xf32, #tpu.memory_space<vmem>>) target_semaphore(%arg33 : memref<!tpu.dma_semaphore, #tpu.memory_space<semaphore_mem>>)
    tpu.wait_dma2 semaphore(%arg33 : memref<!tpu.dma_semaphore, #tpu.memory_space<semaphore_mem>>) src(%arg9 : memref<192x640xf32, #tpu.memory_space<any>>) dst(%arg31 : memref<192x640xf32, #tpu.memory_space<vmem>>)
    %get3A_142 = arith.constant 0 : index
    %get3A_143 = arith.constant 0 : index
    %get3A_144 = vector.load %arg20[%get3A_142, %get3A_143] : memref<1x64xf32, #tpu.memory_space<vmem>>, vector<1x64xf32>
    %scan3A_145 = arith.constant 0 : i32
    %scan3A_146 = arith.constant 4 : i32
    %scan3A_147 = arith.addi %scan3A_145, %scan3A_146 : i32
    %scan3A_148 = arith.constant 1 : i32
    scf.for %scan3A_174 = %scan3A_145 to %scan3A_147 step %scan3A_148  : i32 {
      %eq3A = arith.constant 0 : i32
      %eq3A_175 = arith.cmpi eq, %scan3A_174, %eq3A : i32
      %convert_element_type3A = arith.extui %eq3A_175 : i1 to i32
      %cond3A = arith.constant 0 : i32
      %cond3A_176 = arith.cmpi ne, %convert_element_type3A, %cond3A : i32
      scf.if %cond3A_176 {
        %get3A_316 = arith.constant 0 : index
        %get3A_317 = arith.constant 0 : index
        %get3A_318 = arith.constant 0 : index
        %get3A_319 = vector.load %arg25[%get3A_316, %get3A_317, %get3A_318] : memref<18x2304x64xf32, #tpu.memory_space<vmem>>, vector<1x2304x64xf32>
        %reshape3A_320 = vector.shape_cast %get3A_319 : vector<1x2304x64xf32> to vector<2304x64xf32>
        %reshape3A_321 = vector.shape_cast %reshape3A_320 : vector<2304x64xf32> to vector<48x48x64xf32>
        %swap3A_322 = arith.constant 1 : index
        %swap3A_323 = arith.constant 1 : index
        %swap3A_324 = arith.constant 0 : index
        %swap3A_325 = vector.load %arg26[%swap3A_322, %swap3A_323, %swap3A_324] : memref<50x50x64xf32, #tpu.memory_space<vmem>>, vector<48x48x64xf32>
        tpu.vector_store %arg26[%swap3A_322, %swap3A_323, %swap3A_324], %reshape3A_321 {strides = array<i32>} : memref<50x50x64xf32, #tpu.memory_space<vmem>>, vector<48x48x64xf32>,
        %get3A_326 = arith.constant 1 : index
        %get3A_327 = arith.constant 0 : index
        %get3A_328 = arith.constant 0 : index
        %get3A_329 = vector.load %arg26[%get3A_326, %get3A_327, %get3A_328] : memref<50x50x64xf32, #tpu.memory_space<vmem>>, vector<48x48x64xf32>
        %reshape3A_330 = vector.shape_cast %get3A_329 : vector<48x48x64xf32> to vector<1x2304x64xf32>
        %swap3A_331 = arith.constant 0 : index
        %swap3A_332 = arith.constant 0 : index
        %swap3A_333 = arith.constant 0 : index
        %swap3A_334 = vector.load %arg27[%swap3A_331, %swap3A_332, %swap3A_333] : memref<3x2304x192xf32, #tpu.memory_space<vmem>>, vector<1x2304x64xf32>
        tpu.vector_store %arg27[%swap3A_331, %swap3A_332, %swap3A_333], %reshape3A_330 {strides = array<i32>} : memref<3x2304x192xf32, #tpu.memory_space<vmem>>, vector<1x2304x64xf32>,
        %get3A_335 = arith.constant 1 : index
        %get3A_336 = arith.constant 1 : index
        %get3A_337 = arith.constant 0 : index
        %get3A_338 = vector.load %arg26[%get3A_335, %get3A_336, %get3A_337] : memref<50x50x64xf32, #tpu.memory_space<vmem>>, vector<48x48x64xf32>
        %reshape3A_339 = vector.shape_cast %get3A_338 : vector<48x48x64xf32> to vector<1x2304x64xf32>
        %swap3A_340 = arith.constant 0 : index
        %swap3A_341 = arith.constant 0 : index
        %swap3A_342 = arith.constant 64 : index
        %swap3A_343 = vector.load %arg27[%swap3A_340, %swap3A_341, %swap3A_342] : memref<3x2304x192xf32, #tpu.memory_space<vmem>>, vector<1x2304x64xf32>
        tpu.vector_store %arg27[%swap3A_340, %swap3A_341, %swap3A_342], %reshape3A_339 {strides = array<i32>} : memref<3x2304x192xf32, #tpu.memory_space<vmem>>, vector<1x2304x64xf32>,
        %get3A_344 = arith.constant 1 : index
        %get3A_345 = arith.constant 2 : index
        %get3A_346 = arith.constant 0 : index
        %get3A_347 = vector.load %arg26[%get3A_344, %get3A_345, %get3A_346] : memref<50x50x64xf32, #tpu.memory_space<vmem>>, vector<48x48x64xf32>
        %reshape3A_348 = vector.shape_cast %get3A_347 : vector<48x48x64xf32> to vector<1x2304x64xf32>
        %swap3A_349 = arith.constant 0 : index
        %swap3A_350 = arith.constant 0 : index
        %swap3A_351 = arith.constant 128 : index
        %swap3A_352 = vector.load %arg27[%swap3A_349, %swap3A_350, %swap3A_351] : memref<3x2304x192xf32, #tpu.memory_space<vmem>>, vector<1x2304x64xf32>
        tpu.vector_store %arg27[%swap3A_349, %swap3A_350, %swap3A_351], %reshape3A_348 {strides = array<i32>} : memref<3x2304x192xf32, #tpu.memory_space<vmem>>, vector<1x2304x64xf32>,
        %get3A_353 = arith.constant 1 : index
        %get3A_354 = arith.constant 0 : index
        %get3A_355 = arith.constant 0 : index
        %get3A_356 = vector.load %arg25[%get3A_353, %get3A_354, %get3A_355] : memref<18x2304x64xf32, #tpu.memory_space<vmem>>, vector<1x2304x64xf32>
        %reshape3A_357 = vector.shape_cast %get3A_356 : vector<1x2304x64xf32> to vector<2304x64xf32>
        %reshape3A_358 = vector.shape_cast %reshape3A_357 : vector<2304x64xf32> to vector<48x48x64xf32>
        %swap3A_359 = arith.constant 1 : index
        %swap3A_360 = arith.constant 1 : index
        %swap3A_361 = arith.constant 0 : index
        %swap3A_362 = vector.load %arg26[%swap3A_359, %swap3A_360, %swap3A_361] : memref<50x50x64xf32, #tpu.memory_space<vmem>>, vector<48x48x64xf32>
        tpu.vector_store %arg26[%swap3A_359, %swap3A_360, %swap3A_361], %reshape3A_358 {strides = array<i32>} : memref<50x50x64xf32, #tpu.memory_space<vmem>>, vector<48x48x64xf32>,
        %get3A_363 = arith.constant 1 : index
        %get3A_364 = arith.constant 0 : index
        %get3A_365 = arith.constant 0 : index
        %get3A_366 = vector.load %arg26[%get3A_363, %get3A_364, %get3A_365] : memref<50x50x64xf32, #tpu.memory_space<vmem>>, vector<48x48x64xf32>
        %reshape3A_367 = vector.shape_cast %get3A_366 : vector<48x48x64xf32> to vector<1x2304x64xf32>
        %swap3A_368 = arith.constant 1 : index
        %swap3A_369 = arith.constant 0 : index
        %swap3A_370 = arith.constant 0 : index
        %swap3A_371 = vector.load %arg27[%swap3A_368, %swap3A_369, %swap3A_370] : memref<3x2304x192xf32, #tpu.memory_space<vmem>>, vector<1x2304x64xf32>
        tpu.vector_store %arg27[%swap3A_368, %swap3A_369, %swap3A_370], %reshape3A_367 {strides = array<i32>} : memref<3x2304x192xf32, #tpu.memory_space<vmem>>, vector<1x2304x64xf32>,
        %get3A_372 = arith.constant 1 : index
        %get3A_373 = arith.constant 1 : index
        %get3A_374 = arith.constant 0 : index
        %get3A_375 = vector.load %arg26[%get3A_372, %get3A_373, %get3A_374] : memref<50x50x64xf32, #tpu.memory_space<vmem>>, vector<48x48x64xf32>
        %reshape3A_376 = vector.shape_cast %get3A_375 : vector<48x48x64xf32> to vector<1x2304x64xf32>
        %swap3A_377 = arith.constant 1 : index
        %swap3A_378 = arith.constant 0 : index
        %swap3A_379 = arith.constant 64 : index
        %swap3A_380 = vector.load %arg27[%swap3A_377, %swap3A_378, %swap3A_379] : memref<3x2304x192xf32, #tpu.memory_space<vmem>>, vector<1x2304x64xf32>
        tpu.vector_store %arg27[%swap3A_377, %swap3A_378, %swap3A_379], %reshape3A_376 {strides = array<i32>} : memref<3x2304x192xf32, #tpu.memory_space<vmem>>, vector<1x2304x64xf32>,
        %get3A_381 = arith.constant 1 : index
        %get3A_382 = arith.constant 2 : index
        %get3A_383 = arith.constant 0 : index
        %get3A_384 = vector.load %arg26[%get3A_381, %get3A_382, %get3A_383] : memref<50x50x64xf32, #tpu.memory_space<vmem>>, vector<48x48x64xf32>
        %reshape3A_385 = vector.shape_cast %get3A_384 : vector<48x48x64xf32> to vector<1x2304x64xf32>
        %swap3A_386 = arith.constant 1 : index
        %swap3A_387 = arith.constant 0 : index
        %swap3A_388 = arith.constant 128 : index
        %swap3A_389 = vector.load %arg27[%swap3A_386, %swap3A_387, %swap3A_388] : memref<3x2304x192xf32, #tpu.memory_space<vmem>>, vector<1x2304x64xf32>
        tpu.vector_store %arg27[%swap3A_386, %swap3A_387, %swap3A_388], %reshape3A_385 {strides = array<i32>} : memref<3x2304x192xf32, #tpu.memory_space<vmem>>, vector<1x2304x64xf32>,
      } else {
      }
      %add3A = arith.constant 2 : i32
      %add3A_177 = arith.addi %scan3A_174, %add3A : i32
      %rem3A = arith.constant 3 : i32
      %rem3A_178 = arith.remsi %add3A_177, %rem3A : i32
      %get3A_179 = arith.index_cast %add3A_177 : i32 to index
      %get3A_180 = arith.constant 0 : index
      %get3A_181 = arith.constant 0 : index
      %get3A_182 = vector.load %arg25[%get3A_179, %get3A_180, %get3A_181] : memref<18x2304x64xf32, #tpu.memory_space<vmem>>, vector<1x2304x64xf32>
      %reshape3A = vector.shape_cast %get3A_182 : vector<1x2304x64xf32> to vector<2304x64xf32>
      %reshape3A_183 = vector.shape_cast %reshape3A : vector<2304x64xf32> to vector<48x48x64xf32>
      %swap3A_184 = arith.constant 1 : index
      %swap3A_185 = arith.constant 1 : index
      %swap3A_186 = arith.constant 0 : index
      %swap3A_187 = vector.load %arg26[%swap3A_184, %swap3A_185, %swap3A_186] : memref<50x50x64xf32, #tpu.memory_space<vmem>>, vector<48x48x64xf32>
      tpu.vector_store %arg26[%swap3A_184, %swap3A_185, %swap3A_186], %reshape3A_183 {strides = array<i32>} : memref<50x50x64xf32, #tpu.memory_space<vmem>>, vector<48x48x64xf32>,
      %get3A_188 = arith.constant 1 : index
      %get3A_189 = arith.constant 0 : index
      %get3A_190 = arith.constant 0 : index
      %get3A_191 = vector.load %arg26[%get3A_188, %get3A_189, %get3A_190] : memref<50x50x64xf32, #tpu.memory_space<vmem>>, vector<48x48x64xf32>
      %reshape3A_192 = vector.shape_cast %get3A_191 : vector<48x48x64xf32> to vector<1x2304x64xf32>
      %swap3A_193 = arith.index_cast %rem3A_178 : i32 to index
      %swap3A_194 = arith.constant 0 : index
      %swap3A_195 = arith.constant 0 : index
      %swap3A_196 = vector.load %arg27[%swap3A_193, %swap3A_194, %swap3A_195] : memref<3x2304x192xf32, #tpu.memory_space<vmem>>, vector<1x2304x64xf32>
      tpu.vector_store %arg27[%swap3A_193, %swap3A_194, %swap3A_195], %reshape3A_192 {strides = array<i32>} : memref<3x2304x192xf32, #tpu.memory_space<vmem>>, vector<1x2304x64xf32>,
      %get3A_197 = arith.constant 1 : index
      %get3A_198 = arith.constant 1 : index
      %get3A_199 = arith.constant 0 : index
      %get3A_200 = vector.load %arg26[%get3A_197, %get3A_198, %get3A_199] : memref<50x50x64xf32, #tpu.memory_space<vmem>>, vector<48x48x64xf32>
      %reshape3A_201 = vector.shape_cast %get3A_200 : vector<48x48x64xf32> to vector<1x2304x64xf32>
      %swap3A_202 = arith.index_cast %rem3A_178 : i32 to index
      %swap3A_203 = arith.constant 0 : index
      %swap3A_204 = arith.constant 64 : index
      %swap3A_205 = vector.load %arg27[%swap3A_202, %swap3A_203, %swap3A_204] : memref<3x2304x192xf32, #tpu.memory_space<vmem>>, vector<1x2304x64xf32>
      tpu.vector_store %arg27[%swap3A_202, %swap3A_203, %swap3A_204], %reshape3A_201 {strides = array<i32>} : memref<3x2304x192xf32, #tpu.memory_space<vmem>>, vector<1x2304x64xf32>,
      %get3A_206 = arith.constant 1 : index
      %get3A_207 = arith.constant 2 : index
      %get3A_208 = arith.constant 0 : index
      %get3A_209 = vector.load %arg26[%get3A_206, %get3A_207, %get3A_208] : memref<50x50x64xf32, #tpu.memory_space<vmem>>, vector<48x48x64xf32>
      %reshape3A_210 = vector.shape_cast %get3A_209 : vector<48x48x64xf32> to vector<1x2304x64xf32>
      %swap3A_211 = arith.index_cast %rem3A_178 : i32 to index
      %swap3A_212 = arith.constant 0 : index
      %swap3A_213 = arith.constant 128 : index
      %swap3A_214 = vector.load %arg27[%swap3A_211, %swap3A_212, %swap3A_213] : memref<3x2304x192xf32, #tpu.memory_space<vmem>>, vector<1x2304x64xf32>
      tpu.vector_store %arg27[%swap3A_211, %swap3A_212, %swap3A_213], %reshape3A_210 {strides = array<i32>} : memref<3x2304x192xf32, #tpu.memory_space<vmem>>, vector<1x2304x64xf32>,
      %mul3A = arith.constant 1 : i32
      %mul3A_215 = arith.muli %scan3A_174, %mul3A : i32
      %add3A_216 = arith.constant 0 : i32
      %add3A_217 = arith.addi %mul3A_215, %add3A_216 : i32
      %rem3A_218 = arith.constant 3 : i32
      %rem3A_219 = arith.remsi %add3A_217, %rem3A_218 : i32
      %get3A_220 = arith.index_cast %rem3A_219 : i32 to index
      %get3A_221 = arith.constant 0 : index
      %get3A_222 = arith.constant 0 : index
      %get3A_223 = vector.load %arg27[%get3A_220, %get3A_221, %get3A_222] : memref<3x2304x192xf32, #tpu.memory_space<vmem>>, vector<1x2304x192xf32>
      %reshape3A_224 = vector.shape_cast %get3A_223 : vector<1x2304x192xf32> to vector<2304x192xf32>
      %get3A_225 = arith.constant 0 : index
      %get3A_226 = arith.constant 0 : index
      %get3A_227 = vector.load %arg31[%get3A_225, %get3A_226] : memref<192x640xf32, #tpu.memory_space<vmem>>, vector<192x192xf32>
      %dot_general3A = arith.constant dense<0.000000e+00> : vector<2304x192xf32>
      %dot_general3A_228 = tpu.matmul %reshape3A_224, %get3A_227, %dot_general3A {dimension_numbers = #tpu.dot_dimension_numbers<[1], [0], [0], [1], [0, 0, 1, 1], [], []>, transpose_lhs_hint = false} : vector<2304x192xf32>, vector<192x192xf32>, vector<2304x192xf32> -> vector<2304x192xf32>
      %swap3A_229 = arith.constant 48 : index
      %swap3A_230 = arith.constant 0 : index
      %swap3A_231 = vector.load %arg28[%swap3A_229, %swap3A_230] : memref<2400x192xf32, #tpu.memory_space<vmem>>, vector<2304x192xf32>
      tpu.vector_store %arg28[%swap3A_229, %swap3A_230], %dot_general3A_228 {strides = array<i32>} : memref<2400x192xf32, #tpu.memory_space<vmem>>, vector<2304x192xf32>,
      %mul3A_232 = arith.constant 1 : i32
      %mul3A_233 = arith.muli %scan3A_174, %mul3A_232 : i32
      %add3A_234 = arith.constant 1 : i32
      %add3A_235 = arith.addi %mul3A_233, %add3A_234 : i32
      %rem3A_236 = arith.constant 3 : i32
      %rem3A_237 = arith.remsi %add3A_235, %rem3A_236 : i32
      %get3A_238 = arith.index_cast %rem3A_237 : i32 to index
      %get3A_239 = arith.constant 0 : index
      %get3A_240 = arith.constant 0 : index
      %get3A_241 = vector.load %arg27[%get3A_238, %get3A_239, %get3A_240] : memref<3x2304x192xf32, #tpu.memory_space<vmem>>, vector<1x2304x192xf32>
      %reshape3A_242 = vector.shape_cast %get3A_241 : vector<1x2304x192xf32> to vector<2304x192xf32>
      %get3A_243 = arith.constant 0 : index
      %get3A_244 = arith.constant 192 : index
      %get3A_245 = vector.load %arg31[%get3A_243, %get3A_244] : memref<192x640xf32, #tpu.memory_space<vmem>>, vector<192x192xf32>
      %dot_general3A_246 = arith.constant dense<0.000000e+00> : vector<2304x192xf32>
      %dot_general3A_247 = tpu.matmul %reshape3A_242, %get3A_245, %dot_general3A_246 {dimension_numbers = #tpu.dot_dimension_numbers<[1], [0], [0], [1], [0, 0, 1, 1], [], []>, transpose_lhs_hint = false} : vector<2304x192xf32>, vector<192x192xf32>, vector<2304x192xf32> -> vector<2304x192xf32>
      %swap3A_248 = arith.constant 48 : index
      %swap3A_249 = arith.constant 0 : index
      %swap3A_250 = vector.load %arg29[%swap3A_248, %swap3A_249] : memref<2400x192xf32, #tpu.memory_space<vmem>>, vector<2304x192xf32>
      tpu.vector_store %arg29[%swap3A_248, %swap3A_249], %dot_general3A_247 {strides = array<i32>} : memref<2400x192xf32, #tpu.memory_space<vmem>>, vector<2304x192xf32>,
      %mul3A_251 = arith.constant 1 : i32
      %mul3A_252 = arith.muli %scan3A_174, %mul3A_251 : i32
      %add3A_253 = arith.constant 2 : i32
      %add3A_254 = arith.addi %mul3A_252, %add3A_253 : i32
      %rem3A_255 = arith.constant 3 : i32
      %rem3A_256 = arith.remsi %add3A_254, %rem3A_255 : i32
      %get3A_257 = arith.index_cast %rem3A_256 : i32 to index
      %get3A_258 = arith.constant 0 : index
      %get3A_259 = arith.constant 0 : index
      %get3A_260 = vector.load %arg27[%get3A_257, %get3A_258, %get3A_259] : memref<3x2304x192xf32, #tpu.memory_space<vmem>>, vector<1x2304x192xf32>
      %reshape3A_261 = vector.shape_cast %get3A_260 : vector<1x2304x192xf32> to vector<2304x192xf32>
      %get3A_262 = arith.constant 0 : index
      %get3A_263 = arith.constant 384 : index
      %get3A_264 = vector.load %arg31[%get3A_262, %get3A_263] : memref<192x640xf32, #tpu.memory_space<vmem>>, vector<192x192xf32>
      %dot_general3A_265 = arith.constant dense<0.000000e+00> : vector<2304x192xf32>
      %dot_general3A_266 = tpu.matmul %reshape3A_261, %get3A_264, %dot_general3A_265 {dimension_numbers = #tpu.dot_dimension_numbers<[1], [0], [0], [1], [0, 0, 1, 1], [], []>, transpose_lhs_hint = false} : vector<2304x192xf32>, vector<192x192xf32>, vector<2304x192xf32> -> vector<2304x192xf32>
      %swap3A_267 = arith.constant 48 : index
      %swap3A_268 = arith.constant 0 : index
      %swap3A_269 = vector.load %arg30[%swap3A_267, %swap3A_268] : memref<2400x192xf32, #tpu.memory_space<vmem>>, vector<2304x192xf32>
      tpu.vector_store %arg30[%swap3A_267, %swap3A_268], %dot_general3A_266 {strides = array<i32>} : memref<2400x192xf32, #tpu.memory_space<vmem>>, vector<2304x192xf32>,
      %get3A_270 = arith.constant 0 : index
      %get3A_271 = arith.constant 0 : index
      %get3A_272 = vector.load %arg28[%get3A_270, %get3A_271] : memref<2400x192xf32, #tpu.memory_space<vmem>>, vector<2304x64xf32>
      %get3A_273 = arith.constant 48 : index
      %get3A_274 = arith.constant 64 : index
      %get3A_275 = vector.load %arg28[%get3A_273, %get3A_274] : memref<2400x192xf32, #tpu.memory_space<vmem>>, vector<2304x64xf32>
      %add3A_276 = arith.addf %get3A_272, %get3A_275 : vector<2304x64xf32>
      %get3A_277 = arith.constant 96 : index
      %get3A_278 = arith.constant 128 : index
      %get3A_279 = vector.load %arg28[%get3A_277, %get3A_278] : memref<2400x192xf32, #tpu.memory_space<vmem>>, vector<2304x64xf32>
      %add3A_280 = arith.addf %add3A_276, %get3A_279 : vector<2304x64xf32>
      %get3A_281 = arith.constant 0 : index
      %get3A_282 = arith.constant 0 : index
      %get3A_283 = vector.load %arg29[%get3A_281, %get3A_282] : memref<2400x192xf32, #tpu.memory_space<vmem>>, vector<2304x64xf32>
      %add3A_284 = arith.addf %add3A_280, %get3A_283 : vector<2304x64xf32>
      %get3A_285 = arith.constant 48 : index
      %get3A_286 = arith.constant 64 : index
      %get3A_287 = vector.load %arg29[%get3A_285, %get3A_286] : memref<2400x192xf32, #tpu.memory_space<vmem>>, vector<2304x64xf32>
      %add3A_288 = arith.addf %add3A_284, %get3A_287 : vector<2304x64xf32>
      %get3A_289 = arith.constant 96 : index
      %get3A_290 = arith.constant 128 : index
      %get3A_291 = vector.load %arg29[%get3A_289, %get3A_290] : memref<2400x192xf32, #tpu.memory_space<vmem>>, vector<2304x64xf32>
      %add3A_292 = arith.addf %add3A_288, %get3A_291 : vector<2304x64xf32>
      %get3A_293 = arith.constant 0 : index
      %get3A_294 = arith.constant 0 : index
      %get3A_295 = vector.load %arg30[%get3A_293, %get3A_294] : memref<2400x192xf32, #tpu.memory_space<vmem>>, vector<2304x64xf32>
      %add3A_296 = arith.addf %add3A_292, %get3A_295 : vector<2304x64xf32>
      %get3A_297 = arith.constant 48 : index
      %get3A_298 = arith.constant 64 : index
      %get3A_299 = vector.load %arg30[%get3A_297, %get3A_298] : memref<2400x192xf32, #tpu.memory_space<vmem>>, vector<2304x64xf32>
      %add3A_300 = arith.addf %add3A_296, %get3A_299 : vector<2304x64xf32>
      %get3A_301 = arith.constant 96 : index
      %get3A_302 = arith.constant 128 : index
      %get3A_303 = vector.load %arg30[%get3A_301, %get3A_302] : memref<2400x192xf32, #tpu.memory_space<vmem>>, vector<2304x64xf32>
      %add3A_304 = arith.addf %add3A_300, %get3A_303 : vector<2304x64xf32>
      %add3A_305 = vector.broadcast %get3A_144 : vector<1x64xf32> to vector<2304x64xf32>
      %add3A_306 = arith.addf %add3A_304, %add3A_305 : vector<2304x64xf32>
      %max3A = arith.constant 0.000000e+00 : f32
      %max3A_307 = vector.broadcast %max3A : f32 to vector<2304x64xf32>
      %max3A_308 = arith.maximumf %add3A_306, %max3A_307 : vector<2304x64xf32>
      %reshape3A_309 = vector.shape_cast %max3A_308 : vector<2304x64xf32> to vector<1x2304x64xf32>
      %add3A_310 = arith.constant 1 : i32
      %add3A_311 = arith.addi %scan3A_174, %add3A_310 : i32
      %swap3A_312 = arith.index_cast %add3A_311 : i32 to index
      %swap3A_313 = arith.constant 0 : index
      %swap3A_314 = arith.constant 0 : index
      %swap3A_315 = vector.load %arg24[%swap3A_312, %swap3A_313, %swap3A_314] : memref<18x2304x64xf32, #tpu.memory_space<vmem>>, vector<1x2304x64xf32>
      tpu.vector_store %arg24[%swap3A_312, %swap3A_313, %swap3A_314], %reshape3A_309 {strides = array<i32>} : memref<18x2304x64xf32, #tpu.memory_space<vmem>>, vector<1x2304x64xf32>,
    }
    %scan3A_149 = arith.constant 4 : i32
    %swap3A_150 = arith.constant 5 : index
    %swap3A_151 = arith.constant 0 : index
    %swap3A_152 = arith.constant 0 : index
    %swap3A_153 = vector.load %arg24[%swap3A_150, %swap3A_151, %swap3A_152] : memref<18x2304x64xf32, #tpu.memory_space<vmem>>, vector<1x2304x64xf32>
    tpu.vector_store %arg24[%swap3A_150, %swap3A_151, %swap3A_152], %broadcast_in_dim3A_11 {strides = array<i32>} : memref<18x2304x64xf32, #tpu.memory_space<vmem>>, vector<1x2304x64xf32>,
    tpu.enqueue_dma source(%arg10 : memref<192x640xf32, #tpu.memory_space<any>>) target(%arg31 : memref<192x640xf32, #tpu.memory_space<vmem>>) target_semaphore(%arg33 : memref<!tpu.dma_semaphore, #tpu.memory_space<semaphore_mem>>)
    tpu.wait_dma2 semaphore(%arg33 : memref<!tpu.dma_semaphore, #tpu.memory_space<semaphore_mem>>) src(%arg10 : memref<192x640xf32, #tpu.memory_space<any>>) dst(%arg31 : memref<192x640xf32, #tpu.memory_space<vmem>>)
    %get3A_154 = arith.constant 0 : index
    %get3A_155 = arith.constant 0 : index
    %get3A_156 = vector.load %arg21[%get3A_154, %get3A_155] : memref<1x64xf32, #tpu.memory_space<vmem>>, vector<1x64xf32>
    %scan3A_157 = arith.constant 0 : i32
    %scan3A_158 = arith.constant 4 : i32
    %scan3A_159 = arith.addi %scan3A_157, %scan3A_158 : i32
    %scan3A_160 = arith.constant 1 : i32
    scf.for %scan3A_174 = %scan3A_157 to %scan3A_159 step %scan3A_160  : i32 {
      %eq3A = arith.constant 0 : i32
      %eq3A_175 = arith.cmpi eq, %scan3A_174, %eq3A : i32
      %convert_element_type3A = arith.extui %eq3A_175 : i1 to i32
      %cond3A = arith.constant 0 : i32
      %cond3A_176 = arith.cmpi ne, %convert_element_type3A, %cond3A : i32
      scf.if %cond3A_176 {
        %get3A_316 = arith.constant 0 : index
        %get3A_317 = arith.constant 0 : index
        %get3A_318 = arith.constant 0 : index
        %get3A_319 = vector.load %arg24[%get3A_316, %get3A_317, %get3A_318] : memref<18x2304x64xf32, #tpu.memory_space<vmem>>, vector<1x2304x64xf32>
        %reshape3A_320 = vector.shape_cast %get3A_319 : vector<1x2304x64xf32> to vector<2304x64xf32>
        %reshape3A_321 = vector.shape_cast %reshape3A_320 : vector<2304x64xf32> to vector<48x48x64xf32>
        %swap3A_322 = arith.constant 1 : index
        %swap3A_323 = arith.constant 1 : index
        %swap3A_324 = arith.constant 0 : index
        %swap3A_325 = vector.load %arg26[%swap3A_322, %swap3A_323, %swap3A_324] : memref<50x50x64xf32, #tpu.memory_space<vmem>>, vector<48x48x64xf32>
        tpu.vector_store %arg26[%swap3A_322, %swap3A_323, %swap3A_324], %reshape3A_321 {strides = array<i32>} : memref<50x50x64xf32, #tpu.memory_space<vmem>>, vector<48x48x64xf32>,
        %get3A_326 = arith.constant 1 : index
        %get3A_327 = arith.constant 0 : index
        %get3A_328 = arith.constant 0 : index
        %get3A_329 = vector.load %arg26[%get3A_326, %get3A_327, %get3A_328] : memref<50x50x64xf32, #tpu.memory_space<vmem>>, vector<48x48x64xf32>
        %reshape3A_330 = vector.shape_cast %get3A_329 : vector<48x48x64xf32> to vector<1x2304x64xf32>
        %swap3A_331 = arith.constant 0 : index
        %swap3A_332 = arith.constant 0 : index
        %swap3A_333 = arith.constant 0 : index
        %swap3A_334 = vector.load %arg27[%swap3A_331, %swap3A_332, %swap3A_333] : memref<3x2304x192xf32, #tpu.memory_space<vmem>>, vector<1x2304x64xf32>
        tpu.vector_store %arg27[%swap3A_331, %swap3A_332, %swap3A_333], %reshape3A_330 {strides = array<i32>} : memref<3x2304x192xf32, #tpu.memory_space<vmem>>, vector<1x2304x64xf32>,
        %get3A_335 = arith.constant 1 : index
        %get3A_336 = arith.constant 1 : index
        %get3A_337 = arith.constant 0 : index
        %get3A_338 = vector.load %arg26[%get3A_335, %get3A_336, %get3A_337] : memref<50x50x64xf32, #tpu.memory_space<vmem>>, vector<48x48x64xf32>
        %reshape3A_339 = vector.shape_cast %get3A_338 : vector<48x48x64xf32> to vector<1x2304x64xf32>
        %swap3A_340 = arith.constant 0 : index
        %swap3A_341 = arith.constant 0 : index
        %swap3A_342 = arith.constant 64 : index
        %swap3A_343 = vector.load %arg27[%swap3A_340, %swap3A_341, %swap3A_342] : memref<3x2304x192xf32, #tpu.memory_space<vmem>>, vector<1x2304x64xf32>
        tpu.vector_store %arg27[%swap3A_340, %swap3A_341, %swap3A_342], %reshape3A_339 {strides = array<i32>} : memref<3x2304x192xf32, #tpu.memory_space<vmem>>, vector<1x2304x64xf32>,
        %get3A_344 = arith.constant 1 : index
        %get3A_345 = arith.constant 2 : index
        %get3A_346 = arith.constant 0 : index
        %get3A_347 = vector.load %arg26[%get3A_344, %get3A_345, %get3A_346] : memref<50x50x64xf32, #tpu.memory_space<vmem>>, vector<48x48x64xf32>
        %reshape3A_348 = vector.shape_cast %get3A_347 : vector<48x48x64xf32> to vector<1x2304x64xf32>
        %swap3A_349 = arith.constant 0 : index
        %swap3A_350 = arith.constant 0 : index
        %swap3A_351 = arith.constant 128 : index
        %swap3A_352 = vector.load %arg27[%swap3A_349, %swap3A_350, %swap3A_351] : memref<3x2304x192xf32, #tpu.memory_space<vmem>>, vector<1x2304x64xf32>
        tpu.vector_store %arg27[%swap3A_349, %swap3A_350, %swap3A_351], %reshape3A_348 {strides = array<i32>} : memref<3x2304x192xf32, #tpu.memory_space<vmem>>, vector<1x2304x64xf32>,
        %get3A_353 = arith.constant 1 : index
        %get3A_354 = arith.constant 0 : index
        %get3A_355 = arith.constant 0 : index
        %get3A_356 = vector.load %arg24[%get3A_353, %get3A_354, %get3A_355] : memref<18x2304x64xf32, #tpu.memory_space<vmem>>, vector<1x2304x64xf32>
        %reshape3A_357 = vector.shape_cast %get3A_356 : vector<1x2304x64xf32> to vector<2304x64xf32>
        %reshape3A_358 = vector.shape_cast %reshape3A_357 : vector<2304x64xf32> to vector<48x48x64xf32>
        %swap3A_359 = arith.constant 1 : index
        %swap3A_360 = arith.constant 1 : index
        %swap3A_361 = arith.constant 0 : index
        %swap3A_362 = vector.load %arg26[%swap3A_359, %swap3A_360, %swap3A_361] : memref<50x50x64xf32, #tpu.memory_space<vmem>>, vector<48x48x64xf32>
        tpu.vector_store %arg26[%swap3A_359, %swap3A_360, %swap3A_361], %reshape3A_358 {strides = array<i32>} : memref<50x50x64xf32, #tpu.memory_space<vmem>>, vector<48x48x64xf32>,
        %get3A_363 = arith.constant 1 : index
        %get3A_364 = arith.constant 0 : index
        %get3A_365 = arith.constant 0 : index
        %get3A_366 = vector.load %arg26[%get3A_363, %get3A_364, %get3A_365] : memref<50x50x64xf32, #tpu.memory_space<vmem>>, vector<48x48x64xf32>
        %reshape3A_367 = vector.shape_cast %get3A_366 : vector<48x48x64xf32> to vector<1x2304x64xf32>
        %swap3A_368 = arith.constant 1 : index
        %swap3A_369 = arith.constant 0 : index
        %swap3A_370 = arith.constant 0 : index
        %swap3A_371 = vector.load %arg27[%swap3A_368, %swap3A_369, %swap3A_370] : memref<3x2304x192xf32, #tpu.memory_space<vmem>>, vector<1x2304x64xf32>
        tpu.vector_store %arg27[%swap3A_368, %swap3A_369, %swap3A_370], %reshape3A_367 {strides = array<i32>} : memref<3x2304x192xf32, #tpu.memory_space<vmem>>, vector<1x2304x64xf32>,
        %get3A_372 = arith.constant 1 : index
        %get3A_373 = arith.constant 1 : index
        %get3A_374 = arith.constant 0 : index
        %get3A_375 = vector.load %arg26[%get3A_372, %get3A_373, %get3A_374] : memref<50x50x64xf32, #tpu.memory_space<vmem>>, vector<48x48x64xf32>
        %reshape3A_376 = vector.shape_cast %get3A_375 : vector<48x48x64xf32> to vector<1x2304x64xf32>
        %swap3A_377 = arith.constant 1 : index
        %swap3A_378 = arith.constant 0 : index
        %swap3A_379 = arith.constant 64 : index
        %swap3A_380 = vector.load %arg27[%swap3A_377, %swap3A_378, %swap3A_379] : memref<3x2304x192xf32, #tpu.memory_space<vmem>>, vector<1x2304x64xf32>
        tpu.vector_store %arg27[%swap3A_377, %swap3A_378, %swap3A_379], %reshape3A_376 {strides = array<i32>} : memref<3x2304x192xf32, #tpu.memory_space<vmem>>, vector<1x2304x64xf32>,
        %get3A_381 = arith.constant 1 : index
        %get3A_382 = arith.constant 2 : index
        %get3A_383 = arith.constant 0 : index
        %get3A_384 = vector.load %arg26[%get3A_381, %get3A_382, %get3A_383] : memref<50x50x64xf32, #tpu.memory_space<vmem>>, vector<48x48x64xf32>
        %reshape3A_385 = vector.shape_cast %get3A_384 : vector<48x48x64xf32> to vector<1x2304x64xf32>
        %swap3A_386 = arith.constant 1 : index
        %swap3A_387 = arith.constant 0 : index
        %swap3A_388 = arith.constant 128 : index
        %swap3A_389 = vector.load %arg27[%swap3A_386, %swap3A_387, %swap3A_388] : memref<3x2304x192xf32, #tpu.memory_space<vmem>>, vector<1x2304x64xf32>
        tpu.vector_store %arg27[%swap3A_386, %swap3A_387, %swap3A_388], %reshape3A_385 {strides = array<i32>} : memref<3x2304x192xf32, #tpu.memory_space<vmem>>, vector<1x2304x64xf32>,
      } else {
      }
      %add3A = arith.constant 2 : i32
      %add3A_177 = arith.addi %scan3A_174, %add3A : i32
      %rem3A = arith.constant 3 : i32
      %rem3A_178 = arith.remsi %add3A_177, %rem3A : i32
      %get3A_179 = arith.index_cast %add3A_177 : i32 to index
      %get3A_180 = arith.constant 0 : index
      %get3A_181 = arith.constant 0 : index
      %get3A_182 = vector.load %arg24[%get3A_179, %get3A_180, %get3A_181] : memref<18x2304x64xf32, #tpu.memory_space<vmem>>, vector<1x2304x64xf32>
      %reshape3A = vector.shape_cast %get3A_182 : vector<1x2304x64xf32> to vector<2304x64xf32>
      %reshape3A_183 = vector.shape_cast %reshape3A : vector<2304x64xf32> to vector<48x48x64xf32>
      %swap3A_184 = arith.constant 1 : index
      %swap3A_185 = arith.constant 1 : index
      %swap3A_186 = arith.constant 0 : index
      %swap3A_187 = vector.load %arg26[%swap3A_184, %swap3A_185, %swap3A_186] : memref<50x50x64xf32, #tpu.memory_space<vmem>>, vector<48x48x64xf32>
      tpu.vector_store %arg26[%swap3A_184, %swap3A_185, %swap3A_186], %reshape3A_183 {strides = array<i32>} : memref<50x50x64xf32, #tpu.memory_space<vmem>>, vector<48x48x64xf32>,
      %get3A_188 = arith.constant 1 : index
      %get3A_189 = arith.constant 0 : index
      %get3A_190 = arith.constant 0 : index
      %get3A_191 = vector.load %arg26[%get3A_188, %get3A_189, %get3A_190] : memref<50x50x64xf32, #tpu.memory_space<vmem>>, vector<48x48x64xf32>
      %reshape3A_192 = vector.shape_cast %get3A_191 : vector<48x48x64xf32> to vector<1x2304x64xf32>
      %swap3A_193 = arith.index_cast %rem3A_178 : i32 to index
      %swap3A_194 = arith.constant 0 : index
      %swap3A_195 = arith.constant 0 : index
      %swap3A_196 = vector.load %arg27[%swap3A_193, %swap3A_194, %swap3A_195] : memref<3x2304x192xf32, #tpu.memory_space<vmem>>, vector<1x2304x64xf32>
      tpu.vector_store %arg27[%swap3A_193, %swap3A_194, %swap3A_195], %reshape3A_192 {strides = array<i32>} : memref<3x2304x192xf32, #tpu.memory_space<vmem>>, vector<1x2304x64xf32>,
      %get3A_197 = arith.constant 1 : index
      %get3A_198 = arith.constant 1 : index
      %get3A_199 = arith.constant 0 : index
      %get3A_200 = vector.load %arg26[%get3A_197, %get3A_198, %get3A_199] : memref<50x50x64xf32, #tpu.memory_space<vmem>>, vector<48x48x64xf32>
      %reshape3A_201 = vector.shape_cast %get3A_200 : vector<48x48x64xf32> to vector<1x2304x64xf32>
      %swap3A_202 = arith.index_cast %rem3A_178 : i32 to index
      %swap3A_203 = arith.constant 0 : index
      %swap3A_204 = arith.constant 64 : index
      %swap3A_205 = vector.load %arg27[%swap3A_202, %swap3A_203, %swap3A_204] : memref<3x2304x192xf32, #tpu.memory_space<vmem>>, vector<1x2304x64xf32>
      tpu.vector_store %arg27[%swap3A_202, %swap3A_203, %swap3A_204], %reshape3A_201 {strides = array<i32>} : memref<3x2304x192xf32, #tpu.memory_space<vmem>>, vector<1x2304x64xf32>,
      %get3A_206 = arith.constant 1 : index
      %get3A_207 = arith.constant 2 : index
      %get3A_208 = arith.constant 0 : index
      %get3A_209 = vector.load %arg26[%get3A_206, %get3A_207, %get3A_208] : memref<50x50x64xf32, #tpu.memory_space<vmem>>, vector<48x48x64xf32>
      %reshape3A_210 = vector.shape_cast %get3A_209 : vector<48x48x64xf32> to vector<1x2304x64xf32>
      %swap3A_211 = arith.index_cast %rem3A_178 : i32 to index
      %swap3A_212 = arith.constant 0 : index
      %swap3A_213 = arith.constant 128 : index
      %swap3A_214 = vector.load %arg27[%swap3A_211, %swap3A_212, %swap3A_213] : memref<3x2304x192xf32, #tpu.memory_space<vmem>>, vector<1x2304x64xf32>
      tpu.vector_store %arg27[%swap3A_211, %swap3A_212, %swap3A_213], %reshape3A_210 {strides = array<i32>} : memref<3x2304x192xf32, #tpu.memory_space<vmem>>, vector<1x2304x64xf32>,
      %mul3A = arith.constant 1 : i32
      %mul3A_215 = arith.muli %scan3A_174, %mul3A : i32
      %add3A_216 = arith.constant 0 : i32
      %add3A_217 = arith.addi %mul3A_215, %add3A_216 : i32
      %rem3A_218 = arith.constant 3 : i32
      %rem3A_219 = arith.remsi %add3A_217, %rem3A_218 : i32
      %get3A_220 = arith.index_cast %rem3A_219 : i32 to index
      %get3A_221 = arith.constant 0 : index
      %get3A_222 = arith.constant 0 : index
      %get3A_223 = vector.load %arg27[%get3A_220, %get3A_221, %get3A_222] : memref<3x2304x192xf32, #tpu.memory_space<vmem>>, vector<1x2304x192xf32>
      %reshape3A_224 = vector.shape_cast %get3A_223 : vector<1x2304x192xf32> to vector<2304x192xf32>
      %get3A_225 = arith.constant 0 : index
      %get3A_226 = arith.constant 0 : index
      %get3A_227 = vector.load %arg31[%get3A_225, %get3A_226] : memref<192x640xf32, #tpu.memory_space<vmem>>, vector<192x192xf32>
      %dot_general3A = arith.constant dense<0.000000e+00> : vector<2304x192xf32>
      %dot_general3A_228 = tpu.matmul %reshape3A_224, %get3A_227, %dot_general3A {dimension_numbers = #tpu.dot_dimension_numbers<[1], [0], [0], [1], [0, 0, 1, 1], [], []>, transpose_lhs_hint = false} : vector<2304x192xf32>, vector<192x192xf32>, vector<2304x192xf32> -> vector<2304x192xf32>
      %swap3A_229 = arith.constant 48 : index
      %swap3A_230 = arith.constant 0 : index
      %swap3A_231 = vector.load %arg28[%swap3A_229, %swap3A_230] : memref<2400x192xf32, #tpu.memory_space<vmem>>, vector<2304x192xf32>
      tpu.vector_store %arg28[%swap3A_229, %swap3A_230], %dot_general3A_228 {strides = array<i32>} : memref<2400x192xf32, #tpu.memory_space<vmem>>, vector<2304x192xf32>,
      %mul3A_232 = arith.constant 1 : i32
      %mul3A_233 = arith.muli %scan3A_174, %mul3A_232 : i32
      %add3A_234 = arith.constant 1 : i32
      %add3A_235 = arith.addi %mul3A_233, %add3A_234 : i32
      %rem3A_236 = arith.constant 3 : i32
      %rem3A_237 = arith.remsi %add3A_235, %rem3A_236 : i32
      %get3A_238 = arith.index_cast %rem3A_237 : i32 to index
      %get3A_239 = arith.constant 0 : index
      %get3A_240 = arith.constant 0 : index
      %get3A_241 = vector.load %arg27[%get3A_238, %get3A_239, %get3A_240] : memref<3x2304x192xf32, #tpu.memory_space<vmem>>, vector<1x2304x192xf32>
      %reshape3A_242 = vector.shape_cast %get3A_241 : vector<1x2304x192xf32> to vector<2304x192xf32>
      %get3A_243 = arith.constant 0 : index
      %get3A_244 = arith.constant 192 : index
      %get3A_245 = vector.load %arg31[%get3A_243, %get3A_244] : memref<192x640xf32, #tpu.memory_space<vmem>>, vector<192x192xf32>
      %dot_general3A_246 = arith.constant dense<0.000000e+00> : vector<2304x192xf32>
      %dot_general3A_247 = tpu.matmul %reshape3A_242, %get3A_245, %dot_general3A_246 {dimension_numbers = #tpu.dot_dimension_numbers<[1], [0], [0], [1], [0, 0, 1, 1], [], []>, transpose_lhs_hint = false} : vector<2304x192xf32>, vector<192x192xf32>, vector<2304x192xf32> -> vector<2304x192xf32>
      %swap3A_248 = arith.constant 48 : index
      %swap3A_249 = arith.constant 0 : index
      %swap3A_250 = vector.load %arg29[%swap3A_248, %swap3A_249] : memref<2400x192xf32, #tpu.memory_space<vmem>>, vector<2304x192xf32>
      tpu.vector_store %arg29[%swap3A_248, %swap3A_249], %dot_general3A_247 {strides = array<i32>} : memref<2400x192xf32, #tpu.memory_space<vmem>>, vector<2304x192xf32>,
      %mul3A_251 = arith.constant 1 : i32
      %mul3A_252 = arith.muli %scan3A_174, %mul3A_251 : i32
      %add3A_253 = arith.constant 2 : i32
      %add3A_254 = arith.addi %mul3A_252, %add3A_253 : i32
      %rem3A_255 = arith.constant 3 : i32
      %rem3A_256 = arith.remsi %add3A_254, %rem3A_255 : i32
      %get3A_257 = arith.index_cast %rem3A_256 : i32 to index
      %get3A_258 = arith.constant 0 : index
      %get3A_259 = arith.constant 0 : index
      %get3A_260 = vector.load %arg27[%get3A_257, %get3A_258, %get3A_259] : memref<3x2304x192xf32, #tpu.memory_space<vmem>>, vector<1x2304x192xf32>
      %reshape3A_261 = vector.shape_cast %get3A_260 : vector<1x2304x192xf32> to vector<2304x192xf32>
      %get3A_262 = arith.constant 0 : index
      %get3A_263 = arith.constant 384 : index
      %get3A_264 = vector.load %arg31[%get3A_262, %get3A_263] : memref<192x640xf32, #tpu.memory_space<vmem>>, vector<192x192xf32>
      %dot_general3A_265 = arith.constant dense<0.000000e+00> : vector<2304x192xf32>
      %dot_general3A_266 = tpu.matmul %reshape3A_261, %get3A_264, %dot_general3A_265 {dimension_numbers = #tpu.dot_dimension_numbers<[1], [0], [0], [1], [0, 0, 1, 1], [], []>, transpose_lhs_hint = false} : vector<2304x192xf32>, vector<192x192xf32>, vector<2304x192xf32> -> vector<2304x192xf32>
      %swap3A_267 = arith.constant 48 : index
      %swap3A_268 = arith.constant 0 : index
      %swap3A_269 = vector.load %arg30[%swap3A_267, %swap3A_268] : memref<2400x192xf32, #tpu.memory_space<vmem>>, vector<2304x192xf32>
      tpu.vector_store %arg30[%swap3A_267, %swap3A_268], %dot_general3A_266 {strides = array<i32>} : memref<2400x192xf32, #tpu.memory_space<vmem>>, vector<2304x192xf32>,
      %get3A_270 = arith.constant 0 : index
      %get3A_271 = arith.constant 0 : index
      %get3A_272 = vector.load %arg28[%get3A_270, %get3A_271] : memref<2400x192xf32, #tpu.memory_space<vmem>>, vector<2304x64xf32>
      %get3A_273 = arith.constant 48 : index
      %get3A_274 = arith.constant 64 : index
      %get3A_275 = vector.load %arg28[%get3A_273, %get3A_274] : memref<2400x192xf32, #tpu.memory_space<vmem>>, vector<2304x64xf32>
      %add3A_276 = arith.addf %get3A_272, %get3A_275 : vector<2304x64xf32>
      %get3A_277 = arith.constant 96 : index
      %get3A_278 = arith.constant 128 : index
      %get3A_279 = vector.load %arg28[%get3A_277, %get3A_278] : memref<2400x192xf32, #tpu.memory_space<vmem>>, vector<2304x64xf32>
      %add3A_280 = arith.addf %add3A_276, %get3A_279 : vector<2304x64xf32>
      %get3A_281 = arith.constant 0 : index
      %get3A_282 = arith.constant 0 : index
      %get3A_283 = vector.load %arg29[%get3A_281, %get3A_282] : memref<2400x192xf32, #tpu.memory_space<vmem>>, vector<2304x64xf32>
      %add3A_284 = arith.addf %add3A_280, %get3A_283 : vector<2304x64xf32>
      %get3A_285 = arith.constant 48 : index
      %get3A_286 = arith.constant 64 : index
      %get3A_287 = vector.load %arg29[%get3A_285, %get3A_286] : memref<2400x192xf32, #tpu.memory_space<vmem>>, vector<2304x64xf32>
      %add3A_288 = arith.addf %add3A_284, %get3A_287 : vector<2304x64xf32>
      %get3A_289 = arith.constant 96 : index
      %get3A_290 = arith.constant 128 : index
      %get3A_291 = vector.load %arg29[%get3A_289, %get3A_290] : memref<2400x192xf32, #tpu.memory_space<vmem>>, vector<2304x64xf32>
      %add3A_292 = arith.addf %add3A_288, %get3A_291 : vector<2304x64xf32>
      %get3A_293 = arith.constant 0 : index
      %get3A_294 = arith.constant 0 : index
      %get3A_295 = vector.load %arg30[%get3A_293, %get3A_294] : memref<2400x192xf32, #tpu.memory_space<vmem>>, vector<2304x64xf32>
      %add3A_296 = arith.addf %add3A_292, %get3A_295 : vector<2304x64xf32>
      %get3A_297 = arith.constant 48 : index
      %get3A_298 = arith.constant 64 : index
      %get3A_299 = vector.load %arg30[%get3A_297, %get3A_298] : memref<2400x192xf32, #tpu.memory_space<vmem>>, vector<2304x64xf32>
      %add3A_300 = arith.addf %add3A_296, %get3A_299 : vector<2304x64xf32>
      %get3A_301 = arith.constant 96 : index
      %get3A_302 = arith.constant 128 : index
      %get3A_303 = vector.load %arg30[%get3A_301, %get3A_302] : memref<2400x192xf32, #tpu.memory_space<vmem>>, vector<2304x64xf32>
      %add3A_304 = arith.addf %add3A_300, %get3A_303 : vector<2304x64xf32>
      %add3A_305 = vector.broadcast %get3A_156 : vector<1x64xf32> to vector<2304x64xf32>
      %add3A_306 = arith.addf %add3A_304, %add3A_305 : vector<2304x64xf32>
      %max3A = arith.constant 0.000000e+00 : f32
      %max3A_307 = vector.broadcast %max3A : f32 to vector<2304x64xf32>
      %max3A_308 = arith.maximumf %add3A_306, %max3A_307 : vector<2304x64xf32>
      %reshape3A_309 = vector.shape_cast %max3A_308 : vector<2304x64xf32> to vector<1x2304x64xf32>
      %add3A_310 = arith.constant 1 : i32
      %add3A_311 = arith.addi %scan3A_174, %add3A_310 : i32
      %swap3A_312 = arith.index_cast %add3A_311 : i32 to index
      %swap3A_313 = arith.constant 0 : index
      %swap3A_314 = arith.constant 0 : index
      %swap3A_315 = vector.load %arg25[%swap3A_312, %swap3A_313, %swap3A_314] : memref<18x2304x64xf32, #tpu.memory_space<vmem>>, vector<1x2304x64xf32>
      tpu.vector_store %arg25[%swap3A_312, %swap3A_313, %swap3A_314], %reshape3A_309 {strides = array<i32>} : memref<18x2304x64xf32, #tpu.memory_space<vmem>>, vector<1x2304x64xf32>,
    }
    %scan3A_161 = arith.constant 4 : i32
    %swap3A_162 = arith.constant 5 : index
    %swap3A_163 = arith.constant 0 : index
    %swap3A_164 = arith.constant 0 : index
    %swap3A_165 = vector.load %arg25[%swap3A_162, %swap3A_163, %swap3A_164] : memref<18x2304x64xf32, #tpu.memory_space<vmem>>, vector<1x2304x64xf32>
    tpu.vector_store %arg25[%swap3A_162, %swap3A_163, %swap3A_164], %broadcast_in_dim3A_11 {strides = array<i32>} : memref<18x2304x64xf32, #tpu.memory_space<vmem>>, vector<1x2304x64xf32>,
    tpu.enqueue_dma source(%arg11 : memref<192x640xf32, #tpu.memory_space<any>>) target(%arg31 : memref<192x640xf32, #tpu.memory_space<vmem>>) target_semaphore(%arg33 : memref<!tpu.dma_semaphore, #tpu.memory_space<semaphore_mem>>)
    tpu.wait_dma2 semaphore(%arg33 : memref<!tpu.dma_semaphore, #tpu.memory_space<semaphore_mem>>) src(%arg11 : memref<192x640xf32, #tpu.memory_space<any>>) dst(%arg31 : memref<192x640xf32, #tpu.memory_space<vmem>>)
    %get3A_166 = arith.constant 0 : index
    %get3A_167 = arith.constant 0 : index
    %get3A_168 = vector.load %arg22[%get3A_166, %get3A_167] : memref<1x64xf32, #tpu.memory_space<vmem>>, vector<1x64xf32>
    %scan3A_169 = arith.constant 0 : i32
    %scan3A_170 = arith.constant 2 : i32
    %scan3A_171 = arith.addi %scan3A_169, %scan3A_170 : i32
    %scan3A_172 = arith.constant 1 : i32
    scf.for %scan3A_174 = %scan3A_169 to %scan3A_171 step %scan3A_172  : i32 {
      %mul3A = arith.constant 2 : i32
      %mul3A_175 = arith.muli %scan3A_174, %mul3A : i32
      %add3A = arith.constant 0 : i32
      %add3A_176 = arith.addi %mul3A_175, %add3A : i32
      %get3A_177 = arith.index_cast %add3A_176 : i32 to index
      %get3A_178 = arith.constant 0 : index
      %get3A_179 = arith.constant 0 : index
      %get3A_180 = vector.load %arg25[%get3A_177, %get3A_178, %get3A_179] : memref<18x2304x64xf32, #tpu.memory_space<vmem>>, vector<1x2304x64xf32>
      %reshape3A = vector.shape_cast %get3A_180 : vector<1x2304x64xf32> to vector<2304x64xf32>
      %get3A_181 = arith.constant 0 : index
      %get3A_182 = arith.constant 0 : index
      %get3A_183 = vector.load %arg31[%get3A_181, %get3A_182] : memref<192x640xf32, #tpu.memory_space<vmem>>, vector<64x64xf32>
      %dot_general3A = arith.constant dense<0.000000e+00> : vector<2304x64xf32>
      %dot_general3A_184 = tpu.matmul %reshape3A, %get3A_183, %dot_general3A {dimension_numbers = #tpu.dot_dimension_numbers<[1], [0], [0], [1], [0, 0, 1, 1], [], []>, transpose_lhs_hint = false} : vector<2304x64xf32>, vector<64x64xf32>, vector<2304x64xf32> -> vector<2304x64xf32>
      %mul3A_185 = arith.constant 2 : i32
      %mul3A_186 = arith.muli %scan3A_174, %mul3A_185 : i32
      %add3A_187 = arith.constant 1 : i32
      %add3A_188 = arith.addi %mul3A_186, %add3A_187 : i32
      %get3A_189 = arith.index_cast %add3A_188 : i32 to index
      %get3A_190 = arith.constant 0 : index
      %get3A_191 = arith.constant 0 : index
      %get3A_192 = vector.load %arg25[%get3A_189, %get3A_190, %get3A_191] : memref<18x2304x64xf32, #tpu.memory_space<vmem>>, vector<1x2304x64xf32>
      %reshape3A_193 = vector.shape_cast %get3A_192 : vector<1x2304x64xf32> to vector<2304x64xf32>
      %get3A_194 = arith.constant 0 : index
      %get3A_195 = arith.constant 64 : index
      %get3A_196 = vector.load %arg31[%get3A_194, %get3A_195] : memref<192x640xf32, #tpu.memory_space<vmem>>, vector<64x64xf32>
      %dot_general3A_197 = arith.constant dense<0.000000e+00> : vector<2304x64xf32>
      %dot_general3A_198 = tpu.matmul %reshape3A_193, %get3A_196, %dot_general3A_197 {dimension_numbers = #tpu.dot_dimension_numbers<[1], [0], [0], [1], [0, 0, 1, 1], [], []>, transpose_lhs_hint = false} : vector<2304x64xf32>, vector<64x64xf32>, vector<2304x64xf32> -> vector<2304x64xf32>
      %add3A_199 = arith.addf %dot_general3A_184, %dot_general3A_198 : vector<2304x64xf32>
      %mul3A_200 = arith.constant 2 : i32
      %mul3A_201 = arith.muli %scan3A_174, %mul3A_200 : i32
      %add3A_202 = arith.constant 2 : i32
      %add3A_203 = arith.addi %mul3A_201, %add3A_202 : i32
      %get3A_204 = arith.index_cast %add3A_203 : i32 to index
      %get3A_205 = arith.constant 0 : index
      %get3A_206 = arith.constant 0 : index
      %get3A_207 = vector.load %arg25[%get3A_204, %get3A_205, %get3A_206] : memref<18x2304x64xf32, #tpu.memory_space<vmem>>, vector<1x2304x64xf32>
      %reshape3A_208 = vector.shape_cast %get3A_207 : vector<1x2304x64xf32> to vector<2304x64xf32>
      %get3A_209 = arith.constant 0 : index
      %get3A_210 = arith.constant 128 : index
      %get3A_211 = vector.load %arg31[%get3A_209, %get3A_210] : memref<192x640xf32, #tpu.memory_space<vmem>>, vector<64x64xf32>
      %dot_general3A_212 = arith.constant dense<0.000000e+00> : vector<2304x64xf32>
      %dot_general3A_213 = tpu.matmul %reshape3A_208, %get3A_211, %dot_general3A_212 {dimension_numbers = #tpu.dot_dimension_numbers<[1], [0], [0], [1], [0, 0, 1, 1], [], []>, transpose_lhs_hint = false} : vector<2304x64xf32>, vector<64x64xf32>, vector<2304x64xf32> -> vector<2304x64xf32>
      %add3A_214 = arith.addf %add3A_199, %dot_general3A_213 : vector<2304x64xf32>
      %add3A_215 = vector.broadcast %get3A_168 : vector<1x64xf32> to vector<2304x64xf32>
      %add3A_216 = arith.addf %add3A_214, %add3A_215 : vector<2304x64xf32>
      %max3A = arith.constant 0.000000e+00 : f32
      %max3A_217 = vector.broadcast %max3A : f32 to vector<2304x64xf32>
      %max3A_218 = arith.maximumf %add3A_216, %max3A_217 : vector<2304x64xf32>
      %reshape3A_219 = vector.shape_cast %max3A_218 : vector<2304x64xf32> to vector<1x2304x64xf32>
      %add3A_220 = arith.constant 0 : i32
      %add3A_221 = arith.addi %scan3A_174, %add3A_220 : i32
      %swap3A_222 = arith.index_cast %add3A_221 : i32 to index
      %swap3A_223 = arith.constant 0 : index
      %swap3A_224 = arith.constant 0 : index
      %swap3A_225 = vector.load %arg23[%swap3A_222, %swap3A_223, %swap3A_224] : memref<2x2304x64xf32, #tpu.memory_space<vmem>>, vector<1x2304x64xf32>
      tpu.vector_store %arg23[%swap3A_222, %swap3A_223, %swap3A_224], %reshape3A_219 {strides = array<i32>} : memref<2x2304x64xf32, #tpu.memory_space<vmem>>, vector<1x2304x64xf32>,
    }
    %scan3A_173 = arith.constant 2 : i32
    return
  }
}

</mosaic_0001>

<sc_bundles>
// kernel: kernel.4.cloned.1.call-start
scs
__scs_entry_jumppad:
0x0: {  	(pc) =	sbr.rel $0x88, $3  }
0x1: {  	(tag) =	ssettag $0x0;
	lr =	simm.s32 $0x1  }
0x2: {  	[smem:$0x3F7E] =	sst lr;
	_ =	strace $0xD0000000  }
0x3: {  	_ = 	snop  }
0x4: {  	_ = 	snop  }
0x5: {  	_ = 	snop  }
0x6: {  	_ = 	snop  }
0x7: {  	_ = 	snop  }
__scs_overlays_trampoline_lowered:
0x8: {  	[smem:$0x3F8D] =	sst s0  }
0x9: {  	[smem:$0x3F8E] =	sst s1  }
0xa: {  	[smem:$0x3F8F] =	sst s2  }
0xb: {  	[smem:$0x3F90] =	sst s3  }
0xc: {  	[smem:$0x3F91] =	sst s4  }
0xd: {  	[smem:$0x3F92] =	sst s5  }
0xe: {  	[smem:$0x3F93] =	sst s6  }
0xf: {  	[smem:$0x3F94] =	sst s7  }
0x10: {  	[smem:$0x3F95] =	sst s8  }
0x11: {  	[smem:$0x3F96] =	sst s9;
	s0 =	simm.s32 @!p0 $0x0  }
0x12: {  	s1 =	sld [smem:$0x3F7C];
	s0 =	simm.s32 @p0 $0x1  }
0x13: {  	[smem:$0x3F97] =	sst s0;
	s0 =	simm.s32 @!p1 $0x0  }
0x14: {  	s2 =	sld [smem:$0x3F7B];
	s0 =	simm.s32 @p1 $0x1  }
0x15: {  	[smem:$0x3F98] =	sst s0;
	s0 =	simm.s32 @!p2 $0x0  }
0x16: {  	s3 =	sld [smem:$0x3FDB];
	s0 =	simm.s32 @p2 $0x1  }
0x17: {  	s4 =	simm.s32 $0x1BF5;
	[smem:$0x3F9A] =	sst s0  }
0x18: {  	s0 =	sld [smem:$0x3F7D];
	_ =	swait.ge [sflag:s4], $0x0  }
0x19: {  	s7 =	sld [smem:$0x3F7E]  }
0x1a: {  	s8 =	sadd.s32 $0xFFFFE003, lr  }
0x1b: {  	s9 =	sadd.s32 $0xFFFFFEF7, lr;
	s5 =	simm.s32 $0xFFFFFFFF;
	p2 =	slt.u32 s8, $0xFFFFF086  }
0x1c: {  	p1 =	slt.u32 s9, $0xF7A;
	s5 =	simm.s32 @!p2 $0x0  }
0x1d: {  	s5 =	simm.s32 @p1 $0x1;
	p0 =	seq.s32 s7, s2  }
0x1e: {  	s7 =	smul.u32 @!p0 $0xF7A, s2;
	p2 =	seq.s32 @!p0 s5, $0x0  }
0x1f: {  	s9 =	smul.u32 $0xF7A, s1;
	s8 =	simm.s32 @!p0 $0x1BF5;
	p2 =	por !p2, p0  }
0x20: {  	[sflag:s8] =	ssyncset.s32 @!p0 $0xFFFFF086;
	s6 =	sadd.s32 @!p0 s3, s7;
	s7 =	simm.s32 @!p0 $0x108  }
0x21: {  	s3 =	sadd.s32 s3, s9;
	s6 =	sadd.s32 @!p0 $0x88, s6;
	s7 =	simm.s32 @p2 $0x1082  }
0x22: {  	[simem:s7], [sflag:s8] =	dma.local @!p0 [hbm:s6], $0xF7A  }
0x23: {  	s9 =	sor.u32 $0xD0000000, s2;
	s6 =	simm.s32 $0x108;
	_ =	swait.ge @!p0 [sflag:s8], $0x0  }
0x24: {  	s3 =	sadd.s32 $0x88, s3;
	s6 =	simm.s32 @!p1 $0x1082;
	[sflag:s4] =	ssyncset.s32 $0xFFFFF086  }
0x25: {  	[simem:s6], [sflag:s4] =	dma.local [hbm:s3], $0xF7A  }
0x26: {  	[smem:$0x3F7E] =	sst s1;
	(tag) =	ssettag s2;
	_ =	strace s9  }
0x27: {  	s1 =	sld [smem:$0x3F8E]  }
0x28: {  	s2 =	sld [smem:$0x3F8F]  }
0x29: {  	s4 =	sld [smem:$0x3F91]  }
0x2a: {  	p0 =	seq.s32 s5, $0x0;
	s5 =	sld [smem:$0x3F92]  }
0x2b: {  	s6 =	sld [smem:$0x3F93]  }
0x2c: {  	s7 =	sld [smem:$0x3F94]  }
0x2d: {  	s3 =	simm.s32 $0x108;
	s8 =	sld [smem:$0x3F95]  }
0x2e: {  	s3 =	simm.s32 @!p0 $0x1082;
	s9 =	sld [smem:$0x3F96]  }
0x2f: {  	lr =	sadd.s32 s0, s3;
	s0 =	sld [smem:$0x3F8D]  }
0x30: {  	s3 =	sld [smem:$0x3F90]  }
0x31: {  	[smem:$0x3F99] =	sst s10  }
0x32: {  	s10 =	sld [smem:$0x3F97];
	_ =	sdelay $0x3  }
0x33: {  	p0 =	seq.s32 s10, $0x1;
	s10 =	sld [smem:$0x3F99];
	_ =	sdelay $0x3  }
0x34: {  	[smem:$0x3F99] =	sst s10  }
0x35: {  	s10 =	sld [smem:$0x3F98];
	_ =	sdelay $0x3  }
0x36: {  	p1 =	seq.s32 s10, $0x1;
	s10 =	sld [smem:$0x3F99];
	_ =	sdelay $0x3  }
0x37: {  	[smem:$0x3F99] =	sst s10  }
0x38: {  	s10 =	sld [smem:$0x3F9A]  }
0x39: {  	_ = 	snop;
	(pc) =	sbr.ind lr, $3  }
0x3a: {  	_ = 	snop  }
0x3b: {  	_ = 	snop  }
0x3c: {  	p2 =	seq.s32 s10, $0x1;
	s10 =	sld [smem:$0x3F99]  }
0x3d: {  	_ =	shalt  }
0x3e: {  	_ =	shalt  }
0x3f: {  	_ =	shalt  }
0x40: {  	_ =	shalt  }
0x41: {  	_ =	shalt  }
0x42: {  	_ =	shalt  }
0x43: {  	_ =	shalt  }
0x44: {  	_ =	shalt  }
0x45: {  	_ =	shalt  }
0x46: {  	_ =	shalt  }
0x47: {  	_ =	shalt  }
0x48: {  	_ =	shalt  }
0x49: {  	_ =	shalt  }
0x4a: {  	_ =	shalt  }
0x4b: {  	_ =	shalt  }
0x4c: {  	_ =	shalt  }
0x4d: {  	_ =	shalt  }
0x4e: {  	_ =	shalt  }
0x4f: {  	_ =	shalt  }
0x50: {  	_ =	shalt  }
0x51: {  	_ =	shalt  }
0x52: {  	_ =	shalt  }
0x53: {  	_ =	shalt  }
0x54: {  	_ =	shalt  }
0x55: {  	_ =	shalt  }
0x56: {  	_ =	shalt  }
0x57: {  	_ =	shalt  }
0x58: {  	_ =	shalt  }
0x59: {  	_ =	shalt  }
0x5a: {  	_ =	shalt  }
0x5b: {  	_ =	shalt  }
0x5c: {  	_ =	shalt  }
0x5d: {  	_ =	shalt  }
0x5e: {  	_ =	shalt  }
0x5f: {  	_ =	shalt  }
0x60: {  	_ =	shalt  }
0x61: {  	_ =	shalt  }
0x62: {  	_ =	shalt  }
0x63: {  	_ =	shalt  }
0x64: {  	_ =	shalt  }
0x65: {  	_ =	shalt  }
0x66: {  	_ =	shalt  }
0x67: {  	_ =	shalt  }
0x68: {  	_ =	shalt  }
0x69: {  	_ =	shalt  }
0x6a: {  	_ =	shalt  }
0x6b: {  	_ =	shalt  }
0x6c: {  	_ =	shalt  }
0x6d: {  	_ =	shalt  }
0x6e: {  	_ =	shalt  }
0x6f: {  	_ =	shalt  }
0x70: {  	_ =	shalt  }
0x71: {  	_ =	shalt  }
0x72: {  	_ =	shalt  }
0x73: {  	_ =	shalt  }
0x74: {  	_ =	shalt  }
0x75: {  	_ =	shalt  }
0x76: {  	_ =	shalt  }
0x77: {  	_ =	shalt  }
0x78: {  	_ =	shalt  }
0x79: {  	_ =	shalt  }
0x7a: {  	_ =	shalt  }
0x7b: {  	_ =	shalt  }
0x7c: {  	_ =	shalt  }
0x7d: {  	_ =	shalt  }
0x7e: {  	_ =	shalt  }
0x7f: {  	_ =	shalt  }
0x80: {  	_ =	shalt  }
0x81: {  	_ =	shalt  }
0x82: {  	_ =	shalt  }
0x83: {  	_ =	shalt  }
0x84: {  	_ =	shalt  }
0x85: {  	_ =	shalt  }
0x86: {  	_ =	shalt  }
0x87: {  	_ =	shalt  }
.Lfunc_end0:
.L_simem_size_0:
called_computation_lowered:
.L_overlay_start_0:
0x88: {  	s2 =	sld [smem:$0x3FD9]  }
0x89: {  	s3 =	sld [smem:$0x3FFE];
	_ =	sdelay $0x1  }
0x8a: {  	s1 =	srdreg.scid  }
0x8b: {  	s0 =	sand.u32 $0x1, s1  }
0x8c: {  	s16 =	sshll.u32 s0, $0xA;
	s2 =	sadd.s32 s3, s2  }
0x8d: {  	s2 =	sadd.s32 s2, s16  }
0x8e: {  	[smem:$0x3FA5] =	sst s2  }
0x8f: {  	_ = 	snop  }
0x90: {  	(tm) =	ssettm $0x1  }
0x91: {  	s17 =	sld [smem:$0x3FFB];
	_ =	sdelay $0x3  }
0x92: {  	_ =	strace s17  }
0x93: {  	s2 =	sld [smem:$0x3FFC];
	_ =	sdelay $0x3  }
0x94: {  	_ =	strace s2  }
0x95: {  	s2 =	sld [smem:$0x3FFD];
	_ =	sdelay $0x3  }
0x96: {  	_ =	strace s2  }
0x97: {  	_ =	strace $0x8FFFFFFF  }
0x98: {  	s18 =	sld [smem:$0x3FDB];
	_ =	sdelay $0x1  }
0x99: {  	s19 =	simm.s32 $_scs_section_size  }
0x9a: {  	s4 =	simm.s32 $_size__tile_overlayer_lowered;
	s5 =	simm.s32 $_tile_overlayer_lowered  }
0x9b: {  	s22 =	simm.s32 $0x1BFF;
	s21 =	sshll.u32 s5, $0x1;
	s2 =	sadd.s32 s19, s18  }
0x9c: {  	s6 =	simm.s32 $0x0;
	s20 =	sshll.u32 s4, $0x1;
	s4 =	sadd.s32 s21, s2  }
0x9d: {  	[timem:s6], [sflag:s22] =	dma.local [hbm:s4], s20  }
0x9e: {  	_ =	swait.ge [sflag:s22], s20  }
0x9f: {  	s3 =	ssub.s32 $0x0, s20;
	[sflag:s22] =	ssyncset.done $0x0  }
0xa0: {  	[sflag:s22] =	ssyncadd.s32 s3;
	_ =	sdelay $0x1  }
0xa1: {  	s23 =	simm.s32 $0x1B8B  }
0xa2: {  	_ =	swait.ge [sflag:s23], $0x1  }
0xa3: {  	[sflag:s23] =	ssyncset.done $0x0  }
0xa4: {  	s25 =	simm.s32 $0x1B8E;
	s24 =	sld [smem:$0x3FFE];
	[sflag:s23] =	ssyncadd.s32 $0xFFFFFFFF  }
0xa5: {  	s26 =	simm.s32 $execute0_lowered;
	[smem:$0x3FD2] =	sst s25  }
0xa6: {  	s4 =	sshll.u32 s26, $0x1;
	_ =	strace $0x80000046;
	[dreg:$0x1] =	wrdreg $0xFFFFFFFF  }
0xa7: {  	s28 =	simm.s32 $_size_execute0_lowered;
	s2 =	sadd.s32 s2, s4;
	[dreg:$0x0] =	wrdreg $0x0  }
0xa8: {  	s4 =	sshll.u32 s28, $0x1;
	[dreg:$0x2] =	wrdreg s2  }
0xa9: {  	[dreg:$0x3] =	wrdreg s4  }
0xaa: {  	[dreg:$0x4] =	wrdreg $0xC0  }
0xab: {  	_ =	task [dreg:s6], $0x5FFFF  }
0xac: {  	[dreg:$0x1] =	wrdreg $0xFFFFFFFF  }
0xad: {  	[dreg:$0x0] =	wrdreg $0x60  }
0xae: {  	[dreg:$0x2] =	wrdreg s24  }
0xaf: {  	[dreg:$0x3] =	wrdreg $0xFC000  }
0xb0: {  	[dreg:$0x4] =	wrdreg $0x9  }
0xb1: {  	_ =	task.clear_ibuf [dreg:s6], $0x5FFFF;
	_ =	strace $0x90000046  }
0xb2: {  	s29 =	simm.s32 $0x9;
	_ =	strace $0x80000048  }
0xb3: {  	_ =	swait.ge [sflag:s29], $0x1  }
0xb4: {  	[sflag:s29] =	ssyncadd.s32 $0xFFFFFFFF  }
0xb5: {  	_ =	strace $0x90000048  }
0xb6: {  	_ =	sfence  }
0xb7: {  	s30 =	sld [smem:$0x0];
	_ =	sdelay $0x2  }
0xb8: {  	s31 =	sshll.u32 s1, $0xD;
	s1 =	sshrl.u32 s1, $0x2  }
0xb9: {  	s3 =	sand.u32 $0x4000, s31;
	s1 =	sadd.s32 s1, s30  }
0xba: {  	s0 =	sor.u32 s3, s0;
	s1 =	sshll.u32 s1, $0x11  }
0xbb: {  	s0 =	sor.u32 s1, s0  }
0xbc: {  	s0 =	sadd.s32 $0x8F2B, s0  }
0xbd: {  	[sflag:s0] =	ssyncadd.remote.s32 $0x1  }
0xbe: {  	_ =	sfence.sel $0xFFFF  }
0xbf: {  	[dreg:$0x0] =	wrdreg $0xFFFFFFFF;
	(pc) =	sbr.abs _section_cstart, $3  }
0xc0: {  	[dreg:$0x1] =	wrdreg $0xFFFFFFFF  }
0xc1: {  	_ =	task.clear_ibuf [dreg:s6], $0x2FFFF;
	_ =	strace $0x9FFFFFFF  }
0xc2: {  	(tm) =	ssettm $0x7FFFFFFF  }
0xc3: {  	_ =	shalt  }
tec
execute0_lowered:
.L_overlay_start_1:
0x0: {  	(tag) =	ssettag $0x1  }
0x1: {  	s0 =	rddreg [dreg:$0x0]  }
0x2: {  	s2 =	rddreg [dreg:$0x1];
	s3 =	simm.s32 $0x0;
	s1 =	stileid.u32  }
0x3: {  	s5 =	srdreg.scid;
	s18 =	simm.s32 $0x1;
	s4 =	smul.u32 $0x60, s1  }
0x4: {  	s19 =	simm.s32 $0x300;
	s28 =	simm.s32 $0x8900;
	s14 =	smul.u32 $0x120, s1  }
0x5: {  	s29 =	simm.s32 $0xCA00;
	s31 =	simm.s32 $0xCB00;
	s23 =	smul.u32 $0x24000, s1  }
0x6: {  	[smem:$0x7FF] =	sst s3;
	s8 =	sadd.s32 $0x2A00, s0;
	s25 =	smul.u32 $0x18000, s1  }
0x7: {  	s5 =	sand.u32 $0x1, s5;
	s6 =	sadd.s32 $0x33600, s0;
	s9 =	smul.u32 $0x3000, s1  }
0x8: {  	_ =	strace $0x80000047;
	s7 =	ssub.s32 $0x2, s5;
	[dreg:$0x3] =	wrdreg s6  }
0x9: {  	s30 =	smul.u32 $0x1200, s5;
	s4 =	sadd.s32 s4, s0;
	s0 =	sadd.s32 $0x33C00, s0  }
0xa: {  	s20 =	sshrl.u32 s7, $0x1;
	s24 =	sshrl.u32 s23, $0x2;
	s15 =	sadd.s32 $0x60, s14  }
0xb: {  	s16 =	sadd.s32 $0xC0, s14;
	s10 =	sshrl.u32 s25, $0x3;
	s23 =	simm.s32 $0x80  }
0xc: {  	s25 =	simm.s32 $0x4900;
	s17 =	ssub.s32 s7, s20;
	s21 =	sadd.s32 $0x32A00, s4  }
0xd: {  	s22 =	sadd.s32 $0x33000, s4;
	s4 =	sadd.s32 $0x2400, s4;
	s5 =	sadd.s32 s24, s2  }
0xe: {  	s26 =	sshll.u32 s15, $0x7;
	s11 =	sshll.u32 s16, $0x7;
	s7 =	sadd.s32 s8, s9  }
0xf: {  	s13 =	sadd.s32 s8, s10;
	s14 =	sadd.s32 s14, s30;
	s15 =	sadd.s32 s30, s15  }
0x10: {  	s16 =	sadd.s32 s30, s16;
	s20 =	simm.s32 $0x600;
	[dreg:$0x4] =	wrdreg s21  }
0x11: {  	s24 =	simm.s32 $0xC900;
	v0 =	vmov s30;
	s30 =	simm.s32 $0xCA80;
	[dreg:$0x5] =	wrdreg s22  }
0x12: {  	s6 =	sadd.s32 s26, s2;
	s8 =	sadd.s32 s11, s2;
	s9 =	sadd.s32 $0x800, s7  }
0x13: {  	s10 =	sadd.s32 $0x1000, s13;
	s11 =	sadd.s32 $0x1800, s13;
	s12 =	sadd.s32 $0x2000, s13  }
0x14: {  	s13 =	sadd.s32 $0x2800, s13;
	s14 =	sshll.u32 s14, $0x4;
	s15 =	sshll.u32 s15, $0x4  }
0x15: {  	s16 =	sshll.u32 s16, $0x4;
	s17 =	smax.u32 s17, $0x1;
	s21 =	simm.s32 $0xCC00  }
0x16: {  	s22 =	simm.s32 $0x900;
	s26 =	simm.s32 $0xC980;
	s14 =	sadd.s32 s0, s14  }
0x17: {  	s15 =	sadd.s32 s0, s15;
	s16 =	sadd.s32 s0, s16;
	s0 =	simm.s32 $0xCB80  }
.LBB2_1:
0x18: {  	s1 =	rddreg [dreg:$0x4]  }
0x19: {  	[tilespmem:s3], [sflag:$0x1] =	stream.linear.gather [hbm4b:s1+s3], $0x300, $0x38;
	[tilespmem:$0x18C40] =	vst v63  }
0x1a: {  	_ =	swait.ge [sflag:s18], $0x300  }
0x1b: {  	[sflag:s18] =	ssyncset.done $0x0  }
0x1c: {  	s1 =	rddreg [dreg:$0x5];
	[sflag:s18] =	ssyncadd.s32 $0xFFFFFD00  }
0x1d: {  	[tilespmem:s19], [sflag:$0x1] =	stream.linear.gather [hbm4b:s1+s3], $0x300, $0x38;
	[tilespmem:$0x18C40] =	vst v63  }
0x1e: {  	_ =	swait.ge [sflag:s18], $0x300  }
0x1f: {  	[sflag:s18] =	ssyncset.done $0x0  }
0x20: {  	[sflag:s18] =	ssyncadd.s32 $0xFFFFFD00  }
0x21: {  	[tilespmem:s20], [sflag:$0x1] =	stream.linear.gather [hbm4b:s4+s3], $0x300, $0x38;
	[tilespmem:$0x18C40] =	vst v63  }
0x22: {  	_ =	swait.ge [sflag:s18], $0x300  }
0x23: {  	[sflag:s18] =	ssyncset.done $0x0  }
0x24: {  	s1 =	rddreg [dreg:$0x3];
	[sflag:s18] =	ssyncadd.s32 $0xFFFFFD00  }
0x25: {  	[tilespmem:s21], [sflag:$0x1] =	stream.linear.gather [hbm4b:s1+s3], $0x3000, $0x38;
	[tilespmem:$0x18C40] =	vst v63  }
0x26: {  	_ =	swait.ge [sflag:s18], $0x3000  }
0x27: {  	[sflag:s18] =	ssyncset.done $0x0  }
0x28: {  	[sflag:s18] =	ssyncadd.s32 $0xFFFFD000  }
0x29: {  	[spmem:s5] =	stream.linear.scatter [tilespmem:s21], [sflag:$0x1], $0x3000, $0x38;
	[tilespmem:$0x18C40] =	vst v63  }
0x2a: {  	_ =	swait.ge [sflag:s18], $0x3000  }
0x2b: {  	[sflag:s18] =	ssyncset.done $0x0  }
0x2c: {  	[sflag:s18] =	ssyncadd.s32 $0xFFFFD000  }
0x2d: {  	[spmem:s6] =	stream.linear.scatter [tilespmem:s21], [sflag:$0x1], $0x3000, $0x38;
	[tilespmem:$0x18C40] =	vst v63  }
0x2e: {  	_ =	swait.ge [sflag:s18], $0x3000  }
0x2f: {  	[sflag:s18] =	ssyncset.done $0x0  }
0x30: {  	[sflag:s18] =	ssyncadd.s32 $0xFFFFD000  }
0x31: {  	[spmem:s8] =	stream.linear.scatter [tilespmem:s21], [sflag:$0x1], $0x3000, $0x38;
	[tilespmem:$0x18C40] =	vst v63  }
0x32: {  	_ =	swait.ge [sflag:s18], $0x3000  }
0x33: {  	[sflag:s18] =	ssyncset.done $0x0  }
0x34: {  	[sflag:s18] =	ssyncadd.s32 $0xFFFFD000  }
0x35: {  	v3 =	vld [tilespmem:$0x6C0];
	_ =	sdelay $0x4  }
0x36: {  	[tilespmem:$0x1FE40] =	vst v3;
	v3 =	vld [tilespmem:$0x6F0];
	_ =	sdelay $0x4  }
0x37: {  	[tilespmem:$0x1FE50] =	vst v3;
	v3 =	vld [tilespmem:$0x700];
	_ =	sdelay $0x4  }
0x38: {  	[tilespmem:$0x1FE60] =	vst v3;
	v3 =	vld [tilespmem:$0x710];
	_ =	sdelay $0x4  }
0x39: {  	[tilespmem:$0x1FE70] =	vst v3;
	v3 =	vld [tilespmem:$0x720];
	_ =	sdelay $0x4  }
0x3a: {  	[tilespmem:$0x1FE90] =	vst v3;
	v3 =	vld [tilespmem:$0x730];
	_ =	sdelay $0x4  }
0x3b: {  	[tilespmem:$0x1FEA0] =	vst v3;
	v3 =	vld [tilespmem:$0x740]  }
0x3c: {  	v1 =	vld [tilespmem:$0x0]  }
0x3d: {  	v2 =	vld [tilespmem:$0x300]  }
0x3e: {  	v48 =	vld [tilespmem:$0x600]  }
0x3f: {  	v4 =	vld [tilespmem:$0x10]  }
0x40: {  	[tilespmem:$0x1FEB0] =	vst v3;
	v3 =	vld [tilespmem:$0x150]  }
0x41: {  	v5 =	vld [tilespmem:$0x310]  }
0x42: {  	v6 =	vld [tilespmem:$0x610]  }
0x43: {  	v7 =	vld [tilespmem:$0x20]  }
0x44: {  	v8 =	vld [tilespmem:$0x320]  }
0x45: {  	[tilespmem:$0x1FE80] =	vst v3;
	v3 =	vld [tilespmem:$0x750]  }
0x46: {  	v9 =	vld [tilespmem:$0x620]  }
0x47: {  	v10 =	vld [tilespmem:$0x30]  }
0x48: {  	v11 =	vld [tilespmem:$0x330]  }
0x49: {  	v23 =	vld [tilespmem:$0x630]  }
0x4a: {  	[tilespmem:$0x1FF20] =	vst v3;
	v3 =	vld [tilespmem:$0x760]  }
0x4b: {  	v14 =	vld [tilespmem:$0x40]  }
0x4c: {  	v16 =	vld [tilespmem:$0x340]  }
0x4d: {  	v19 =	vld [tilespmem:$0x640]  }
0x4e: {  	v31 =	vld [tilespmem:$0x50]  }
0x4f: {  	[tilespmem:$0x1FF30] =	vst v3;
	v3 =	vld [tilespmem:$0x770]  }
0x50: {  	v34 =	vld [tilespmem:$0x350]  }
0x51: {  	v43 =	vld [tilespmem:$0x650]  }
0x52: {  	v49 =	vld [tilespmem:$0x60]  }
0x53: {  	v50 =	vld [tilespmem:$0x360]  }
0x54: {  	[tilespmem:$0x1FF40] =	vst v3;
	v3 =	vld [tilespmem:$0x180]  }
0x55: {  	v51 =	vld [tilespmem:$0x660]  }
0x56: {  	v52 =	vld [tilespmem:$0x70]  }
0x57: {  	v53 =	vld [tilespmem:$0x370]  }
0x58: {  	v54 =	vld [tilespmem:$0x670]  }
0x59: {  	[tilespmem:$0x1FEC0] =	vst v3;
	v3 =	vld [tilespmem:$0x480]  }
0x5a: {  	v55 =	vld [tilespmem:$0x80]  }
0x5b: {  	v56 =	vld [tilespmem:$0x380]  }
0x5c: {  	v57 =	vld [tilespmem:$0x680]  }
0x5d: {  	v58 =	vld [tilespmem:$0x90]  }
0x5e: {  	[tilespmem:$0x1FED0] =	vst v3;
	v3 =	vld [tilespmem:$0x780]  }
0x5f: {  	v59 =	vld [tilespmem:$0x390]  }
0x60: {  	v60 =	vld [tilespmem:$0x690]  }
0x61: {  	v61 =	vld [tilespmem:$0xA0]  }
0x62: {  	v62 =	vld [tilespmem:$0x3A0]  }
0x63: {  	[tilespmem:$0x1FF70] =	vst v3;
	v3 =	vld [tilespmem:$0x190]  }
0x64: {  	v63 =	vld [tilespmem:$0x6A0]  }
0x65: {  	v13 =	vld [tilespmem:$0xB0]  }
0x66: {  	v12 =	vld [tilespmem:$0x3B0]  }
0x67: {  	v30 =	vld [tilespmem:$0x6B0]  }
0x68: {  	[tilespmem:$0x1FEE0] =	vst v3;
	v3 =	vld [tilespmem:$0x490]  }
0x69: {  	v21 =	vld [tilespmem:$0xC0]  }
0x6a: {  	v20 =	vld [tilespmem:$0x3C0]  }
0x6b: {  	v18 =	vld [tilespmem:$0xD0]  }
0x6c: {  	v22 =	vld [tilespmem:$0x3D0]  }
0x6d: {  	[tilespmem:$0x1FEF0] =	vst v3;
	v3 =	vld [tilespmem:$0x790]  }
0x6e: {  	v45 =	vld [tilespmem:$0x6D0]  }
0x6f: {  	v15 =	vld [tilespmem:$0xE0]  }
0x70: {  	v17 =	vld [tilespmem:$0x3E0]  }
0x71: {  	v39 =	vld [tilespmem:$0x6E0]  }
0x72: {  	[tilespmem:$0x1FF80] =	vst v3;
	v3 =	vld [tilespmem:$0x1A0]  }
0x73: {  	v28 =	vld [tilespmem:$0xF0]  }
0x74: {  	v27 =	vld [tilespmem:$0x3F0]  }
0x75: {  	v26 =	vld [tilespmem:$0x100]  }
0x76: {  	v29 =	vld [tilespmem:$0x400]  }
0x77: {  	[tilespmem:$0x1FF00] =	vst v3;
	v3 =	vld [tilespmem:$0x4A0]  }
0x78: {  	v24 =	vld [tilespmem:$0x110]  }
0x79: {  	v25 =	vld [tilespmem:$0x410]  }
0x7a: {  	v37 =	vld [tilespmem:$0x120]  }
0x7b: {  	v36 =	vld [tilespmem:$0x420]  }
0x7c: {  	[tilespmem:$0x1FF10] =	vst v3;
	v3 =	vld [tilespmem:$0x7A0]  }
0x7d: {  	v35 =	vld [tilespmem:$0x130]  }
0x7e: {  	v38 =	vld [tilespmem:$0x430]  }
0x7f: {  	v32 =	vld [tilespmem:$0x140]  }
0x80: {  	v33 =	vld [tilespmem:$0x440]  }
0x81: {  	[tilespmem:$0x1FF90] =	vst v3;
	v3 =	vld [tilespmem:$0x1B0]  }
0x82: {  	v44 =	vmul.u32 $0x900, v1;
	v1 =	vld [tilespmem:$0x7B0]  }
0x83: {  	v46 =	vld [tilespmem:$0x450]  }
0x84: {  	v40 =	vld [tilespmem:$0x160]  }
0x85: {  	v47 =	vld [tilespmem:$0x460]  }
0x86: {  	[tilespmem:$0x1FF50] =	vst v3;
	v3 =	vld [tilespmem:$0x4B0]  }
0x87: {  	v41 =	vld [tilespmem:$0x170];
	v4 =	vmul.u32 $0x900, v4;
	[tilespmem:$0x1FFA0] =	vst v1;
	v1 =	vmul.u32 $0x30, v5  }
0x88: {  	v42 =	vld [tilespmem:$0x470];
	v14 =	vmul.u32 $0x900, v14;
	v16 =	vmul.u32 $0x30, v16  }
0x89: {  	v5 =	vld [tilespmem:$0x4C0];
	v1 =	vadd.s32 v4, v1  }
0x8a: {  	v8 =	vmul.u32 $0x30, v8;
	v4 =	vld [tilespmem:$0x4D0];
	v1 =	vadd.s32 v6, v1;
	v6 =	vadd.s32 v14, v16  }
0x8b: {  	v14 =	vmul.u32 $0x900, v55;
	v55 =	vld [tilespmem:$0x200];
	[tilespmem:$0x1FF60] =	vst v3;
	v3 =	vmul.u32 $0x30, v2;
	v2 =	vmul.u32 $0x900, v7  }
0x8c: {  	v7 =	vld [tilespmem:$0x1C0]  }
0x8d: {  	v10 =	vmul.u32 $0x900, v10;
	v3 =	vadd.s32 v44, v3;
	v8 =	vadd.s32 v2, v8;
	v2 =	vld [tilespmem:$0x7C0]  }
0x8e: {  	v11 =	vmul.u32 $0x30, v11;
	v56 =	vmul.u32 $0x30, v56;
	v44 =	vld [tilespmem:$0x1D0];
	v3 =	vadd.s32 v48, v3  }
0x8f: {  	[tilespmem:$0x1FFD0] =	vst v1;
	v1 =	vadd.s32 v9, v8;
	v48 =	vld [tilespmem:$0x1E0];
	v8 =	vmul.u32 $0x900, v49;
	v9 =	vmul.u32 $0x30, v50  }
0x90: {  	v50 =	vadd.s32 v19, v6;
	v49 =	vadd.s32 v14, v56;
	v56 =	vld [tilespmem:$0x510];
	[tilespmem:$0x1FFE0] =	vst v1;
	v1 =	vadd.s32 v10, v11  }
0x91: {  	[tilespmem:$0x1FFC0] =	vst v3;
	v10 =	vmul.u32 $0x900, v52;
	v3 =	vld [tilespmem:$0x4E0];
	v11 =	vmul.u32 $0x30, v53;
	v49 =	vadd.s32 v57, v49  }
0x92: {  	v53 =	vld [tilespmem:$0x4F0];
	v52 =	vadd.s32 v23, v1;
	v23 =	vmul.u32 $0x30, v59;
	v59 =	vmul.u32 $0x30, v62  }
0x93: {  	v57 =	vld [tilespmem:$0x810];
	v6 =	vadd.s32 v10, v11;
	v11 =	vmul.u32 $0x900, v58;
	v58 =	vmul.u32 $0x900, v61  }
0x94: {  	v31 =	vmul.u32 $0x900, v31;
	[tilespmem:$0x1FFB0] =	vst v2;
	v2 =	vmul.u32 $0x30, v34;
	v34 =	vld [tilespmem:$0x7D0]  }
0x95: {  	v13 =	vmul.u32 $0x900, v13;
	v12 =	vmul.u32 $0x30, v12;
	v62 =	vadd.s32 v58, v59;
	v58 =	vld [tilespmem:$0x520]  }
0x96: {  	v59 =	vld [tilespmem:$0x820]  }
0x97: {  	v12 =	vadd.s32 v13, v12;
	v61 =	vadd.s32 v11, v23;
	v2 =	vadd.s32 v31, v2;
	v31 =	vld [tilespmem:$0x7E0]  }
0x98: {  	v13 =	vadd.s32 v60, v61;
	v11 =	vadd.s32 v63, v62;
	v61 =	vmul.u32 $0x30, v27;
	v27 =	vld [tilespmem:$0x1FE40]  }
0x99: {  	v63 =	vmul.u32 $0x30, v29;
	v29 =	vmul.u32 $0x30, v36;
	v36 =	vmul.u32 $0x900, v40;
	v40 =	vld [tilespmem:$0x250]  }
0x9a: {  	v1 =	vadd.s32 v43, v2;
	v43 =	vld [tilespmem:$0x7F0]  }
0x9b: {  	v2 =	vadd.s32 v8, v9;
	v8 =	vadd.s32 v54, v6;
	v54 =	vld [tilespmem:$0x210]  }
0x9c: {  	v9 =	vadd.s32 v30, v12;
	v30 =	vld [tilespmem:$0x220]  }
0x9d: {  	v6 =	vmul.u32 $0x900, v21;
	v21 =	vmul.u32 $0x30, v20;
	v20 =	vmul.u32 $0x900, v37;
	v37 =	vld [tilespmem:$0x240]  }
0x9e: {  	v18 =	vmul.u32 $0x900, v18;
	v23 =	vmul.u32 $0x30, v22;
	[tilespmem:$0x1FFF0] =	vst v1;
	v1 =	vld [tilespmem:$0x1F0]  }
0x9f: {  	v10 =	vadd.s32 v51, v2;
	v2 =	vld [tilespmem:$0x500]  }
0xa0: {  	v24 =	vmul.u32 $0x900, v24;
	v62 =	vmul.u32 $0x900, v26;
	v14 =	vadd.s32 v18, v23;
	v51 =	vld [tilespmem:$0x800]  }
0xa1: {  	v26 =	vmul.u32 $0x30, v25;
	v14 =	vadd.s32 v45, v14;
	v45 =	vld [tilespmem:$0x530];
	v12 =	vadd.s32 v6, v21  }
0xa2: {  	v60 =	vmul.u32 $0x900, v28;
	v28 =	vadd.s32 v62, v63;
	v16 =	vadd.s32 v27, v12;
	v27 =	vld [tilespmem:$0x1FE60]  }
0xa3: {  	v18 =	vadd.s32 v24, v26;
	v62 =	vmul.u32 $0x900, v32;
	v63 =	vmul.u32 $0x30, v33;
	v26 =	vld [tilespmem:$0x1FE50]  }
0xa4: {  	v33 =	vmul.u32 $0x30, v46;
	v46 =	vmul.u32 $0x30, v47;
	v47 =	vmul.u32 $0x900, v41;
	v41 =	vld [tilespmem:$0x550]  }
0xa5: {  	v15 =	vmul.u32 $0x900, v15;
	v17 =	vmul.u32 $0x30, v17;
	v21 =	vadd.s32 v62, v63;
	v62 =	vld [tilespmem:$0x1FE90]  }
0xa6: {  	v63 =	vld [tilespmem:$0x1FEA0]  }
0xa7: {  	v15 =	vadd.s32 v15, v17;
	v17 =	vadd.s32 v27, v28;
	v28 =	vld [tilespmem:$0x1FE70]  }
0xa8: {  	v23 =	vadd.s32 v36, v46;
	v46 =	vld [tilespmem:$0x260]  }
0xa9: {  	v12 =	vadd.s32 v39, v15;
	v39 =	vld [tilespmem:$0x230]  }
0xaa: {  	v15 =	vadd.s32 v60, v61;
	v60 =	vmul.u32 $0x900, v35;
	v35 =	vld [tilespmem:$0x830]  }
0xab: {  	v61 =	vmul.u32 $0x30, v38;
	v38 =	vld [tilespmem:$0x540]  }
0xac: {  	v19 =	vadd.s32 v26, v15;
	v15 =	vadd.s32 v28, v18;
	v18 =	vadd.s32 v20, v29;
	v29 =	vld [tilespmem:$0x1FE80]  }
0xad: {  	v26 =	vld [tilespmem:$0x1FEC0]  }
0xae: {  	v22 =	vadd.s32 v62, v18;
	v18 =	vld [tilespmem:$0x1FEB0]  }
0xaf: {  	v27 =	vld [tilespmem:$0x1FED0]  }
0xb0: {  	v20 =	vadd.s32 v60, v61;
	v60 =	vld [tilespmem:$0x840]  }
0xb1: {  	v62 =	vld [tilespmem:$0x1FF20];
	v32 =	vmul.u32 $0x900, v29  }
0xb2: {  	v61 =	vmul.u32 $0x30, v42;
	v42 =	vld [tilespmem:$0x850]  }
0xb3: {  	v18 =	vadd.s32 v18, v21;
	v21 =	vadd.s32 v32, v33;
	v32 =	vld [tilespmem:$0x1FF00]  }
0xb4: {  	v33 =	vld [tilespmem:$0x1FF10]  }
0xb5: {  	v28 =	vld [tilespmem:$0x1FEE0]  }
0xb6: {  	v25 =	vadd.s32 v62, v21;
	v21 =	vld [tilespmem:$0x1FF40]  }
0xb7: {  	v20 =	vadd.s32 v63, v20;
	v63 =	vld [tilespmem:$0x1FF30]  }
0xb8: {  	v26 =	vmul.u32 $0x900, v26;
	v27 =	vmul.u32 $0x30, v27;
	v29 =	vld [tilespmem:$0x1FEF0]  }
0xb9: {  	v24 =	vadd.s32 v47, v61;
	v47 =	vld [tilespmem:$0x560];
	v32 =	vmul.u32 $0x900, v32;
	v36 =	vmul.u32 $0x30, v33  }
0xba: {  	v33 =	vld [tilespmem:$0x1FF50]  }
0xbb: {  	v21 =	vadd.s32 v21, v24;
	v24 =	vadd.s32 v26, v27;
	v27 =	vadd.s32 v32, v36;
	v36 =	vld [tilespmem:$0x1FF60]  }
0xbc: {  	v61 =	vld [tilespmem:$0x860]  }
0xbd: {  	v28 =	vmul.u32 $0x900, v28;
	v23 =	vadd.s32 v63, v23;
	v63 =	vld [tilespmem:$0x570];
	v29 =	vmul.u32 $0x30, v29  }
0xbe: {  	v62 =	vld [tilespmem:$0x270]  }
0xbf: {  	v26 =	vadd.s32 v28, v29;
	v28 =	vld [tilespmem:$0x870]  }
0xc0: {  	v29 =	vmul.u32 $0x900, v33;
	v32 =	vmul.u32 $0x30, v36;
	v36 =	vmul.u32 $0x30, v4;
	v4 =	vld [tilespmem:$0x1FF70]  }
0xc1: {  	v5 =	vmul.u32 $0x30, v5;
	v7 =	vmul.u32 $0x900, v7;
	v33 =	vmul.u32 $0x900, v44;
	v44 =	vld [tilespmem:$0x280]  }
0xc2: {  	v29 =	vadd.s32 v29, v32;
	v32 =	vld [tilespmem:$0x880]  }
0xc3: {  	v5 =	vadd.s32 v7, v5;
	v7 =	vadd.s32 v33, v36;
	v33 =	vmul.u32 $0x900, v48;
	v48 =	vld [tilespmem:$0x290]  }
0xc4: {  	v36 =	vmul.u32 $0x900, v1;
	v1 =	vmul.u32 $0x30, v2;
	v2 =	vld [tilespmem:$0x590]  }
0xc5: {  	v3 =	vmul.u32 $0x30, v3;
	v53 =	vmul.u32 $0x30, v53;
	v6 =	vadd.s32 v4, v24;
	v24 =	vld [tilespmem:$0x1FF80]  }
0xc6: {  	v55 =	vmul.u32 $0x900, v55;
	v4 =	vld [tilespmem:$0x1FFA0]  }
0xc7: {  	v3 =	vadd.s32 v33, v3;
	v33 =	vadd.s32 v36, v53;
	v53 =	vld [tilespmem:$0x2A0]  }
0xc8: {  	v1 =	vadd.s32 v55, v1;
	v55 =	vmul.u32 $0x900, v30;
	v30 =	vld [tilespmem:$0x8A0]  }
0xc9: {  	v58 =	vmul.u32 $0x30, v58;
	v36 =	vadd.s32 v31, v3;
	v3 =	vld [tilespmem:$0x2B0]  }
0xca: {  	v45 =	vmul.u32 $0x30, v45;
	v39 =	vmul.u32 $0x900, v39;
	v26 =	vadd.s32 v24, v26;
	v24 =	vld [tilespmem:$0x1FF90]  }
0xcb: {  	v37 =	vmul.u32 $0x900, v37;
	v41 =	vmul.u32 $0x30, v41;
	v4 =	vadd.s32 v4, v29;
	v29 =	vld [tilespmem:$0x1FFB0]  }
0xcc: {  	v39 =	vadd.s32 v39, v45;
	v45 =	vmul.u32 $0x30, v38;
	v33 =	vadd.s32 v43, v33;
	v43 =	vld [tilespmem:$0x5B0]  }
0xcd: {  	v46 =	vmul.u32 $0x900, v46;
	v47 =	vmul.u32 $0x30, v47;
	v58 =	vadd.s32 v55, v58;
	v55 =	vld [tilespmem:$0x2C0]  }
0xce: {  	v35 =	vadd.s32 v35, v39;
	v38 =	vadd.s32 v59, v58;
	v59 =	vadd.s32 v37, v45;
	v45 =	vld [tilespmem:$0x8C0]  }
0xcf: {  	v1 =	vadd.s32 v51, v1;
	v51 =	vmul.u32 $0x900, v40;
	v58 =	vadd.s32 v46, v47;
	v47 =	vld [tilespmem:$0x2D0]  }
0xd0: {  	v2 =	vmul.u32 $0x30, v2;
	v24 =	vadd.s32 v24, v27;
	v27 =	vld [tilespmem:$0x580];
	v29 =	vadd.s32 v29, v5  }
0xd1: {  	v5 =	vadd.s32 v34, v7;
	v7 =	vld [tilespmem:$0x890];
	v34 =	vmul.u32 $0x900, v54;
	v54 =	vmul.u32 $0x30, v56  }
0xd2: {  	v37 =	vadd.s32 v60, v59;
	v59 =	vmul.u32 $0x900, v62;
	v62 =	vmul.u32 $0x900, v48;
	v56 =	vld [tilespmem:$0x5A0]  }
0xd3: {  	v51 =	vadd.s32 v51, v41;
	v60 =	vmul.u32 $0x30, v63;
	v31 =	vadd.s32 v34, v54;
	v54 =	vld [tilespmem:$0x8B0]  }
0xd4: {  	v2 =	vadd.s32 v62, v2;
	v3 =	vmul.u32 $0x900, v3;
	v40 =	vadd.s32 v57, v31;
	v57 =	vld [tilespmem:$0x5C0]  }
0xd5: {  	v62 =	vmul.u32 $0x30, v43;
	v31 =	vadd.s32 v61, v58;
	v61 =	vmul.u32 $0x900, v44;
	v44 =	vld [tilespmem:$0x5D0]  }
0xd6: {  	v48 =	vld [tilespmem:$0x2E0];
	v63 =	vmul.u32 $0x900, v53;
	v39 =	vadd.s32 v59, v60;
	v27 =	vmul.u32 $0x30, v27  }
0xd7: {  	v41 =	vadd.s32 v28, v39;
	v28 =	vld [tilespmem:$0x2F0];
	v3 =	vadd.s32 v3, v62;
	v60 =	vmul.u32 $0x30, v56  }
0xd8: {  	v34 =	vadd.s32 v42, v51;
	v43 =	vadd.s32 v7, v2;
	v2 =	vld [tilespmem:$0x8D0];
	v27 =	vadd.s32 v61, v27  }
0xd9: {  	v51 =	vld [tilespmem:$0x5F0];
	v61 =	vadd.s32 v63, v60;
	v63 =	vmul.u32 $0x900, v55;
	v42 =	vadd.s32 v54, v3  }
0xda: {  	v56 =	vld [tilespmem:$0x5E0];
	v3 =	vmul.u32 $0x900, v47;
	v57 =	vmul.u32 $0x30, v57;
	v59 =	vmul.u32 $0x30, v44  }
0xdb: {  	v58 =	vld [tilespmem:$0x8E0]  }
0xdc: {  	v60 =	vld [tilespmem:$0x8F0];
	v7 =	vadd.s32 v63, v57;
	v3 =	vadd.s32 v3, v59  }
0xdd: {  	v47 =	vadd.s32 v45, v7;
	v45 =	vadd.s32 v2, v3;
	v3 =	vld [tilespmem:$0x1FFC0]  }
0xde: {  	v63 =	vmul.u32 $0x30, v51;
	v51 =	vld [tilespmem:$0x1FFD0]  }
0xdf: {  	v53 =	vld [tilespmem:$0x1FFE0];
	v39 =	vadd.s32 v30, v61;
	v61 =	vmul.u32 $0x900, v48;
	v62 =	vmul.u32 $0x30, v56  }
0xe0: {  	v28 =	vmul.u32 $0x900, v28  }
0xe1: {  	v46 =	vadd.s32 v32, v27;
	v2 =	vadd.s32 v61, v62  }
0xe2: {  	v59 =	vld [tilespmem:$0x1FFF0];
	v44 =	vadd.s32 v58, v2;
	v2 =	vadd.s32 v28, v63;
	v48 =	vshrl.u32 v3, $0x2  }
0xe3: {  	v7 =	vshrl.u32 v51, $0x2;
	v3 =	vadd.s32 v60, v2;
	v2 =	vsub.s32 v48, v0  }
0xe4: {  	v27 =	vshrl.u32 v53, $0x2;
	v7 =	vsub.s32 v7, v0;
	v2 =	vmin.u32 v2, $0x1200  }
0xe5: {  	v55 =	vshrl.u32 v52, $0x2;
	v54 =	vsub.s32 v27, v0;
	[tilespmem:$0xC900] =	vst v2;
	v2 =	vmin.u32 v7, $0x1200  }
0xe6: {  	v56 =	vsub.s32 v55, v0;
	v57 =	vshrl.u32 v50, $0x2;
	[tilespmem:$0xC910] =	vst v2;
	v2 =	vmin.u32 v54, $0x1200  }
0xe7: {  	v58 =	vsub.s32 v57, v0;
	v27 =	vshrl.u32 v59, $0x2;
	[tilespmem:$0xC920] =	vst v2;
	v2 =	vmin.u32 v56, $0x1200  }
0xe8: {  	v10 =	vshrl.u32 v10, $0x2;
	v60 =	vsub.s32 v27, v0;
	[tilespmem:$0xC930] =	vst v2;
	v2 =	vmin.u32 v58, $0x1200  }
0xe9: {  	v8 =	vshrl.u32 v8, $0x2;
	v61 =	vsub.s32 v10, v0;
	[tilespmem:$0xC940] =	vst v2;
	v2 =	vmin.u32 v60, $0x1200  }
0xea: {  	v62 =	vsub.s32 v8, v0;
	v63 =	vshrl.u32 v49, $0x2;
	[tilespmem:$0xC950] =	vst v2;
	v2 =	vmin.u32 v61, $0x1200  }
0xeb: {  	v28 =	vshrl.u32 v13, $0x2;
	v27 =	vsub.s32 v63, v0;
	[tilespmem:$0xC960] =	vst v2;
	v2 =	vmin.u32 v62, $0x1200  }
0xec: {  	v32 =	vshrl.u32 v11, $0x2;
	v30 =	vsub.s32 v28, v0;
	[tilespmem:$0xC970] =	vst v2;
	v2 =	vmin.u32 v27, $0x1200  }
0xed: {  	v49 =	vshrl.u32 v9, $0x2;
	v48 =	vsub.s32 v32, v0;
	[tilespmem:$0xC980] =	vst v2;
	v2 =	vmin.u32 v30, $0x1200  }
0xee: {  	v50 =	vsub.s32 v49, v0;
	v51 =	vshrl.u32 v16, $0x2;
	[tilespmem:$0xC990] =	vst v2;
	v2 =	vmin.u32 v48, $0x1200  }
0xef: {  	v53 =	vshrl.u32 v14, $0x2;
	v52 =	vsub.s32 v51, v0;
	[tilespmem:$0xC9A0] =	vst v2;
	v2 =	vmin.u32 v50, $0x1200  }
0xf0: {  	v55 =	vshrl.u32 v12, $0x2;
	v54 =	vsub.s32 v53, v0;
	[tilespmem:$0xC9B0] =	vst v2;
	v2 =	vmin.u32 v52, $0x1200  }
0xf1: {  	v57 =	vshrl.u32 v19, $0x2;
	v56 =	vsub.s32 v55, v0;
	[tilespmem:$0xC9C0] =	vst v2;
	v2 =	vmin.u32 v54, $0x1200  }
0xf2: {  	v59 =	vshrl.u32 v17, $0x2;
	v58 =	vsub.s32 v57, v0;
	[tilespmem:$0xC9D0] =	vst v2;
	v2 =	vmin.u32 v56, $0x1200  }
0xf3: {  	v60 =	vsub.s32 v59, v0;
	v61 =	vshrl.u32 v15, $0x2;
	[tilespmem:$0xC9E0] =	vst v2;
	v2 =	vmin.u32 v58, $0x1200  }
0xf4: {  	v63 =	vshrl.u32 v22, $0x2;
	v62 =	vsub.s32 v61, v0;
	[tilespmem:$0xC9F0] =	vst v2;
	v2 =	vmin.u32 v60, $0x1200  }
0xf5: {  	v13 =	vshrl.u32 v20, $0x2;
	v12 =	vsub.s32 v63, v0;
	[tilespmem:$0xCA00] =	vst v2;
	v2 =	vmin.u32 v62, $0x1200  }
0xf6: {  	v14 =	vsub.s32 v13, v0;
	v15 =	vshrl.u32 v18, $0x2;
	[tilespmem:$0xCA10] =	vst v2;
	v2 =	vmin.u32 v12, $0x1200  }
0xf7: {  	v17 =	vshrl.u32 v25, $0x2;
	v16 =	vsub.s32 v15, v0;
	[tilespmem:$0xCA20] =	vst v2;
	v2 =	vmin.u32 v14, $0x1200  }
0xf8: {  	v19 =	vshrl.u32 v23, $0x2;
	v18 =	vsub.s32 v17, v0;
	[tilespmem:$0xCA30] =	vst v2;
	v2 =	vmin.u32 v16, $0x1200  }
0xf9: {  	v21 =	vshrl.u32 v21, $0x2;
	v20 =	vsub.s32 v19, v0;
	[tilespmem:$0xCA40] =	vst v2;
	v2 =	vmin.u32 v18, $0x1200  }
0xfa: {  	v6 =	vshrl.u32 v6, $0x2;
	v22 =	vsub.s32 v21, v0;
	[tilespmem:$0xCA50] =	vst v2;
	v2 =	vmin.u32 v20, $0x1200  }
0xfb: {  	v6 =	vsub.s32 v6, v0;
	v23 =	vshrl.u32 v26, $0x2;
	[tilespmem:$0xCA60] =	vst v2;
	v2 =	vmin.u32 v22, $0x1200  }
0xfc: {  	v26 =	vshrl.u32 v24, $0x2;
	v25 =	vsub.s32 v23, v0;
	[tilespmem:$0xCA70] =	vst v2;
	v2 =	vmin.u32 v6, $0x1200  }
0xfd: {  	v4 =	vshrl.u32 v4, $0x2;
	v27 =	vsub.s32 v26, v0;
	[tilespmem:$0xCA80] =	vst v2;
	v2 =	vmin.u32 v25, $0x1200  }
0xfe: {  	v4 =	vsub.s32 v4, v0;
	v28 =	vshrl.u32 v29, $0x2;
	[tilespmem:$0xCA90] =	vst v2;
	v2 =	vmin.u32 v27, $0x1200  }
0xff: {  	v5 =	vshrl.u32 v5, $0x2;
	v29 =	vsub.s32 v28, v0;
	[tilespmem:$0xCAA0] =	vst v2;
	v2 =	vmin.u32 v4, $0x1200  }
0x100: {  	v32 =	vshrl.u32 v36, $0x2;
	v30 =	vsub.s32 v5, v0;
	[tilespmem:$0xCAB0] =	vst v2;
	v2 =	vmin.u32 v29, $0x1200  }
0x101: {  	v36 =	vsub.s32 v32, v0;
	v48 =	vshrl.u32 v33, $0x2;
	[tilespmem:$0xCAC0] =	vst v2;
	v2 =	vmin.u32 v30, $0x1200  }
0x102: {  	v1 =	vshrl.u32 v1, $0x2;
	v49 =	vsub.s32 v48, v0;
	[tilespmem:$0xCAD0] =	vst v2;
	v2 =	vmin.u32 v36, $0x1200  }
0x103: {  	v1 =	vsub.s32 v1, v0;
	v50 =	vshrl.u32 v40, $0x2;
	[tilespmem:$0xCAE0] =	vst v2;
	v2 =	vmin.u32 v49, $0x1200  }
0x104: {  	v1 =	vmin.u32 v1, $0x1200;
	v51 =	vshrl.u32 v38, $0x2;
	[tilespmem:$0xCAF0] =	vst v2;
	v2 =	vsub.s32 v50, v0  }
0x105: {  	[tilespmem:$0xCB00] =	vst v1;
	v52 =	vshrl.u32 v35, $0x2;
	v1 =	vmin.u32 v2, $0x1200;
	v2 =	vsub.s32 v51, v0  }
0x106: {  	v53 =	vshrl.u32 v37, $0x2;
	[tilespmem:$0xCB10] =	vst v1;
	v1 =	vmin.u32 v2, $0x1200;
	v2 =	vsub.s32 v52, v0  }
0x107: {  	v54 =	vshrl.u32 v34, $0x2;
	[tilespmem:$0xCB20] =	vst v1;
	v1 =	vmin.u32 v2, $0x1200;
	v2 =	vsub.s32 v53, v0  }
0x108: {  	v55 =	vshrl.u32 v31, $0x2;
	[tilespmem:$0xCB30] =	vst v1;
	v1 =	vmin.u32 v2, $0x1200;
	v2 =	vsub.s32 v54, v0  }
0x109: {  	v56 =	vshrl.u32 v41, $0x2;
	[tilespmem:$0xCB40] =	vst v1;
	v1 =	vmin.u32 v2, $0x1200;
	v2 =	vsub.s32 v55, v0  }
0x10a: {  	v57 =	vshrl.u32 v46, $0x2;
	[tilespmem:$0xCB50] =	vst v1;
	v1 =	vmin.u32 v2, $0x1200;
	v2 =	vsub.s32 v56, v0  }
0x10b: {  	v58 =	vshrl.u32 v43, $0x2;
	[tilespmem:$0xCB60] =	vst v1;
	v1 =	vmin.u32 v2, $0x1200;
	v2 =	vsub.s32 v57, v0  }
0x10c: {  	v59 =	vshrl.u32 v39, $0x2;
	[tilespmem:$0xCB70] =	vst v1;
	v1 =	vmin.u32 v2, $0x1200;
	v2 =	vsub.s32 v58, v0  }
0x10d: {  	v60 =	vshrl.u32 v42, $0x2;
	[tilespmem:$0xCB80] =	vst v1;
	v1 =	vmin.u32 v2, $0x1200;
	v2 =	vsub.s32 v59, v0  }
0x10e: {  	v61 =	vshrl.u32 v47, $0x2;
	[tilespmem:$0xCB90] =	vst v1;
	v1 =	vmin.u32 v2, $0x1200;
	v2 =	vsub.s32 v60, v0  }
0x10f: {  	v62 =	vshrl.u32 v45, $0x2;
	[tilespmem:$0xCBA0] =	vst v1;
	v1 =	vmin.u32 v2, $0x1200;
	v2 =	vsub.s32 v61, v0  }
0x110: {  	v63 =	vshrl.u32 v44, $0x2;
	[tilespmem:$0xCBB0] =	vst v1;
	v1 =	vmin.u32 v2, $0x1200;
	v2 =	vsub.s32 v62, v0  }
0x111: {  	v3 =	vshrl.u32 v3, $0x2;
	[tilespmem:$0xCBC0] =	vst v1;
	v1 =	vmin.u32 v2, $0x1200;
	v2 =	vsub.s32 v63, v0  }
0x112: {  	[tilespmem:$0xCBD0] =	vst v1;
	v1 =	vmin.u32 v2, $0x1200;
	v2 =	vsub.s32 v3, v0  }
0x113: {  	[tilespmem:$0xCBE0] =	vst v1;
	v1 =	vmin.u32 v2, $0x1200  }
0x114: {  	[tilespmem:$0xCBF0] =	vst v1  }
0x115: {  	[bflag:$0x0] =	sbarrier.arrive $0xFFFF  }
0x116: {  	[tilespmem:s22], [sflag:$0x1] =	stream.linear.gather [hbm4b:s7+s3], $0x4000, $0x38;
	[tilespmem:$0x18C40] =	vst v63  }
0x117: {  	_ =	swait.ge [sflag:s18], $0x4000  }
0x118: {  	[sflag:s18] =	ssyncset.done $0x0  }
0x119: {  	[sflag:s18] =	ssyncadd.s32 $0xFFFFC000  }
0x11a: {  	[spmem:s2] =	stream.indirect.scatter.add.f32 [tilespmem:s22], [sflag:$0x1], $0x80, s24, s23, $0xb8;
	[tilespmem:$0x18C40] =	vst v63  }
0x11b: {  	_ =	swait.ge [sflag:s18], $0x4000  }
0x11c: {  	[sflag:s18] =	ssyncset.done $0x0  }
0x11d: {  	[sflag:s18] =	ssyncadd.s32 $0xFFFFC000  }
0x11e: {  	[tilespmem:s25], [sflag:$0x1] =	stream.linear.gather [hbm4b:s9+s3], $0x4000, $0x38;
	[tilespmem:$0x18C40] =	vst v63  }
0x11f: {  	_ =	swait.ge [sflag:s18], $0x4000  }
0x120: {  	[sflag:s18] =	ssyncset.done $0x0  }
0x121: {  	[sflag:s18] =	ssyncadd.s32 $0xFFFFC000  }
0x122: {  	[spmem:s2] =	stream.indirect.scatter.add.f32 [tilespmem:s25], [sflag:$0x1], $0x80, s26, s23, $0xb8;
	[tilespmem:$0x18C40] =	vst v63  }
0x123: {  	_ =	swait.ge [sflag:s18], $0x4000  }
0x124: {  	[sflag:s18] =	ssyncset.done $0x0  }
0x125: {  	[sflag:s18] =	ssyncadd.s32 $0xFFFFC000  }
0x126: {  	[tilespmem:s28], [sflag:$0x1] =	stream.linear.gather [hbm4b:s10+s3], $0x4000, $0x38;
	[tilespmem:$0x18C40] =	vst v63  }
0x127: {  	_ =	swait.ge [sflag:s18], $0x4000  }
0x128: {  	[sflag:s18] =	ssyncset.done $0x0  }
0x129: {  	[sflag:s18] =	ssyncadd.s32 $0xFFFFC000  }
0x12a: {  	[spmem:s2] =	stream.indirect.scatter.add.f32 [tilespmem:s28], [sflag:$0x1], $0x80, s29, s23, $0xb8;
	[tilespmem:$0x18C40] =	vst v63  }
0x12b: {  	_ =	swait.ge [sflag:s18], $0x4000  }
0x12c: {  	[sflag:s18] =	ssyncset.done $0x0  }
0x12d: {  	[sflag:s18] =	ssyncadd.s32 $0xFFFFC000  }
0x12e: {  	[tilespmem:s22], [sflag:$0x1] =	stream.linear.gather [hbm4b:s11+s3], $0x4000, $0x38;
	[tilespmem:$0x18C40] =	vst v63  }
0x12f: {  	_ =	swait.ge [sflag:s18], $0x4000  }
0x130: {  	[sflag:s18] =	ssyncset.done $0x0  }
0x131: {  	[sflag:s18] =	ssyncadd.s32 $0xFFFFC000  }
0x132: {  	[spmem:s2] =	stream.indirect.scatter.add.f32 [tilespmem:s22], [sflag:$0x1], $0x80, s30, s23, $0xb8;
	[tilespmem:$0x18C40] =	vst v63  }
0x133: {  	_ =	swait.ge [sflag:s18], $0x4000  }
0x134: {  	[sflag:s18] =	ssyncset.done $0x0  }
0x135: {  	[sflag:s18] =	ssyncadd.s32 $0xFFFFC000  }
0x136: {  	[tilespmem:s25], [sflag:$0x1] =	stream.linear.gather [hbm4b:s12+s3], $0x4000, $0x38;
	[tilespmem:$0x18C40] =	vst v63  }
0x137: {  	_ =	swait.ge [sflag:s18], $0x4000  }
0x138: {  	[sflag:s18] =	ssyncset.done $0x0  }
0x139: {  	[sflag:s18] =	ssyncadd.s32 $0xFFFFC000  }
0x13a: {  	[spmem:s2] =	stream.indirect.scatter.add.f32 [tilespmem:s25], [sflag:$0x1], $0x80, s31, s23, $0xb8;
	[tilespmem:$0x18C40] =	vst v63  }
0x13b: {  	_ =	swait.ge [sflag:s18], $0x4000  }
0x13c: {  	[sflag:s18] =	ssyncset.done $0x0  }
0x13d: {  	[sflag:s18] =	ssyncadd.s32 $0xFFFFC000  }
0x13e: {  	[tilespmem:s28], [sflag:$0x1] =	stream.linear.gather [hbm4b:s13+s3], $0x4000, $0x38;
	[tilespmem:$0x18C40] =	vst v63  }
0x13f: {  	_ =	swait.ge [sflag:s18], $0x4000  }
0x140: {  	[sflag:s18] =	ssyncset.done $0x0  }
0x141: {  	[sflag:s18] =	ssyncadd.s32 $0xFFFFC000  }
0x142: {  	[spmem:s2] =	stream.indirect.scatter.add.f32 [tilespmem:s28], [sflag:$0x1], $0x80, s0, s23, $0xb8;
	[tilespmem:$0x18C40] =	vst v63  }
0x143: {  	_ =	swait.ge [sflag:s18], $0x4000  }
0x144: {  	[sflag:s18] =	ssyncset.done $0x0  }
0x145: {  	[sflag:s18] =	ssyncadd.s32 $0xFFFFC000  }
0x146: {  	[bflag:$0x0] =	sbarrier.arrive $0xFFFF  }
0x147: {  	[tilespmem:s21], [sflag:$0x1] =	stream.linear.gather [spmem:s5], $0x3000, $0x38;
	[tilespmem:$0x18C40] =	vst v63  }
0x148: {  	_ =	swait.ge [sflag:s18], $0x3000  }
0x149: {  	[sflag:s18] =	ssyncset.done $0x0  }
0x14a: {  	[sflag:s18] =	ssyncadd.s32 $0xFFFFD000  }
0x14b: {  	[hbm4b:s14+s3] =	stream.linear.scatter [tilespmem:s21], [sflag:$0x1], $0x3000, $0x38;
	[tilespmem:$0x18C40] =	vst v63  }
0x14c: {  	_ =	swait.ge [sflag:s18], $0x3000  }
0x14d: {  	[sflag:s18] =	ssyncset.done $0x0  }
0x14e: {  	[sflag:s18] =	ssyncadd.s32 $0xFFFFD000  }
0x14f: {  	[tilespmem:s21], [sflag:$0x1] =	stream.linear.gather [spmem:s6], $0x3000, $0x38;
	[tilespmem:$0x18C40] =	vst v63  }
0x150: {  	_ =	swait.ge [sflag:s18], $0x3000  }
0x151: {  	[sflag:s18] =	ssyncset.done $0x0  }
0x152: {  	[sflag:s18] =	ssyncadd.s32 $0xFFFFD000  }
0x153: {  	[hbm4b:s15+s3] =	stream.linear.scatter [tilespmem:s21], [sflag:$0x1], $0x3000, $0x38;
	[tilespmem:$0x18C40] =	vst v63  }
0x154: {  	_ =	swait.ge [sflag:s18], $0x3000  }
0x155: {  	[sflag:s18] =	ssyncset.done $0x0  }
0x156: {  	[sflag:s18] =	ssyncadd.s32 $0xFFFFD000  }
0x157: {  	[tilespmem:s21], [sflag:$0x1] =	stream.linear.gather [spmem:s8], $0x3000, $0x38;
	[tilespmem:$0x18C40] =	vst v63  }
0x158: {  	_ =	swait.ge [sflag:s18], $0x3000  }
0x159: {  	p0 =	sne.s32 s17, $0x1;
	[sflag:s18] =	ssyncset.done $0x0  }
.Ltmp0:
0x15a: {  	[sflag:s18] =	ssyncadd.s32 $0xFFFFD000;
	(pc) =	sbr.rel @p0 .LBB2_1-.Ltmp0, $4  }
0x15b: {  	[hbm4b:s16+s3] =	stream.linear.scatter [tilespmem:s21], [sflag:$0x1], $0x3000, $0x38;
	[tilespmem:$0x18C40] =	vst v63  }
0x15c: {  	_ =	swait.ge [sflag:s18], $0x3000  }
0x15d: {  	[sflag:s18] =	ssyncset.done $0x0  }
0x15e: {  	s17 =	sadd.s32 $0xFFFFFFFF, s17;
	[sflag:s18] =	ssyncadd.s32 $0xFFFFD000  }
0x15f: {  	_ =	sfence.sel $0x180000  }
0x160: {  	[bflag:$0x0] =	sbarrier.arrive $0xFFFF  }
0x161: {  	_ =	strace $0x90000047  }
0x162: {  	s0 =	stileid.u32;
	[bflag:$0x2] =	sbarrier.arrive $0xFFFF  }
0x163: {  	p0 =	sne.s32 s0, $0x0;
	s0 =	rddreg [dreg:$0x2]  }
0x164: {  	s0 =	sadd.s32 @!p0 $0x100000, s0  }
0x165: {  	[sflag:s0] =	ssyncadd.tile.s32 @!p0 $0x1;
	_ =	shalt  }
.Lfunc_end2:
_tile_overlayer_lowered:
.L_overlay_start_2:
0x166: {  	(tag) =	ssettag $0x2  }
0x167: {  	s0 =	rddreg [dreg:$0x0];
	s2 =	stileid.u32  }
0x168: {  	s1 =	rddreg [dreg:$0x1];
	p0 =	sne.s32 s2, $0x0  }
0x169: {  	s3 =	rddreg [dreg:$0x2];
	[bflag:$0x3] =	sbarrier.arrive $0xFFFF;
	s2 =	simm.s32 @!p0 $0x1C01  }
0x16a: {  	[timem:s3], [sflag:s2] =	dma.local @!p0 [hbm:s0], s1  }
0x16b: {  	s0 =	simm.s32 @!p0 $0x1  }
0x16c: {  	_ =	swait.ge @!p0 [sflag:s0], s1  }
0x16d: {  	s1 =	ssub.s32 @!p0 $0x0, s1;
	[sflag:s0] =	ssyncset.done @!p0 $0x0  }
0x16e: {  	[sflag:s0] =	ssyncadd.s32 @!p0 s1  }
0x16f: {  	[bflag:$0x3] =	sbarrier.arrive $0xFFFF  }
0x170: {  	_ =	shalt  }

</sc_bundles>
